<compile_context>
chip_gen: v7x
topology: tpu7x:2x2x1
jax: 0.10.2.dev20260603
libtpu: 0.0.44.dev20260713+nightly
codegen_flags: <defaults>
</compile_context>

<pallas_src>
import functools

import jax
import jax.numpy as jnp
from jax import lax
from jax.experimental import pallas as pl
from jax.experimental.pallas import tpu as pltpu
from jax.experimental.pallas import tpu_sc as plsc

N = 10000
NFEAT = 128
E = 320000

NC = 2
NT = 16
NW = NC * NT
LANES = 16

NPAD = 10240
ECHUNK16 = E // NT
ECHUNK32 = E // NW
EPIECE = 2000
COLS16 = NPAD // NT
COLS32 = NPAD // NW

_SC_PARAMS = pltpu.CompilerParams(use_tc_tiling_on_sc=False,
                                  needs_layout_passes=False)


def _rsqrt_newton(t):
    h = t * 0.5
    bi = plsc.bitcast(t, jnp.int32)
    bi = 0x5F3759DF - lax.shift_right_logical(bi, 1)
    r = plsc.bitcast(bi, jnp.float32)
    r = r * (1.5 - h * r * r)
    r = r * (1.5 - h * r * r)
    r = r * (1.5 - h * r * r)
    return r


def _deg_body(g_hbm, dinv_hbm, dst_v, acc_v, red_v, res_v, part_hbm):
    cid = lax.axis_index("c")
    sid = lax.axis_index("s")
    wid = cid * NT + sid

    zero16 = jnp.zeros((LANES,), jnp.float32)

    def zb(i, _):
        acc_v[pl.ds(i * LANES, LANES)] = zero16
        return 0
    lax.fori_loop(0, NPAD // LANES, zb, 0, unroll=8)

    one16 = jnp.ones((LANES,), jnp.float32)

    def cb(i):
        d = dst_v[pl.ds(i * LANES, LANES)]
        plsc.addupdate_scatter(acc_v, [d], one16)

    for p in range(ECHUNK16 // EPIECE):
        pltpu.sync_copy(
            g_hbm.at[1, pl.ds(sid * ECHUNK16 + p * EPIECE, EPIECE)], dst_v)
        plsc.parallel_loop(0, EPIECE // LANES, unroll=8)(cb)

    pltpu.sync_copy(acc_v, part_hbm.at[cid, sid])
    plsc.subcore_barrier()
    pltpu.sync_copy(part_hbm.at[cid, :, pl.ds(wid * COLS32, COLS32)], red_v)

    def rb(j, _):
        t = jnp.full((LANES,), 1.0, jnp.float32)
        for tt in range(NT):
            t = t + red_v[tt, pl.ds(j * LANES, LANES)]
        res_v[pl.ds(j * LANES, LANES)] = _rsqrt_newton(t)
        return 0
    lax.fori_loop(0, COLS32 // LANES, rb, 0)

    pltpu.sync_copy(res_v, dinv_hbm.at[pl.ds(wid * COLS32, COLS32)])


def _tca_body(x_ref, we_ref, wg_ref, wc_ref, be_ref, bg_ref, bc_ref,
              xw_ref, bias_ref):
    wy = jnp.dot(wg_ref[...], wc_ref[...], preferred_element_type=jnp.float32,
                 precision=lax.Precision.HIGHEST)
    wcat = jnp.concatenate([we_ref[...], wy], axis=1)
    xw_ref[0:N, :] = jnp.dot(x_ref[...], wcat,
                             preferred_element_type=jnp.float32,
                             precision=lax.Precision.HIGHEST)
    xw_ref[N:NPAD, :] = jnp.zeros((NPAD - N, 2), jnp.float32)
    by = jnp.dot(bg_ref[...], wc_ref[...],
                 preferred_element_type=jnp.float32,
                 precision=lax.Precision.HIGHEST) + bc_ref[...]
    bias_ref[...] = jnp.concatenate(
        [jnp.broadcast_to(be_ref[...], (1, LANES)),
         jnp.broadcast_to(by, (1, LANES))], axis=0)


def _msg_body(g_hbm, xw_hbm, dinv_hbm, psum_hbm,
              src_v, dst_v, xw_v, dinv_v, acc0_v, acc1_v, red_v, res_v,
              part_hbm):
    cid = lax.axis_index("c")
    sid = lax.axis_index("s")
    wid = cid * NT + sid
    pltpu.sync_copy(xw_hbm, xw_v)
    pltpu.sync_copy(dinv_hbm, dinv_v)

    zero16 = jnp.zeros((LANES,), jnp.float32)

    def zb(i, _):
        acc0_v[pl.ds(i * LANES, LANES)] = zero16
        acc1_v[pl.ds(i * LANES, LANES)] = zero16
        return 0
    lax.fori_loop(0, NPAD // LANES, zb, 0, unroll=8)

    c0 = jnp.zeros((LANES,), jnp.int32)
    c1 = jnp.full((LANES,), 1, jnp.int32)

    def eb(i):
        s = src_v[pl.ds(i * LANES, LANES)]
        d = dst_v[pl.ds(i * LANES, LANES)]
        xs0 = plsc.load_gather(xw_v, [s, c0])
        xs1 = plsc.load_gather(xw_v, [s, c1])
        ns = plsc.load_gather(dinv_v, [s])
        nd = plsc.load_gather(dinv_v, [d])
        f = ns * nd
        plsc.addupdate_scatter(acc0_v, [d], xs0 * f)
        plsc.addupdate_scatter(acc1_v, [d], xs1 * f)

    for p in range(ECHUNK32 // EPIECE):
        off = wid * ECHUNK32 + p * EPIECE
        pltpu.sync_copy(g_hbm.at[0, pl.ds(off, EPIECE)], src_v)
        pltpu.sync_copy(g_hbm.at[1, pl.ds(off, EPIECE)], dst_v)
        plsc.parallel_loop(0, EPIECE // LANES, unroll=8)(eb)

    iota16 = lax.iota(jnp.int32, LANES)

    def sb(j, _):
        idx = wid * COLS32 + j * LANES + iota16
        xs0 = plsc.load_gather(xw_v, [idx, c0])
        xs1 = plsc.load_gather(xw_v, [idx, c1])
        nn = plsc.load_gather(dinv_v, [idx])
        n2 = nn * nn
        plsc.addupdate_scatter(acc0_v, [idx], xs0 * n2)
        plsc.addupdate_scatter(acc1_v, [idx], xs1 * n2)
        return 0
    lax.fori_loop(0, COLS32 // LANES, sb, 0, unroll=4)

    pltpu.sync_copy(acc0_v, part_hbm.at[wid, 0])
    pltpu.sync_copy(acc1_v, part_hbm.at[wid, 1])
    plsc.subcore_barrier()
    for c in range(2):
        pltpu.sync_copy(
            part_hbm.at[pl.ds(cid * NT, NT), c, pl.ds(sid * COLS16, COLS16)],
            red_v)

        def rb(j, _):
            t = jnp.zeros((LANES,), jnp.float32)
            for tt in range(NT):
                t = t + red_v[tt, pl.ds(j * LANES, LANES)]
            res_v[pl.ds(j * LANES, LANES)] = t
            return 0
        lax.fori_loop(0, COLS16 // LANES, rb, 0)
        pltpu.sync_copy(res_v,
                        psum_hbm.at[cid, c, pl.ds(sid * COLS16, COLS16)])


def _tcb_body(psum_ref, bias_ref, out_ref):
    p = psum_ref[...]
    out_ref[...] = p[0] + p[1] + bias_ref[...][:, 0:1]


@functools.cache
def _build_calls():
    mesh = plsc.VectorSubcoreMesh(core_axis_name="c", subcore_axis_name="s",
                                  num_cores=NC, num_subcores=NT)
    deg_call = pl.kernel(
        _deg_body,
        out_type=jax.ShapeDtypeStruct((NPAD,), jnp.float32),
        mesh=mesh,
        scratch_types=[
            pltpu.VMEM((EPIECE,), jnp.int32),
            pltpu.VMEM((NPAD,), jnp.float32),
            pltpu.VMEM((NT, COLS32), jnp.float32),
            pltpu.VMEM((COLS32,), jnp.float32),
            pltpu.HBM((NC, NT, NPAD), jnp.float32),
        ],
        compiler_params=_SC_PARAMS,
    )
    tca_call = pl.pallas_call(
        _tca_body,
        out_shape=[
            jax.ShapeDtypeStruct((NPAD, 2), jnp.float32),
            jax.ShapeDtypeStruct((2, LANES), jnp.float32),
        ],
    )
    msg_call = pl.kernel(
        _msg_body,
        out_type=jax.ShapeDtypeStruct((NC, 2, NPAD), jnp.float32),
        mesh=mesh,
        scratch_types=[
            pltpu.VMEM((EPIECE,), jnp.int32),
            pltpu.VMEM((EPIECE,), jnp.int32),
            pltpu.VMEM((NPAD, 2), jnp.float32),
            pltpu.VMEM((NPAD,), jnp.float32),
            pltpu.VMEM((NPAD,), jnp.float32),
            pltpu.VMEM((NPAD,), jnp.float32),
            pltpu.VMEM((NT, COLS16), jnp.float32),
            pltpu.VMEM((COLS16,), jnp.float32),
            pltpu.HBM((NW, 2, NPAD), jnp.float32),
        ],
        compiler_params=_SC_PARAMS,
    )
    tcb_call = pl.pallas_call(
        _tcb_body,
        out_shape=jax.ShapeDtypeStruct((2, NPAD), jnp.float32),
    )
    return deg_call, tca_call, msg_call, tcb_call


def kernel(g, x, W_est, b_est, W_gnn, b_gnn, W_cls, b_cls):
    deg_call, tca_call, msg_call, tcb_call = _build_calls()
    dinv = deg_call(g)
    xw, biasrow = tca_call(x, W_est, W_gnn, W_cls,
                           b_est.reshape(1, 1), b_gnn.reshape(1, -1),
                           b_cls.reshape(1, 1))
    psum = msg_call(g, xw, dinv)
    out2 = tcb_call(psum, biasrow)
    s = out2[0, :N].reshape(N, 1)
    y = out2[1, :N].reshape(N, 1)
    return (y, s)

# --- scband reference (transcript-rebuilt; emitter-appended) ---
"""Pipeline reference for scband-fair-gnn-51917564674443 (READ-ONLY COPY).

The authoritative reference and input builder live on the scoring server;
editing this copy changes nothing except your own understanding.
"""

import jax, jax.numpy as jnp
import numpy as np

N = 10000
NFEAT = 128
NHID = 64
E = 320000


def gcn_conv(x, edge_index, W, b):
    # PyG GCNConv with add_self_loops=True, symmetric normalization
    n = x.shape[0]
    loop = jnp.arange(n, dtype=edge_index.dtype)
    src = jnp.concatenate([edge_index[0], loop])
    dst = jnp.concatenate([edge_index[1], loop])
    deg = jnp.zeros((n,), x.dtype).at[dst].add(jnp.ones_like(src, dtype=x.dtype))
    dinv = jax.lax.rsqrt(jnp.maximum(deg, 1.0))
    norm = dinv[src] * dinv[dst]
    xw = x @ W
    msg = xw[src] * norm[:, None]
    out = jnp.zeros((n, W.shape[1]), x.dtype).at[dst].add(msg)
    return out + b


def setup_inputs(seed: int = 0) -> dict:
    key = jax.random.key(seed)
    ks = jax.random.split(key, 8)
    x = jax.random.normal(ks[0], (N, NFEAT), dtype=jnp.float32)
    g = jax.random.randint(ks[1], (2, E), 0, N, dtype=jnp.int32)
    W_est = jax.random.normal(ks[2], (NFEAT, 1), dtype=jnp.float32) / np.sqrt(NFEAT)
    b_est = jnp.zeros((1,), jnp.float32)
    W_gnn = jax.random.normal(ks[3], (NFEAT, NHID), dtype=jnp.float32) / np.sqrt(NFEAT)
    b_gnn = jnp.zeros((NHID,), jnp.float32)
    W_cls = jax.random.normal(ks[4], (NHID, 1), dtype=jnp.float32) / np.sqrt(NHID)
    b_cls = jnp.zeros((1,), jnp.float32)
    return {"g": g, "x": x, "W_est": W_est, "b_est": b_est,
            "W_gnn": W_gnn, "b_gnn": b_gnn, "W_cls": W_cls, "b_cls": b_cls}


def reference(g, x, W_est, b_est, W_gnn, b_gnn, W_cls, b_cls):
    # FairGNN.forward(g, x): s = estimator(g, x); z = GNN(g, x); y = classifier(z)
    s = gcn_conv(x, g, W_est, b_est)
    z = gcn_conv(x, g, W_gnn, b_gnn)
    y = z @ W_cls + b_cls
    return (y, s)

if __name__ == "__main__":
    import jax
    _d = setup_inputs()
    print(jax.jit(kernel)(*tuple(_d.values())))

</pallas_src>

<mosaic_0001>
#map = affine_map<(d0, d1) -> (0, 0)>
#map1 = affine_map<(d0, d1) -> (0)>
#map2 = affine_map<(d0, d1) -> (0, 0, 0)>
module attributes {stable_mosaic.version = 14 : i64} {
  func.func @_msg_body(%arg0: i32, %arg1: i32, %arg2: memref<2x320000xi32, #tpu.memory_space<hbm>>, %arg3: memref<10240x2xf32, #tpu.memory_space<hbm>>, %arg4: memref<10240xf32, #tpu.memory_space<hbm>>, %arg5: memref<2x2x10240xf32, #tpu.memory_space<hbm>>, %arg6: memref<2000xi32, #tpu.memory_space<vmem>>, %arg7: memref<2000xi32, #tpu.memory_space<vmem>>, %arg8: memref<10240x2xf32, #tpu.memory_space<vmem>>, %arg9: memref<10240xf32, #tpu.memory_space<vmem>>, %arg10: memref<10240xf32, #tpu.memory_space<vmem>>, %arg11: memref<10240xf32, #tpu.memory_space<vmem>>, %arg12: memref<16x640xf32, #tpu.memory_space<vmem>>, %arg13: memref<640xf32, #tpu.memory_space<vmem>>, %arg14: memref<32x2x10240xf32, #tpu.memory_space<hbm>>) attributes {dimension_semantics = [#tpu.dimension_semantics<core_parallel>, #tpu.dimension_semantics<subcore_parallel>], iteration_bounds = array<i64: 2, 16>, scalar_prefetch = 0 : i64, scratch_operands = 9 : i64, tpu.core_type = #tpu.core_type<sc_vector_subcore>, window_params = [{transform_indices = #map}, {transform_indices = #map}, {transform_indices = #map1}, {transform_indices = #map2}]} {
    %mul3A = arith.constant 16 : i32
    %mul3A_0 = arith.muli %arg0, %mul3A : i32
    %add3A = arith.addi %mul3A_0, %arg1 : i32
    "tpu.region"() ({
      %run_scoped3A_94 = tpu.sem_alloc : memref<!tpu.dma_semaphore, #tpu.memory_space<semaphore_mem>>
      tpu.enqueue_dma source(%arg3 : memref<10240x2xf32, #tpu.memory_space<hbm>>) target(%arg8 : memref<10240x2xf32, #tpu.memory_space<vmem>>) target_semaphore(%run_scoped3A_94 : memref<!tpu.dma_semaphore, #tpu.memory_space<semaphore_mem>>)
      tpu.wait_dma2 semaphore(%run_scoped3A_94 : memref<!tpu.dma_semaphore, #tpu.memory_space<semaphore_mem>>) src(%arg3 : memref<10240x2xf32, #tpu.memory_space<hbm>>) dst(%arg8 : memref<10240x2xf32, #tpu.memory_space<vmem>>)
      tpu.yield
    }) : () -> ()
    "tpu.region"() ({
      %run_scoped3A_94 = tpu.sem_alloc : memref<!tpu.dma_semaphore, #tpu.memory_space<semaphore_mem>>
      tpu.enqueue_dma source(%arg4 : memref<10240xf32, #tpu.memory_space<hbm>>) target(%arg9 : memref<10240xf32, #tpu.memory_space<vmem>>) target_semaphore(%run_scoped3A_94 : memref<!tpu.dma_semaphore, #tpu.memory_space<semaphore_mem>>)
      tpu.wait_dma2 semaphore(%run_scoped3A_94 : memref<!tpu.dma_semaphore, #tpu.memory_space<semaphore_mem>>) src(%arg4 : memref<10240xf32, #tpu.memory_space<hbm>>) dst(%arg9 : memref<10240xf32, #tpu.memory_space<vmem>>)
      tpu.yield
    }) : () -> ()
    %broadcast_in_dim3A = arith.constant 0.000000e+00 : f32
    %broadcast_in_dim3A_1 = vector.broadcast %broadcast_in_dim3A : f32 to vector<16xf32>
    %scan3A = arith.constant 0 : i32
    %scan3A_2 = arith.constant 0 : i32
    %scan3A_3 = arith.constant 640 : i32
    %scan3A_4 = arith.addi %scan3A_2, %scan3A_3 : i32
    %scan3A_5 = arith.constant 8 : i32
    %scan3A_6 = scf.for %scan3A_94 = %scan3A_2 to %scan3A_4 step %scan3A_5 iter_args(%scan3A_95 = %scan3A) -> (i32)  : i32 {
      %mul3A_96 = arith.constant 16 : i32
      %mul3A_97 = arith.muli %scan3A_94, %mul3A_96 : i32
      %swap3A = arith.index_cast %mul3A_97 : i32 to index
      %swap3A_98 = tpu.vector_load %arg10[%swap3A] {strides = array<i32>} : memref<10240xf32, #tpu.memory_space<vmem>>, vector<16xf32>,
      tpu.vector_store %arg10[%swap3A], %broadcast_in_dim3A_1 {strides = array<i32>} : memref<10240xf32, #tpu.memory_space<vmem>>, vector<16xf32>,
      %mul3A_99 = arith.constant 16 : i32
      %mul3A_100 = arith.muli %scan3A_94, %mul3A_99 : i32
      %swap3A_101 = arith.index_cast %mul3A_100 : i32 to index
      %swap3A_102 = tpu.vector_load %arg11[%swap3A_101] {strides = array<i32>} : memref<10240xf32, #tpu.memory_space<vmem>>, vector<16xf32>,
      tpu.vector_store %arg11[%swap3A_101], %broadcast_in_dim3A_1 {strides = array<i32>} : memref<10240xf32, #tpu.memory_space<vmem>>, vector<16xf32>,
      %scan3A_103 = arith.constant 0 : i32
      %scan3A_104 = arith.constant 1 : i32
      %scan3A_105 = arith.addi %scan3A_94, %scan3A_104 : i32
      %mul3A_106 = arith.constant 16 : i32
      %mul3A_107 = arith.muli %scan3A_105, %mul3A_106 : i32
      %swap3A_108 = arith.index_cast %mul3A_107 : i32 to index
      %swap3A_109 = tpu.vector_load %arg10[%swap3A_108] {strides = array<i32>} : memref<10240xf32, #tpu.memory_space<vmem>>, vector<16xf32>,
      tpu.vector_store %arg10[%swap3A_108], %broadcast_in_dim3A_1 {strides = array<i32>} : memref<10240xf32, #tpu.memory_space<vmem>>, vector<16xf32>,
      %mul3A_110 = arith.constant 16 : i32
      %mul3A_111 = arith.muli %scan3A_105, %mul3A_110 : i32
      %swap3A_112 = arith.index_cast %mul3A_111 : i32 to index
      %swap3A_113 = tpu.vector_load %arg11[%swap3A_112] {strides = array<i32>} : memref<10240xf32, #tpu.memory_space<vmem>>, vector<16xf32>,
      tpu.vector_store %arg11[%swap3A_112], %broadcast_in_dim3A_1 {strides = array<i32>} : memref<10240xf32, #tpu.memory_space<vmem>>, vector<16xf32>,
      %scan3A_114 = arith.constant 0 : i32
      %scan3A_115 = arith.constant 2 : i32
      %scan3A_116 = arith.addi %scan3A_94, %scan3A_115 : i32
      %mul3A_117 = arith.constant 16 : i32
      %mul3A_118 = arith.muli %scan3A_116, %mul3A_117 : i32
      %swap3A_119 = arith.index_cast %mul3A_118 : i32 to index
      %swap3A_120 = tpu.vector_load %arg10[%swap3A_119] {strides = array<i32>} : memref<10240xf32, #tpu.memory_space<vmem>>, vector<16xf32>,
      tpu.vector_store %arg10[%swap3A_119], %broadcast_in_dim3A_1 {strides = array<i32>} : memref<10240xf32, #tpu.memory_space<vmem>>, vector<16xf32>,
      %mul3A_121 = arith.constant 16 : i32
      %mul3A_122 = arith.muli %scan3A_116, %mul3A_121 : i32
      %swap3A_123 = arith.index_cast %mul3A_122 : i32 to index
      %swap3A_124 = tpu.vector_load %arg11[%swap3A_123] {strides = array<i32>} : memref<10240xf32, #tpu.memory_space<vmem>>, vector<16xf32>,
      tpu.vector_store %arg11[%swap3A_123], %broadcast_in_dim3A_1 {strides = array<i32>} : memref<10240xf32, #tpu.memory_space<vmem>>, vector<16xf32>,
      %scan3A_125 = arith.constant 0 : i32
      %scan3A_126 = arith.constant 3 : i32
      %scan3A_127 = arith.addi %scan3A_94, %scan3A_126 : i32
      %mul3A_128 = arith.constant 16 : i32
      %mul3A_129 = arith.muli %scan3A_127, %mul3A_128 : i32
      %swap3A_130 = arith.index_cast %mul3A_129 : i32 to index
      %swap3A_131 = tpu.vector_load %arg10[%swap3A_130] {strides = array<i32>} : memref<10240xf32, #tpu.memory_space<vmem>>, vector<16xf32>,
      tpu.vector_store %arg10[%swap3A_130], %broadcast_in_dim3A_1 {strides = array<i32>} : memref<10240xf32, #tpu.memory_space<vmem>>, vector<16xf32>,
      %mul3A_132 = arith.constant 16 : i32
      %mul3A_133 = arith.muli %scan3A_127, %mul3A_132 : i32
      %swap3A_134 = arith.index_cast %mul3A_133 : i32 to index
      %swap3A_135 = tpu.vector_load %arg11[%swap3A_134] {strides = array<i32>} : memref<10240xf32, #tpu.memory_space<vmem>>, vector<16xf32>,
      tpu.vector_store %arg11[%swap3A_134], %broadcast_in_dim3A_1 {strides = array<i32>} : memref<10240xf32, #tpu.memory_space<vmem>>, vector<16xf32>,
      %scan3A_136 = arith.constant 0 : i32
      %scan3A_137 = arith.constant 4 : i32
      %scan3A_138 = arith.addi %scan3A_94, %scan3A_137 : i32
      %mul3A_139 = arith.constant 16 : i32
      %mul3A_140 = arith.muli %scan3A_138, %mul3A_139 : i32
      %swap3A_141 = arith.index_cast %mul3A_140 : i32 to index
      %swap3A_142 = tpu.vector_load %arg10[%swap3A_141] {strides = array<i32>} : memref<10240xf32, #tpu.memory_space<vmem>>, vector<16xf32>,
      tpu.vector_store %arg10[%swap3A_141], %broadcast_in_dim3A_1 {strides = array<i32>} : memref<10240xf32, #tpu.memory_space<vmem>>, vector<16xf32>,
      %mul3A_143 = arith.constant 16 : i32
      %mul3A_144 = arith.muli %scan3A_138, %mul3A_143 : i32
      %swap3A_145 = arith.index_cast %mul3A_144 : i32 to index
      %swap3A_146 = tpu.vector_load %arg11[%swap3A_145] {strides = array<i32>} : memref<10240xf32, #tpu.memory_space<vmem>>, vector<16xf32>,
      tpu.vector_store %arg11[%swap3A_145], %broadcast_in_dim3A_1 {strides = array<i32>} : memref<10240xf32, #tpu.memory_space<vmem>>, vector<16xf32>,
      %scan3A_147 = arith.constant 0 : i32
      %scan3A_148 = arith.constant 5 : i32
      %scan3A_149 = arith.addi %scan3A_94, %scan3A_148 : i32
      %mul3A_150 = arith.constant 16 : i32
      %mul3A_151 = arith.muli %scan3A_149, %mul3A_150 : i32
      %swap3A_152 = arith.index_cast %mul3A_151 : i32 to index
      %swap3A_153 = tpu.vector_load %arg10[%swap3A_152] {strides = array<i32>} : memref<10240xf32, #tpu.memory_space<vmem>>, vector<16xf32>,
      tpu.vector_store %arg10[%swap3A_152], %broadcast_in_dim3A_1 {strides = array<i32>} : memref<10240xf32, #tpu.memory_space<vmem>>, vector<16xf32>,
      %mul3A_154 = arith.constant 16 : i32
      %mul3A_155 = arith.muli %scan3A_149, %mul3A_154 : i32
      %swap3A_156 = arith.index_cast %mul3A_155 : i32 to index
      %swap3A_157 = tpu.vector_load %arg11[%swap3A_156] {strides = array<i32>} : memref<10240xf32, #tpu.memory_space<vmem>>, vector<16xf32>,
      tpu.vector_store %arg11[%swap3A_156], %broadcast_in_dim3A_1 {strides = array<i32>} : memref<10240xf32, #tpu.memory_space<vmem>>, vector<16xf32>,
      %scan3A_158 = arith.constant 0 : i32
      %scan3A_159 = arith.constant 6 : i32
      %scan3A_160 = arith.addi %scan3A_94, %scan3A_159 : i32
      %mul3A_161 = arith.constant 16 : i32
      %mul3A_162 = arith.muli %scan3A_160, %mul3A_161 : i32
      %swap3A_163 = arith.index_cast %mul3A_162 : i32 to index
      %swap3A_164 = tpu.vector_load %arg10[%swap3A_163] {strides = array<i32>} : memref<10240xf32, #tpu.memory_space<vmem>>, vector<16xf32>,
      tpu.vector_store %arg10[%swap3A_163], %broadcast_in_dim3A_1 {strides = array<i32>} : memref<10240xf32, #tpu.memory_space<vmem>>, vector<16xf32>,
      %mul3A_165 = arith.constant 16 : i32
      %mul3A_166 = arith.muli %scan3A_160, %mul3A_165 : i32
      %swap3A_167 = arith.index_cast %mul3A_166 : i32 to index
      %swap3A_168 = tpu.vector_load %arg11[%swap3A_167] {strides = array<i32>} : memref<10240xf32, #tpu.memory_space<vmem>>, vector<16xf32>,
      tpu.vector_store %arg11[%swap3A_167], %broadcast_in_dim3A_1 {strides = array<i32>} : memref<10240xf32, #tpu.memory_space<vmem>>, vector<16xf32>,
      %scan3A_169 = arith.constant 0 : i32
      %scan3A_170 = arith.constant 7 : i32
      %scan3A_171 = arith.addi %scan3A_94, %scan3A_170 : i32
      %mul3A_172 = arith.constant 16 : i32
      %mul3A_173 = arith.muli %scan3A_171, %mul3A_172 : i32
      %swap3A_174 = arith.index_cast %mul3A_173 : i32 to index
      %swap3A_175 = tpu.vector_load %arg10[%swap3A_174] {strides = array<i32>} : memref<10240xf32, #tpu.memory_space<vmem>>, vector<16xf32>,
      tpu.vector_store %arg10[%swap3A_174], %broadcast_in_dim3A_1 {strides = array<i32>} : memref<10240xf32, #tpu.memory_space<vmem>>, vector<16xf32>,
      %mul3A_176 = arith.constant 16 : i32
      %mul3A_177 = arith.muli %scan3A_171, %mul3A_176 : i32
      %swap3A_178 = arith.index_cast %mul3A_177 : i32 to index
      %swap3A_179 = tpu.vector_load %arg11[%swap3A_178] {strides = array<i32>} : memref<10240xf32, #tpu.memory_space<vmem>>, vector<16xf32>,
      tpu.vector_store %arg11[%swap3A_178], %broadcast_in_dim3A_1 {strides = array<i32>} : memref<10240xf32, #tpu.memory_space<vmem>>, vector<16xf32>,
      %scan3A_180 = arith.constant 0 : i32
      scf.yield %scan3A_180 : i32
    }
    %scan3A_7 = arith.constant 640 : i32
    %broadcast_in_dim3A_8 = arith.constant 0 : i32
    %broadcast_in_dim3A_9 = vector.broadcast %broadcast_in_dim3A_8 : i32 to vector<16xi32>
    %broadcast_in_dim3A_10 = arith.constant 1 : i32
    %broadcast_in_dim3A_11 = vector.broadcast %broadcast_in_dim3A_10 : i32 to vector<16xi32>
    %mul3A_12 = arith.constant 10000 : i32
    %mul3A_13 = arith.muli %add3A, %mul3A_12 : i32
    %add3A_14 = arith.constant 0 : i32
    %add3A_15 = arith.addi %mul3A_13, %add3A_14 : i32
    %run_scoped3A = arith.constant 0 : i32
    "tpu.region"() ({
      %run_scoped3A_94 = tpu.sem_alloc : memref<!tpu.dma_semaphore, #tpu.memory_space<semaphore_mem>>
      %dma_start3A = tpu.memref_slice %arg2[%run_scoped3A, %add3A_15] : memref<2x320000xi32, #tpu.memory_space<hbm>> -> memref<1x2000xi32, #tpu.memory_space<hbm>>
      %dma_start3A_95 = tpu.memref_squeeze %dma_start3A : memref<1x2000xi32, #tpu.memory_space<hbm>> -> memref<2000xi32, #tpu.memory_space<hbm>>
      %dma_start3A_96 = tpu.memref_slice %arg2[%run_scoped3A, %add3A_15] : memref<2x320000xi32, #tpu.memory_space<hbm>> -> memref<1x2000xi32, #tpu.memory_space<hbm>>
      %dma_start3A_97 = tpu.memref_squeeze %dma_start3A_96 : memref<1x2000xi32, #tpu.memory_space<hbm>> -> memref<2000xi32, #tpu.memory_space<hbm>>
      tpu.enqueue_dma source(%dma_start3A_97 : memref<2000xi32, #tpu.memory_space<hbm>>) target(%arg6 : memref<2000xi32, #tpu.memory_space<vmem>>) target_semaphore(%run_scoped3A_94 : memref<!tpu.dma_semaphore, #tpu.memory_space<semaphore_mem>>)
      %dma_wait3A = tpu.memref_slice %arg2[%run_scoped3A, %add3A_15] : memref<2x320000xi32, #tpu.memory_space<hbm>> -> memref<1x2000xi32, #tpu.memory_space<hbm>>
      %dma_wait3A_98 = tpu.memref_squeeze %dma_wait3A : memref<1x2000xi32, #tpu.memory_space<hbm>> -> memref<2000xi32, #tpu.memory_space<hbm>>
      %dma_wait3A_99 = tpu.memref_slice %arg2[%run_scoped3A, %add3A_15] : memref<2x320000xi32, #tpu.memory_space<hbm>> -> memref<1x2000xi32, #tpu.memory_space<hbm>>
      %dma_wait3A_100 = tpu.memref_squeeze %dma_wait3A_99 : memref<1x2000xi32, #tpu.memory_space<hbm>> -> memref<2000xi32, #tpu.memory_space<hbm>>
      tpu.wait_dma2 semaphore(%run_scoped3A_94 : memref<!tpu.dma_semaphore, #tpu.memory_space<semaphore_mem>>) src(%dma_wait3A_100 : memref<2000xi32, #tpu.memory_space<hbm>>) dst(%arg6 : memref<2000xi32, #tpu.memory_space<vmem>>)
      tpu.yield
    }) : () -> ()
    %run_scoped3A_16 = arith.constant 1 : i32
    "tpu.region"() ({
      %run_scoped3A_94 = tpu.sem_alloc : memref<!tpu.dma_semaphore, #tpu.memory_space<semaphore_mem>>
      %dma_start3A = tpu.memref_slice %arg2[%run_scoped3A_16, %add3A_15] : memref<2x320000xi32, #tpu.memory_space<hbm>> -> memref<1x2000xi32, #tpu.memory_space<hbm>>
      %dma_start3A_95 = tpu.memref_squeeze %dma_start3A : memref<1x2000xi32, #tpu.memory_space<hbm>> -> memref<2000xi32, #tpu.memory_space<hbm>>
      %dma_start3A_96 = tpu.memref_slice %arg2[%run_scoped3A_16, %add3A_15] : memref<2x320000xi32, #tpu.memory_space<hbm>> -> memref<1x2000xi32, #tpu.memory_space<hbm>>
      %dma_start3A_97 = tpu.memref_squeeze %dma_start3A_96 : memref<1x2000xi32, #tpu.memory_space<hbm>> -> memref<2000xi32, #tpu.memory_space<hbm>>
      tpu.enqueue_dma source(%dma_start3A_97 : memref<2000xi32, #tpu.memory_space<hbm>>) target(%arg7 : memref<2000xi32, #tpu.memory_space<vmem>>) target_semaphore(%run_scoped3A_94 : memref<!tpu.dma_semaphore, #tpu.memory_space<semaphore_mem>>)
      %dma_wait3A = tpu.memref_slice %arg2[%run_scoped3A_16, %add3A_15] : memref<2x320000xi32, #tpu.memory_space<hbm>> -> memref<1x2000xi32, #tpu.memory_space<hbm>>
      %dma_wait3A_98 = tpu.memref_squeeze %dma_wait3A : memref<1x2000xi32, #tpu.memory_space<hbm>> -> memref<2000xi32, #tpu.memory_space<hbm>>
      %dma_wait3A_99 = tpu.memref_slice %arg2[%run_scoped3A_16, %add3A_15] : memref<2x320000xi32, #tpu.memory_space<hbm>> -> memref<1x2000xi32, #tpu.memory_space<hbm>>
      %dma_wait3A_100 = tpu.memref_squeeze %dma_wait3A_99 : memref<1x2000xi32, #tpu.memory_space<hbm>> -> memref<2000xi32, #tpu.memory_space<hbm>>
      tpu.wait_dma2 semaphore(%run_scoped3A_94 : memref<!tpu.dma_semaphore, #tpu.memory_space<semaphore_mem>>) src(%dma_wait3A_100 : memref<2000xi32, #tpu.memory_space<hbm>>) dst(%arg7 : memref<2000xi32, #tpu.memory_space<vmem>>)
      tpu.yield
    }) : () -> ()
    %parallel_loop3A = arith.constant 0 : i32
    %parallel_loop3A_17 = arith.constant 125 : i32
    %parallel_loop3A_18 = arith.constant 1 : i32
    scf.for %parallel_loop3A_94 = %parallel_loop3A to %parallel_loop3A_17 step %parallel_loop3A_18  : i32 {
      %parallel_loop3A_95 = arith.constant 16 : i32
      %parallel_loop3A_96 = arith.muli %parallel_loop3A_94, %parallel_loop3A_95 : i32
      %parallel_loop3A_97 = arith.index_cast %parallel_loop3A_96 : i32 to index
      %parallel_loop3A_98 = tpu.vector_load %arg6[%parallel_loop3A_97] {strides = array<i32>} : memref<2000xi32, #tpu.memory_space<vmem>>, vector<16xi32>,
      %parallel_loop3A_99 = arith.constant 16 : i32
      %parallel_loop3A_100 = arith.muli %parallel_loop3A_94, %parallel_loop3A_99 : i32
      %parallel_loop3A_101 = arith.index_cast %parallel_loop3A_100 : i32 to index
      %parallel_loop3A_102 = tpu.vector_load %arg7[%parallel_loop3A_101] {strides = array<i32>} : memref<2000xi32, #tpu.memory_space<vmem>>, vector<16xi32>,
      %parallel_loop3A_103 = tpu.vector_load_idx %arg8[%parallel_loop3A_98, %broadcast_in_dim3A_9] : memref<10240x2xf32, #tpu.memory_space<vmem>>[vector<16xi32>, vector<16xi32>], vector<16xf32>,
      %parallel_loop3A_104 = tpu.vector_load_idx %arg8[%parallel_loop3A_98, %broadcast_in_dim3A_11] : memref<10240x2xf32, #tpu.memory_space<vmem>>[vector<16xi32>, vector<16xi32>], vector<16xf32>,
      %parallel_loop3A_105 = tpu.vector_load_idx %arg9[%parallel_loop3A_98] : memref<10240xf32, #tpu.memory_space<vmem>>[vector<16xi32>], vector<16xf32>,
      %parallel_loop3A_106 = tpu.vector_load_idx %arg9[%parallel_loop3A_102] : memref<10240xf32, #tpu.memory_space<vmem>>[vector<16xi32>], vector<16xf32>,
      %parallel_loop3A_107 = arith.mulf %parallel_loop3A_105, %parallel_loop3A_106 : vector<16xf32>
      %parallel_loop3A_108 = arith.mulf %parallel_loop3A_103, %parallel_loop3A_107 : vector<16xf32>
      tpu.vector_store_idx %arg10[%parallel_loop3A_102], %parallel_loop3A_108 {add = true} : memref<10240xf32, #tpu.memory_space<vmem>>[vector<16xi32>], vector<16xf32>,
      %parallel_loop3A_109 = arith.mulf %parallel_loop3A_104, %parallel_loop3A_107 : vector<16xf32>
      tpu.vector_store_idx %arg11[%parallel_loop3A_102], %parallel_loop3A_109 {add = true} : memref<10240xf32, #tpu.memory_space<vmem>>[vector<16xi32>], vector<16xf32>,
    } {sc.loop_unroll_factor = 8 : i64, sc.parallel_access}
    %mul3A_19 = arith.constant 10000 : i32
    %mul3A_20 = arith.muli %add3A, %mul3A_19 : i32
    %add3A_21 = arith.constant 2000 : i32
    %add3A_22 = arith.addi %mul3A_20, %add3A_21 : i32
    %run_scoped3A_23 = arith.constant 0 : i32
    "tpu.region"() ({
      %run_scoped3A_94 = tpu.sem_alloc : memref<!tpu.dma_semaphore, #tpu.memory_space<semaphore_mem>>
      %dma_start3A = tpu.memref_slice %arg2[%run_scoped3A_23, %add3A_22] : memref<2x320000xi32, #tpu.memory_space<hbm>> -> memref<1x2000xi32, #tpu.memory_space<hbm>>
      %dma_start3A_95 = tpu.memref_squeeze %dma_start3A : memref<1x2000xi32, #tpu.memory_space<hbm>> -> memref<2000xi32, #tpu.memory_space<hbm>>
      %dma_start3A_96 = tpu.memref_slice %arg2[%run_scoped3A_23, %add3A_22] : memref<2x320000xi32, #tpu.memory_space<hbm>> -> memref<1x2000xi32, #tpu.memory_space<hbm>>
      %dma_start3A_97 = tpu.memref_squeeze %dma_start3A_96 : memref<1x2000xi32, #tpu.memory_space<hbm>> -> memref<2000xi32, #tpu.memory_space<hbm>>
      tpu.enqueue_dma source(%dma_start3A_97 : memref<2000xi32, #tpu.memory_space<hbm>>) target(%arg6 : memref<2000xi32, #tpu.memory_space<vmem>>) target_semaphore(%run_scoped3A_94 : memref<!tpu.dma_semaphore, #tpu.memory_space<semaphore_mem>>)
      %dma_wait3A = tpu.memref_slice %arg2[%run_scoped3A_23, %add3A_22] : memref<2x320000xi32, #tpu.memory_space<hbm>> -> memref<1x2000xi32, #tpu.memory_space<hbm>>
      %dma_wait3A_98 = tpu.memref_squeeze %dma_wait3A : memref<1x2000xi32, #tpu.memory_space<hbm>> -> memref<2000xi32, #tpu.memory_space<hbm>>
      %dma_wait3A_99 = tpu.memref_slice %arg2[%run_scoped3A_23, %add3A_22] : memref<2x320000xi32, #tpu.memory_space<hbm>> -> memref<1x2000xi32, #tpu.memory_space<hbm>>
      %dma_wait3A_100 = tpu.memref_squeeze %dma_wait3A_99 : memref<1x2000xi32, #tpu.memory_space<hbm>> -> memref<2000xi32, #tpu.memory_space<hbm>>
      tpu.wait_dma2 semaphore(%run_scoped3A_94 : memref<!tpu.dma_semaphore, #tpu.memory_space<semaphore_mem>>) src(%dma_wait3A_100 : memref<2000xi32, #tpu.memory_space<hbm>>) dst(%arg6 : memref<2000xi32, #tpu.memory_space<vmem>>)
      tpu.yield
    }) : () -> ()
    %run_scoped3A_24 = arith.constant 1 : i32
    "tpu.region"() ({
      %run_scoped3A_94 = tpu.sem_alloc : memref<!tpu.dma_semaphore, #tpu.memory_space<semaphore_mem>>
      %dma_start3A = tpu.memref_slice %arg2[%run_scoped3A_24, %add3A_22] : memref<2x320000xi32, #tpu.memory_space<hbm>> -> memref<1x2000xi32, #tpu.memory_space<hbm>>
      %dma_start3A_95 = tpu.memref_squeeze %dma_start3A : memref<1x2000xi32, #tpu.memory_space<hbm>> -> memref<2000xi32, #tpu.memory_space<hbm>>
      %dma_start3A_96 = tpu.memref_slice %arg2[%run_scoped3A_24, %add3A_22] : memref<2x320000xi32, #tpu.memory_space<hbm>> -> memref<1x2000xi32, #tpu.memory_space<hbm>>
      %dma_start3A_97 = tpu.memref_squeeze %dma_start3A_96 : memref<1x2000xi32, #tpu.memory_space<hbm>> -> memref<2000xi32, #tpu.memory_space<hbm>>
      tpu.enqueue_dma source(%dma_start3A_97 : memref<2000xi32, #tpu.memory_space<hbm>>) target(%arg7 : memref<2000xi32, #tpu.memory_space<vmem>>) target_semaphore(%run_scoped3A_94 : memref<!tpu.dma_semaphore, #tpu.memory_space<semaphore_mem>>)
      %dma_wait3A = tpu.memref_slice %arg2[%run_scoped3A_24, %add3A_22] : memref<2x320000xi32, #tpu.memory_space<hbm>> -> memref<1x2000xi32, #tpu.memory_space<hbm>>
      %dma_wait3A_98 = tpu.memref_squeeze %dma_wait3A : memref<1x2000xi32, #tpu.memory_space<hbm>> -> memref<2000xi32, #tpu.memory_space<hbm>>
      %dma_wait3A_99 = tpu.memref_slice %arg2[%run_scoped3A_24, %add3A_22] : memref<2x320000xi32, #tpu.memory_space<hbm>> -> memref<1x2000xi32, #tpu.memory_space<hbm>>
      %dma_wait3A_100 = tpu.memref_squeeze %dma_wait3A_99 : memref<1x2000xi32, #tpu.memory_space<hbm>> -> memref<2000xi32, #tpu.memory_space<hbm>>
      tpu.wait_dma2 semaphore(%run_scoped3A_94 : memref<!tpu.dma_semaphore, #tpu.memory_space<semaphore_mem>>) src(%dma_wait3A_100 : memref<2000xi32, #tpu.memory_space<hbm>>) dst(%arg7 : memref<2000xi32, #tpu.memory_space<vmem>>)
      tpu.yield
    }) : () -> ()
    %parallel_loop3A_25 = arith.constant 0 : i32
    %parallel_loop3A_26 = arith.constant 125 : i32
    %parallel_loop3A_27 = arith.constant 1 : i32
    scf.for %parallel_loop3A_94 = %parallel_loop3A_25 to %parallel_loop3A_26 step %parallel_loop3A_27  : i32 {
      %parallel_loop3A_95 = arith.constant 16 : i32
      %parallel_loop3A_96 = arith.muli %parallel_loop3A_94, %parallel_loop3A_95 : i32
      %parallel_loop3A_97 = arith.index_cast %parallel_loop3A_96 : i32 to index
      %parallel_loop3A_98 = tpu.vector_load %arg6[%parallel_loop3A_97] {strides = array<i32>} : memref<2000xi32, #tpu.memory_space<vmem>>, vector<16xi32>,
      %parallel_loop3A_99 = arith.constant 16 : i32
      %parallel_loop3A_100 = arith.muli %parallel_loop3A_94, %parallel_loop3A_99 : i32
      %parallel_loop3A_101 = arith.index_cast %parallel_loop3A_100 : i32 to index
      %parallel_loop3A_102 = tpu.vector_load %arg7[%parallel_loop3A_101] {strides = array<i32>} : memref<2000xi32, #tpu.memory_space<vmem>>, vector<16xi32>,
      %parallel_loop3A_103 = tpu.vector_load_idx %arg8[%parallel_loop3A_98, %broadcast_in_dim3A_9] : memref<10240x2xf32, #tpu.memory_space<vmem>>[vector<16xi32>, vector<16xi32>], vector<16xf32>,
      %parallel_loop3A_104 = tpu.vector_load_idx %arg8[%parallel_loop3A_98, %broadcast_in_dim3A_11] : memref<10240x2xf32, #tpu.memory_space<vmem>>[vector<16xi32>, vector<16xi32>], vector<16xf32>,
      %parallel_loop3A_105 = tpu.vector_load_idx %arg9[%parallel_loop3A_98] : memref<10240xf32, #tpu.memory_space<vmem>>[vector<16xi32>], vector<16xf32>,
      %parallel_loop3A_106 = tpu.vector_load_idx %arg9[%parallel_loop3A_102] : memref<10240xf32, #tpu.memory_space<vmem>>[vector<16xi32>], vector<16xf32>,
      %parallel_loop3A_107 = arith.mulf %parallel_loop3A_105, %parallel_loop3A_106 : vector<16xf32>
      %parallel_loop3A_108 = arith.mulf %parallel_loop3A_103, %parallel_loop3A_107 : vector<16xf32>
      tpu.vector_store_idx %arg10[%parallel_loop3A_102], %parallel_loop3A_108 {add = true} : memref<10240xf32, #tpu.memory_space<vmem>>[vector<16xi32>], vector<16xf32>,
      %parallel_loop3A_109 = arith.mulf %parallel_loop3A_104, %parallel_loop3A_107 : vector<16xf32>
      tpu.vector_store_idx %arg11[%parallel_loop3A_102], %parallel_loop3A_109 {add = true} : memref<10240xf32, #tpu.memory_space<vmem>>[vector<16xi32>], vector<16xf32>,
    } {sc.loop_unroll_factor = 8 : i64, sc.parallel_access}
    %mul3A_28 = arith.constant 10000 : i32
    %mul3A_29 = arith.muli %add3A, %mul3A_28 : i32
    %add3A_30 = arith.constant 4000 : i32
    %add3A_31 = arith.addi %mul3A_29, %add3A_30 : i32
    %run_scoped3A_32 = arith.constant 0 : i32
    "tpu.region"() ({
      %run_scoped3A_94 = tpu.sem_alloc : memref<!tpu.dma_semaphore, #tpu.memory_space<semaphore_mem>>
      %dma_start3A = tpu.memref_slice %arg2[%run_scoped3A_32, %add3A_31] : memref<2x320000xi32, #tpu.memory_space<hbm>> -> memref<1x2000xi32, #tpu.memory_space<hbm>>
      %dma_start3A_95 = tpu.memref_squeeze %dma_start3A : memref<1x2000xi32, #tpu.memory_space<hbm>> -> memref<2000xi32, #tpu.memory_space<hbm>>
      %dma_start3A_96 = tpu.memref_slice %arg2[%run_scoped3A_32, %add3A_31] : memref<2x320000xi32, #tpu.memory_space<hbm>> -> memref<1x2000xi32, #tpu.memory_space<hbm>>
      %dma_start3A_97 = tpu.memref_squeeze %dma_start3A_96 : memref<1x2000xi32, #tpu.memory_space<hbm>> -> memref<2000xi32, #tpu.memory_space<hbm>>
      tpu.enqueue_dma source(%dma_start3A_97 : memref<2000xi32, #tpu.memory_space<hbm>>) target(%arg6 : memref<2000xi32, #tpu.memory_space<vmem>>) target_semaphore(%run_scoped3A_94 : memref<!tpu.dma_semaphore, #tpu.memory_space<semaphore_mem>>)
      %dma_wait3A = tpu.memref_slice %arg2[%run_scoped3A_32, %add3A_31] : memref<2x320000xi32, #tpu.memory_space<hbm>> -> memref<1x2000xi32, #tpu.memory_space<hbm>>
      %dma_wait3A_98 = tpu.memref_squeeze %dma_wait3A : memref<1x2000xi32, #tpu.memory_space<hbm>> -> memref<2000xi32, #tpu.memory_space<hbm>>
      %dma_wait3A_99 = tpu.memref_slice %arg2[%run_scoped3A_32, %add3A_31] : memref<2x320000xi32, #tpu.memory_space<hbm>> -> memref<1x2000xi32, #tpu.memory_space<hbm>>
      %dma_wait3A_100 = tpu.memref_squeeze %dma_wait3A_99 : memref<1x2000xi32, #tpu.memory_space<hbm>> -> memref<2000xi32, #tpu.memory_space<hbm>>
      tpu.wait_dma2 semaphore(%run_scoped3A_94 : memref<!tpu.dma_semaphore, #tpu.memory_space<semaphore_mem>>) src(%dma_wait3A_100 : memref<2000xi32, #tpu.memory_space<hbm>>) dst(%arg6 : memref<2000xi32, #tpu.memory_space<vmem>>)
      tpu.yield
    }) : () -> ()
    %run_scoped3A_33 = arith.constant 1 : i32
    "tpu.region"() ({
      %run_scoped3A_94 = tpu.sem_alloc : memref<!tpu.dma_semaphore, #tpu.memory_space<semaphore_mem>>
      %dma_start3A = tpu.memref_slice %arg2[%run_scoped3A_33, %add3A_31] : memref<2x320000xi32, #tpu.memory_space<hbm>> -> memref<1x2000xi32, #tpu.memory_space<hbm>>
      %dma_start3A_95 = tpu.memref_squeeze %dma_start3A : memref<1x2000xi32, #tpu.memory_space<hbm>> -> memref<2000xi32, #tpu.memory_space<hbm>>
      %dma_start3A_96 = tpu.memref_slice %arg2[%run_scoped3A_33, %add3A_31] : memref<2x320000xi32, #tpu.memory_space<hbm>> -> memref<1x2000xi32, #tpu.memory_space<hbm>>
      %dma_start3A_97 = tpu.memref_squeeze %dma_start3A_96 : memref<1x2000xi32, #tpu.memory_space<hbm>> -> memref<2000xi32, #tpu.memory_space<hbm>>
      tpu.enqueue_dma source(%dma_start3A_97 : memref<2000xi32, #tpu.memory_space<hbm>>) target(%arg7 : memref<2000xi32, #tpu.memory_space<vmem>>) target_semaphore(%run_scoped3A_94 : memref<!tpu.dma_semaphore, #tpu.memory_space<semaphore_mem>>)
      %dma_wait3A = tpu.memref_slice %arg2[%run_scoped3A_33, %add3A_31] : memref<2x320000xi32, #tpu.memory_space<hbm>> -> memref<1x2000xi32, #tpu.memory_space<hbm>>
      %dma_wait3A_98 = tpu.memref_squeeze %dma_wait3A : memref<1x2000xi32, #tpu.memory_space<hbm>> -> memref<2000xi32, #tpu.memory_space<hbm>>
      %dma_wait3A_99 = tpu.memref_slice %arg2[%run_scoped3A_33, %add3A_31] : memref<2x320000xi32, #tpu.memory_space<hbm>> -> memref<1x2000xi32, #tpu.memory_space<hbm>>
      %dma_wait3A_100 = tpu.memref_squeeze %dma_wait3A_99 : memref<1x2000xi32, #tpu.memory_space<hbm>> -> memref<2000xi32, #tpu.memory_space<hbm>>
      tpu.wait_dma2 semaphore(%run_scoped3A_94 : memref<!tpu.dma_semaphore, #tpu.memory_space<semaphore_mem>>) src(%dma_wait3A_100 : memref<2000xi32, #tpu.memory_space<hbm>>) dst(%arg7 : memref<2000xi32, #tpu.memory_space<vmem>>)
      tpu.yield
    }) : () -> ()
    %parallel_loop3A_34 = arith.constant 0 : i32
    %parallel_loop3A_35 = arith.constant 125 : i32
    %parallel_loop3A_36 = arith.constant 1 : i32
    scf.for %parallel_loop3A_94 = %parallel_loop3A_34 to %parallel_loop3A_35 step %parallel_loop3A_36  : i32 {
      %parallel_loop3A_95 = arith.constant 16 : i32
      %parallel_loop3A_96 = arith.muli %parallel_loop3A_94, %parallel_loop3A_95 : i32
      %parallel_loop3A_97 = arith.index_cast %parallel_loop3A_96 : i32 to index
      %parallel_loop3A_98 = tpu.vector_load %arg6[%parallel_loop3A_97] {strides = array<i32>} : memref<2000xi32, #tpu.memory_space<vmem>>, vector<16xi32>,
      %parallel_loop3A_99 = arith.constant 16 : i32
      %parallel_loop3A_100 = arith.muli %parallel_loop3A_94, %parallel_loop3A_99 : i32
      %parallel_loop3A_101 = arith.index_cast %parallel_loop3A_100 : i32 to index
      %parallel_loop3A_102 = tpu.vector_load %arg7[%parallel_loop3A_101] {strides = array<i32>} : memref<2000xi32, #tpu.memory_space<vmem>>, vector<16xi32>,
      %parallel_loop3A_103 = tpu.vector_load_idx %arg8[%parallel_loop3A_98, %broadcast_in_dim3A_9] : memref<10240x2xf32, #tpu.memory_space<vmem>>[vector<16xi32>, vector<16xi32>], vector<16xf32>,
      %parallel_loop3A_104 = tpu.vector_load_idx %arg8[%parallel_loop3A_98, %broadcast_in_dim3A_11] : memref<10240x2xf32, #tpu.memory_space<vmem>>[vector<16xi32>, vector<16xi32>], vector<16xf32>,
      %parallel_loop3A_105 = tpu.vector_load_idx %arg9[%parallel_loop3A_98] : memref<10240xf32, #tpu.memory_space<vmem>>[vector<16xi32>], vector<16xf32>,
      %parallel_loop3A_106 = tpu.vector_load_idx %arg9[%parallel_loop3A_102] : memref<10240xf32, #tpu.memory_space<vmem>>[vector<16xi32>], vector<16xf32>,
      %parallel_loop3A_107 = arith.mulf %parallel_loop3A_105, %parallel_loop3A_106 : vector<16xf32>
      %parallel_loop3A_108 = arith.mulf %parallel_loop3A_103, %parallel_loop3A_107 : vector<16xf32>
      tpu.vector_store_idx %arg10[%parallel_loop3A_102], %parallel_loop3A_108 {add = true} : memref<10240xf32, #tpu.memory_space<vmem>>[vector<16xi32>], vector<16xf32>,
      %parallel_loop3A_109 = arith.mulf %parallel_loop3A_104, %parallel_loop3A_107 : vector<16xf32>
      tpu.vector_store_idx %arg11[%parallel_loop3A_102], %parallel_loop3A_109 {add = true} : memref<10240xf32, #tpu.memory_space<vmem>>[vector<16xi32>], vector<16xf32>,
    } {sc.loop_unroll_factor = 8 : i64, sc.parallel_access}
    %mul3A_37 = arith.constant 10000 : i32
    %mul3A_38 = arith.muli %add3A, %mul3A_37 : i32
    %add3A_39 = arith.constant 6000 : i32
    %add3A_40 = arith.addi %mul3A_38, %add3A_39 : i32
    %run_scoped3A_41 = arith.constant 0 : i32
    "tpu.region"() ({
      %run_scoped3A_94 = tpu.sem_alloc : memref<!tpu.dma_semaphore, #tpu.memory_space<semaphore_mem>>
      %dma_start3A = tpu.memref_slice %arg2[%run_scoped3A_41, %add3A_40] : memref<2x320000xi32, #tpu.memory_space<hbm>> -> memref<1x2000xi32, #tpu.memory_space<hbm>>
      %dma_start3A_95 = tpu.memref_squeeze %dma_start3A : memref<1x2000xi32, #tpu.memory_space<hbm>> -> memref<2000xi32, #tpu.memory_space<hbm>>
      %dma_start3A_96 = tpu.memref_slice %arg2[%run_scoped3A_41, %add3A_40] : memref<2x320000xi32, #tpu.memory_space<hbm>> -> memref<1x2000xi32, #tpu.memory_space<hbm>>
      %dma_start3A_97 = tpu.memref_squeeze %dma_start3A_96 : memref<1x2000xi32, #tpu.memory_space<hbm>> -> memref<2000xi32, #tpu.memory_space<hbm>>
      tpu.enqueue_dma source(%dma_start3A_97 : memref<2000xi32, #tpu.memory_space<hbm>>) target(%arg6 : memref<2000xi32, #tpu.memory_space<vmem>>) target_semaphore(%run_scoped3A_94 : memref<!tpu.dma_semaphore, #tpu.memory_space<semaphore_mem>>)
      %dma_wait3A = tpu.memref_slice %arg2[%run_scoped3A_41, %add3A_40] : memref<2x320000xi32, #tpu.memory_space<hbm>> -> memref<1x2000xi32, #tpu.memory_space<hbm>>
      %dma_wait3A_98 = tpu.memref_squeeze %dma_wait3A : memref<1x2000xi32, #tpu.memory_space<hbm>> -> memref<2000xi32, #tpu.memory_space<hbm>>
      %dma_wait3A_99 = tpu.memref_slice %arg2[%run_scoped3A_41, %add3A_40] : memref<2x320000xi32, #tpu.memory_space<hbm>> -> memref<1x2000xi32, #tpu.memory_space<hbm>>
      %dma_wait3A_100 = tpu.memref_squeeze %dma_wait3A_99 : memref<1x2000xi32, #tpu.memory_space<hbm>> -> memref<2000xi32, #tpu.memory_space<hbm>>
      tpu.wait_dma2 semaphore(%run_scoped3A_94 : memref<!tpu.dma_semaphore, #tpu.memory_space<semaphore_mem>>) src(%dma_wait3A_100 : memref<2000xi32, #tpu.memory_space<hbm>>) dst(%arg6 : memref<2000xi32, #tpu.memory_space<vmem>>)
      tpu.yield
    }) : () -> ()
    %run_scoped3A_42 = arith.constant 1 : i32
    "tpu.region"() ({
      %run_scoped3A_94 = tpu.sem_alloc : memref<!tpu.dma_semaphore, #tpu.memory_space<semaphore_mem>>
      %dma_start3A = tpu.memref_slice %arg2[%run_scoped3A_42, %add3A_40] : memref<2x320000xi32, #tpu.memory_space<hbm>> -> memref<1x2000xi32, #tpu.memory_space<hbm>>
      %dma_start3A_95 = tpu.memref_squeeze %dma_start3A : memref<1x2000xi32, #tpu.memory_space<hbm>> -> memref<2000xi32, #tpu.memory_space<hbm>>
      %dma_start3A_96 = tpu.memref_slice %arg2[%run_scoped3A_42, %add3A_40] : memref<2x320000xi32, #tpu.memory_space<hbm>> -> memref<1x2000xi32, #tpu.memory_space<hbm>>
      %dma_start3A_97 = tpu.memref_squeeze %dma_start3A_96 : memref<1x2000xi32, #tpu.memory_space<hbm>> -> memref<2000xi32, #tpu.memory_space<hbm>>
      tpu.enqueue_dma source(%dma_start3A_97 : memref<2000xi32, #tpu.memory_space<hbm>>) target(%arg7 : memref<2000xi32, #tpu.memory_space<vmem>>) target_semaphore(%run_scoped3A_94 : memref<!tpu.dma_semaphore, #tpu.memory_space<semaphore_mem>>)
      %dma_wait3A = tpu.memref_slice %arg2[%run_scoped3A_42, %add3A_40] : memref<2x320000xi32, #tpu.memory_space<hbm>> -> memref<1x2000xi32, #tpu.memory_space<hbm>>
      %dma_wait3A_98 = tpu.memref_squeeze %dma_wait3A : memref<1x2000xi32, #tpu.memory_space<hbm>> -> memref<2000xi32, #tpu.memory_space<hbm>>
      %dma_wait3A_99 = tpu.memref_slice %arg2[%run_scoped3A_42, %add3A_40] : memref<2x320000xi32, #tpu.memory_space<hbm>> -> memref<1x2000xi32, #tpu.memory_space<hbm>>
      %dma_wait3A_100 = tpu.memref_squeeze %dma_wait3A_99 : memref<1x2000xi32, #tpu.memory_space<hbm>> -> memref<2000xi32, #tpu.memory_space<hbm>>
      tpu.wait_dma2 semaphore(%run_scoped3A_94 : memref<!tpu.dma_semaphore, #tpu.memory_space<semaphore_mem>>) src(%dma_wait3A_100 : memref<2000xi32, #tpu.memory_space<hbm>>) dst(%arg7 : memref<2000xi32, #tpu.memory_space<vmem>>)
      tpu.yield
    }) : () -> ()
    %parallel_loop3A_43 = arith.constant 0 : i32
    %parallel_loop3A_44 = arith.constant 125 : i32
    %parallel_loop3A_45 = arith.constant 1 : i32
    scf.for %parallel_loop3A_94 = %parallel_loop3A_43 to %parallel_loop3A_44 step %parallel_loop3A_45  : i32 {
      %parallel_loop3A_95 = arith.constant 16 : i32
      %parallel_loop3A_96 = arith.muli %parallel_loop3A_94, %parallel_loop3A_95 : i32
      %parallel_loop3A_97 = arith.index_cast %parallel_loop3A_96 : i32 to index
      %parallel_loop3A_98 = tpu.vector_load %arg6[%parallel_loop3A_97] {strides = array<i32>} : memref<2000xi32, #tpu.memory_space<vmem>>, vector<16xi32>,
      %parallel_loop3A_99 = arith.constant 16 : i32
      %parallel_loop3A_100 = arith.muli %parallel_loop3A_94, %parallel_loop3A_99 : i32
      %parallel_loop3A_101 = arith.index_cast %parallel_loop3A_100 : i32 to index
      %parallel_loop3A_102 = tpu.vector_load %arg7[%parallel_loop3A_101] {strides = array<i32>} : memref<2000xi32, #tpu.memory_space<vmem>>, vector<16xi32>,
      %parallel_loop3A_103 = tpu.vector_load_idx %arg8[%parallel_loop3A_98, %broadcast_in_dim3A_9] : memref<10240x2xf32, #tpu.memory_space<vmem>>[vector<16xi32>, vector<16xi32>], vector<16xf32>,
      %parallel_loop3A_104 = tpu.vector_load_idx %arg8[%parallel_loop3A_98, %broadcast_in_dim3A_11] : memref<10240x2xf32, #tpu.memory_space<vmem>>[vector<16xi32>, vector<16xi32>], vector<16xf32>,
      %parallel_loop3A_105 = tpu.vector_load_idx %arg9[%parallel_loop3A_98] : memref<10240xf32, #tpu.memory_space<vmem>>[vector<16xi32>], vector<16xf32>,
      %parallel_loop3A_106 = tpu.vector_load_idx %arg9[%parallel_loop3A_102] : memref<10240xf32, #tpu.memory_space<vmem>>[vector<16xi32>], vector<16xf32>,
      %parallel_loop3A_107 = arith.mulf %parallel_loop3A_105, %parallel_loop3A_106 : vector<16xf32>
      %parallel_loop3A_108 = arith.mulf %parallel_loop3A_103, %parallel_loop3A_107 : vector<16xf32>
      tpu.vector_store_idx %arg10[%parallel_loop3A_102], %parallel_loop3A_108 {add = true} : memref<10240xf32, #tpu.memory_space<vmem>>[vector<16xi32>], vector<16xf32>,
      %parallel_loop3A_109 = arith.mulf %parallel_loop3A_104, %parallel_loop3A_107 : vector<16xf32>
      tpu.vector_store_idx %arg11[%parallel_loop3A_102], %parallel_loop3A_109 {add = true} : memref<10240xf32, #tpu.memory_space<vmem>>[vector<16xi32>], vector<16xf32>,
    } {sc.loop_unroll_factor = 8 : i64, sc.parallel_access}
    %mul3A_46 = arith.constant 10000 : i32
    %mul3A_47 = arith.muli %add3A, %mul3A_46 : i32
    %add3A_48 = arith.constant 8000 : i32
    %add3A_49 = arith.addi %mul3A_47, %add3A_48 : i32
    %run_scoped3A_50 = arith.constant 0 : i32
    "tpu.region"() ({
      %run_scoped3A_94 = tpu.sem_alloc : memref<!tpu.dma_semaphore, #tpu.memory_space<semaphore_mem>>
      %dma_start3A = tpu.memref_slice %arg2[%run_scoped3A_50, %add3A_49] : memref<2x320000xi32, #tpu.memory_space<hbm>> -> memref<1x2000xi32, #tpu.memory_space<hbm>>
      %dma_start3A_95 = tpu.memref_squeeze %dma_start3A : memref<1x2000xi32, #tpu.memory_space<hbm>> -> memref<2000xi32, #tpu.memory_space<hbm>>
      %dma_start3A_96 = tpu.memref_slice %arg2[%run_scoped3A_50, %add3A_49] : memref<2x320000xi32, #tpu.memory_space<hbm>> -> memref<1x2000xi32, #tpu.memory_space<hbm>>
      %dma_start3A_97 = tpu.memref_squeeze %dma_start3A_96 : memref<1x2000xi32, #tpu.memory_space<hbm>> -> memref<2000xi32, #tpu.memory_space<hbm>>
      tpu.enqueue_dma source(%dma_start3A_97 : memref<2000xi32, #tpu.memory_space<hbm>>) target(%arg6 : memref<2000xi32, #tpu.memory_space<vmem>>) target_semaphore(%run_scoped3A_94 : memref<!tpu.dma_semaphore, #tpu.memory_space<semaphore_mem>>)
      %dma_wait3A = tpu.memref_slice %arg2[%run_scoped3A_50, %add3A_49] : memref<2x320000xi32, #tpu.memory_space<hbm>> -> memref<1x2000xi32, #tpu.memory_space<hbm>>
      %dma_wait3A_98 = tpu.memref_squeeze %dma_wait3A : memref<1x2000xi32, #tpu.memory_space<hbm>> -> memref<2000xi32, #tpu.memory_space<hbm>>
      %dma_wait3A_99 = tpu.memref_slice %arg2[%run_scoped3A_50, %add3A_49] : memref<2x320000xi32, #tpu.memory_space<hbm>> -> memref<1x2000xi32, #tpu.memory_space<hbm>>
      %dma_wait3A_100 = tpu.memref_squeeze %dma_wait3A_99 : memref<1x2000xi32, #tpu.memory_space<hbm>> -> memref<2000xi32, #tpu.memory_space<hbm>>
      tpu.wait_dma2 semaphore(%run_scoped3A_94 : memref<!tpu.dma_semaphore, #tpu.memory_space<semaphore_mem>>) src(%dma_wait3A_100 : memref<2000xi32, #tpu.memory_space<hbm>>) dst(%arg6 : memref<2000xi32, #tpu.memory_space<vmem>>)
      tpu.yield
    }) : () -> ()
    %run_scoped3A_51 = arith.constant 1 : i32
    "tpu.region"() ({
      %run_scoped3A_94 = tpu.sem_alloc : memref<!tpu.dma_semaphore, #tpu.memory_space<semaphore_mem>>
      %dma_start3A = tpu.memref_slice %arg2[%run_scoped3A_51, %add3A_49] : memref<2x320000xi32, #tpu.memory_space<hbm>> -> memref<1x2000xi32, #tpu.memory_space<hbm>>
      %dma_start3A_95 = tpu.memref_squeeze %dma_start3A : memref<1x2000xi32, #tpu.memory_space<hbm>> -> memref<2000xi32, #tpu.memory_space<hbm>>
      %dma_start3A_96 = tpu.memref_slice %arg2[%run_scoped3A_51, %add3A_49] : memref<2x320000xi32, #tpu.memory_space<hbm>> -> memref<1x2000xi32, #tpu.memory_space<hbm>>
      %dma_start3A_97 = tpu.memref_squeeze %dma_start3A_96 : memref<1x2000xi32, #tpu.memory_space<hbm>> -> memref<2000xi32, #tpu.memory_space<hbm>>
      tpu.enqueue_dma source(%dma_start3A_97 : memref<2000xi32, #tpu.memory_space<hbm>>) target(%arg7 : memref<2000xi32, #tpu.memory_space<vmem>>) target_semaphore(%run_scoped3A_94 : memref<!tpu.dma_semaphore, #tpu.memory_space<semaphore_mem>>)
      %dma_wait3A = tpu.memref_slice %arg2[%run_scoped3A_51, %add3A_49] : memref<2x320000xi32, #tpu.memory_space<hbm>> -> memref<1x2000xi32, #tpu.memory_space<hbm>>
      %dma_wait3A_98 = tpu.memref_squeeze %dma_wait3A : memref<1x2000xi32, #tpu.memory_space<hbm>> -> memref<2000xi32, #tpu.memory_space<hbm>>
      %dma_wait3A_99 = tpu.memref_slice %arg2[%run_scoped3A_51, %add3A_49] : memref<2x320000xi32, #tpu.memory_space<hbm>> -> memref<1x2000xi32, #tpu.memory_space<hbm>>
      %dma_wait3A_100 = tpu.memref_squeeze %dma_wait3A_99 : memref<1x2000xi32, #tpu.memory_space<hbm>> -> memref<2000xi32, #tpu.memory_space<hbm>>
      tpu.wait_dma2 semaphore(%run_scoped3A_94 : memref<!tpu.dma_semaphore, #tpu.memory_space<semaphore_mem>>) src(%dma_wait3A_100 : memref<2000xi32, #tpu.memory_space<hbm>>) dst(%arg7 : memref<2000xi32, #tpu.memory_space<vmem>>)
      tpu.yield
    }) : () -> ()
    %parallel_loop3A_52 = arith.constant 0 : i32
    %parallel_loop3A_53 = arith.constant 125 : i32
    %parallel_loop3A_54 = arith.constant 1 : i32
    scf.for %parallel_loop3A_94 = %parallel_loop3A_52 to %parallel_loop3A_53 step %parallel_loop3A_54  : i32 {
      %parallel_loop3A_95 = arith.constant 16 : i32
      %parallel_loop3A_96 = arith.muli %parallel_loop3A_94, %parallel_loop3A_95 : i32
      %parallel_loop3A_97 = arith.index_cast %parallel_loop3A_96 : i32 to index
      %parallel_loop3A_98 = tpu.vector_load %arg6[%parallel_loop3A_97] {strides = array<i32>} : memref<2000xi32, #tpu.memory_space<vmem>>, vector<16xi32>,
      %parallel_loop3A_99 = arith.constant 16 : i32
      %parallel_loop3A_100 = arith.muli %parallel_loop3A_94, %parallel_loop3A_99 : i32
      %parallel_loop3A_101 = arith.index_cast %parallel_loop3A_100 : i32 to index
      %parallel_loop3A_102 = tpu.vector_load %arg7[%parallel_loop3A_101] {strides = array<i32>} : memref<2000xi32, #tpu.memory_space<vmem>>, vector<16xi32>,
      %parallel_loop3A_103 = tpu.vector_load_idx %arg8[%parallel_loop3A_98, %broadcast_in_dim3A_9] : memref<10240x2xf32, #tpu.memory_space<vmem>>[vector<16xi32>, vector<16xi32>], vector<16xf32>,
      %parallel_loop3A_104 = tpu.vector_load_idx %arg8[%parallel_loop3A_98, %broadcast_in_dim3A_11] : memref<10240x2xf32, #tpu.memory_space<vmem>>[vector<16xi32>, vector<16xi32>], vector<16xf32>,
      %parallel_loop3A_105 = tpu.vector_load_idx %arg9[%parallel_loop3A_98] : memref<10240xf32, #tpu.memory_space<vmem>>[vector<16xi32>], vector<16xf32>,
      %parallel_loop3A_106 = tpu.vector_load_idx %arg9[%parallel_loop3A_102] : memref<10240xf32, #tpu.memory_space<vmem>>[vector<16xi32>], vector<16xf32>,
      %parallel_loop3A_107 = arith.mulf %parallel_loop3A_105, %parallel_loop3A_106 : vector<16xf32>
      %parallel_loop3A_108 = arith.mulf %parallel_loop3A_103, %parallel_loop3A_107 : vector<16xf32>
      tpu.vector_store_idx %arg10[%parallel_loop3A_102], %parallel_loop3A_108 {add = true} : memref<10240xf32, #tpu.memory_space<vmem>>[vector<16xi32>], vector<16xf32>,
      %parallel_loop3A_109 = arith.mulf %parallel_loop3A_104, %parallel_loop3A_107 : vector<16xf32>
      tpu.vector_store_idx %arg11[%parallel_loop3A_102], %parallel_loop3A_109 {add = true} : memref<10240xf32, #tpu.memory_space<vmem>>[vector<16xi32>], vector<16xf32>,
    } {sc.loop_unroll_factor = 8 : i64, sc.parallel_access}
    %iota3A = tpu.iota {dimensions = array<i32: 0>} : vector<16xi32>
    %scan3A_55 = arith.constant 0 : i32
    %scan3A_56 = arith.constant 0 : i32
    %scan3A_57 = arith.constant 20 : i32
    %scan3A_58 = arith.addi %scan3A_56, %scan3A_57 : i32
    %scan3A_59 = arith.constant 4 : i32
    %scan3A_60 = scf.for %scan3A_94 = %scan3A_56 to %scan3A_58 step %scan3A_59 iter_args(%scan3A_95 = %scan3A_55) -> (i32)  : i32 {
      %mul3A_96 = arith.constant 320 : i32
      %mul3A_97 = arith.muli %add3A, %mul3A_96 : i32
      %mul3A_98 = arith.constant 16 : i32
      %mul3A_99 = arith.muli %scan3A_94, %mul3A_98 : i32
      %add3A_100 = arith.addi %mul3A_97, %mul3A_99 : i32
      %add3A_101 = vector.broadcast %add3A_100 : i32 to vector<16xi32>
      %add3A_102 = arith.addi %add3A_101, %iota3A : vector<16xi32>
      %gather3A = tpu.vector_load_idx %arg8[%add3A_102, %broadcast_in_dim3A_9] : memref<10240x2xf32, #tpu.memory_space<vmem>>[vector<16xi32>, vector<16xi32>], vector<16xf32>,
      %gather3A_103 = tpu.vector_load_idx %arg8[%add3A_102, %broadcast_in_dim3A_11] : memref<10240x2xf32, #tpu.memory_space<vmem>>[vector<16xi32>, vector<16xi32>], vector<16xf32>,
      %gather3A_104 = tpu.vector_load_idx %arg9[%add3A_102] : memref<10240xf32, #tpu.memory_space<vmem>>[vector<16xi32>], vector<16xf32>,
      %mul3A_105 = arith.mulf %gather3A_104, %gather3A_104 : vector<16xf32>
      %mul3A_106 = arith.mulf %gather3A, %mul3A_105 : vector<16xf32>
      tpu.vector_store_idx %arg10[%add3A_102], %mul3A_106 {add = true} : memref<10240xf32, #tpu.memory_space<vmem>>[vector<16xi32>], vector<16xf32>,
      %mul3A_107 = arith.mulf %gather3A_103, %mul3A_105 : vector<16xf32>
      tpu.vector_store_idx %arg11[%add3A_102], %mul3A_107 {add = true} : memref<10240xf32, #tpu.memory_space<vmem>>[vector<16xi32>], vector<16xf32>,
      %scan3A_108 = arith.constant 0 : i32
      %scan3A_109 = arith.constant 1 : i32
      %scan3A_110 = arith.addi %scan3A_94, %scan3A_109 : i32
      %mul3A_111 = arith.constant 320 : i32
      %mul3A_112 = arith.muli %add3A, %mul3A_111 : i32
      %mul3A_113 = arith.constant 16 : i32
      %mul3A_114 = arith.muli %scan3A_110, %mul3A_113 : i32
      %add3A_115 = arith.addi %mul3A_112, %mul3A_114 : i32
      %add3A_116 = vector.broadcast %add3A_115 : i32 to vector<16xi32>
      %add3A_117 = arith.addi %add3A_116, %iota3A : vector<16xi32>
      %gather3A_118 = tpu.vector_load_idx %arg8[%add3A_117, %broadcast_in_dim3A_9] : memref<10240x2xf32, #tpu.memory_space<vmem>>[vector<16xi32>, vector<16xi32>], vector<16xf32>,
      %gather3A_119 = tpu.vector_load_idx %arg8[%add3A_117, %broadcast_in_dim3A_11] : memref<10240x2xf32, #tpu.memory_space<vmem>>[vector<16xi32>, vector<16xi32>], vector<16xf32>,
      %gather3A_120 = tpu.vector_load_idx %arg9[%add3A_117] : memref<10240xf32, #tpu.memory_space<vmem>>[vector<16xi32>], vector<16xf32>,
      %mul3A_121 = arith.mulf %gather3A_120, %gather3A_120 : vector<16xf32>
      %mul3A_122 = arith.mulf %gather3A_118, %mul3A_121 : vector<16xf32>
      tpu.vector_store_idx %arg10[%add3A_117], %mul3A_122 {add = true} : memref<10240xf32, #tpu.memory_space<vmem>>[vector<16xi32>], vector<16xf32>,
      %mul3A_123 = arith.mulf %gather3A_119, %mul3A_121 : vector<16xf32>
      tpu.vector_store_idx %arg11[%add3A_117], %mul3A_123 {add = true} : memref<10240xf32, #tpu.memory_space<vmem>>[vector<16xi32>], vector<16xf32>,
      %scan3A_124 = arith.constant 0 : i32
      %scan3A_125 = arith.constant 2 : i32
      %scan3A_126 = arith.addi %scan3A_94, %scan3A_125 : i32
      %mul3A_127 = arith.constant 320 : i32
      %mul3A_128 = arith.muli %add3A, %mul3A_127 : i32
      %mul3A_129 = arith.constant 16 : i32
      %mul3A_130 = arith.muli %scan3A_126, %mul3A_129 : i32
      %add3A_131 = arith.addi %mul3A_128, %mul3A_130 : i32
      %add3A_132 = vector.broadcast %add3A_131 : i32 to vector<16xi32>
      %add3A_133 = arith.addi %add3A_132, %iota3A : vector<16xi32>
      %gather3A_134 = tpu.vector_load_idx %arg8[%add3A_133, %broadcast_in_dim3A_9] : memref<10240x2xf32, #tpu.memory_space<vmem>>[vector<16xi32>, vector<16xi32>], vector<16xf32>,
      %gather3A_135 = tpu.vector_load_idx %arg8[%add3A_133, %broadcast_in_dim3A_11] : memref<10240x2xf32, #tpu.memory_space<vmem>>[vector<16xi32>, vector<16xi32>], vector<16xf32>,
      %gather3A_136 = tpu.vector_load_idx %arg9[%add3A_133] : memref<10240xf32, #tpu.memory_space<vmem>>[vector<16xi32>], vector<16xf32>,
      %mul3A_137 = arith.mulf %gather3A_136, %gather3A_136 : vector<16xf32>
      %mul3A_138 = arith.mulf %gather3A_134, %mul3A_137 : vector<16xf32>
      tpu.vector_store_idx %arg10[%add3A_133], %mul3A_138 {add = true} : memref<10240xf32, #tpu.memory_space<vmem>>[vector<16xi32>], vector<16xf32>,
      %mul3A_139 = arith.mulf %gather3A_135, %mul3A_137 : vector<16xf32>
      tpu.vector_store_idx %arg11[%add3A_133], %mul3A_139 {add = true} : memref<10240xf32, #tpu.memory_space<vmem>>[vector<16xi32>], vector<16xf32>,
      %scan3A_140 = arith.constant 0 : i32
      %scan3A_141 = arith.constant 3 : i32
      %scan3A_142 = arith.addi %scan3A_94, %scan3A_141 : i32
      %mul3A_143 = arith.constant 320 : i32
      %mul3A_144 = arith.muli %add3A, %mul3A_143 : i32
      %mul3A_145 = arith.constant 16 : i32
      %mul3A_146 = arith.muli %scan3A_142, %mul3A_145 : i32
      %add3A_147 = arith.addi %mul3A_144, %mul3A_146 : i32
      %add3A_148 = vector.broadcast %add3A_147 : i32 to vector<16xi32>
      %add3A_149 = arith.addi %add3A_148, %iota3A : vector<16xi32>
      %gather3A_150 = tpu.vector_load_idx %arg8[%add3A_149, %broadcast_in_dim3A_9] : memref<10240x2xf32, #tpu.memory_space<vmem>>[vector<16xi32>, vector<16xi32>], vector<16xf32>,
      %gather3A_151 = tpu.vector_load_idx %arg8[%add3A_149, %broadcast_in_dim3A_11] : memref<10240x2xf32, #tpu.memory_space<vmem>>[vector<16xi32>, vector<16xi32>], vector<16xf32>,
      %gather3A_152 = tpu.vector_load_idx %arg9[%add3A_149] : memref<10240xf32, #tpu.memory_space<vmem>>[vector<16xi32>], vector<16xf32>,
      %mul3A_153 = arith.mulf %gather3A_152, %gather3A_152 : vector<16xf32>
      %mul3A_154 = arith.mulf %gather3A_150, %mul3A_153 : vector<16xf32>
      tpu.vector_store_idx %arg10[%add3A_149], %mul3A_154 {add = true} : memref<10240xf32, #tpu.memory_space<vmem>>[vector<16xi32>], vector<16xf32>,
      %mul3A_155 = arith.mulf %gather3A_151, %mul3A_153 : vector<16xf32>
      tpu.vector_store_idx %arg11[%add3A_149], %mul3A_155 {add = true} : memref<10240xf32, #tpu.memory_space<vmem>>[vector<16xi32>], vector<16xf32>,
      %scan3A_156 = arith.constant 0 : i32
      scf.yield %scan3A_156 : i32
    }
    %scan3A_61 = arith.constant 20 : i32
    %run_scoped3A_62 = arith.constant 0 : i32
    "tpu.region"() ({
      %run_scoped3A_94 = tpu.sem_alloc : memref<!tpu.dma_semaphore, #tpu.memory_space<semaphore_mem>>
      %dma_start3A = arith.constant 0 : i32
      %dma_start3A_95 = tpu.memref_slice %arg14[%add3A, %run_scoped3A_62, %dma_start3A] : memref<32x2x10240xf32, #tpu.memory_space<hbm>> -> memref<1x1x10240xf32, #tpu.memory_space<hbm>>
      %dma_start3A_96 = tpu.memref_squeeze %dma_start3A_95 : memref<1x1x10240xf32, #tpu.memory_space<hbm>> -> memref<10240xf32, #tpu.memory_space<hbm>>
      %dma_start3A_97 = arith.constant 0 : i32
      %dma_start3A_98 = tpu.memref_slice %arg14[%add3A, %run_scoped3A_62, %dma_start3A_97] : memref<32x2x10240xf32, #tpu.memory_space<hbm>> -> memref<1x1x10240xf32, #tpu.memory_space<hbm>>
      %dma_start3A_99 = tpu.memref_squeeze %dma_start3A_98 : memref<1x1x10240xf32, #tpu.memory_space<hbm>> -> memref<10240xf32, #tpu.memory_space<hbm>>
      tpu.enqueue_dma source(%arg10 : memref<10240xf32, #tpu.memory_space<vmem>>) target(%dma_start3A_99 : memref<10240xf32, #tpu.memory_space<hbm>>) target_semaphore(%run_scoped3A_94 : memref<!tpu.dma_semaphore, #tpu.memory_space<semaphore_mem>>)
      %dma_wait3A = arith.constant 0 : i32
      %dma_wait3A_100 = tpu.memref_slice %arg14[%add3A, %run_scoped3A_62, %dma_wait3A] : memref<32x2x10240xf32, #tpu.memory_space<hbm>> -> memref<1x1x10240xf32, #tpu.memory_space<hbm>>
      %dma_wait3A_101 = tpu.memref_squeeze %dma_wait3A_100 : memref<1x1x10240xf32, #tpu.memory_space<hbm>> -> memref<10240xf32, #tpu.memory_space<hbm>>
      %dma_wait3A_102 = arith.constant 0 : i32
      %dma_wait3A_103 = tpu.memref_slice %arg14[%add3A, %run_scoped3A_62, %dma_wait3A_102] : memref<32x2x10240xf32, #tpu.memory_space<hbm>> -> memref<1x1x10240xf32, #tpu.memory_space<hbm>>
      %dma_wait3A_104 = tpu.memref_squeeze %dma_wait3A_103 : memref<1x1x10240xf32, #tpu.memory_space<hbm>> -> memref<10240xf32, #tpu.memory_space<hbm>>
      tpu.wait_dma2 semaphore(%run_scoped3A_94 : memref<!tpu.dma_semaphore, #tpu.memory_space<semaphore_mem>>) src(%arg10 : memref<10240xf32, #tpu.memory_space<vmem>>) dst(%dma_wait3A_104 : memref<10240xf32, #tpu.memory_space<hbm>>)
      tpu.yield
    }) : () -> ()
    %run_scoped3A_63 = arith.constant 1 : i32
    "tpu.region"() ({
      %run_scoped3A_94 = tpu.sem_alloc : memref<!tpu.dma_semaphore, #tpu.memory_space<semaphore_mem>>
      %dma_start3A = arith.constant 0 : i32
      %dma_start3A_95 = tpu.memref_slice %arg14[%add3A, %run_scoped3A_63, %dma_start3A] : memref<32x2x10240xf32, #tpu.memory_space<hbm>> -> memref<1x1x10240xf32, #tpu.memory_space<hbm>>
      %dma_start3A_96 = tpu.memref_squeeze %dma_start3A_95 : memref<1x1x10240xf32, #tpu.memory_space<hbm>> -> memref<10240xf32, #tpu.memory_space<hbm>>
      %dma_start3A_97 = arith.constant 0 : i32
      %dma_start3A_98 = tpu.memref_slice %arg14[%add3A, %run_scoped3A_63, %dma_start3A_97] : memref<32x2x10240xf32, #tpu.memory_space<hbm>> -> memref<1x1x10240xf32, #tpu.memory_space<hbm>>
      %dma_start3A_99 = tpu.memref_squeeze %dma_start3A_98 : memref<1x1x10240xf32, #tpu.memory_space<hbm>> -> memref<10240xf32, #tpu.memory_space<hbm>>
      tpu.enqueue_dma source(%arg11 : memref<10240xf32, #tpu.memory_space<vmem>>) target(%dma_start3A_99 : memref<10240xf32, #tpu.memory_space<hbm>>) target_semaphore(%run_scoped3A_94 : memref<!tpu.dma_semaphore, #tpu.memory_space<semaphore_mem>>)
      %dma_wait3A = arith.constant 0 : i32
      %dma_wait3A_100 = tpu.memref_slice %arg14[%add3A, %run_scoped3A_63, %dma_wait3A] : memref<32x2x10240xf32, #tpu.memory_space<hbm>> -> memref<1x1x10240xf32, #tpu.memory_space<hbm>>
      %dma_wait3A_101 = tpu.memref_squeeze %dma_wait3A_100 : memref<1x1x10240xf32, #tpu.memory_space<hbm>> -> memref<10240xf32, #tpu.memory_space<hbm>>
      %dma_wait3A_102 = arith.constant 0 : i32
      %dma_wait3A_103 = tpu.memref_slice %arg14[%add3A, %run_scoped3A_63, %dma_wait3A_102] : memref<32x2x10240xf32, #tpu.memory_space<hbm>> -> memref<1x1x10240xf32, #tpu.memory_space<hbm>>
      %dma_wait3A_104 = tpu.memref_squeeze %dma_wait3A_103 : memref<1x1x10240xf32, #tpu.memory_space<hbm>> -> memref<10240xf32, #tpu.memory_space<hbm>>
      tpu.wait_dma2 semaphore(%run_scoped3A_94 : memref<!tpu.dma_semaphore, #tpu.memory_space<semaphore_mem>>) src(%arg11 : memref<10240xf32, #tpu.memory_space<vmem>>) dst(%dma_wait3A_104 : memref<10240xf32, #tpu.memory_space<hbm>>)
      tpu.yield
    }) : () -> ()
    %barrier3A = arith.constant 0 : index
    tpu.barrier barrier_id(%barrier3A)
    %mul3A_64 = arith.constant 16 : i32
    %mul3A_65 = arith.muli %arg0, %mul3A_64 : i32
    %mul3A_66 = arith.constant 640 : i32
    %mul3A_67 = arith.muli %arg1, %mul3A_66 : i32
    %run_scoped3A_68 = arith.constant 0 : i32
    "tpu.region"() ({
      %run_scoped3A_94 = tpu.sem_alloc : memref<!tpu.dma_semaphore, #tpu.memory_space<semaphore_mem>>
      %dma_start3A = tpu.memref_slice %arg14[%mul3A_65, %run_scoped3A_68, %mul3A_67] : memref<32x2x10240xf32, #tpu.memory_space<hbm>> -> memref<16x1x640xf32, #tpu.memory_space<hbm>>
      %dma_start3A_95 = tpu.memref_squeeze %dma_start3A : memref<16x1x640xf32, #tpu.memory_space<hbm>> -> memref<16x640xf32, #tpu.memory_space<hbm>>
      %dma_start3A_96 = tpu.memref_slice %arg14[%mul3A_65, %run_scoped3A_68, %mul3A_67] : memref<32x2x10240xf32, #tpu.memory_space<hbm>> -> memref<16x1x640xf32, #tpu.memory_space<hbm>>
      %dma_start3A_97 = tpu.memref_squeeze %dma_start3A_96 : memref<16x1x640xf32, #tpu.memory_space<hbm>> -> memref<16x640xf32, #tpu.memory_space<hbm>>
      tpu.enqueue_dma source(%dma_start3A_97 : memref<16x640xf32, #tpu.memory_space<hbm>>) target(%arg12 : memref<16x640xf32, #tpu.memory_space<vmem>>) target_semaphore(%run_scoped3A_94 : memref<!tpu.dma_semaphore, #tpu.memory_space<semaphore_mem>>)
      %dma_wait3A = tpu.memref_slice %arg14[%mul3A_65, %run_scoped3A_68, %mul3A_67] : memref<32x2x10240xf32, #tpu.memory_space<hbm>> -> memref<16x1x640xf32, #tpu.memory_space<hbm>>
      %dma_wait3A_98 = tpu.memref_squeeze %dma_wait3A : memref<16x1x640xf32, #tpu.memory_space<hbm>> -> memref<16x640xf32, #tpu.memory_space<hbm>>
      %dma_wait3A_99 = tpu.memref_slice %arg14[%mul3A_65, %run_scoped3A_68, %mul3A_67] : memref<32x2x10240xf32, #tpu.memory_space<hbm>> -> memref<16x1x640xf32, #tpu.memory_space<hbm>>
      %dma_wait3A_100 = tpu.memref_squeeze %dma_wait3A_99 : memref<16x1x640xf32, #tpu.memory_space<hbm>> -> memref<16x640xf32, #tpu.memory_space<hbm>>
      tpu.wait_dma2 semaphore(%run_scoped3A_94 : memref<!tpu.dma_semaphore, #tpu.memory_space<semaphore_mem>>) src(%dma_wait3A_100 : memref<16x640xf32, #tpu.memory_space<hbm>>) dst(%arg12 : memref<16x640xf32, #tpu.memory_space<vmem>>)
      tpu.yield
    }) : () -> ()
    %scan3A_69 = arith.constant 0 : i32
    %scan3A_70 = arith.constant 0 : i32
    %scan3A_71 = arith.constant 40 : i32
    %scan3A_72 = arith.addi %scan3A_70, %scan3A_71 : i32
    %scan3A_73 = arith.constant 1 : i32
    %scan3A_74 = scf.for %scan3A_94 = %scan3A_70 to %scan3A_72 step %scan3A_73 iter_args(%scan3A_95 = %scan3A_69) -> (i32)  : i32 {
      %broadcast_in_dim3A_96 = arith.constant 0.000000e+00 : f32
      %broadcast_in_dim3A_97 = vector.broadcast %broadcast_in_dim3A_96 : f32 to vector<16xf32>
      %mul3A_98 = arith.constant 16 : i32
      %mul3A_99 = arith.muli %scan3A_94, %mul3A_98 : i32
      %get3A = arith.constant 0 : i32
      %get3A_100 = arith.index_cast %get3A : i32 to index
      %get3A_101 = arith.index_cast %mul3A_99 : i32 to index
      %get3A_102 = tpu.vector_load %arg12[%get3A_100, %get3A_101] {strides = array<i32>} : memref<16x640xf32, #tpu.memory_space<vmem>>, vector<16xf32>,
      %add3A_103 = arith.addf %broadcast_in_dim3A_97, %get3A_102 : vector<16xf32>
      %mul3A_104 = arith.constant 16 : i32
      %mul3A_105 = arith.muli %scan3A_94, %mul3A_104 : i32
      %get3A_106 = arith.constant 1 : i32
      %get3A_107 = arith.index_cast %get3A_106 : i32 to index
      %get3A_108 = arith.index_cast %mul3A_105 : i32 to index
      %get3A_109 = tpu.vector_load %arg12[%get3A_107, %get3A_108] {strides = array<i32>} : memref<16x640xf32, #tpu.memory_space<vmem>>, vector<16xf32>,
      %add3A_110 = arith.addf %add3A_103, %get3A_109 : vector<16xf32>
      %mul3A_111 = arith.constant 16 : i32
      %mul3A_112 = arith.muli %scan3A_94, %mul3A_111 : i32
      %get3A_113 = arith.constant 2 : i32
      %get3A_114 = arith.index_cast %get3A_113 : i32 to index
      %get3A_115 = arith.index_cast %mul3A_112 : i32 to index
      %get3A_116 = tpu.vector_load %arg12[%get3A_114, %get3A_115] {strides = array<i32>} : memref<16x640xf32, #tpu.memory_space<vmem>>, vector<16xf32>,
      %add3A_117 = arith.addf %add3A_110, %get3A_116 : vector<16xf32>
      %mul3A_118 = arith.constant 16 : i32
      %mul3A_119 = arith.muli %scan3A_94, %mul3A_118 : i32
      %get3A_120 = arith.constant 3 : i32
      %get3A_121 = arith.index_cast %get3A_120 : i32 to index
      %get3A_122 = arith.index_cast %mul3A_119 : i32 to index
      %get3A_123 = tpu.vector_load %arg12[%get3A_121, %get3A_122] {strides = array<i32>} : memref<16x640xf32, #tpu.memory_space<vmem>>, vector<16xf32>,
      %add3A_124 = arith.addf %add3A_117, %get3A_123 : vector<16xf32>
      %mul3A_125 = arith.constant 16 : i32
      %mul3A_126 = arith.muli %scan3A_94, %mul3A_125 : i32
      %get3A_127 = arith.constant 4 : i32
      %get3A_128 = arith.index_cast %get3A_127 : i32 to index
      %get3A_129 = arith.index_cast %mul3A_126 : i32 to index
      %get3A_130 = tpu.vector_load %arg12[%get3A_128, %get3A_129] {strides = array<i32>} : memref<16x640xf32, #tpu.memory_space<vmem>>, vector<16xf32>,
      %add3A_131 = arith.addf %add3A_124, %get3A_130 : vector<16xf32>
      %mul3A_132 = arith.constant 16 : i32
      %mul3A_133 = arith.muli %scan3A_94, %mul3A_132 : i32
      %get3A_134 = arith.constant 5 : i32
      %get3A_135 = arith.index_cast %get3A_134 : i32 to index
      %get3A_136 = arith.index_cast %mul3A_133 : i32 to index
      %get3A_137 = tpu.vector_load %arg12[%get3A_135, %get3A_136] {strides = array<i32>} : memref<16x640xf32, #tpu.memory_space<vmem>>, vector<16xf32>,
      %add3A_138 = arith.addf %add3A_131, %get3A_137 : vector<16xf32>
      %mul3A_139 = arith.constant 16 : i32
      %mul3A_140 = arith.muli %scan3A_94, %mul3A_139 : i32
      %get3A_141 = arith.constant 6 : i32
      %get3A_142 = arith.index_cast %get3A_141 : i32 to index
      %get3A_143 = arith.index_cast %mul3A_140 : i32 to index
      %get3A_144 = tpu.vector_load %arg12[%get3A_142, %get3A_143] {strides = array<i32>} : memref<16x640xf32, #tpu.memory_space<vmem>>, vector<16xf32>,
      %add3A_145 = arith.addf %add3A_138, %get3A_144 : vector<16xf32>
      %mul3A_146 = arith.constant 16 : i32
      %mul3A_147 = arith.muli %scan3A_94, %mul3A_146 : i32
      %get3A_148 = arith.constant 7 : i32
      %get3A_149 = arith.index_cast %get3A_148 : i32 to index
      %get3A_150 = arith.index_cast %mul3A_147 : i32 to index
      %get3A_151 = tpu.vector_load %arg12[%get3A_149, %get3A_150] {strides = array<i32>} : memref<16x640xf32, #tpu.memory_space<vmem>>, vector<16xf32>,
      %add3A_152 = arith.addf %add3A_145, %get3A_151 : vector<16xf32>
      %mul3A_153 = arith.constant 16 : i32
      %mul3A_154 = arith.muli %scan3A_94, %mul3A_153 : i32
      %get3A_155 = arith.constant 8 : i32
      %get3A_156 = arith.index_cast %get3A_155 : i32 to index
      %get3A_157 = arith.index_cast %mul3A_154 : i32 to index
      %get3A_158 = tpu.vector_load %arg12[%get3A_156, %get3A_157] {strides = array<i32>} : memref<16x640xf32, #tpu.memory_space<vmem>>, vector<16xf32>,
      %add3A_159 = arith.addf %add3A_152, %get3A_158 : vector<16xf32>
      %mul3A_160 = arith.constant 16 : i32
      %mul3A_161 = arith.muli %scan3A_94, %mul3A_160 : i32
      %get3A_162 = arith.constant 9 : i32
      %get3A_163 = arith.index_cast %get3A_162 : i32 to index
      %get3A_164 = arith.index_cast %mul3A_161 : i32 to index
      %get3A_165 = tpu.vector_load %arg12[%get3A_163, %get3A_164] {strides = array<i32>} : memref<16x640xf32, #tpu.memory_space<vmem>>, vector<16xf32>,
      %add3A_166 = arith.addf %add3A_159, %get3A_165 : vector<16xf32>
      %mul3A_167 = arith.constant 16 : i32
      %mul3A_168 = arith.muli %scan3A_94, %mul3A_167 : i32
      %get3A_169 = arith.constant 10 : i32
      %get3A_170 = arith.index_cast %get3A_169 : i32 to index
      %get3A_171 = arith.index_cast %mul3A_168 : i32 to index
      %get3A_172 = tpu.vector_load %arg12[%get3A_170, %get3A_171] {strides = array<i32>} : memref<16x640xf32, #tpu.memory_space<vmem>>, vector<16xf32>,
      %add3A_173 = arith.addf %add3A_166, %get3A_172 : vector<16xf32>
      %mul3A_174 = arith.constant 16 : i32
      %mul3A_175 = arith.muli %scan3A_94, %mul3A_174 : i32
      %get3A_176 = arith.constant 11 : i32
      %get3A_177 = arith.index_cast %get3A_176 : i32 to index
      %get3A_178 = arith.index_cast %mul3A_175 : i32 to index
      %get3A_179 = tpu.vector_load %arg12[%get3A_177, %get3A_178] {strides = array<i32>} : memref<16x640xf32, #tpu.memory_space<vmem>>, vector<16xf32>,
      %add3A_180 = arith.addf %add3A_173, %get3A_179 : vector<16xf32>
      %mul3A_181 = arith.constant 16 : i32
      %mul3A_182 = arith.muli %scan3A_94, %mul3A_181 : i32
      %get3A_183 = arith.constant 12 : i32
      %get3A_184 = arith.index_cast %get3A_183 : i32 to index
      %get3A_185 = arith.index_cast %mul3A_182 : i32 to index
      %get3A_186 = tpu.vector_load %arg12[%get3A_184, %get3A_185] {strides = array<i32>} : memref<16x640xf32, #tpu.memory_space<vmem>>, vector<16xf32>,
      %add3A_187 = arith.addf %add3A_180, %get3A_186 : vector<16xf32>
      %mul3A_188 = arith.constant 16 : i32
      %mul3A_189 = arith.muli %scan3A_94, %mul3A_188 : i32
      %get3A_190 = arith.constant 13 : i32
      %get3A_191 = arith.index_cast %get3A_190 : i32 to index
      %get3A_192 = arith.index_cast %mul3A_189 : i32 to index
      %get3A_193 = tpu.vector_load %arg12[%get3A_191, %get3A_192] {strides = array<i32>} : memref<16x640xf32, #tpu.memory_space<vmem>>, vector<16xf32>,
      %add3A_194 = arith.addf %add3A_187, %get3A_193 : vector<16xf32>
      %mul3A_195 = arith.constant 16 : i32
      %mul3A_196 = arith.muli %scan3A_94, %mul3A_195 : i32
      %get3A_197 = arith.constant 14 : i32
      %get3A_198 = arith.index_cast %get3A_197 : i32 to index
      %get3A_199 = arith.index_cast %mul3A_196 : i32 to index
      %get3A_200 = tpu.vector_load %arg12[%get3A_198, %get3A_199] {strides = array<i32>} : memref<16x640xf32, #tpu.memory_space<vmem>>, vector<16xf32>,
      %add3A_201 = arith.addf %add3A_194, %get3A_200 : vector<16xf32>
      %mul3A_202 = arith.constant 16 : i32
      %mul3A_203 = arith.muli %scan3A_94, %mul3A_202 : i32
      %get3A_204 = arith.constant 15 : i32
      %get3A_205 = arith.index_cast %get3A_204 : i32 to index
      %get3A_206 = arith.index_cast %mul3A_203 : i32 to index
      %get3A_207 = tpu.vector_load %arg12[%get3A_205, %get3A_206] {strides = array<i32>} : memref<16x640xf32, #tpu.memory_space<vmem>>, vector<16xf32>,
      %add3A_208 = arith.addf %add3A_201, %get3A_207 : vector<16xf32>
      %mul3A_209 = arith.constant 16 : i32
      %mul3A_210 = arith.muli %scan3A_94, %mul3A_209 : i32
      %swap3A = arith.index_cast %mul3A_210 : i32 to index
      %swap3A_211 = tpu.vector_load %arg13[%swap3A] {strides = array<i32>} : memref<640xf32, #tpu.memory_space<vmem>>, vector<16xf32>,
      tpu.vector_store %arg13[%swap3A], %add3A_208 {strides = array<i32>} : memref<640xf32, #tpu.memory_space<vmem>>, vector<16xf32>,
      %scan3A_212 = arith.constant 0 : i32
      scf.yield %scan3A_212 : i32
    }
    %scan3A_75 = arith.constant 40 : i32
    %mul3A_76 = arith.constant 640 : i32
    %mul3A_77 = arith.muli %arg1, %mul3A_76 : i32
    %run_scoped3A_78 = arith.constant 0 : i32
    "tpu.region"() ({
      %run_scoped3A_94 = tpu.sem_alloc : memref<!tpu.dma_semaphore, #tpu.memory_space<semaphore_mem>>
      %dma_start3A = tpu.memref_slice %arg5[%arg0, %run_scoped3A_78, %mul3A_77] : memref<2x2x10240xf32, #tpu.memory_space<hbm>> -> memref<1x1x640xf32, #tpu.memory_space<hbm>>
      %dma_start3A_95 = tpu.memref_squeeze %dma_start3A : memref<1x1x640xf32, #tpu.memory_space<hbm>> -> memref<640xf32, #tpu.memory_space<hbm>>
      %dma_start3A_96 = tpu.memref_slice %arg5[%arg0, %run_scoped3A_78, %mul3A_77] : memref<2x2x10240xf32, #tpu.memory_space<hbm>> -> memref<1x1x640xf32, #tpu.memory_space<hbm>>
      %dma_start3A_97 = tpu.memref_squeeze %dma_start3A_96 : memref<1x1x640xf32, #tpu.memory_space<hbm>> -> memref<640xf32, #tpu.memory_space<hbm>>
      tpu.enqueue_dma source(%arg13 : memref<640xf32, #tpu.memory_space<vmem>>) target(%dma_start3A_97 : memref<640xf32, #tpu.memory_space<hbm>>) target_semaphore(%run_scoped3A_94 : memref<!tpu.dma_semaphore, #tpu.memory_space<semaphore_mem>>)
      %dma_wait3A = tpu.memref_slice %arg5[%arg0, %run_scoped3A_78, %mul3A_77] : memref<2x2x10240xf32, #tpu.memory_space<hbm>> -> memref<1x1x640xf32, #tpu.memory_space<hbm>>
      %dma_wait3A_98 = tpu.memref_squeeze %dma_wait3A : memref<1x1x640xf32, #tpu.memory_space<hbm>> -> memref<640xf32, #tpu.memory_space<hbm>>
      %dma_wait3A_99 = tpu.memref_slice %arg5[%arg0, %run_scoped3A_78, %mul3A_77] : memref<2x2x10240xf32, #tpu.memory_space<hbm>> -> memref<1x1x640xf32, #tpu.memory_space<hbm>>
      %dma_wait3A_100 = tpu.memref_squeeze %dma_wait3A_99 : memref<1x1x640xf32, #tpu.memory_space<hbm>> -> memref<640xf32, #tpu.memory_space<hbm>>
      tpu.wait_dma2 semaphore(%run_scoped3A_94 : memref<!tpu.dma_semaphore, #tpu.memory_space<semaphore_mem>>) src(%arg13 : memref<640xf32, #tpu.memory_space<vmem>>) dst(%dma_wait3A_100 : memref<640xf32, #tpu.memory_space<hbm>>)
      tpu.yield
    }) : () -> ()
    %mul3A_79 = arith.constant 16 : i32
    %mul3A_80 = arith.muli %arg0, %mul3A_79 : i32
    %mul3A_81 = arith.constant 640 : i32
    %mul3A_82 = arith.muli %arg1, %mul3A_81 : i32
    %run_scoped3A_83 = arith.constant 1 : i32
    "tpu.region"() ({
      %run_scoped3A_94 = tpu.sem_alloc : memref<!tpu.dma_semaphore, #tpu.memory_space<semaphore_mem>>
      %dma_start3A = tpu.memref_slice %arg14[%mul3A_80, %run_scoped3A_83, %mul3A_82] : memref<32x2x10240xf32, #tpu.memory_space<hbm>> -> memref<16x1x640xf32, #tpu.memory_space<hbm>>
      %dma_start3A_95 = tpu.memref_squeeze %dma_start3A : memref<16x1x640xf32, #tpu.memory_space<hbm>> -> memref<16x640xf32, #tpu.memory_space<hbm>>
      %dma_start3A_96 = tpu.memref_slice %arg14[%mul3A_80, %run_scoped3A_83, %mul3A_82] : memref<32x2x10240xf32, #tpu.memory_space<hbm>> -> memref<16x1x640xf32, #tpu.memory_space<hbm>>
      %dma_start3A_97 = tpu.memref_squeeze %dma_start3A_96 : memref<16x1x640xf32, #tpu.memory_space<hbm>> -> memref<16x640xf32, #tpu.memory_space<hbm>>
      tpu.enqueue_dma source(%dma_start3A_97 : memref<16x640xf32, #tpu.memory_space<hbm>>) target(%arg12 : memref<16x640xf32, #tpu.memory_space<vmem>>) target_semaphore(%run_scoped3A_94 : memref<!tpu.dma_semaphore, #tpu.memory_space<semaphore_mem>>)
      %dma_wait3A = tpu.memref_slice %arg14[%mul3A_80, %run_scoped3A_83, %mul3A_82] : memref<32x2x10240xf32, #tpu.memory_space<hbm>> -> memref<16x1x640xf32, #tpu.memory_space<hbm>>
      %dma_wait3A_98 = tpu.memref_squeeze %dma_wait3A : memref<16x1x640xf32, #tpu.memory_space<hbm>> -> memref<16x640xf32, #tpu.memory_space<hbm>>
      %dma_wait3A_99 = tpu.memref_slice %arg14[%mul3A_80, %run_scoped3A_83, %mul3A_82] : memref<32x2x10240xf32, #tpu.memory_space<hbm>> -> memref<16x1x640xf32, #tpu.memory_space<hbm>>
      %dma_wait3A_100 = tpu.memref_squeeze %dma_wait3A_99 : memref<16x1x640xf32, #tpu.memory_space<hbm>> -> memref<16x640xf32, #tpu.memory_space<hbm>>
      tpu.wait_dma2 semaphore(%run_scoped3A_94 : memref<!tpu.dma_semaphore, #tpu.memory_space<semaphore_mem>>) src(%dma_wait3A_100 : memref<16x640xf32, #tpu.memory_space<hbm>>) dst(%arg12 : memref<16x640xf32, #tpu.memory_space<vmem>>)
      tpu.yield
    }) : () -> ()
    %scan3A_84 = arith.constant 0 : i32
    %scan3A_85 = arith.constant 0 : i32
    %scan3A_86 = arith.constant 40 : i32
    %scan3A_87 = arith.addi %scan3A_85, %scan3A_86 : i32
    %scan3A_88 = arith.constant 1 : i32
    %scan3A_89 = scf.for %scan3A_94 = %scan3A_85 to %scan3A_87 step %scan3A_88 iter_args(%scan3A_95 = %scan3A_84) -> (i32)  : i32 {
      %broadcast_in_dim3A_96 = arith.constant 0.000000e+00 : f32
      %broadcast_in_dim3A_97 = vector.broadcast %broadcast_in_dim3A_96 : f32 to vector<16xf32>
      %mul3A_98 = arith.constant 16 : i32
      %mul3A_99 = arith.muli %scan3A_94, %mul3A_98 : i32
      %get3A = arith.constant 0 : i32
      %get3A_100 = arith.index_cast %get3A : i32 to index
      %get3A_101 = arith.index_cast %mul3A_99 : i32 to index
      %get3A_102 = tpu.vector_load %arg12[%get3A_100, %get3A_101] {strides = array<i32>} : memref<16x640xf32, #tpu.memory_space<vmem>>, vector<16xf32>,
      %add3A_103 = arith.addf %broadcast_in_dim3A_97, %get3A_102 : vector<16xf32>
      %mul3A_104 = arith.constant 16 : i32
      %mul3A_105 = arith.muli %scan3A_94, %mul3A_104 : i32
      %get3A_106 = arith.constant 1 : i32
      %get3A_107 = arith.index_cast %get3A_106 : i32 to index
      %get3A_108 = arith.index_cast %mul3A_105 : i32 to index
      %get3A_109 = tpu.vector_load %arg12[%get3A_107, %get3A_108] {strides = array<i32>} : memref<16x640xf32, #tpu.memory_space<vmem>>, vector<16xf32>,
      %add3A_110 = arith.addf %add3A_103, %get3A_109 : vector<16xf32>
      %mul3A_111 = arith.constant 16 : i32
      %mul3A_112 = arith.muli %scan3A_94, %mul3A_111 : i32
      %get3A_113 = arith.constant 2 : i32
      %get3A_114 = arith.index_cast %get3A_113 : i32 to index
      %get3A_115 = arith.index_cast %mul3A_112 : i32 to index
      %get3A_116 = tpu.vector_load %arg12[%get3A_114, %get3A_115] {strides = array<i32>} : memref<16x640xf32, #tpu.memory_space<vmem>>, vector<16xf32>,
      %add3A_117 = arith.addf %add3A_110, %get3A_116 : vector<16xf32>
      %mul3A_118 = arith.constant 16 : i32
      %mul3A_119 = arith.muli %scan3A_94, %mul3A_118 : i32
      %get3A_120 = arith.constant 3 : i32
      %get3A_121 = arith.index_cast %get3A_120 : i32 to index
      %get3A_122 = arith.index_cast %mul3A_119 : i32 to index
      %get3A_123 = tpu.vector_load %arg12[%get3A_121, %get3A_122] {strides = array<i32>} : memref<16x640xf32, #tpu.memory_space<vmem>>, vector<16xf32>,
      %add3A_124 = arith.addf %add3A_117, %get3A_123 : vector<16xf32>
      %mul3A_125 = arith.constant 16 : i32
      %mul3A_126 = arith.muli %scan3A_94, %mul3A_125 : i32
      %get3A_127 = arith.constant 4 : i32
      %get3A_128 = arith.index_cast %get3A_127 : i32 to index
      %get3A_129 = arith.index_cast %mul3A_126 : i32 to index
      %get3A_130 = tpu.vector_load %arg12[%get3A_128, %get3A_129] {strides = array<i32>} : memref<16x640xf32, #tpu.memory_space<vmem>>, vector<16xf32>,
      %add3A_131 = arith.addf %add3A_124, %get3A_130 : vector<16xf32>
      %mul3A_132 = arith.constant 16 : i32
      %mul3A_133 = arith.muli %scan3A_94, %mul3A_132 : i32
      %get3A_134 = arith.constant 5 : i32
      %get3A_135 = arith.index_cast %get3A_134 : i32 to index
      %get3A_136 = arith.index_cast %mul3A_133 : i32 to index
      %get3A_137 = tpu.vector_load %arg12[%get3A_135, %get3A_136] {strides = array<i32>} : memref<16x640xf32, #tpu.memory_space<vmem>>, vector<16xf32>,
      %add3A_138 = arith.addf %add3A_131, %get3A_137 : vector<16xf32>
      %mul3A_139 = arith.constant 16 : i32
      %mul3A_140 = arith.muli %scan3A_94, %mul3A_139 : i32
      %get3A_141 = arith.constant 6 : i32
      %get3A_142 = arith.index_cast %get3A_141 : i32 to index
      %get3A_143 = arith.index_cast %mul3A_140 : i32 to index
      %get3A_144 = tpu.vector_load %arg12[%get3A_142, %get3A_143] {strides = array<i32>} : memref<16x640xf32, #tpu.memory_space<vmem>>, vector<16xf32>,
      %add3A_145 = arith.addf %add3A_138, %get3A_144 : vector<16xf32>
      %mul3A_146 = arith.constant 16 : i32
      %mul3A_147 = arith.muli %scan3A_94, %mul3A_146 : i32
      %get3A_148 = arith.constant 7 : i32
      %get3A_149 = arith.index_cast %get3A_148 : i32 to index
      %get3A_150 = arith.index_cast %mul3A_147 : i32 to index
      %get3A_151 = tpu.vector_load %arg12[%get3A_149, %get3A_150] {strides = array<i32>} : memref<16x640xf32, #tpu.memory_space<vmem>>, vector<16xf32>,
      %add3A_152 = arith.addf %add3A_145, %get3A_151 : vector<16xf32>
      %mul3A_153 = arith.constant 16 : i32
      %mul3A_154 = arith.muli %scan3A_94, %mul3A_153 : i32
      %get3A_155 = arith.constant 8 : i32
      %get3A_156 = arith.index_cast %get3A_155 : i32 to index
      %get3A_157 = arith.index_cast %mul3A_154 : i32 to index
      %get3A_158 = tpu.vector_load %arg12[%get3A_156, %get3A_157] {strides = array<i32>} : memref<16x640xf32, #tpu.memory_space<vmem>>, vector<16xf32>,
      %add3A_159 = arith.addf %add3A_152, %get3A_158 : vector<16xf32>
      %mul3A_160 = arith.constant 16 : i32
      %mul3A_161 = arith.muli %scan3A_94, %mul3A_160 : i32
      %get3A_162 = arith.constant 9 : i32
      %get3A_163 = arith.index_cast %get3A_162 : i32 to index
      %get3A_164 = arith.index_cast %mul3A_161 : i32 to index
      %get3A_165 = tpu.vector_load %arg12[%get3A_163, %get3A_164] {strides = array<i32>} : memref<16x640xf32, #tpu.memory_space<vmem>>, vector<16xf32>,
      %add3A_166 = arith.addf %add3A_159, %get3A_165 : vector<16xf32>
      %mul3A_167 = arith.constant 16 : i32
      %mul3A_168 = arith.muli %scan3A_94, %mul3A_167 : i32
      %get3A_169 = arith.constant 10 : i32
      %get3A_170 = arith.index_cast %get3A_169 : i32 to index
      %get3A_171 = arith.index_cast %mul3A_168 : i32 to index
      %get3A_172 = tpu.vector_load %arg12[%get3A_170, %get3A_171] {strides = array<i32>} : memref<16x640xf32, #tpu.memory_space<vmem>>, vector<16xf32>,
      %add3A_173 = arith.addf %add3A_166, %get3A_172 : vector<16xf32>
      %mul3A_174 = arith.constant 16 : i32
      %mul3A_175 = arith.muli %scan3A_94, %mul3A_174 : i32
      %get3A_176 = arith.constant 11 : i32
      %get3A_177 = arith.index_cast %get3A_176 : i32 to index
      %get3A_178 = arith.index_cast %mul3A_175 : i32 to index
      %get3A_179 = tpu.vector_load %arg12[%get3A_177, %get3A_178] {strides = array<i32>} : memref<16x640xf32, #tpu.memory_space<vmem>>, vector<16xf32>,
      %add3A_180 = arith.addf %add3A_173, %get3A_179 : vector<16xf32>
      %mul3A_181 = arith.constant 16 : i32
      %mul3A_182 = arith.muli %scan3A_94, %mul3A_181 : i32
      %get3A_183 = arith.constant 12 : i32
      %get3A_184 = arith.index_cast %get3A_183 : i32 to index
      %get3A_185 = arith.index_cast %mul3A_182 : i32 to index
      %get3A_186 = tpu.vector_load %arg12[%get3A_184, %get3A_185] {strides = array<i32>} : memref<16x640xf32, #tpu.memory_space<vmem>>, vector<16xf32>,
      %add3A_187 = arith.addf %add3A_180, %get3A_186 : vector<16xf32>
      %mul3A_188 = arith.constant 16 : i32
      %mul3A_189 = arith.muli %scan3A_94, %mul3A_188 : i32
      %get3A_190 = arith.constant 13 : i32
      %get3A_191 = arith.index_cast %get3A_190 : i32 to index
      %get3A_192 = arith.index_cast %mul3A_189 : i32 to index
      %get3A_193 = tpu.vector_load %arg12[%get3A_191, %get3A_192] {strides = array<i32>} : memref<16x640xf32, #tpu.memory_space<vmem>>, vector<16xf32>,
      %add3A_194 = arith.addf %add3A_187, %get3A_193 : vector<16xf32>
      %mul3A_195 = arith.constant 16 : i32
      %mul3A_196 = arith.muli %scan3A_94, %mul3A_195 : i32
      %get3A_197 = arith.constant 14 : i32
      %get3A_198 = arith.index_cast %get3A_197 : i32 to index
      %get3A_199 = arith.index_cast %mul3A_196 : i32 to index
      %get3A_200 = tpu.vector_load %arg12[%get3A_198, %get3A_199] {strides = array<i32>} : memref<16x640xf32, #tpu.memory_space<vmem>>, vector<16xf32>,
      %add3A_201 = arith.addf %add3A_194, %get3A_200 : vector<16xf32>
      %mul3A_202 = arith.constant 16 : i32
      %mul3A_203 = arith.muli %scan3A_94, %mul3A_202 : i32
      %get3A_204 = arith.constant 15 : i32
      %get3A_205 = arith.index_cast %get3A_204 : i32 to index
      %get3A_206 = arith.index_cast %mul3A_203 : i32 to index
      %get3A_207 = tpu.vector_load %arg12[%get3A_205, %get3A_206] {strides = array<i32>} : memref<16x640xf32, #tpu.memory_space<vmem>>, vector<16xf32>,
      %add3A_208 = arith.addf %add3A_201, %get3A_207 : vector<16xf32>
      %mul3A_209 = arith.constant 16 : i32
      %mul3A_210 = arith.muli %scan3A_94, %mul3A_209 : i32
      %swap3A = arith.index_cast %mul3A_210 : i32 to index
      %swap3A_211 = tpu.vector_load %arg13[%swap3A] {strides = array<i32>} : memref<640xf32, #tpu.memory_space<vmem>>, vector<16xf32>,
      tpu.vector_store %arg13[%swap3A], %add3A_208 {strides = array<i32>} : memref<640xf32, #tpu.memory_space<vmem>>, vector<16xf32>,
      %scan3A_212 = arith.constant 0 : i32
      scf.yield %scan3A_212 : i32
    }
    %scan3A_90 = arith.constant 40 : i32
    %mul3A_91 = arith.constant 640 : i32
    %mul3A_92 = arith.muli %arg1, %mul3A_91 : i32
    %run_scoped3A_93 = arith.constant 1 : i32
    "tpu.region"() ({
      %run_scoped3A_94 = tpu.sem_alloc : memref<!tpu.dma_semaphore, #tpu.memory_space<semaphore_mem>>
      %dma_start3A = tpu.memref_slice %arg5[%arg0, %run_scoped3A_93, %mul3A_92] : memref<2x2x10240xf32, #tpu.memory_space<hbm>> -> memref<1x1x640xf32, #tpu.memory_space<hbm>>
      %dma_start3A_95 = tpu.memref_squeeze %dma_start3A : memref<1x1x640xf32, #tpu.memory_space<hbm>> -> memref<640xf32, #tpu.memory_space<hbm>>
      %dma_start3A_96 = tpu.memref_slice %arg5[%arg0, %run_scoped3A_93, %mul3A_92] : memref<2x2x10240xf32, #tpu.memory_space<hbm>> -> memref<1x1x640xf32, #tpu.memory_space<hbm>>
      %dma_start3A_97 = tpu.memref_squeeze %dma_start3A_96 : memref<1x1x640xf32, #tpu.memory_space<hbm>> -> memref<640xf32, #tpu.memory_space<hbm>>
      tpu.enqueue_dma source(%arg13 : memref<640xf32, #tpu.memory_space<vmem>>) target(%dma_start3A_97 : memref<640xf32, #tpu.memory_space<hbm>>) target_semaphore(%run_scoped3A_94 : memref<!tpu.dma_semaphore, #tpu.memory_space<semaphore_mem>>)
      %dma_wait3A = tpu.memref_slice %arg5[%arg0, %run_scoped3A_93, %mul3A_92] : memref<2x2x10240xf32, #tpu.memory_space<hbm>> -> memref<1x1x640xf32, #tpu.memory_space<hbm>>
      %dma_wait3A_98 = tpu.memref_squeeze %dma_wait3A : memref<1x1x640xf32, #tpu.memory_space<hbm>> -> memref<640xf32, #tpu.memory_space<hbm>>
      %dma_wait3A_99 = tpu.memref_slice %arg5[%arg0, %run_scoped3A_93, %mul3A_92] : memref<2x2x10240xf32, #tpu.memory_space<hbm>> -> memref<1x1x640xf32, #tpu.memory_space<hbm>>
      %dma_wait3A_100 = tpu.memref_squeeze %dma_wait3A_99 : memref<1x1x640xf32, #tpu.memory_space<hbm>> -> memref<640xf32, #tpu.memory_space<hbm>>
      tpu.wait_dma2 semaphore(%run_scoped3A_94 : memref<!tpu.dma_semaphore, #tpu.memory_space<semaphore_mem>>) src(%arg13 : memref<640xf32, #tpu.memory_space<vmem>>) dst(%dma_wait3A_100 : memref<640xf32, #tpu.memory_space<hbm>>)
      tpu.yield
    }) : () -> ()
    return
  }
}

#map = affine_map<(d0, d1) -> (0, 0)>
#map1 = affine_map<(d0, d1) -> (0)>
module attributes {stable_mosaic.version = 14 : i64} {
  func.func @_deg_body(%arg0: i32, %arg1: i32, %arg2: memref<2x320000xi32, #tpu.memory_space<hbm>>, %arg3: memref<10240xf32, #tpu.memory_space<hbm>>, %arg4: memref<2000xi32, #tpu.memory_space<vmem>>, %arg5: memref<10240xf32, #tpu.memory_space<vmem>>, %arg6: memref<16x320xf32, #tpu.memory_space<vmem>>, %arg7: memref<320xf32, #tpu.memory_space<vmem>>, %arg8: memref<2x16x10240xf32, #tpu.memory_space<hbm>>) attributes {dimension_semantics = [#tpu.dimension_semantics<core_parallel>, #tpu.dimension_semantics<subcore_parallel>], iteration_bounds = array<i64: 2, 16>, scalar_prefetch = 0 : i64, scratch_operands = 5 : i64, tpu.core_type = #tpu.core_type<sc_vector_subcore>, window_params = [{transform_indices = #map}, {transform_indices = #map1}]} {
    %mul3A = arith.constant 16 : i32
    %mul3A_0 = arith.muli %arg0, %mul3A : i32
    %add3A = arith.addi %mul3A_0, %arg1 : i32
    %broadcast_in_dim3A = arith.constant 0.000000e+00 : f32
    %broadcast_in_dim3A_1 = vector.broadcast %broadcast_in_dim3A : f32 to vector<16xf32>
    %scan3A = arith.constant 0 : i32
    %scan3A_2 = arith.constant 0 : i32
    %scan3A_3 = arith.constant 640 : i32
    %scan3A_4 = arith.addi %scan3A_2, %scan3A_3 : i32
    %scan3A_5 = arith.constant 8 : i32
    %scan3A_6 = scf.for %scan3A_99 = %scan3A_2 to %scan3A_4 step %scan3A_5 iter_args(%scan3A_100 = %scan3A) -> (i32)  : i32 {
      %mul3A_101 = arith.constant 16 : i32
      %mul3A_102 = arith.muli %scan3A_99, %mul3A_101 : i32
      %swap3A = arith.index_cast %mul3A_102 : i32 to index
      %swap3A_103 = tpu.vector_load %arg5[%swap3A] {strides = array<i32>} : memref<10240xf32, #tpu.memory_space<vmem>>, vector<16xf32>,
      tpu.vector_store %arg5[%swap3A], %broadcast_in_dim3A_1 {strides = array<i32>} : memref<10240xf32, #tpu.memory_space<vmem>>, vector<16xf32>,
      %scan3A_104 = arith.constant 0 : i32
      %scan3A_105 = arith.constant 1 : i32
      %scan3A_106 = arith.addi %scan3A_99, %scan3A_105 : i32
      %mul3A_107 = arith.constant 16 : i32
      %mul3A_108 = arith.muli %scan3A_106, %mul3A_107 : i32
      %swap3A_109 = arith.index_cast %mul3A_108 : i32 to index
      %swap3A_110 = tpu.vector_load %arg5[%swap3A_109] {strides = array<i32>} : memref<10240xf32, #tpu.memory_space<vmem>>, vector<16xf32>,
      tpu.vector_store %arg5[%swap3A_109], %broadcast_in_dim3A_1 {strides = array<i32>} : memref<10240xf32, #tpu.memory_space<vmem>>, vector<16xf32>,
      %scan3A_111 = arith.constant 0 : i32
      %scan3A_112 = arith.constant 2 : i32
      %scan3A_113 = arith.addi %scan3A_99, %scan3A_112 : i32
      %mul3A_114 = arith.constant 16 : i32
      %mul3A_115 = arith.muli %scan3A_113, %mul3A_114 : i32
      %swap3A_116 = arith.index_cast %mul3A_115 : i32 to index
      %swap3A_117 = tpu.vector_load %arg5[%swap3A_116] {strides = array<i32>} : memref<10240xf32, #tpu.memory_space<vmem>>, vector<16xf32>,
      tpu.vector_store %arg5[%swap3A_116], %broadcast_in_dim3A_1 {strides = array<i32>} : memref<10240xf32, #tpu.memory_space<vmem>>, vector<16xf32>,
      %scan3A_118 = arith.constant 0 : i32
      %scan3A_119 = arith.constant 3 : i32
      %scan3A_120 = arith.addi %scan3A_99, %scan3A_119 : i32
      %mul3A_121 = arith.constant 16 : i32
      %mul3A_122 = arith.muli %scan3A_120, %mul3A_121 : i32
      %swap3A_123 = arith.index_cast %mul3A_122 : i32 to index
      %swap3A_124 = tpu.vector_load %arg5[%swap3A_123] {strides = array<i32>} : memref<10240xf32, #tpu.memory_space<vmem>>, vector<16xf32>,
      tpu.vector_store %arg5[%swap3A_123], %broadcast_in_dim3A_1 {strides = array<i32>} : memref<10240xf32, #tpu.memory_space<vmem>>, vector<16xf32>,
      %scan3A_125 = arith.constant 0 : i32
      %scan3A_126 = arith.constant 4 : i32
      %scan3A_127 = arith.addi %scan3A_99, %scan3A_126 : i32
      %mul3A_128 = arith.constant 16 : i32
      %mul3A_129 = arith.muli %scan3A_127, %mul3A_128 : i32
      %swap3A_130 = arith.index_cast %mul3A_129 : i32 to index
      %swap3A_131 = tpu.vector_load %arg5[%swap3A_130] {strides = array<i32>} : memref<10240xf32, #tpu.memory_space<vmem>>, vector<16xf32>,
      tpu.vector_store %arg5[%swap3A_130], %broadcast_in_dim3A_1 {strides = array<i32>} : memref<10240xf32, #tpu.memory_space<vmem>>, vector<16xf32>,
      %scan3A_132 = arith.constant 0 : i32
      %scan3A_133 = arith.constant 5 : i32
      %scan3A_134 = arith.addi %scan3A_99, %scan3A_133 : i32
      %mul3A_135 = arith.constant 16 : i32
      %mul3A_136 = arith.muli %scan3A_134, %mul3A_135 : i32
      %swap3A_137 = arith.index_cast %mul3A_136 : i32 to index
      %swap3A_138 = tpu.vector_load %arg5[%swap3A_137] {strides = array<i32>} : memref<10240xf32, #tpu.memory_space<vmem>>, vector<16xf32>,
      tpu.vector_store %arg5[%swap3A_137], %broadcast_in_dim3A_1 {strides = array<i32>} : memref<10240xf32, #tpu.memory_space<vmem>>, vector<16xf32>,
      %scan3A_139 = arith.constant 0 : i32
      %scan3A_140 = arith.constant 6 : i32
      %scan3A_141 = arith.addi %scan3A_99, %scan3A_140 : i32
      %mul3A_142 = arith.constant 16 : i32
      %mul3A_143 = arith.muli %scan3A_141, %mul3A_142 : i32
      %swap3A_144 = arith.index_cast %mul3A_143 : i32 to index
      %swap3A_145 = tpu.vector_load %arg5[%swap3A_144] {strides = array<i32>} : memref<10240xf32, #tpu.memory_space<vmem>>, vector<16xf32>,
      tpu.vector_store %arg5[%swap3A_144], %broadcast_in_dim3A_1 {strides = array<i32>} : memref<10240xf32, #tpu.memory_space<vmem>>, vector<16xf32>,
      %scan3A_146 = arith.constant 0 : i32
      %scan3A_147 = arith.constant 7 : i32
      %scan3A_148 = arith.addi %scan3A_99, %scan3A_147 : i32
      %mul3A_149 = arith.constant 16 : i32
      %mul3A_150 = arith.muli %scan3A_148, %mul3A_149 : i32
      %swap3A_151 = arith.index_cast %mul3A_150 : i32 to index
      %swap3A_152 = tpu.vector_load %arg5[%swap3A_151] {strides = array<i32>} : memref<10240xf32, #tpu.memory_space<vmem>>, vector<16xf32>,
      tpu.vector_store %arg5[%swap3A_151], %broadcast_in_dim3A_1 {strides = array<i32>} : memref<10240xf32, #tpu.memory_space<vmem>>, vector<16xf32>,
      %scan3A_153 = arith.constant 0 : i32
      scf.yield %scan3A_153 : i32
    }
    %scan3A_7 = arith.constant 640 : i32
    %broadcast_in_dim3A_8 = arith.constant 1.000000e+00 : f32
    %broadcast_in_dim3A_9 = vector.broadcast %broadcast_in_dim3A_8 : f32 to vector<16xf32>
    %mul3A_10 = arith.constant 20000 : i32
    %mul3A_11 = arith.muli %arg1, %mul3A_10 : i32
    %add3A_12 = arith.constant 0 : i32
    %add3A_13 = arith.addi %mul3A_11, %add3A_12 : i32
    %run_scoped3A = arith.constant 1 : i32
    "tpu.region"() ({
      %run_scoped3A_99 = tpu.sem_alloc : memref<!tpu.dma_semaphore, #tpu.memory_space<semaphore_mem>>
      %dma_start3A = tpu.memref_slice %arg2[%run_scoped3A, %add3A_13] : memref<2x320000xi32, #tpu.memory_space<hbm>> -> memref<1x2000xi32, #tpu.memory_space<hbm>>
      %dma_start3A_100 = tpu.memref_squeeze %dma_start3A : memref<1x2000xi32, #tpu.memory_space<hbm>> -> memref<2000xi32, #tpu.memory_space<hbm>>
      %dma_start3A_101 = tpu.memref_slice %arg2[%run_scoped3A, %add3A_13] : memref<2x320000xi32, #tpu.memory_space<hbm>> -> memref<1x2000xi32, #tpu.memory_space<hbm>>
      %dma_start3A_102 = tpu.memref_squeeze %dma_start3A_101 : memref<1x2000xi32, #tpu.memory_space<hbm>> -> memref<2000xi32, #tpu.memory_space<hbm>>
      tpu.enqueue_dma source(%dma_start3A_102 : memref<2000xi32, #tpu.memory_space<hbm>>) target(%arg4 : memref<2000xi32, #tpu.memory_space<vmem>>) target_semaphore(%run_scoped3A_99 : memref<!tpu.dma_semaphore, #tpu.memory_space<semaphore_mem>>)
      %dma_wait3A = tpu.memref_slice %arg2[%run_scoped3A, %add3A_13] : memref<2x320000xi32, #tpu.memory_space<hbm>> -> memref<1x2000xi32, #tpu.memory_space<hbm>>
      %dma_wait3A_103 = tpu.memref_squeeze %dma_wait3A : memref<1x2000xi32, #tpu.memory_space<hbm>> -> memref<2000xi32, #tpu.memory_space<hbm>>
      %dma_wait3A_104 = tpu.memref_slice %arg2[%run_scoped3A, %add3A_13] : memref<2x320000xi32, #tpu.memory_space<hbm>> -> memref<1x2000xi32, #tpu.memory_space<hbm>>
      %dma_wait3A_105 = tpu.memref_squeeze %dma_wait3A_104 : memref<1x2000xi32, #tpu.memory_space<hbm>> -> memref<2000xi32, #tpu.memory_space<hbm>>
      tpu.wait_dma2 semaphore(%run_scoped3A_99 : memref<!tpu.dma_semaphore, #tpu.memory_space<semaphore_mem>>) src(%dma_wait3A_105 : memref<2000xi32, #tpu.memory_space<hbm>>) dst(%arg4 : memref<2000xi32, #tpu.memory_space<vmem>>)
      tpu.yield
    }) : () -> ()
    %parallel_loop3A = arith.constant 0 : i32
    %parallel_loop3A_14 = arith.constant 125 : i32
    %parallel_loop3A_15 = arith.constant 1 : i32
    scf.for %parallel_loop3A_99 = %parallel_loop3A to %parallel_loop3A_14 step %parallel_loop3A_15  : i32 {
      %parallel_loop3A_100 = arith.constant 16 : i32
      %parallel_loop3A_101 = arith.muli %parallel_loop3A_99, %parallel_loop3A_100 : i32
      %parallel_loop3A_102 = arith.index_cast %parallel_loop3A_101 : i32 to index
      %parallel_loop3A_103 = tpu.vector_load %arg4[%parallel_loop3A_102] {strides = array<i32>} : memref<2000xi32, #tpu.memory_space<vmem>>, vector<16xi32>,
      tpu.vector_store_idx %arg5[%parallel_loop3A_103], %broadcast_in_dim3A_9 {add = true} : memref<10240xf32, #tpu.memory_space<vmem>>[vector<16xi32>], vector<16xf32>,
    } {sc.loop_unroll_factor = 8 : i64, sc.parallel_access}
    %mul3A_16 = arith.constant 20000 : i32
    %mul3A_17 = arith.muli %arg1, %mul3A_16 : i32
    %add3A_18 = arith.constant 2000 : i32
    %add3A_19 = arith.addi %mul3A_17, %add3A_18 : i32
    %run_scoped3A_20 = arith.constant 1 : i32
    "tpu.region"() ({
      %run_scoped3A_99 = tpu.sem_alloc : memref<!tpu.dma_semaphore, #tpu.memory_space<semaphore_mem>>
      %dma_start3A = tpu.memref_slice %arg2[%run_scoped3A_20, %add3A_19] : memref<2x320000xi32, #tpu.memory_space<hbm>> -> memref<1x2000xi32, #tpu.memory_space<hbm>>
      %dma_start3A_100 = tpu.memref_squeeze %dma_start3A : memref<1x2000xi32, #tpu.memory_space<hbm>> -> memref<2000xi32, #tpu.memory_space<hbm>>
      %dma_start3A_101 = tpu.memref_slice %arg2[%run_scoped3A_20, %add3A_19] : memref<2x320000xi32, #tpu.memory_space<hbm>> -> memref<1x2000xi32, #tpu.memory_space<hbm>>
      %dma_start3A_102 = tpu.memref_squeeze %dma_start3A_101 : memref<1x2000xi32, #tpu.memory_space<hbm>> -> memref<2000xi32, #tpu.memory_space<hbm>>
      tpu.enqueue_dma source(%dma_start3A_102 : memref<2000xi32, #tpu.memory_space<hbm>>) target(%arg4 : memref<2000xi32, #tpu.memory_space<vmem>>) target_semaphore(%run_scoped3A_99 : memref<!tpu.dma_semaphore, #tpu.memory_space<semaphore_mem>>)
      %dma_wait3A = tpu.memref_slice %arg2[%run_scoped3A_20, %add3A_19] : memref<2x320000xi32, #tpu.memory_space<hbm>> -> memref<1x2000xi32, #tpu.memory_space<hbm>>
      %dma_wait3A_103 = tpu.memref_squeeze %dma_wait3A : memref<1x2000xi32, #tpu.memory_space<hbm>> -> memref<2000xi32, #tpu.memory_space<hbm>>
      %dma_wait3A_104 = tpu.memref_slice %arg2[%run_scoped3A_20, %add3A_19] : memref<2x320000xi32, #tpu.memory_space<hbm>> -> memref<1x2000xi32, #tpu.memory_space<hbm>>
      %dma_wait3A_105 = tpu.memref_squeeze %dma_wait3A_104 : memref<1x2000xi32, #tpu.memory_space<hbm>> -> memref<2000xi32, #tpu.memory_space<hbm>>
      tpu.wait_dma2 semaphore(%run_scoped3A_99 : memref<!tpu.dma_semaphore, #tpu.memory_space<semaphore_mem>>) src(%dma_wait3A_105 : memref<2000xi32, #tpu.memory_space<hbm>>) dst(%arg4 : memref<2000xi32, #tpu.memory_space<vmem>>)
      tpu.yield
    }) : () -> ()
    %parallel_loop3A_21 = arith.constant 0 : i32
    %parallel_loop3A_22 = arith.constant 125 : i32
    %parallel_loop3A_23 = arith.constant 1 : i32
    scf.for %parallel_loop3A_99 = %parallel_loop3A_21 to %parallel_loop3A_22 step %parallel_loop3A_23  : i32 {
      %parallel_loop3A_100 = arith.constant 16 : i32
      %parallel_loop3A_101 = arith.muli %parallel_loop3A_99, %parallel_loop3A_100 : i32
      %parallel_loop3A_102 = arith.index_cast %parallel_loop3A_101 : i32 to index
      %parallel_loop3A_103 = tpu.vector_load %arg4[%parallel_loop3A_102] {strides = array<i32>} : memref<2000xi32, #tpu.memory_space<vmem>>, vector<16xi32>,
      tpu.vector_store_idx %arg5[%parallel_loop3A_103], %broadcast_in_dim3A_9 {add = true} : memref<10240xf32, #tpu.memory_space<vmem>>[vector<16xi32>], vector<16xf32>,
    } {sc.loop_unroll_factor = 8 : i64, sc.parallel_access}
    %mul3A_24 = arith.constant 20000 : i32
    %mul3A_25 = arith.muli %arg1, %mul3A_24 : i32
    %add3A_26 = arith.constant 4000 : i32
    %add3A_27 = arith.addi %mul3A_25, %add3A_26 : i32
    %run_scoped3A_28 = arith.constant 1 : i32
    "tpu.region"() ({
      %run_scoped3A_99 = tpu.sem_alloc : memref<!tpu.dma_semaphore, #tpu.memory_space<semaphore_mem>>
      %dma_start3A = tpu.memref_slice %arg2[%run_scoped3A_28, %add3A_27] : memref<2x320000xi32, #tpu.memory_space<hbm>> -> memref<1x2000xi32, #tpu.memory_space<hbm>>
      %dma_start3A_100 = tpu.memref_squeeze %dma_start3A : memref<1x2000xi32, #tpu.memory_space<hbm>> -> memref<2000xi32, #tpu.memory_space<hbm>>
      %dma_start3A_101 = tpu.memref_slice %arg2[%run_scoped3A_28, %add3A_27] : memref<2x320000xi32, #tpu.memory_space<hbm>> -> memref<1x2000xi32, #tpu.memory_space<hbm>>
      %dma_start3A_102 = tpu.memref_squeeze %dma_start3A_101 : memref<1x2000xi32, #tpu.memory_space<hbm>> -> memref<2000xi32, #tpu.memory_space<hbm>>
      tpu.enqueue_dma source(%dma_start3A_102 : memref<2000xi32, #tpu.memory_space<hbm>>) target(%arg4 : memref<2000xi32, #tpu.memory_space<vmem>>) target_semaphore(%run_scoped3A_99 : memref<!tpu.dma_semaphore, #tpu.memory_space<semaphore_mem>>)
      %dma_wait3A = tpu.memref_slice %arg2[%run_scoped3A_28, %add3A_27] : memref<2x320000xi32, #tpu.memory_space<hbm>> -> memref<1x2000xi32, #tpu.memory_space<hbm>>
      %dma_wait3A_103 = tpu.memref_squeeze %dma_wait3A : memref<1x2000xi32, #tpu.memory_space<hbm>> -> memref<2000xi32, #tpu.memory_space<hbm>>
      %dma_wait3A_104 = tpu.memref_slice %arg2[%run_scoped3A_28, %add3A_27] : memref<2x320000xi32, #tpu.memory_space<hbm>> -> memref<1x2000xi32, #tpu.memory_space<hbm>>
      %dma_wait3A_105 = tpu.memref_squeeze %dma_wait3A_104 : memref<1x2000xi32, #tpu.memory_space<hbm>> -> memref<2000xi32, #tpu.memory_space<hbm>>
      tpu.wait_dma2 semaphore(%run_scoped3A_99 : memref<!tpu.dma_semaphore, #tpu.memory_space<semaphore_mem>>) src(%dma_wait3A_105 : memref<2000xi32, #tpu.memory_space<hbm>>) dst(%arg4 : memref<2000xi32, #tpu.memory_space<vmem>>)
      tpu.yield
    }) : () -> ()
    %parallel_loop3A_29 = arith.constant 0 : i32
    %parallel_loop3A_30 = arith.constant 125 : i32
    %parallel_loop3A_31 = arith.constant 1 : i32
    scf.for %parallel_loop3A_99 = %parallel_loop3A_29 to %parallel_loop3A_30 step %parallel_loop3A_31  : i32 {
      %parallel_loop3A_100 = arith.constant 16 : i32
      %parallel_loop3A_101 = arith.muli %parallel_loop3A_99, %parallel_loop3A_100 : i32
      %parallel_loop3A_102 = arith.index_cast %parallel_loop3A_101 : i32 to index
      %parallel_loop3A_103 = tpu.vector_load %arg4[%parallel_loop3A_102] {strides = array<i32>} : memref<2000xi32, #tpu.memory_space<vmem>>, vector<16xi32>,
      tpu.vector_store_idx %arg5[%parallel_loop3A_103], %broadcast_in_dim3A_9 {add = true} : memref<10240xf32, #tpu.memory_space<vmem>>[vector<16xi32>], vector<16xf32>,
    } {sc.loop_unroll_factor = 8 : i64, sc.parallel_access}
    %mul3A_32 = arith.constant 20000 : i32
    %mul3A_33 = arith.muli %arg1, %mul3A_32 : i32
    %add3A_34 = arith.constant 6000 : i32
    %add3A_35 = arith.addi %mul3A_33, %add3A_34 : i32
    %run_scoped3A_36 = arith.constant 1 : i32
    "tpu.region"() ({
      %run_scoped3A_99 = tpu.sem_alloc : memref<!tpu.dma_semaphore, #tpu.memory_space<semaphore_mem>>
      %dma_start3A = tpu.memref_slice %arg2[%run_scoped3A_36, %add3A_35] : memref<2x320000xi32, #tpu.memory_space<hbm>> -> memref<1x2000xi32, #tpu.memory_space<hbm>>
      %dma_start3A_100 = tpu.memref_squeeze %dma_start3A : memref<1x2000xi32, #tpu.memory_space<hbm>> -> memref<2000xi32, #tpu.memory_space<hbm>>
      %dma_start3A_101 = tpu.memref_slice %arg2[%run_scoped3A_36, %add3A_35] : memref<2x320000xi32, #tpu.memory_space<hbm>> -> memref<1x2000xi32, #tpu.memory_space<hbm>>
      %dma_start3A_102 = tpu.memref_squeeze %dma_start3A_101 : memref<1x2000xi32, #tpu.memory_space<hbm>> -> memref<2000xi32, #tpu.memory_space<hbm>>
      tpu.enqueue_dma source(%dma_start3A_102 : memref<2000xi32, #tpu.memory_space<hbm>>) target(%arg4 : memref<2000xi32, #tpu.memory_space<vmem>>) target_semaphore(%run_scoped3A_99 : memref<!tpu.dma_semaphore, #tpu.memory_space<semaphore_mem>>)
      %dma_wait3A = tpu.memref_slice %arg2[%run_scoped3A_36, %add3A_35] : memref<2x320000xi32, #tpu.memory_space<hbm>> -> memref<1x2000xi32, #tpu.memory_space<hbm>>
      %dma_wait3A_103 = tpu.memref_squeeze %dma_wait3A : memref<1x2000xi32, #tpu.memory_space<hbm>> -> memref<2000xi32, #tpu.memory_space<hbm>>
      %dma_wait3A_104 = tpu.memref_slice %arg2[%run_scoped3A_36, %add3A_35] : memref<2x320000xi32, #tpu.memory_space<hbm>> -> memref<1x2000xi32, #tpu.memory_space<hbm>>
      %dma_wait3A_105 = tpu.memref_squeeze %dma_wait3A_104 : memref<1x2000xi32, #tpu.memory_space<hbm>> -> memref<2000xi32, #tpu.memory_space<hbm>>
      tpu.wait_dma2 semaphore(%run_scoped3A_99 : memref<!tpu.dma_semaphore, #tpu.memory_space<semaphore_mem>>) src(%dma_wait3A_105 : memref<2000xi32, #tpu.memory_space<hbm>>) dst(%arg4 : memref<2000xi32, #tpu.memory_space<vmem>>)
      tpu.yield
    }) : () -> ()
    %parallel_loop3A_37 = arith.constant 0 : i32
    %parallel_loop3A_38 = arith.constant 125 : i32
    %parallel_loop3A_39 = arith.constant 1 : i32
    scf.for %parallel_loop3A_99 = %parallel_loop3A_37 to %parallel_loop3A_38 step %parallel_loop3A_39  : i32 {
      %parallel_loop3A_100 = arith.constant 16 : i32
      %parallel_loop3A_101 = arith.muli %parallel_loop3A_99, %parallel_loop3A_100 : i32
      %parallel_loop3A_102 = arith.index_cast %parallel_loop3A_101 : i32 to index
      %parallel_loop3A_103 = tpu.vector_load %arg4[%parallel_loop3A_102] {strides = array<i32>} : memref<2000xi32, #tpu.memory_space<vmem>>, vector<16xi32>,
      tpu.vector_store_idx %arg5[%parallel_loop3A_103], %broadcast_in_dim3A_9 {add = true} : memref<10240xf32, #tpu.memory_space<vmem>>[vector<16xi32>], vector<16xf32>,
    } {sc.loop_unroll_factor = 8 : i64, sc.parallel_access}
    %mul3A_40 = arith.constant 20000 : i32
    %mul3A_41 = arith.muli %arg1, %mul3A_40 : i32
    %add3A_42 = arith.constant 8000 : i32
    %add3A_43 = arith.addi %mul3A_41, %add3A_42 : i32
    %run_scoped3A_44 = arith.constant 1 : i32
    "tpu.region"() ({
      %run_scoped3A_99 = tpu.sem_alloc : memref<!tpu.dma_semaphore, #tpu.memory_space<semaphore_mem>>
      %dma_start3A = tpu.memref_slice %arg2[%run_scoped3A_44, %add3A_43] : memref<2x320000xi32, #tpu.memory_space<hbm>> -> memref<1x2000xi32, #tpu.memory_space<hbm>>
      %dma_start3A_100 = tpu.memref_squeeze %dma_start3A : memref<1x2000xi32, #tpu.memory_space<hbm>> -> memref<2000xi32, #tpu.memory_space<hbm>>
      %dma_start3A_101 = tpu.memref_slice %arg2[%run_scoped3A_44, %add3A_43] : memref<2x320000xi32, #tpu.memory_space<hbm>> -> memref<1x2000xi32, #tpu.memory_space<hbm>>
      %dma_start3A_102 = tpu.memref_squeeze %dma_start3A_101 : memref<1x2000xi32, #tpu.memory_space<hbm>> -> memref<2000xi32, #tpu.memory_space<hbm>>
      tpu.enqueue_dma source(%dma_start3A_102 : memref<2000xi32, #tpu.memory_space<hbm>>) target(%arg4 : memref<2000xi32, #tpu.memory_space<vmem>>) target_semaphore(%run_scoped3A_99 : memref<!tpu.dma_semaphore, #tpu.memory_space<semaphore_mem>>)
      %dma_wait3A = tpu.memref_slice %arg2[%run_scoped3A_44, %add3A_43] : memref<2x320000xi32, #tpu.memory_space<hbm>> -> memref<1x2000xi32, #tpu.memory_space<hbm>>
      %dma_wait3A_103 = tpu.memref_squeeze %dma_wait3A : memref<1x2000xi32, #tpu.memory_space<hbm>> -> memref<2000xi32, #tpu.memory_space<hbm>>
      %dma_wait3A_104 = tpu.memref_slice %arg2[%run_scoped3A_44, %add3A_43] : memref<2x320000xi32, #tpu.memory_space<hbm>> -> memref<1x2000xi32, #tpu.memory_space<hbm>>
      %dma_wait3A_105 = tpu.memref_squeeze %dma_wait3A_104 : memref<1x2000xi32, #tpu.memory_space<hbm>> -> memref<2000xi32, #tpu.memory_space<hbm>>
      tpu.wait_dma2 semaphore(%run_scoped3A_99 : memref<!tpu.dma_semaphore, #tpu.memory_space<semaphore_mem>>) src(%dma_wait3A_105 : memref<2000xi32, #tpu.memory_space<hbm>>) dst(%arg4 : memref<2000xi32, #tpu.memory_space<vmem>>)
      tpu.yield
    }) : () -> ()
    %parallel_loop3A_45 = arith.constant 0 : i32
    %parallel_loop3A_46 = arith.constant 125 : i32
    %parallel_loop3A_47 = arith.constant 1 : i32
    scf.for %parallel_loop3A_99 = %parallel_loop3A_45 to %parallel_loop3A_46 step %parallel_loop3A_47  : i32 {
      %parallel_loop3A_100 = arith.constant 16 : i32
      %parallel_loop3A_101 = arith.muli %parallel_loop3A_99, %parallel_loop3A_100 : i32
      %parallel_loop3A_102 = arith.index_cast %parallel_loop3A_101 : i32 to index
      %parallel_loop3A_103 = tpu.vector_load %arg4[%parallel_loop3A_102] {strides = array<i32>} : memref<2000xi32, #tpu.memory_space<vmem>>, vector<16xi32>,
      tpu.vector_store_idx %arg5[%parallel_loop3A_103], %broadcast_in_dim3A_9 {add = true} : memref<10240xf32, #tpu.memory_space<vmem>>[vector<16xi32>], vector<16xf32>,
    } {sc.loop_unroll_factor = 8 : i64, sc.parallel_access}
    %mul3A_48 = arith.constant 20000 : i32
    %mul3A_49 = arith.muli %arg1, %mul3A_48 : i32
    %add3A_50 = arith.constant 10000 : i32
    %add3A_51 = arith.addi %mul3A_49, %add3A_50 : i32
    %run_scoped3A_52 = arith.constant 1 : i32
    "tpu.region"() ({
      %run_scoped3A_99 = tpu.sem_alloc : memref<!tpu.dma_semaphore, #tpu.memory_space<semaphore_mem>>
      %dma_start3A = tpu.memref_slice %arg2[%run_scoped3A_52, %add3A_51] : memref<2x320000xi32, #tpu.memory_space<hbm>> -> memref<1x2000xi32, #tpu.memory_space<hbm>>
      %dma_start3A_100 = tpu.memref_squeeze %dma_start3A : memref<1x2000xi32, #tpu.memory_space<hbm>> -> memref<2000xi32, #tpu.memory_space<hbm>>
      %dma_start3A_101 = tpu.memref_slice %arg2[%run_scoped3A_52, %add3A_51] : memref<2x320000xi32, #tpu.memory_space<hbm>> -> memref<1x2000xi32, #tpu.memory_space<hbm>>
      %dma_start3A_102 = tpu.memref_squeeze %dma_start3A_101 : memref<1x2000xi32, #tpu.memory_space<hbm>> -> memref<2000xi32, #tpu.memory_space<hbm>>
      tpu.enqueue_dma source(%dma_start3A_102 : memref<2000xi32, #tpu.memory_space<hbm>>) target(%arg4 : memref<2000xi32, #tpu.memory_space<vmem>>) target_semaphore(%run_scoped3A_99 : memref<!tpu.dma_semaphore, #tpu.memory_space<semaphore_mem>>)
      %dma_wait3A = tpu.memref_slice %arg2[%run_scoped3A_52, %add3A_51] : memref<2x320000xi32, #tpu.memory_space<hbm>> -> memref<1x2000xi32, #tpu.memory_space<hbm>>
      %dma_wait3A_103 = tpu.memref_squeeze %dma_wait3A : memref<1x2000xi32, #tpu.memory_space<hbm>> -> memref<2000xi32, #tpu.memory_space<hbm>>
      %dma_wait3A_104 = tpu.memref_slice %arg2[%run_scoped3A_52, %add3A_51] : memref<2x320000xi32, #tpu.memory_space<hbm>> -> memref<1x2000xi32, #tpu.memory_space<hbm>>
      %dma_wait3A_105 = tpu.memref_squeeze %dma_wait3A_104 : memref<1x2000xi32, #tpu.memory_space<hbm>> -> memref<2000xi32, #tpu.memory_space<hbm>>
      tpu.wait_dma2 semaphore(%run_scoped3A_99 : memref<!tpu.dma_semaphore, #tpu.memory_space<semaphore_mem>>) src(%dma_wait3A_105 : memref<2000xi32, #tpu.memory_space<hbm>>) dst(%arg4 : memref<2000xi32, #tpu.memory_space<vmem>>)
      tpu.yield
    }) : () -> ()
    %parallel_loop3A_53 = arith.constant 0 : i32
    %parallel_loop3A_54 = arith.constant 125 : i32
    %parallel_loop3A_55 = arith.constant 1 : i32
    scf.for %parallel_loop3A_99 = %parallel_loop3A_53 to %parallel_loop3A_54 step %parallel_loop3A_55  : i32 {
      %parallel_loop3A_100 = arith.constant 16 : i32
      %parallel_loop3A_101 = arith.muli %parallel_loop3A_99, %parallel_loop3A_100 : i32
      %parallel_loop3A_102 = arith.index_cast %parallel_loop3A_101 : i32 to index
      %parallel_loop3A_103 = tpu.vector_load %arg4[%parallel_loop3A_102] {strides = array<i32>} : memref<2000xi32, #tpu.memory_space<vmem>>, vector<16xi32>,
      tpu.vector_store_idx %arg5[%parallel_loop3A_103], %broadcast_in_dim3A_9 {add = true} : memref<10240xf32, #tpu.memory_space<vmem>>[vector<16xi32>], vector<16xf32>,
    } {sc.loop_unroll_factor = 8 : i64, sc.parallel_access}
    %mul3A_56 = arith.constant 20000 : i32
    %mul3A_57 = arith.muli %arg1, %mul3A_56 : i32
    %add3A_58 = arith.constant 12000 : i32
    %add3A_59 = arith.addi %mul3A_57, %add3A_58 : i32
    %run_scoped3A_60 = arith.constant 1 : i32
    "tpu.region"() ({
      %run_scoped3A_99 = tpu.sem_alloc : memref<!tpu.dma_semaphore, #tpu.memory_space<semaphore_mem>>
      %dma_start3A = tpu.memref_slice %arg2[%run_scoped3A_60, %add3A_59] : memref<2x320000xi32, #tpu.memory_space<hbm>> -> memref<1x2000xi32, #tpu.memory_space<hbm>>
      %dma_start3A_100 = tpu.memref_squeeze %dma_start3A : memref<1x2000xi32, #tpu.memory_space<hbm>> -> memref<2000xi32, #tpu.memory_space<hbm>>
      %dma_start3A_101 = tpu.memref_slice %arg2[%run_scoped3A_60, %add3A_59] : memref<2x320000xi32, #tpu.memory_space<hbm>> -> memref<1x2000xi32, #tpu.memory_space<hbm>>
      %dma_start3A_102 = tpu.memref_squeeze %dma_start3A_101 : memref<1x2000xi32, #tpu.memory_space<hbm>> -> memref<2000xi32, #tpu.memory_space<hbm>>
      tpu.enqueue_dma source(%dma_start3A_102 : memref<2000xi32, #tpu.memory_space<hbm>>) target(%arg4 : memref<2000xi32, #tpu.memory_space<vmem>>) target_semaphore(%run_scoped3A_99 : memref<!tpu.dma_semaphore, #tpu.memory_space<semaphore_mem>>)
      %dma_wait3A = tpu.memref_slice %arg2[%run_scoped3A_60, %add3A_59] : memref<2x320000xi32, #tpu.memory_space<hbm>> -> memref<1x2000xi32, #tpu.memory_space<hbm>>
      %dma_wait3A_103 = tpu.memref_squeeze %dma_wait3A : memref<1x2000xi32, #tpu.memory_space<hbm>> -> memref<2000xi32, #tpu.memory_space<hbm>>
      %dma_wait3A_104 = tpu.memref_slice %arg2[%run_scoped3A_60, %add3A_59] : memref<2x320000xi32, #tpu.memory_space<hbm>> -> memref<1x2000xi32, #tpu.memory_space<hbm>>
      %dma_wait3A_105 = tpu.memref_squeeze %dma_wait3A_104 : memref<1x2000xi32, #tpu.memory_space<hbm>> -> memref<2000xi32, #tpu.memory_space<hbm>>
      tpu.wait_dma2 semaphore(%run_scoped3A_99 : memref<!tpu.dma_semaphore, #tpu.memory_space<semaphore_mem>>) src(%dma_wait3A_105 : memref<2000xi32, #tpu.memory_space<hbm>>) dst(%arg4 : memref<2000xi32, #tpu.memory_space<vmem>>)
      tpu.yield
    }) : () -> ()
    %parallel_loop3A_61 = arith.constant 0 : i32
    %parallel_loop3A_62 = arith.constant 125 : i32
    %parallel_loop3A_63 = arith.constant 1 : i32
    scf.for %parallel_loop3A_99 = %parallel_loop3A_61 to %parallel_loop3A_62 step %parallel_loop3A_63  : i32 {
      %parallel_loop3A_100 = arith.constant 16 : i32
      %parallel_loop3A_101 = arith.muli %parallel_loop3A_99, %parallel_loop3A_100 : i32
      %parallel_loop3A_102 = arith.index_cast %parallel_loop3A_101 : i32 to index
      %parallel_loop3A_103 = tpu.vector_load %arg4[%parallel_loop3A_102] {strides = array<i32>} : memref<2000xi32, #tpu.memory_space<vmem>>, vector<16xi32>,
      tpu.vector_store_idx %arg5[%parallel_loop3A_103], %broadcast_in_dim3A_9 {add = true} : memref<10240xf32, #tpu.memory_space<vmem>>[vector<16xi32>], vector<16xf32>,
    } {sc.loop_unroll_factor = 8 : i64, sc.parallel_access}
    %mul3A_64 = arith.constant 20000 : i32
    %mul3A_65 = arith.muli %arg1, %mul3A_64 : i32
    %add3A_66 = arith.constant 14000 : i32
    %add3A_67 = arith.addi %mul3A_65, %add3A_66 : i32
    %run_scoped3A_68 = arith.constant 1 : i32
    "tpu.region"() ({
      %run_scoped3A_99 = tpu.sem_alloc : memref<!tpu.dma_semaphore, #tpu.memory_space<semaphore_mem>>
      %dma_start3A = tpu.memref_slice %arg2[%run_scoped3A_68, %add3A_67] : memref<2x320000xi32, #tpu.memory_space<hbm>> -> memref<1x2000xi32, #tpu.memory_space<hbm>>
      %dma_start3A_100 = tpu.memref_squeeze %dma_start3A : memref<1x2000xi32, #tpu.memory_space<hbm>> -> memref<2000xi32, #tpu.memory_space<hbm>>
      %dma_start3A_101 = tpu.memref_slice %arg2[%run_scoped3A_68, %add3A_67] : memref<2x320000xi32, #tpu.memory_space<hbm>> -> memref<1x2000xi32, #tpu.memory_space<hbm>>
      %dma_start3A_102 = tpu.memref_squeeze %dma_start3A_101 : memref<1x2000xi32, #tpu.memory_space<hbm>> -> memref<2000xi32, #tpu.memory_space<hbm>>
      tpu.enqueue_dma source(%dma_start3A_102 : memref<2000xi32, #tpu.memory_space<hbm>>) target(%arg4 : memref<2000xi32, #tpu.memory_space<vmem>>) target_semaphore(%run_scoped3A_99 : memref<!tpu.dma_semaphore, #tpu.memory_space<semaphore_mem>>)
      %dma_wait3A = tpu.memref_slice %arg2[%run_scoped3A_68, %add3A_67] : memref<2x320000xi32, #tpu.memory_space<hbm>> -> memref<1x2000xi32, #tpu.memory_space<hbm>>
      %dma_wait3A_103 = tpu.memref_squeeze %dma_wait3A : memref<1x2000xi32, #tpu.memory_space<hbm>> -> memref<2000xi32, #tpu.memory_space<hbm>>
      %dma_wait3A_104 = tpu.memref_slice %arg2[%run_scoped3A_68, %add3A_67] : memref<2x320000xi32, #tpu.memory_space<hbm>> -> memref<1x2000xi32, #tpu.memory_space<hbm>>
      %dma_wait3A_105 = tpu.memref_squeeze %dma_wait3A_104 : memref<1x2000xi32, #tpu.memory_space<hbm>> -> memref<2000xi32, #tpu.memory_space<hbm>>
      tpu.wait_dma2 semaphore(%run_scoped3A_99 : memref<!tpu.dma_semaphore, #tpu.memory_space<semaphore_mem>>) src(%dma_wait3A_105 : memref<2000xi32, #tpu.memory_space<hbm>>) dst(%arg4 : memref<2000xi32, #tpu.memory_space<vmem>>)
      tpu.yield
    }) : () -> ()
    %parallel_loop3A_69 = arith.constant 0 : i32
    %parallel_loop3A_70 = arith.constant 125 : i32
    %parallel_loop3A_71 = arith.constant 1 : i32
    scf.for %parallel_loop3A_99 = %parallel_loop3A_69 to %parallel_loop3A_70 step %parallel_loop3A_71  : i32 {
      %parallel_loop3A_100 = arith.constant 16 : i32
      %parallel_loop3A_101 = arith.muli %parallel_loop3A_99, %parallel_loop3A_100 : i32
      %parallel_loop3A_102 = arith.index_cast %parallel_loop3A_101 : i32 to index
      %parallel_loop3A_103 = tpu.vector_load %arg4[%parallel_loop3A_102] {strides = array<i32>} : memref<2000xi32, #tpu.memory_space<vmem>>, vector<16xi32>,
      tpu.vector_store_idx %arg5[%parallel_loop3A_103], %broadcast_in_dim3A_9 {add = true} : memref<10240xf32, #tpu.memory_space<vmem>>[vector<16xi32>], vector<16xf32>,
    } {sc.loop_unroll_factor = 8 : i64, sc.parallel_access}
    %mul3A_72 = arith.constant 20000 : i32
    %mul3A_73 = arith.muli %arg1, %mul3A_72 : i32
    %add3A_74 = arith.constant 16000 : i32
    %add3A_75 = arith.addi %mul3A_73, %add3A_74 : i32
    %run_scoped3A_76 = arith.constant 1 : i32
    "tpu.region"() ({
      %run_scoped3A_99 = tpu.sem_alloc : memref<!tpu.dma_semaphore, #tpu.memory_space<semaphore_mem>>
      %dma_start3A = tpu.memref_slice %arg2[%run_scoped3A_76, %add3A_75] : memref<2x320000xi32, #tpu.memory_space<hbm>> -> memref<1x2000xi32, #tpu.memory_space<hbm>>
      %dma_start3A_100 = tpu.memref_squeeze %dma_start3A : memref<1x2000xi32, #tpu.memory_space<hbm>> -> memref<2000xi32, #tpu.memory_space<hbm>>
      %dma_start3A_101 = tpu.memref_slice %arg2[%run_scoped3A_76, %add3A_75] : memref<2x320000xi32, #tpu.memory_space<hbm>> -> memref<1x2000xi32, #tpu.memory_space<hbm>>
      %dma_start3A_102 = tpu.memref_squeeze %dma_start3A_101 : memref<1x2000xi32, #tpu.memory_space<hbm>> -> memref<2000xi32, #tpu.memory_space<hbm>>
      tpu.enqueue_dma source(%dma_start3A_102 : memref<2000xi32, #tpu.memory_space<hbm>>) target(%arg4 : memref<2000xi32, #tpu.memory_space<vmem>>) target_semaphore(%run_scoped3A_99 : memref<!tpu.dma_semaphore, #tpu.memory_space<semaphore_mem>>)
      %dma_wait3A = tpu.memref_slice %arg2[%run_scoped3A_76, %add3A_75] : memref<2x320000xi32, #tpu.memory_space<hbm>> -> memref<1x2000xi32, #tpu.memory_space<hbm>>
      %dma_wait3A_103 = tpu.memref_squeeze %dma_wait3A : memref<1x2000xi32, #tpu.memory_space<hbm>> -> memref<2000xi32, #tpu.memory_space<hbm>>
      %dma_wait3A_104 = tpu.memref_slice %arg2[%run_scoped3A_76, %add3A_75] : memref<2x320000xi32, #tpu.memory_space<hbm>> -> memref<1x2000xi32, #tpu.memory_space<hbm>>
      %dma_wait3A_105 = tpu.memref_squeeze %dma_wait3A_104 : memref<1x2000xi32, #tpu.memory_space<hbm>> -> memref<2000xi32, #tpu.memory_space<hbm>>
      tpu.wait_dma2 semaphore(%run_scoped3A_99 : memref<!tpu.dma_semaphore, #tpu.memory_space<semaphore_mem>>) src(%dma_wait3A_105 : memref<2000xi32, #tpu.memory_space<hbm>>) dst(%arg4 : memref<2000xi32, #tpu.memory_space<vmem>>)
      tpu.yield
    }) : () -> ()
    %parallel_loop3A_77 = arith.constant 0 : i32
    %parallel_loop3A_78 = arith.constant 125 : i32
    %parallel_loop3A_79 = arith.constant 1 : i32
    scf.for %parallel_loop3A_99 = %parallel_loop3A_77 to %parallel_loop3A_78 step %parallel_loop3A_79  : i32 {
      %parallel_loop3A_100 = arith.constant 16 : i32
      %parallel_loop3A_101 = arith.muli %parallel_loop3A_99, %parallel_loop3A_100 : i32
      %parallel_loop3A_102 = arith.index_cast %parallel_loop3A_101 : i32 to index
      %parallel_loop3A_103 = tpu.vector_load %arg4[%parallel_loop3A_102] {strides = array<i32>} : memref<2000xi32, #tpu.memory_space<vmem>>, vector<16xi32>,
      tpu.vector_store_idx %arg5[%parallel_loop3A_103], %broadcast_in_dim3A_9 {add = true} : memref<10240xf32, #tpu.memory_space<vmem>>[vector<16xi32>], vector<16xf32>,
    } {sc.loop_unroll_factor = 8 : i64, sc.parallel_access}
    %mul3A_80 = arith.constant 20000 : i32
    %mul3A_81 = arith.muli %arg1, %mul3A_80 : i32
    %add3A_82 = arith.constant 18000 : i32
    %add3A_83 = arith.addi %mul3A_81, %add3A_82 : i32
    %run_scoped3A_84 = arith.constant 1 : i32
    "tpu.region"() ({
      %run_scoped3A_99 = tpu.sem_alloc : memref<!tpu.dma_semaphore, #tpu.memory_space<semaphore_mem>>
      %dma_start3A = tpu.memref_slice %arg2[%run_scoped3A_84, %add3A_83] : memref<2x320000xi32, #tpu.memory_space<hbm>> -> memref<1x2000xi32, #tpu.memory_space<hbm>>
      %dma_start3A_100 = tpu.memref_squeeze %dma_start3A : memref<1x2000xi32, #tpu.memory_space<hbm>> -> memref<2000xi32, #tpu.memory_space<hbm>>
      %dma_start3A_101 = tpu.memref_slice %arg2[%run_scoped3A_84, %add3A_83] : memref<2x320000xi32, #tpu.memory_space<hbm>> -> memref<1x2000xi32, #tpu.memory_space<hbm>>
      %dma_start3A_102 = tpu.memref_squeeze %dma_start3A_101 : memref<1x2000xi32, #tpu.memory_space<hbm>> -> memref<2000xi32, #tpu.memory_space<hbm>>
      tpu.enqueue_dma source(%dma_start3A_102 : memref<2000xi32, #tpu.memory_space<hbm>>) target(%arg4 : memref<2000xi32, #tpu.memory_space<vmem>>) target_semaphore(%run_scoped3A_99 : memref<!tpu.dma_semaphore, #tpu.memory_space<semaphore_mem>>)
      %dma_wait3A = tpu.memref_slice %arg2[%run_scoped3A_84, %add3A_83] : memref<2x320000xi32, #tpu.memory_space<hbm>> -> memref<1x2000xi32, #tpu.memory_space<hbm>>
      %dma_wait3A_103 = tpu.memref_squeeze %dma_wait3A : memref<1x2000xi32, #tpu.memory_space<hbm>> -> memref<2000xi32, #tpu.memory_space<hbm>>
      %dma_wait3A_104 = tpu.memref_slice %arg2[%run_scoped3A_84, %add3A_83] : memref<2x320000xi32, #tpu.memory_space<hbm>> -> memref<1x2000xi32, #tpu.memory_space<hbm>>
      %dma_wait3A_105 = tpu.memref_squeeze %dma_wait3A_104 : memref<1x2000xi32, #tpu.memory_space<hbm>> -> memref<2000xi32, #tpu.memory_space<hbm>>
      tpu.wait_dma2 semaphore(%run_scoped3A_99 : memref<!tpu.dma_semaphore, #tpu.memory_space<semaphore_mem>>) src(%dma_wait3A_105 : memref<2000xi32, #tpu.memory_space<hbm>>) dst(%arg4 : memref<2000xi32, #tpu.memory_space<vmem>>)
      tpu.yield
    }) : () -> ()
    %parallel_loop3A_85 = arith.constant 0 : i32
    %parallel_loop3A_86 = arith.constant 125 : i32
    %parallel_loop3A_87 = arith.constant 1 : i32
    scf.for %parallel_loop3A_99 = %parallel_loop3A_85 to %parallel_loop3A_86 step %parallel_loop3A_87  : i32 {
      %parallel_loop3A_100 = arith.constant 16 : i32
      %parallel_loop3A_101 = arith.muli %parallel_loop3A_99, %parallel_loop3A_100 : i32
      %parallel_loop3A_102 = arith.index_cast %parallel_loop3A_101 : i32 to index
      %parallel_loop3A_103 = tpu.vector_load %arg4[%parallel_loop3A_102] {strides = array<i32>} : memref<2000xi32, #tpu.memory_space<vmem>>, vector<16xi32>,
      tpu.vector_store_idx %arg5[%parallel_loop3A_103], %broadcast_in_dim3A_9 {add = true} : memref<10240xf32, #tpu.memory_space<vmem>>[vector<16xi32>], vector<16xf32>,
    } {sc.loop_unroll_factor = 8 : i64, sc.parallel_access}
    "tpu.region"() ({
      %run_scoped3A_99 = tpu.sem_alloc : memref<!tpu.dma_semaphore, #tpu.memory_space<semaphore_mem>>
      %dma_start3A = arith.constant 0 : i32
      %dma_start3A_100 = tpu.memref_slice %arg8[%arg0, %arg1, %dma_start3A] : memref<2x16x10240xf32, #tpu.memory_space<hbm>> -> memref<1x1x10240xf32, #tpu.memory_space<hbm>>
      %dma_start3A_101 = tpu.memref_squeeze %dma_start3A_100 : memref<1x1x10240xf32, #tpu.memory_space<hbm>> -> memref<10240xf32, #tpu.memory_space<hbm>>
      %dma_start3A_102 = arith.constant 0 : i32
      %dma_start3A_103 = tpu.memref_slice %arg8[%arg0, %arg1, %dma_start3A_102] : memref<2x16x10240xf32, #tpu.memory_space<hbm>> -> memref<1x1x10240xf32, #tpu.memory_space<hbm>>
      %dma_start3A_104 = tpu.memref_squeeze %dma_start3A_103 : memref<1x1x10240xf32, #tpu.memory_space<hbm>> -> memref<10240xf32, #tpu.memory_space<hbm>>
      tpu.enqueue_dma source(%arg5 : memref<10240xf32, #tpu.memory_space<vmem>>) target(%dma_start3A_104 : memref<10240xf32, #tpu.memory_space<hbm>>) target_semaphore(%run_scoped3A_99 : memref<!tpu.dma_semaphore, #tpu.memory_space<semaphore_mem>>)
      %dma_wait3A = arith.constant 0 : i32
      %dma_wait3A_105 = tpu.memref_slice %arg8[%arg0, %arg1, %dma_wait3A] : memref<2x16x10240xf32, #tpu.memory_space<hbm>> -> memref<1x1x10240xf32, #tpu.memory_space<hbm>>
      %dma_wait3A_106 = tpu.memref_squeeze %dma_wait3A_105 : memref<1x1x10240xf32, #tpu.memory_space<hbm>> -> memref<10240xf32, #tpu.memory_space<hbm>>
      %dma_wait3A_107 = arith.constant 0 : i32
      %dma_wait3A_108 = tpu.memref_slice %arg8[%arg0, %arg1, %dma_wait3A_107] : memref<2x16x10240xf32, #tpu.memory_space<hbm>> -> memref<1x1x10240xf32, #tpu.memory_space<hbm>>
      %dma_wait3A_109 = tpu.memref_squeeze %dma_wait3A_108 : memref<1x1x10240xf32, #tpu.memory_space<hbm>> -> memref<10240xf32, #tpu.memory_space<hbm>>
      tpu.wait_dma2 semaphore(%run_scoped3A_99 : memref<!tpu.dma_semaphore, #tpu.memory_space<semaphore_mem>>) src(%arg5 : memref<10240xf32, #tpu.memory_space<vmem>>) dst(%dma_wait3A_109 : memref<10240xf32, #tpu.memory_space<hbm>>)
      tpu.yield
    }) : () -> ()
    %barrier3A = arith.constant 0 : index
    tpu.barrier barrier_id(%barrier3A)
    %mul3A_88 = arith.constant 320 : i32
    %mul3A_89 = arith.muli %add3A, %mul3A_88 : i32
    "tpu.region"() ({
      %run_scoped3A_99 = tpu.sem_alloc : memref<!tpu.dma_semaphore, #tpu.memory_space<semaphore_mem>>
      %dma_start3A = arith.constant 0 : i32
      %dma_start3A_100 = tpu.memref_slice %arg8[%arg0, %dma_start3A, %mul3A_89] : memref<2x16x10240xf32, #tpu.memory_space<hbm>> -> memref<1x16x320xf32, #tpu.memory_space<hbm>>
      %dma_start3A_101 = tpu.memref_squeeze %dma_start3A_100 : memref<1x16x320xf32, #tpu.memory_space<hbm>> -> memref<16x320xf32, #tpu.memory_space<hbm>>
      %dma_start3A_102 = arith.constant 0 : i32
      %dma_start3A_103 = tpu.memref_slice %arg8[%arg0, %dma_start3A_102, %mul3A_89] : memref<2x16x10240xf32, #tpu.memory_space<hbm>> -> memref<1x16x320xf32, #tpu.memory_space<hbm>>
      %dma_start3A_104 = tpu.memref_squeeze %dma_start3A_103 : memref<1x16x320xf32, #tpu.memory_space<hbm>> -> memref<16x320xf32, #tpu.memory_space<hbm>>
      tpu.enqueue_dma source(%dma_start3A_104 : memref<16x320xf32, #tpu.memory_space<hbm>>) target(%arg6 : memref<16x320xf32, #tpu.memory_space<vmem>>) target_semaphore(%run_scoped3A_99 : memref<!tpu.dma_semaphore, #tpu.memory_space<semaphore_mem>>)
      %dma_wait3A = arith.constant 0 : i32
      %dma_wait3A_105 = tpu.memref_slice %arg8[%arg0, %dma_wait3A, %mul3A_89] : memref<2x16x10240xf32, #tpu.memory_space<hbm>> -> memref<1x16x320xf32, #tpu.memory_space<hbm>>
      %dma_wait3A_106 = tpu.memref_squeeze %dma_wait3A_105 : memref<1x16x320xf32, #tpu.memory_space<hbm>> -> memref<16x320xf32, #tpu.memory_space<hbm>>
      %dma_wait3A_107 = arith.constant 0 : i32
      %dma_wait3A_108 = tpu.memref_slice %arg8[%arg0, %dma_wait3A_107, %mul3A_89] : memref<2x16x10240xf32, #tpu.memory_space<hbm>> -> memref<1x16x320xf32, #tpu.memory_space<hbm>>
      %dma_wait3A_109 = tpu.memref_squeeze %dma_wait3A_108 : memref<1x16x320xf32, #tpu.memory_space<hbm>> -> memref<16x320xf32, #tpu.memory_space<hbm>>
      tpu.wait_dma2 semaphore(%run_scoped3A_99 : memref<!tpu.dma_semaphore, #tpu.memory_space<semaphore_mem>>) src(%dma_wait3A_109 : memref<16x320xf32, #tpu.memory_space<hbm>>) dst(%arg6 : memref<16x320xf32, #tpu.memory_space<vmem>>)
      tpu.yield
    }) : () -> ()
    %scan3A_90 = arith.constant 0 : i32
    %scan3A_91 = arith.constant 0 : i32
    %scan3A_92 = arith.constant 20 : i32
    %scan3A_93 = arith.addi %scan3A_91, %scan3A_92 : i32
    %scan3A_94 = arith.constant 1 : i32
    %scan3A_95 = scf.for %scan3A_99 = %scan3A_91 to %scan3A_93 step %scan3A_94 iter_args(%scan3A_100 = %scan3A_90) -> (i32)  : i32 {
      %broadcast_in_dim3A_101 = arith.constant 1.000000e+00 : f32
      %broadcast_in_dim3A_102 = vector.broadcast %broadcast_in_dim3A_101 : f32 to vector<16xf32>
      %mul3A_103 = arith.constant 16 : i32
      %mul3A_104 = arith.muli %scan3A_99, %mul3A_103 : i32
      %get3A = arith.constant 0 : i32
      %get3A_105 = arith.index_cast %get3A : i32 to index
      %get3A_106 = arith.index_cast %mul3A_104 : i32 to index
      %get3A_107 = tpu.vector_load %arg6[%get3A_105, %get3A_106] {strides = array<i32>} : memref<16x320xf32, #tpu.memory_space<vmem>>, vector<16xf32>,
      %add3A_108 = arith.addf %broadcast_in_dim3A_102, %get3A_107 : vector<16xf32>
      %mul3A_109 = arith.constant 16 : i32
      %mul3A_110 = arith.muli %scan3A_99, %mul3A_109 : i32
      %get3A_111 = arith.constant 1 : i32
      %get3A_112 = arith.index_cast %get3A_111 : i32 to index
      %get3A_113 = arith.index_cast %mul3A_110 : i32 to index
      %get3A_114 = tpu.vector_load %arg6[%get3A_112, %get3A_113] {strides = array<i32>} : memref<16x320xf32, #tpu.memory_space<vmem>>, vector<16xf32>,
      %add3A_115 = arith.addf %add3A_108, %get3A_114 : vector<16xf32>
      %mul3A_116 = arith.constant 16 : i32
      %mul3A_117 = arith.muli %scan3A_99, %mul3A_116 : i32
      %get3A_118 = arith.constant 2 : i32
      %get3A_119 = arith.index_cast %get3A_118 : i32 to index
      %get3A_120 = arith.index_cast %mul3A_117 : i32 to index
      %get3A_121 = tpu.vector_load %arg6[%get3A_119, %get3A_120] {strides = array<i32>} : memref<16x320xf32, #tpu.memory_space<vmem>>, vector<16xf32>,
      %add3A_122 = arith.addf %add3A_115, %get3A_121 : vector<16xf32>
      %mul3A_123 = arith.constant 16 : i32
      %mul3A_124 = arith.muli %scan3A_99, %mul3A_123 : i32
      %get3A_125 = arith.constant 3 : i32
      %get3A_126 = arith.index_cast %get3A_125 : i32 to index
      %get3A_127 = arith.index_cast %mul3A_124 : i32 to index
      %get3A_128 = tpu.vector_load %arg6[%get3A_126, %get3A_127] {strides = array<i32>} : memref<16x320xf32, #tpu.memory_space<vmem>>, vector<16xf32>,
      %add3A_129 = arith.addf %add3A_122, %get3A_128 : vector<16xf32>
      %mul3A_130 = arith.constant 16 : i32
      %mul3A_131 = arith.muli %scan3A_99, %mul3A_130 : i32
      %get3A_132 = arith.constant 4 : i32
      %get3A_133 = arith.index_cast %get3A_132 : i32 to index
      %get3A_134 = arith.index_cast %mul3A_131 : i32 to index
      %get3A_135 = tpu.vector_load %arg6[%get3A_133, %get3A_134] {strides = array<i32>} : memref<16x320xf32, #tpu.memory_space<vmem>>, vector<16xf32>,
      %add3A_136 = arith.addf %add3A_129, %get3A_135 : vector<16xf32>
      %mul3A_137 = arith.constant 16 : i32
      %mul3A_138 = arith.muli %scan3A_99, %mul3A_137 : i32
      %get3A_139 = arith.constant 5 : i32
      %get3A_140 = arith.index_cast %get3A_139 : i32 to index
      %get3A_141 = arith.index_cast %mul3A_138 : i32 to index
      %get3A_142 = tpu.vector_load %arg6[%get3A_140, %get3A_141] {strides = array<i32>} : memref<16x320xf32, #tpu.memory_space<vmem>>, vector<16xf32>,
      %add3A_143 = arith.addf %add3A_136, %get3A_142 : vector<16xf32>
      %mul3A_144 = arith.constant 16 : i32
      %mul3A_145 = arith.muli %scan3A_99, %mul3A_144 : i32
      %get3A_146 = arith.constant 6 : i32
      %get3A_147 = arith.index_cast %get3A_146 : i32 to index
      %get3A_148 = arith.index_cast %mul3A_145 : i32 to index
      %get3A_149 = tpu.vector_load %arg6[%get3A_147, %get3A_148] {strides = array<i32>} : memref<16x320xf32, #tpu.memory_space<vmem>>, vector<16xf32>,
      %add3A_150 = arith.addf %add3A_143, %get3A_149 : vector<16xf32>
      %mul3A_151 = arith.constant 16 : i32
      %mul3A_152 = arith.muli %scan3A_99, %mul3A_151 : i32
      %get3A_153 = arith.constant 7 : i32
      %get3A_154 = arith.index_cast %get3A_153 : i32 to index
      %get3A_155 = arith.index_cast %mul3A_152 : i32 to index
      %get3A_156 = tpu.vector_load %arg6[%get3A_154, %get3A_155] {strides = array<i32>} : memref<16x320xf32, #tpu.memory_space<vmem>>, vector<16xf32>,
      %add3A_157 = arith.addf %add3A_150, %get3A_156 : vector<16xf32>
      %mul3A_158 = arith.constant 16 : i32
      %mul3A_159 = arith.muli %scan3A_99, %mul3A_158 : i32
      %get3A_160 = arith.constant 8 : i32
      %get3A_161 = arith.index_cast %get3A_160 : i32 to index
      %get3A_162 = arith.index_cast %mul3A_159 : i32 to index
      %get3A_163 = tpu.vector_load %arg6[%get3A_161, %get3A_162] {strides = array<i32>} : memref<16x320xf32, #tpu.memory_space<vmem>>, vector<16xf32>,
      %add3A_164 = arith.addf %add3A_157, %get3A_163 : vector<16xf32>
      %mul3A_165 = arith.constant 16 : i32
      %mul3A_166 = arith.muli %scan3A_99, %mul3A_165 : i32
      %get3A_167 = arith.constant 9 : i32
      %get3A_168 = arith.index_cast %get3A_167 : i32 to index
      %get3A_169 = arith.index_cast %mul3A_166 : i32 to index
      %get3A_170 = tpu.vector_load %arg6[%get3A_168, %get3A_169] {strides = array<i32>} : memref<16x320xf32, #tpu.memory_space<vmem>>, vector<16xf32>,
      %add3A_171 = arith.addf %add3A_164, %get3A_170 : vector<16xf32>
      %mul3A_172 = arith.constant 16 : i32
      %mul3A_173 = arith.muli %scan3A_99, %mul3A_172 : i32
      %get3A_174 = arith.constant 10 : i32
      %get3A_175 = arith.index_cast %get3A_174 : i32 to index
      %get3A_176 = arith.index_cast %mul3A_173 : i32 to index
      %get3A_177 = tpu.vector_load %arg6[%get3A_175, %get3A_176] {strides = array<i32>} : memref<16x320xf32, #tpu.memory_space<vmem>>, vector<16xf32>,
      %add3A_178 = arith.addf %add3A_171, %get3A_177 : vector<16xf32>
      %mul3A_179 = arith.constant 16 : i32
      %mul3A_180 = arith.muli %scan3A_99, %mul3A_179 : i32
      %get3A_181 = arith.constant 11 : i32
      %get3A_182 = arith.index_cast %get3A_181 : i32 to index
      %get3A_183 = arith.index_cast %mul3A_180 : i32 to index
      %get3A_184 = tpu.vector_load %arg6[%get3A_182, %get3A_183] {strides = array<i32>} : memref<16x320xf32, #tpu.memory_space<vmem>>, vector<16xf32>,
      %add3A_185 = arith.addf %add3A_178, %get3A_184 : vector<16xf32>
      %mul3A_186 = arith.constant 16 : i32
      %mul3A_187 = arith.muli %scan3A_99, %mul3A_186 : i32
      %get3A_188 = arith.constant 12 : i32
      %get3A_189 = arith.index_cast %get3A_188 : i32 to index
      %get3A_190 = arith.index_cast %mul3A_187 : i32 to index
      %get3A_191 = tpu.vector_load %arg6[%get3A_189, %get3A_190] {strides = array<i32>} : memref<16x320xf32, #tpu.memory_space<vmem>>, vector<16xf32>,
      %add3A_192 = arith.addf %add3A_185, %get3A_191 : vector<16xf32>
      %mul3A_193 = arith.constant 16 : i32
      %mul3A_194 = arith.muli %scan3A_99, %mul3A_193 : i32
      %get3A_195 = arith.constant 13 : i32
      %get3A_196 = arith.index_cast %get3A_195 : i32 to index
      %get3A_197 = arith.index_cast %mul3A_194 : i32 to index
      %get3A_198 = tpu.vector_load %arg6[%get3A_196, %get3A_197] {strides = array<i32>} : memref<16x320xf32, #tpu.memory_space<vmem>>, vector<16xf32>,
      %add3A_199 = arith.addf %add3A_192, %get3A_198 : vector<16xf32>
      %mul3A_200 = arith.constant 16 : i32
      %mul3A_201 = arith.muli %scan3A_99, %mul3A_200 : i32
      %get3A_202 = arith.constant 14 : i32
      %get3A_203 = arith.index_cast %get3A_202 : i32 to index
      %get3A_204 = arith.index_cast %mul3A_201 : i32 to index
      %get3A_205 = tpu.vector_load %arg6[%get3A_203, %get3A_204] {strides = array<i32>} : memref<16x320xf32, #tpu.memory_space<vmem>>, vector<16xf32>,
      %add3A_206 = arith.addf %add3A_199, %get3A_205 : vector<16xf32>
      %mul3A_207 = arith.constant 16 : i32
      %mul3A_208 = arith.muli %scan3A_99, %mul3A_207 : i32
      %get3A_209 = arith.constant 15 : i32
      %get3A_210 = arith.index_cast %get3A_209 : i32 to index
      %get3A_211 = arith.index_cast %mul3A_208 : i32 to index
      %get3A_212 = tpu.vector_load %arg6[%get3A_210, %get3A_211] {strides = array<i32>} : memref<16x320xf32, #tpu.memory_space<vmem>>, vector<16xf32>,
      %add3A_213 = arith.addf %add3A_206, %get3A_212 : vector<16xf32>
      %mul3A_214 = arith.constant 5.000000e-01 : f32
      %mul3A_215 = vector.broadcast %mul3A_214 : f32 to vector<16xf32>
      %mul3A_216 = arith.mulf %add3A_213, %mul3A_215 : vector<16xf32>
      %bitcast3A = vector.bitcast %add3A_213 : vector<16xf32> to vector<16xi32>
      %shift_right_logical3A = arith.constant 1 : i32
      %shift_right_logical3A_217 = vector.broadcast %shift_right_logical3A : i32 to vector<16xi32>
      %shift_right_logical3A_218 = arith.shrui %bitcast3A, %shift_right_logical3A_217 : vector<16xi32>
      %sub3A = arith.constant 1597463007 : i32
      %sub3A_219 = vector.broadcast %sub3A : i32 to vector<16xi32>
      %sub3A_220 = arith.subi %sub3A_219, %shift_right_logical3A_218 : vector<16xi32>
      %bitcast3A_221 = vector.bitcast %sub3A_220 : vector<16xi32> to vector<16xf32>
      %mul3A_222 = arith.mulf %mul3A_216, %bitcast3A_221 : vector<16xf32>
      %mul3A_223 = arith.mulf %mul3A_222, %bitcast3A_221 : vector<16xf32>
      %sub3A_224 = arith.constant 1.500000e+00 : f32
      %sub3A_225 = vector.broadcast %sub3A_224 : f32 to vector<16xf32>
      %sub3A_226 = arith.subf %sub3A_225, %mul3A_223 : vector<16xf32>
      %mul3A_227 = arith.mulf %bitcast3A_221, %sub3A_226 : vector<16xf32>
      %mul3A_228 = arith.mulf %mul3A_216, %mul3A_227 : vector<16xf32>
      %mul3A_229 = arith.mulf %mul3A_228, %mul3A_227 : vector<16xf32>
      %sub3A_230 = arith.constant 1.500000e+00 : f32
      %sub3A_231 = vector.broadcast %sub3A_230 : f32 to vector<16xf32>
      %sub3A_232 = arith.subf %sub3A_231, %mul3A_229 : vector<16xf32>
      %mul3A_233 = arith.mulf %mul3A_227, %sub3A_232 : vector<16xf32>
      %mul3A_234 = arith.mulf %mul3A_216, %mul3A_233 : vector<16xf32>
      %mul3A_235 = arith.mulf %mul3A_234, %mul3A_233 : vector<16xf32>
      %sub3A_236 = arith.constant 1.500000e+00 : f32
      %sub3A_237 = vector.broadcast %sub3A_236 : f32 to vector<16xf32>
      %sub3A_238 = arith.subf %sub3A_237, %mul3A_235 : vector<16xf32>
      %mul3A_239 = arith.mulf %mul3A_233, %sub3A_238 : vector<16xf32>
      %mul3A_240 = arith.constant 16 : i32
      %mul3A_241 = arith.muli %scan3A_99, %mul3A_240 : i32
      %swap3A = arith.index_cast %mul3A_241 : i32 to index
      %swap3A_242 = tpu.vector_load %arg7[%swap3A] {strides = array<i32>} : memref<320xf32, #tpu.memory_space<vmem>>, vector<16xf32>,
      tpu.vector_store %arg7[%swap3A], %mul3A_239 {strides = array<i32>} : memref<320xf32, #tpu.memory_space<vmem>>, vector<16xf32>,
      %scan3A_243 = arith.constant 0 : i32
      scf.yield %scan3A_243 : i32
    }
    %scan3A_96 = arith.constant 20 : i32
    %mul3A_97 = arith.constant 320 : i32
    %mul3A_98 = arith.muli %add3A, %mul3A_97 : i32
    "tpu.region"() ({
      %run_scoped3A_99 = tpu.sem_alloc : memref<!tpu.dma_semaphore, #tpu.memory_space<semaphore_mem>>
      %dma_start3A = tpu.memref_slice %arg3[%mul3A_98] : memref<10240xf32, #tpu.memory_space<hbm>> -> memref<320xf32, #tpu.memory_space<hbm>>
      %dma_start3A_100 = tpu.memref_slice %arg3[%mul3A_98] : memref<10240xf32, #tpu.memory_space<hbm>> -> memref<320xf32, #tpu.memory_space<hbm>>
      tpu.enqueue_dma source(%arg7 : memref<320xf32, #tpu.memory_space<vmem>>) target(%dma_start3A_100 : memref<320xf32, #tpu.memory_space<hbm>>) target_semaphore(%run_scoped3A_99 : memref<!tpu.dma_semaphore, #tpu.memory_space<semaphore_mem>>)
      %dma_wait3A = tpu.memref_slice %arg3[%mul3A_98] : memref<10240xf32, #tpu.memory_space<hbm>> -> memref<320xf32, #tpu.memory_space<hbm>>
      %dma_wait3A_101 = tpu.memref_slice %arg3[%mul3A_98] : memref<10240xf32, #tpu.memory_space<hbm>> -> memref<320xf32, #tpu.memory_space<hbm>>
      tpu.wait_dma2 semaphore(%run_scoped3A_99 : memref<!tpu.dma_semaphore, #tpu.memory_space<semaphore_mem>>) src(%arg7 : memref<320xf32, #tpu.memory_space<vmem>>) dst(%dma_wait3A_101 : memref<320xf32, #tpu.memory_space<hbm>>)
      tpu.yield
    }) : () -> ()
    return
  }
}

module attributes {stable_mosaic.version = 14 : i64} {
  func.func @_tca_body(%arg0: memref<10000x128xf32, #tpu.memory_space<vmem>>, %arg1: memref<128x1xf32, #tpu.memory_space<vmem>>, %arg2: memref<128x64xf32, #tpu.memory_space<vmem>>, %arg3: memref<64x1xf32, #tpu.memory_space<vmem>>, %arg4: memref<1x1xf32, #tpu.memory_space<vmem>>, %arg5: memref<1x64xf32, #tpu.memory_space<vmem>>, %arg6: memref<1x1xf32, #tpu.memory_space<vmem>>, %arg7: memref<10240x2xf32, #tpu.memory_space<vmem>>, %arg8: memref<2x16xf32, #tpu.memory_space<vmem>>) attributes {dimension_semantics = [], scalar_prefetch = 0 : i64, scratch_operands = 0 : i64, tpu.core_type = #tpu.core_type<tc>} {
    %get3A = arith.constant 0 : index
    %get3A_0 = arith.constant 0 : index
    %get3A_1 = vector.load %arg2[%get3A, %get3A_0] : memref<128x64xf32, #tpu.memory_space<vmem>>, vector<128x64xf32>
    %get3A_2 = arith.constant 0 : index
    %get3A_3 = arith.constant 0 : index
    %get3A_4 = vector.load %arg3[%get3A_2, %get3A_3] : memref<64x1xf32, #tpu.memory_space<vmem>>, vector<64x1xf32>
    %dot_general3A = arith.constant dense<0.000000e+00> : vector<128x1xf32>
    %dot_general3A_5 = tpu.matmul %get3A_1, %get3A_4, %dot_general3A {dimension_numbers = #tpu.dot_dimension_numbers<[1], [0], [0], [1], [0, 0, 1, 1], [], []>, precision = #tpu.contract_precision<fp32>, transpose_lhs_hint = false} : vector<128x64xf32>, vector<64x1xf32>, vector<128x1xf32> -> vector<128x1xf32>
    %get3A_6 = arith.constant 0 : index
    %get3A_7 = arith.constant 0 : index
    %get3A_8 = vector.load %arg1[%get3A_6, %get3A_7] : memref<128x1xf32, #tpu.memory_space<vmem>>, vector<128x1xf32>
    %concatenate3A = tpu.concatenate %get3A_8, %dot_general3A_5 in 1 : vector<128x1xf32>, vector<128x1xf32> -> vector<128x2xf32>
    %get3A_9 = arith.constant 0 : index
    %get3A_10 = arith.constant 0 : index
    %get3A_11 = vector.load %arg0[%get3A_9, %get3A_10] : memref<10000x128xf32, #tpu.memory_space<vmem>>, vector<10000x128xf32>
    %dot_general3A_12 = arith.constant dense<0.000000e+00> : vector<10000x2xf32>
    %dot_general3A_13 = tpu.matmul %get3A_11, %concatenate3A, %dot_general3A_12 {dimension_numbers = #tpu.dot_dimension_numbers<[1], [0], [0], [1], [0, 0, 1, 1], [], []>, precision = #tpu.contract_precision<fp32>, transpose_lhs_hint = false} : vector<10000x128xf32>, vector<128x2xf32>, vector<10000x2xf32> -> vector<10000x2xf32>
    %swap3A = arith.constant 0 : index
    %swap3A_14 = arith.constant 0 : index
    %swap3A_15 = vector.load %arg7[%swap3A, %swap3A_14] : memref<10240x2xf32, #tpu.memory_space<vmem>>, vector<10000x2xf32>
    tpu.vector_store %arg7[%swap3A, %swap3A_14], %dot_general3A_13 {strides = array<i32>} : memref<10240x2xf32, #tpu.memory_space<vmem>>, vector<10000x2xf32>,
    %broadcast_in_dim3A = arith.constant 0.000000e+00 : f32
    %broadcast_in_dim3A_16 = vector.broadcast %broadcast_in_dim3A : f32 to vector<240x2xf32>
    %swap3A_17 = arith.constant 10000 : index
    %swap3A_18 = arith.constant 0 : index
    %swap3A_19 = vector.load %arg7[%swap3A_17, %swap3A_18] : memref<10240x2xf32, #tpu.memory_space<vmem>>, vector<240x2xf32>
    tpu.vector_store %arg7[%swap3A_17, %swap3A_18], %broadcast_in_dim3A_16 {strides = array<i32>} : memref<10240x2xf32, #tpu.memory_space<vmem>>, vector<240x2xf32>,
    %get3A_20 = arith.constant 0 : index
    %get3A_21 = arith.constant 0 : index
    %get3A_22 = vector.load %arg5[%get3A_20, %get3A_21] : memref<1x64xf32, #tpu.memory_space<vmem>>, vector<1x64xf32>
    %get3A_23 = arith.constant 0 : index
    %get3A_24 = arith.constant 0 : index
    %get3A_25 = vector.load %arg3[%get3A_23, %get3A_24] : memref<64x1xf32, #tpu.memory_space<vmem>>, vector<64x1xf32>
    %dot_general3A_26 = arith.constant dense<0.000000e+00> : vector<1x1xf32>
    %dot_general3A_27 = tpu.matmul %get3A_22, %get3A_25, %dot_general3A_26 {dimension_numbers = #tpu.dot_dimension_numbers<[1], [0], [0], [1], [0, 0, 1, 1], [], []>, precision = #tpu.contract_precision<fp32>, transpose_lhs_hint = false} : vector<1x64xf32>, vector<64x1xf32>, vector<1x1xf32> -> vector<1x1xf32>
    %get3A_28 = arith.constant 0 : index
    %get3A_29 = arith.constant 0 : index
    %get3A_30 = vector.load %arg6[%get3A_28, %get3A_29] : memref<1x1xf32, #tpu.memory_space<vmem>>, vector<1x1xf32>
    %add3A = arith.addf %dot_general3A_27, %get3A_30 : vector<1x1xf32>
    %get3A_31 = arith.constant 0 : index
    %get3A_32 = arith.constant 0 : index
    %get3A_33 = vector.load %arg4[%get3A_31, %get3A_32] : memref<1x1xf32, #tpu.memory_space<vmem>>, vector<1x1xf32>
    %broadcast_in_dim3A_34 = vector.shape_cast %get3A_33 : vector<1x1xf32> to vector<1x1xf32>
    %broadcast_in_dim3A_35 = vector.broadcast %broadcast_in_dim3A_34 : vector<1x1xf32> to vector<1x16xf32>
    %broadcast_in_dim3A_36 = vector.shape_cast %add3A : vector<1x1xf32> to vector<1x1xf32>
    %broadcast_in_dim3A_37 = vector.broadcast %broadcast_in_dim3A_36 : vector<1x1xf32> to vector<1x16xf32>
    %concatenate3A_38 = tpu.concatenate %broadcast_in_dim3A_35, %broadcast_in_dim3A_37 in 0 : vector<1x16xf32>, vector<1x16xf32> -> vector<2x16xf32>
    %swap3A_39 = arith.constant 0 : index
    %swap3A_40 = arith.constant 0 : index
    %swap3A_41 = vector.load %arg8[%swap3A_39, %swap3A_40] : memref<2x16xf32, #tpu.memory_space<vmem>>, vector<2x16xf32>
    tpu.vector_store %arg8[%swap3A_39, %swap3A_40], %concatenate3A_38 {strides = array<i32>} : memref<2x16xf32, #tpu.memory_space<vmem>>, vector<2x16xf32>,
    return
  }
}

module attributes {stable_mosaic.version = 14 : i64} {
  func.func @_tcb_body(%arg0: memref<2x2x10240xf32, #tpu.memory_space<vmem>>, %arg1: memref<2x16xf32, #tpu.memory_space<vmem>>, %arg2: memref<2x10240xf32, #tpu.memory_space<vmem>>) attributes {dimension_semantics = [], scalar_prefetch = 0 : i64, scratch_operands = 0 : i64, tpu.core_type = #tpu.core_type<tc>} {
    %get3A = arith.constant 0 : index
    %get3A_0 = arith.constant 0 : index
    %get3A_1 = arith.constant 0 : index
    %get3A_2 = vector.load %arg0[%get3A, %get3A_0, %get3A_1] : memref<2x2x10240xf32, #tpu.memory_space<vmem>>, vector<2x2x10240xf32>
    %slice3A = vector.extract_strided_slice %get3A_2 {offsets = [0, 0, 0], sizes = [1, 2, 10240], strides = [1, 1, 1]} : vector<2x2x10240xf32> to vector<1x2x10240xf32>
    %squeeze3A = vector.shape_cast %slice3A : vector<1x2x10240xf32> to vector<2x10240xf32>
    %slice3A_3 = vector.extract_strided_slice %get3A_2 {offsets = [1, 0, 0], sizes = [1, 2, 10240], strides = [1, 1, 1]} : vector<2x2x10240xf32> to vector<1x2x10240xf32>
    %squeeze3A_4 = vector.shape_cast %slice3A_3 : vector<1x2x10240xf32> to vector<2x10240xf32>
    %add3A = arith.addf %squeeze3A, %squeeze3A_4 : vector<2x10240xf32>
    %get3A_5 = arith.constant 0 : index
    %get3A_6 = arith.constant 0 : index
    %get3A_7 = vector.load %arg1[%get3A_5, %get3A_6] : memref<2x16xf32, #tpu.memory_space<vmem>>, vector<2x16xf32>
    %slice3A_8 = vector.extract_strided_slice %get3A_7 {offsets = [0, 0], sizes = [2, 1], strides = [1, 1]} : vector<2x16xf32> to vector<2x1xf32>
    %add3A_9 = vector.broadcast %slice3A_8 : vector<2x1xf32> to vector<2x10240xf32>
    %add3A_10 = arith.addf %add3A, %add3A_9 : vector<2x10240xf32>
    %swap3A = arith.constant 0 : index
    %swap3A_11 = arith.constant 0 : index
    %swap3A_12 = vector.load %arg2[%swap3A, %swap3A_11] : memref<2x10240xf32, #tpu.memory_space<vmem>>, vector<2x10240xf32>
    tpu.vector_store %arg2[%swap3A, %swap3A_11], %add3A_10 {strides = array<i32>} : memref<2x10240xf32, #tpu.memory_space<vmem>>, vector<2x10240xf32>,
    return
  }
}

</mosaic_0001>

<sc_bundles>
// kernel: kernel.6.cloned.1.call-start
scs
__scs_entry_jumppad:
0x0: {  	(pc) =	sbr.rel $0x88, $3  }
0x1: {  	(tag) =	ssettag $0x0;
	lr =	simm.s32 $0x1  }
0x2: {  	[smem:$0x3F99] =	sst lr;
	_ =	strace $0xD0000000  }
0x3: {  	_ = 	snop  }
0x4: {  	_ = 	snop  }
0x5: {  	_ = 	snop  }
0x6: {  	_ = 	snop  }
0x7: {  	_ = 	snop  }
__scs_overlays_trampoline_lowered:
0x8: {  	[smem:$0x3FA8] =	sst s0  }
0x9: {  	[smem:$0x3FA9] =	sst s1  }
0xa: {  	[smem:$0x3FAA] =	sst s2  }
0xb: {  	[smem:$0x3FAB] =	sst s3  }
0xc: {  	[smem:$0x3FAC] =	sst s4  }
0xd: {  	[smem:$0x3FAD] =	sst s5  }
0xe: {  	[smem:$0x3FAE] =	sst s6  }
0xf: {  	[smem:$0x3FAF] =	sst s7  }
0x10: {  	[smem:$0x3FB0] =	sst s8  }
0x11: {  	[smem:$0x3FB1] =	sst s9;
	s0 =	simm.s32 @!p0 $0x0  }
0x12: {  	s1 =	sld [smem:$0x3F97];
	s0 =	simm.s32 @p0 $0x1  }
0x13: {  	[smem:$0x3FB2] =	sst s0;
	s0 =	simm.s32 @!p1 $0x0  }
0x14: {  	s2 =	sld [smem:$0x3F96];
	s0 =	simm.s32 @p1 $0x1  }
0x15: {  	[smem:$0x3FB3] =	sst s0;
	s0 =	simm.s32 @!p2 $0x0  }
0x16: {  	s3 =	sld [smem:$0x3FDB];
	s0 =	simm.s32 @p2 $0x1  }
0x17: {  	s4 =	simm.s32 $0x1BF5;
	[smem:$0x3FB5] =	sst s0  }
0x18: {  	s0 =	sld [smem:$0x3F98];
	_ =	swait.ge [sflag:s4], $0x0  }
0x19: {  	s7 =	sld [smem:$0x3F99]  }
0x1a: {  	s8 =	sadd.s32 $0xFFFFE003, lr  }
0x1b: {  	s9 =	sadd.s32 $0xFFFFFEF7, lr;
	s5 =	simm.s32 $0xFFFFFFFF;
	p2 =	slt.u32 s8, $0xFFFFF086  }
0x1c: {  	p1 =	slt.u32 s9, $0xF7A;
	s5 =	simm.s32 @!p2 $0x0  }
0x1d: {  	s5 =	simm.s32 @p1 $0x1;
	p0 =	seq.s32 s7, s2  }
0x1e: {  	s7 =	smul.u32 @!p0 $0xF7A, s2;
	p2 =	seq.s32 @!p0 s5, $0x0  }
0x1f: {  	s9 =	smul.u32 $0xF7A, s1;
	s8 =	simm.s32 @!p0 $0x1BF5;
	p2 =	por !p2, p0  }
0x20: {  	[sflag:s8] =	ssyncset.s32 @!p0 $0xFFFFF086;
	s6 =	sadd.s32 @!p0 s3, s7;
	s7 =	simm.s32 @!p0 $0x108  }
0x21: {  	s3 =	sadd.s32 s3, s9;
	s6 =	sadd.s32 @!p0 $0x88, s6;
	s7 =	simm.s32 @p2 $0x1082  }
0x22: {  	[simem:s7], [sflag:s8] =	dma.local @!p0 [hbm:s6], $0xF7A  }
0x23: {  	s9 =	sor.u32 $0xD0000000, s2;
	s6 =	simm.s32 $0x108;
	_ =	swait.ge @!p0 [sflag:s8], $0x0  }
0x24: {  	s3 =	sadd.s32 $0x88, s3;
	s6 =	simm.s32 @!p1 $0x1082;
	[sflag:s4] =	ssyncset.s32 $0xFFFFF086  }
0x25: {  	[simem:s6], [sflag:s4] =	dma.local [hbm:s3], $0xF7A  }
0x26: {  	[smem:$0x3F99] =	sst s1;
	(tag) =	ssettag s2;
	_ =	strace s9  }
0x27: {  	s1 =	sld [smem:$0x3FA9]  }
0x28: {  	s2 =	sld [smem:$0x3FAA]  }
0x29: {  	s4 =	sld [smem:$0x3FAC]  }
0x2a: {  	p0 =	seq.s32 s5, $0x0;
	s5 =	sld [smem:$0x3FAD]  }
0x2b: {  	s6 =	sld [smem:$0x3FAE]  }
0x2c: {  	s7 =	sld [smem:$0x3FAF]  }
0x2d: {  	s3 =	simm.s32 $0x108;
	s8 =	sld [smem:$0x3FB0]  }
0x2e: {  	s3 =	simm.s32 @!p0 $0x1082;
	s9 =	sld [smem:$0x3FB1]  }
0x2f: {  	lr =	sadd.s32 s0, s3;
	s0 =	sld [smem:$0x3FA8]  }
0x30: {  	s3 =	sld [smem:$0x3FAB]  }
0x31: {  	[smem:$0x3FB4] =	sst s10  }
0x32: {  	s10 =	sld [smem:$0x3FB2];
	_ =	sdelay $0x3  }
0x33: {  	p0 =	seq.s32 s10, $0x1;
	s10 =	sld [smem:$0x3FB4];
	_ =	sdelay $0x3  }
0x34: {  	[smem:$0x3FB4] =	sst s10  }
0x35: {  	s10 =	sld [smem:$0x3FB3];
	_ =	sdelay $0x3  }
0x36: {  	p1 =	seq.s32 s10, $0x1;
	s10 =	sld [smem:$0x3FB4];
	_ =	sdelay $0x3  }
0x37: {  	[smem:$0x3FB4] =	sst s10  }
0x38: {  	s10 =	sld [smem:$0x3FB5]  }
0x39: {  	_ = 	snop;
	(pc) =	sbr.ind lr, $3  }
0x3a: {  	_ = 	snop  }
0x3b: {  	_ = 	snop  }
0x3c: {  	p2 =	seq.s32 s10, $0x1;
	s10 =	sld [smem:$0x3FB4]  }
0x3d: {  	_ =	shalt  }
0x3e: {  	_ =	shalt  }
0x3f: {  	_ =	shalt  }
0x40: {  	_ =	shalt  }
0x41: {  	_ =	shalt  }
0x42: {  	_ =	shalt  }
0x43: {  	_ =	shalt  }
0x44: {  	_ =	shalt  }
0x45: {  	_ =	shalt  }
0x46: {  	_ =	shalt  }
0x47: {  	_ =	shalt  }
0x48: {  	_ =	shalt  }
0x49: {  	_ =	shalt  }
0x4a: {  	_ =	shalt  }
0x4b: {  	_ =	shalt  }
0x4c: {  	_ =	shalt  }
0x4d: {  	_ =	shalt  }
0x4e: {  	_ =	shalt  }
0x4f: {  	_ =	shalt  }
0x50: {  	_ =	shalt  }
0x51: {  	_ =	shalt  }
0x52: {  	_ =	shalt  }
0x53: {  	_ =	shalt  }
0x54: {  	_ =	shalt  }
0x55: {  	_ =	shalt  }
0x56: {  	_ =	shalt  }
0x57: {  	_ =	shalt  }
0x58: {  	_ =	shalt  }
0x59: {  	_ =	shalt  }
0x5a: {  	_ =	shalt  }
0x5b: {  	_ =	shalt  }
0x5c: {  	_ =	shalt  }
0x5d: {  	_ =	shalt  }
0x5e: {  	_ =	shalt  }
0x5f: {  	_ =	shalt  }
0x60: {  	_ =	shalt  }
0x61: {  	_ =	shalt  }
0x62: {  	_ =	shalt  }
0x63: {  	_ =	shalt  }
0x64: {  	_ =	shalt  }
0x65: {  	_ =	shalt  }
0x66: {  	_ =	shalt  }
0x67: {  	_ =	shalt  }
0x68: {  	_ =	shalt  }
0x69: {  	_ =	shalt  }
0x6a: {  	_ =	shalt  }
0x6b: {  	_ =	shalt  }
0x6c: {  	_ =	shalt  }
0x6d: {  	_ =	shalt  }
0x6e: {  	_ =	shalt  }
0x6f: {  	_ =	shalt  }
0x70: {  	_ =	shalt  }
0x71: {  	_ =	shalt  }
0x72: {  	_ =	shalt  }
0x73: {  	_ =	shalt  }
0x74: {  	_ =	shalt  }
0x75: {  	_ =	shalt  }
0x76: {  	_ =	shalt  }
0x77: {  	_ =	shalt  }
0x78: {  	_ =	shalt  }
0x79: {  	_ =	shalt  }
0x7a: {  	_ =	shalt  }
0x7b: {  	_ =	shalt  }
0x7c: {  	_ =	shalt  }
0x7d: {  	_ =	shalt  }
0x7e: {  	_ =	shalt  }
0x7f: {  	_ =	shalt  }
0x80: {  	_ =	shalt  }
0x81: {  	_ =	shalt  }
0x82: {  	_ =	shalt  }
0x83: {  	_ =	shalt  }
0x84: {  	_ =	shalt  }
0x85: {  	_ =	shalt  }
0x86: {  	_ =	shalt  }
0x87: {  	_ =	shalt  }
.Lfunc_end0:
.L_simem_size_0:
called_computation_lowered:
.L_overlay_start_0:
0x88: {  	s2 =	sld [smem:$0x3FD9]  }
0x89: {  	s3 =	sld [smem:$0x3FFE];
	_ =	sdelay $0x1  }
0x8a: {  	s1 =	srdreg.scid  }
0x8b: {  	s0 =	sand.u32 $0x1, s1  }
0x8c: {  	s17 =	sshll.u32 s0, $0xA;
	s2 =	sadd.s32 s3, s2  }
0x8d: {  	s3 =	sadd.s32 s2, s17  }
0x8e: {  	[smem:$0x3FC0] =	sst s3  }
0x8f: {  	_ = 	snop  }
0x90: {  	(tm) =	ssettm $0x1  }
0x91: {  	s18 =	sld [smem:$0x3FFB];
	_ =	sdelay $0x3  }
0x92: {  	_ =	strace s18  }
0x93: {  	s3 =	sld [smem:$0x3FFC];
	_ =	sdelay $0x3  }
0x94: {  	_ =	strace s3  }
0x95: {  	s3 =	sld [smem:$0x3FFD];
	_ =	sdelay $0x3  }
0x96: {  	_ =	strace s3  }
0x97: {  	_ =	strace $0x8FFFFFFF  }
0x98: {  	s19 =	sld [smem:$0x3FDB];
	_ =	sdelay $0x1  }
0x99: {  	s4 =	simm.s32 $_scs_section_size  }
0x9a: {  	s5 =	simm.s32 $_size__tile_overlayer_lowered;
	s6 =	simm.s32 $_tile_overlayer_lowered  }
0x9b: {  	s22 =	simm.s32 $0x1BFF;
	s21 =	sshll.u32 s6, $0x1;
	s3 =	sadd.s32 s4, s19  }
0x9c: {  	s7 =	simm.s32 $0x0;
	s20 =	sshll.u32 s5, $0x1;
	s5 =	sadd.s32 s21, s3  }
0x9d: {  	[timem:s7], [sflag:s22] =	dma.local [hbm:s5], s20  }
0x9e: {  	_ =	swait.ge [sflag:s22], s20  }
0x9f: {  	s4 =	ssub.s32 $0x0, s20;
	[sflag:s22] =	ssyncset.done $0x0  }
0xa0: {  	[sflag:s22] =	ssyncadd.s32 s4;
	_ =	sdelay $0x1  }
0xa1: {  	s23 =	simm.s32 $0x1B8B  }
0xa2: {  	_ =	swait.ge [sflag:s23], $0x1  }
0xa3: {  	[sflag:s23] =	ssyncset.done $0x0  }
0xa4: {  	s25 =	simm.s32 $0x1B8E;
	s24 =	sld [smem:$0x3FFE];
	[sflag:s23] =	ssyncadd.s32 $0xFFFFFFFF  }
0xa5: {  	s26 =	simm.s32 $execute0_lowered;
	[smem:$0x3FD2] =	sst s25  }
0xa6: {  	s5 =	sshll.u32 s26, $0x1;
	_ =	strace $0x80000046;
	[dreg:$0x1] =	wrdreg $0xFFFFFFFF  }
0xa7: {  	s28 =	simm.s32 $_size_execute0_lowered;
	s3 =	sadd.s32 s3, s5;
	[dreg:$0x0] =	wrdreg $0x0  }
0xa8: {  	s5 =	sshll.u32 s28, $0x1;
	[dreg:$0x2] =	wrdreg s3  }
0xa9: {  	[dreg:$0x3] =	wrdreg s5  }
0xaa: {  	[dreg:$0x4] =	wrdreg $0xC0  }
0xab: {  	_ =	task [dreg:s7], $0x5FFFF  }
0xac: {  	[dreg:$0x1] =	wrdreg $0xFFFFFFFF  }
0xad: {  	[dreg:$0x0] =	wrdreg $0x60  }
0xae: {  	s2 =	sadd.s32 $0x800, s2;
	[dreg:$0x2] =	wrdreg s24  }
0xaf: {  	[dreg:$0x3] =	wrdreg s2  }
0xb0: {  	[dreg:$0x4] =	wrdreg $0x9  }
0xb1: {  	_ =	task.clear_ibuf [dreg:s7], $0x5FFFF;
	_ =	strace $0x90000046  }
0xb2: {  	s29 =	simm.s32 $0x9;
	_ =	strace $0x80000048  }
0xb3: {  	_ =	swait.ge [sflag:s29], $0x1  }
0xb4: {  	[sflag:s29] =	ssyncadd.s32 $0xFFFFFFFF  }
0xb5: {  	_ =	strace $0x90000048  }
0xb6: {  	_ =	sfence  }
0xb7: {  	s30 =	sld [smem:$0x0];
	_ =	sdelay $0x2  }
0xb8: {  	s31 =	sshll.u32 s1, $0xD;
	s1 =	sshrl.u32 s1, $0x2  }
0xb9: {  	s3 =	sand.u32 $0x4000, s31;
	s1 =	sadd.s32 s1, s30  }
0xba: {  	s0 =	sor.u32 s3, s0;
	s1 =	sshll.u32 s1, $0x11  }
0xbb: {  	s0 =	sor.u32 s1, s0  }
0xbc: {  	s0 =	sadd.s32 $0x8F2B, s0  }
0xbd: {  	[sflag:s0] =	ssyncadd.remote.s32 $0x1  }
0xbe: {  	_ =	sfence.sel $0xFFFF  }
0xbf: {  	[dreg:$0x0] =	wrdreg $0xFFFFFFFF;
	(pc) =	sbr.abs _section_cstart, $3  }
0xc0: {  	[dreg:$0x1] =	wrdreg $0xFFFFFFFF  }
0xc1: {  	_ =	task.clear_ibuf [dreg:s7], $0x2FFFF;
	_ =	strace $0x9FFFFFFF  }
0xc2: {  	(tm) =	ssettm $0x7FFFFFFF  }
0xc3: {  	_ =	shalt  }
tec
execute0_lowered:
.L_overlay_start_1:
0x0: {  	(tag) =	ssettag $0x1  }
0x1: {  	s3 =	rddreg [dreg:$0x0];
	s0 =	srdreg.scid  }
0x2: {  	s18 =	rddreg [dreg:$0x1];
	s1 =	stileid.u32;
	s2 =	simm.s32 $0x0  }
0x3: {  	s20 =	simm.s32 $0x2800;
	s21 =	simm.s32 $0x2FD0;
	s22 =	simm.s32 $0x43D0  }
0x4: {  	s5 =	sand.u32 $0x1, s0;
	s0 =	rddreg [dreg:$0x2];
	s6 =	smul.u32 $0x4E20, s1  }
0x5: {  	s23 =	simm.s32 $0x0;
	[smem:$0x7FF] =	sst s2;
	s17 =	smul.u32 $0x2800, s1  }
0x6: {  	s4 =	sshll.u32 s5, $0x4;
	_ =	strace $0x80000047;
	s31 =	ssub.s32 $0x2, s5  }
0x7: {  	s16 =	smul.u32 $0x28000, s5;
	s4 =	sor.u32 s1, s4;
	s6 =	sshrl.u32 s6, $0x3  }
0x8: {  	s8 =	sshrl.u32 s31, $0x1;
	s13 =	smul.u32 $0x140, s4;
	s12 =	sadd.s32 s6, s3  }
0x9: {  	s15 =	ssub.s32 s31, s8;
	s17 =	sadd.s32 s17, s16;
	s4 =	sadd.s32 $0xB93A, s12  }
0xa: {  	s5 =	sadd.s32 $0xBA34, s12;
	s6 =	sadd.s32 $0xBB2E, s12;
	s8 =	sadd.s32 $0xBD22, s12  }
0xb: {  	s9 =	sadd.s32 $0xBE1C, s12;
	s10 =	sadd.s32 $0xBF16, s12;
	s11 =	sadd.s32 $0xC010, s12  }
0xc: {  	s17 =	sshrl.u32 s17, $0x3;
	s7 =	sshrl.u32 s13, $0x3;
	s13 =	sor.u32 s16, s13  }
0xd: {  	s16 =	simm.s32 $0x7D0;
	s17 =	sadd.s32 s17, s18;
	s14 =	sadd.s32 s7, s3  }
0xe: {  	s3 =	sadd.s32 $0xB840, s12;
	s7 =	sadd.s32 $0xBC28, s12;
	s12 =	sadd.s32 $0xC10A, s12  }
0xf: {  	s19 =	sshrl.u32 s13, $0x3;
	s13 =	sadd.s32 $0x15600, s14;
	s14 =	smax.u32 s15, $0x1  }
0x10: {  	v0 =	vimm.f32 $0.0e+00;
	v1 =	vimm.f32 $1.000000000e+00;
	s15 =	simm.s32 $0x1;
	s18 =	sadd.s32 s19, s18;
	s19 =	simm.s32 $0x140  }
.LBB2_1:
0x11: {  	s24 =	simm.s32 $0x810  }
0x12: {  	[tilespmem:s24+$0xFFFFFFC0] =	vst v0  }
0x13: {  	[tilespmem:s24+$0x30] =	vst v0  }
0x14: {  	[tilespmem:s24+$0x20] =	vst v0  }
0x15: {  	[tilespmem:s24+$0x10] =	vst v0  }
0x16: {  	[tilespmem:s24+$0x0] =	vst v0  }
0x17: {  	[tilespmem:s24+$0xFFFFFFF0] =	vst v0  }
0x18: {  	s25 =	simm.s32 $0x0;
	[tilespmem:s24+$0xFFFFFFE0] =	vst v0  }
.LBB2_2:
0x19: {  	s25 =	sadd.s32 $0x8, s25;
	[tilespmem:s24+$0xFFFFFFD0] =	vst v0;
	s24 =	sadd.s32 $0x80, s24  }
0x1a: {  	[tilespmem:s24+$0xFFFFFFC0] =	vst v0;
	p0 =	slt.u32 s25, $0x278  }
0x1b: {  	[tilespmem:s24+$0x30] =	vst v0  }
.Ltmp0:
0x1c: {  	[tilespmem:s24+$0x20] =	vst v0;
	(pc) =	sbr.rel @p0 .LBB2_2-.Ltmp0, $4  }
0x1d: {  	[tilespmem:s24+$0x10] =	vst v0  }
0x1e: {  	[tilespmem:s24+$0x0] =	vst v0  }
0x1f: {  	[tilespmem:s24+$0xFFFFFFF0] =	vst v0  }
0x20: {  	[tilespmem:s24+$0xFFFFFFE0] =	vst v0  }
0x21: {  	[tilespmem:s24+$0xFFFFFFD0] =	vst v0  }
0x22: {  	[tilespmem:s2], [sflag:$0x1] =	stream.linear.gather [hbm4b:s3+s2], $0x7D0, $0x38;
	[tilespmem:$0x4510] =	vst v63  }
0x23: {  	_ =	swait.ge [sflag:s15], $0x7D0  }
0x24: {  	[sflag:s15] =	ssyncset.done $0x0  }
0x25: {  	s24 =	simm.s32 $0x40;
	[sflag:s15] =	ssyncadd.s32 $0xFFFFF830  }
0x26: {  	v3 =	vld [tilespmem:s24+$0xFFFFFFC0]  }
0x27: {  	v4 =	vld [tilespmem:s24+$0x30]  }
0x28: {  	v5 =	vld [tilespmem:s24+$0x20]  }
0x29: {  	v6 =	vld [tilespmem:s24+$0x10]  }
0x2a: {  	v7 =	vld [tilespmem:s24+$0x0]  }
0x2b: {  	v8 =	vld [tilespmem:s24+$0xFFFFFFF0]  }
0x2c: {  	v9 =	vld [tilespmem:s24+$0xFFFFFFE0]  }
0x2d: {  	v2 =	vld [tilespmem:s24+$0xFFFFFFD0]  }
0x2e: {  	[tilespmem:v3+s16+$0x0] =	vst.idx.add.f32.msk $0xffff, v1  }
0x2f: {  	[tilespmem:v4+s16+$0x0] =	vst.idx.add.f32.msk $0xffff, v1  }
0x30: {  	[tilespmem:v5+s16+$0x0] =	vst.idx.add.f32.msk $0xffff, v1  }
0x31: {  	[tilespmem:v6+s16+$0x0] =	vst.idx.add.f32.msk $0xffff, v1  }
0x32: {  	[tilespmem:v7+s16+$0x0] =	vst.idx.add.f32.msk $0xffff, v1  }
0x33: {  	[tilespmem:v8+s16+$0x0] =	vst.idx.add.f32.msk $0xffff, v1  }
0x34: {  	s25 =	simm.s32 $0x0;
	[tilespmem:v9+s16+$0x0] =	vst.idx.add.f32.msk $0xffff, v1  }
.LBB2_4:
0x35: {  	s25 =	sadd.s32 $0x8, s25;
	[tilespmem:v2+s16+$0x0] =	vst.idx.add.f32.msk $0xffff, v1;
	s24 =	sadd.s32 $0x80, s24  }
0x36: {  	v3 =	vld [tilespmem:s24+$0xFFFFFFC0];
	p0 =	slt.u32 s25, $0x70  }
0x37: {  	v4 =	vld [tilespmem:s24+$0x30]  }
0x38: {  	v5 =	vld [tilespmem:s24+$0x20]  }
0x39: {  	v6 =	vld [tilespmem:s24+$0x10]  }
0x3a: {  	v7 =	vld [tilespmem:s24+$0x0]  }
0x3b: {  	v8 =	vld [tilespmem:s24+$0xFFFFFFF0]  }
0x3c: {  	v9 =	vld [tilespmem:s24+$0xFFFFFFE0]  }
0x3d: {  	v2 =	vld [tilespmem:s24+$0xFFFFFFD0]  }
0x3e: {  	[tilespmem:v3+s16+$0x0] =	vst.idx.add.f32.msk $0xffff, v1  }
0x3f: {  	[tilespmem:v4+s16+$0x0] =	vst.idx.add.f32.msk $0xffff, v1  }
.Ltmp1:
0x40: {  	[tilespmem:v5+s16+$0x0] =	vst.idx.add.f32.msk $0xffff, v1;
	(pc) =	sbr.rel @p0 .LBB2_4-.Ltmp1, $4  }
0x41: {  	[tilespmem:v6+s16+$0x0] =	vst.idx.add.f32.msk $0xffff, v1  }
0x42: {  	[tilespmem:v7+s16+$0x0] =	vst.idx.add.f32.msk $0xffff, v1  }
0x43: {  	[tilespmem:v8+s16+$0x0] =	vst.idx.add.f32.msk $0xffff, v1  }
0x44: {  	[tilespmem:v9+s16+$0x0] =	vst.idx.add.f32.msk $0xffff, v1  }
0x45: {  	_ =	sdelay $0x3  }
0x46: {  	[tilespmem:v2+s16+$0x0] =	vst.idx.add.f32.msk $0xffff, v1;
	s24 =	simm.s32 $0x0  }
.LBB2_6:
0x47: {  	s25 =	sshra.s32 s24, $0x2  }
0x48: {  	v2 =	vld [tilespmem:s25+$0x780];
	_ =	sdelay $0x2  }
0x49: {  	p0 =	sne.s32 s24, $0x100  }
.Ltmp2:
0x4a: {  	_ = 	snop;
	(pc) =	sbr.rel @p0 .LBB2_6-.Ltmp2, $2  }
0x4b: {  	_ =	sdelay $0x2  }
0x4c: {  	s24 =	sadd.s32 $0x40, s24;
	[tilespmem:v2+s16+$0x0] =	vst.idx.add.f32.msk $0xffff, v1  }
0x4d: {  	[tilespmem:s2], [sflag:$0x1] =	stream.linear.gather [hbm4b:s4+s2], $0x7D0, $0x38;
	[tilespmem:$0x4510] =	vst v63  }
0x4e: {  	_ =	swait.ge [sflag:s15], $0x7D0  }
0x4f: {  	[sflag:s15] =	ssyncset.done $0x0  }
0x50: {  	s24 =	simm.s32 $0x40;
	[sflag:s15] =	ssyncadd.s32 $0xFFFFF830  }
0x51: {  	v3 =	vld [tilespmem:s24+$0xFFFFFFC0]  }
0x52: {  	v4 =	vld [tilespmem:s24+$0x30]  }
0x53: {  	v5 =	vld [tilespmem:s24+$0x20]  }
0x54: {  	v6 =	vld [tilespmem:s24+$0x10]  }
0x55: {  	v7 =	vld [tilespmem:s24+$0x0]  }
0x56: {  	v8 =	vld [tilespmem:s24+$0xFFFFFFF0]  }
0x57: {  	v9 =	vld [tilespmem:s24+$0xFFFFFFE0]  }
0x58: {  	v2 =	vld [tilespmem:s24+$0xFFFFFFD0]  }
0x59: {  	[tilespmem:v3+s16+$0x0] =	vst.idx.add.f32.msk $0xffff, v1  }
0x5a: {  	[tilespmem:v4+s16+$0x0] =	vst.idx.add.f32.msk $0xffff, v1  }
0x5b: {  	[tilespmem:v5+s16+$0x0] =	vst.idx.add.f32.msk $0xffff, v1  }
0x5c: {  	[tilespmem:v6+s16+$0x0] =	vst.idx.add.f32.msk $0xffff, v1  }
0x5d: {  	[tilespmem:v7+s16+$0x0] =	vst.idx.add.f32.msk $0xffff, v1  }
0x5e: {  	[tilespmem:v8+s16+$0x0] =	vst.idx.add.f32.msk $0xffff, v1  }
0x5f: {  	s25 =	simm.s32 $0x0;
	[tilespmem:v9+s16+$0x0] =	vst.idx.add.f32.msk $0xffff, v1  }
.LBB2_8:
0x60: {  	s25 =	sadd.s32 $0x8, s25;
	[tilespmem:v2+s16+$0x0] =	vst.idx.add.f32.msk $0xffff, v1;
	s24 =	sadd.s32 $0x80, s24  }
0x61: {  	v3 =	vld [tilespmem:s24+$0xFFFFFFC0];
	p0 =	slt.u32 s25, $0x70  }
0x62: {  	v4 =	vld [tilespmem:s24+$0x30]  }
0x63: {  	v5 =	vld [tilespmem:s24+$0x20]  }
0x64: {  	v6 =	vld [tilespmem:s24+$0x10]  }
0x65: {  	v7 =	vld [tilespmem:s24+$0x0]  }
0x66: {  	v8 =	vld [tilespmem:s24+$0xFFFFFFF0]  }
0x67: {  	v9 =	vld [tilespmem:s24+$0xFFFFFFE0]  }
0x68: {  	v2 =	vld [tilespmem:s24+$0xFFFFFFD0]  }
0x69: {  	[tilespmem:v3+s16+$0x0] =	vst.idx.add.f32.msk $0xffff, v1  }
0x6a: {  	[tilespmem:v4+s16+$0x0] =	vst.idx.add.f32.msk $0xffff, v1  }
.Ltmp3:
0x6b: {  	[tilespmem:v5+s16+$0x0] =	vst.idx.add.f32.msk $0xffff, v1;
	(pc) =	sbr.rel @p0 .LBB2_8-.Ltmp3, $4  }
0x6c: {  	[tilespmem:v6+s16+$0x0] =	vst.idx.add.f32.msk $0xffff, v1  }
0x6d: {  	[tilespmem:v7+s16+$0x0] =	vst.idx.add.f32.msk $0xffff, v1  }
0x6e: {  	[tilespmem:v8+s16+$0x0] =	vst.idx.add.f32.msk $0xffff, v1  }
0x6f: {  	[tilespmem:v9+s16+$0x0] =	vst.idx.add.f32.msk $0xffff, v1  }
0x70: {  	_ =	sdelay $0x3  }
0x71: {  	[tilespmem:v2+s16+$0x0] =	vst.idx.add.f32.msk $0xffff, v1;
	s24 =	simm.s32 $0x0  }
.LBB2_10:
0x72: {  	s25 =	sshra.s32 s24, $0x2  }
0x73: {  	v2 =	vld [tilespmem:s25+$0x780];
	_ =	sdelay $0x2  }
0x74: {  	p0 =	sne.s32 s24, $0x100  }
.Ltmp4:
0x75: {  	_ = 	snop;
	(pc) =	sbr.rel @p0 .LBB2_10-.Ltmp4, $2  }
0x76: {  	_ =	sdelay $0x2  }
0x77: {  	s24 =	sadd.s32 $0x40, s24;
	[tilespmem:v2+s16+$0x0] =	vst.idx.add.f32.msk $0xffff, v1  }
0x78: {  	[tilespmem:s2], [sflag:$0x1] =	stream.linear.gather [hbm4b:s5+s2], $0x7D0, $0x38;
	[tilespmem:$0x4510] =	vst v63  }
0x79: {  	_ =	swait.ge [sflag:s15], $0x7D0  }
0x7a: {  	[sflag:s15] =	ssyncset.done $0x0  }
0x7b: {  	s24 =	simm.s32 $0x40;
	[sflag:s15] =	ssyncadd.s32 $0xFFFFF830  }
0x7c: {  	v3 =	vld [tilespmem:s24+$0xFFFFFFC0]  }
0x7d: {  	v4 =	vld [tilespmem:s24+$0x30]  }
0x7e: {  	v5 =	vld [tilespmem:s24+$0x20]  }
0x7f: {  	v6 =	vld [tilespmem:s24+$0x10]  }
0x80: {  	v7 =	vld [tilespmem:s24+$0x0]  }
0x81: {  	v8 =	vld [tilespmem:s24+$0xFFFFFFF0]  }
0x82: {  	v9 =	vld [tilespmem:s24+$0xFFFFFFE0]  }
0x83: {  	v2 =	vld [tilespmem:s24+$0xFFFFFFD0]  }
0x84: {  	[tilespmem:v3+s16+$0x0] =	vst.idx.add.f32.msk $0xffff, v1  }
0x85: {  	[tilespmem:v4+s16+$0x0] =	vst.idx.add.f32.msk $0xffff, v1  }
0x86: {  	[tilespmem:v5+s16+$0x0] =	vst.idx.add.f32.msk $0xffff, v1  }
0x87: {  	[tilespmem:v6+s16+$0x0] =	vst.idx.add.f32.msk $0xffff, v1  }
0x88: {  	[tilespmem:v7+s16+$0x0] =	vst.idx.add.f32.msk $0xffff, v1  }
0x89: {  	[tilespmem:v8+s16+$0x0] =	vst.idx.add.f32.msk $0xffff, v1  }
0x8a: {  	s25 =	simm.s32 $0x0;
	[tilespmem:v9+s16+$0x0] =	vst.idx.add.f32.msk $0xffff, v1  }
.LBB2_12:
0x8b: {  	s25 =	sadd.s32 $0x8, s25;
	[tilespmem:v2+s16+$0x0] =	vst.idx.add.f32.msk $0xffff, v1;
	s24 =	sadd.s32 $0x80, s24  }
0x8c: {  	v3 =	vld [tilespmem:s24+$0xFFFFFFC0];
	p0 =	slt.u32 s25, $0x70  }
0x8d: {  	v4 =	vld [tilespmem:s24+$0x30]  }
0x8e: {  	v5 =	vld [tilespmem:s24+$0x20]  }
0x8f: {  	v6 =	vld [tilespmem:s24+$0x10]  }
0x90: {  	v7 =	vld [tilespmem:s24+$0x0]  }
0x91: {  	v8 =	vld [tilespmem:s24+$0xFFFFFFF0]  }
0x92: {  	v9 =	vld [tilespmem:s24+$0xFFFFFFE0]  }
0x93: {  	v2 =	vld [tilespmem:s24+$0xFFFFFFD0]  }
0x94: {  	[tilespmem:v3+s16+$0x0] =	vst.idx.add.f32.msk $0xffff, v1  }
0x95: {  	[tilespmem:v4+s16+$0x0] =	vst.idx.add.f32.msk $0xffff, v1  }
.Ltmp5:
0x96: {  	[tilespmem:v5+s16+$0x0] =	vst.idx.add.f32.msk $0xffff, v1;
	(pc) =	sbr.rel @p0 .LBB2_12-.Ltmp5, $4  }
0x97: {  	[tilespmem:v6+s16+$0x0] =	vst.idx.add.f32.msk $0xffff, v1  }
0x98: {  	[tilespmem:v7+s16+$0x0] =	vst.idx.add.f32.msk $0xffff, v1  }
0x99: {  	[tilespmem:v8+s16+$0x0] =	vst.idx.add.f32.msk $0xffff, v1  }
0x9a: {  	[tilespmem:v9+s16+$0x0] =	vst.idx.add.f32.msk $0xffff, v1  }
0x9b: {  	_ =	sdelay $0x3  }
0x9c: {  	[tilespmem:v2+s16+$0x0] =	vst.idx.add.f32.msk $0xffff, v1;
	s24 =	simm.s32 $0x0  }
.LBB2_14:
0x9d: {  	s25 =	sshra.s32 s24, $0x2  }
0x9e: {  	v2 =	vld [tilespmem:s25+$0x780];
	_ =	sdelay $0x2  }
0x9f: {  	p0 =	sne.s32 s24, $0x100  }
.Ltmp6:
0xa0: {  	_ = 	snop;
	(pc) =	sbr.rel @p0 .LBB2_14-.Ltmp6, $2  }
0xa1: {  	_ =	sdelay $0x2  }
0xa2: {  	s24 =	sadd.s32 $0x40, s24;
	[tilespmem:v2+s16+$0x0] =	vst.idx.add.f32.msk $0xffff, v1  }
0xa3: {  	[tilespmem:s2], [sflag:$0x1] =	stream.linear.gather [hbm4b:s6+s2], $0x7D0, $0x38;
	[tilespmem:$0x4510] =	vst v63  }
0xa4: {  	_ =	swait.ge [sflag:s15], $0x7D0  }
0xa5: {  	[sflag:s15] =	ssyncset.done $0x0  }
0xa6: {  	s24 =	simm.s32 $0x40;
	[sflag:s15] =	ssyncadd.s32 $0xFFFFF830  }
0xa7: {  	v3 =	vld [tilespmem:s24+$0xFFFFFFC0]  }
0xa8: {  	v4 =	vld [tilespmem:s24+$0x30]  }
0xa9: {  	v5 =	vld [tilespmem:s24+$0x20]  }
0xaa: {  	v6 =	vld [tilespmem:s24+$0x10]  }
0xab: {  	v7 =	vld [tilespmem:s24+$0x0]  }
0xac: {  	v8 =	vld [tilespmem:s24+$0xFFFFFFF0]  }
0xad: {  	v9 =	vld [tilespmem:s24+$0xFFFFFFE0]  }
0xae: {  	v2 =	vld [tilespmem:s24+$0xFFFFFFD0]  }
0xaf: {  	[tilespmem:v3+s16+$0x0] =	vst.idx.add.f32.msk $0xffff, v1  }
0xb0: {  	[tilespmem:v4+s16+$0x0] =	vst.idx.add.f32.msk $0xffff, v1  }
0xb1: {  	[tilespmem:v5+s16+$0x0] =	vst.idx.add.f32.msk $0xffff, v1  }
0xb2: {  	[tilespmem:v6+s16+$0x0] =	vst.idx.add.f32.msk $0xffff, v1  }
0xb3: {  	[tilespmem:v7+s16+$0x0] =	vst.idx.add.f32.msk $0xffff, v1  }
0xb4: {  	[tilespmem:v8+s16+$0x0] =	vst.idx.add.f32.msk $0xffff, v1  }
0xb5: {  	s25 =	simm.s32 $0x0;
	[tilespmem:v9+s16+$0x0] =	vst.idx.add.f32.msk $0xffff, v1  }
.LBB2_16:
0xb6: {  	s25 =	sadd.s32 $0x8, s25;
	[tilespmem:v2+s16+$0x0] =	vst.idx.add.f32.msk $0xffff, v1;
	s24 =	sadd.s32 $0x80, s24  }
0xb7: {  	v3 =	vld [tilespmem:s24+$0xFFFFFFC0];
	p0 =	slt.u32 s25, $0x70  }
0xb8: {  	v4 =	vld [tilespmem:s24+$0x30]  }
0xb9: {  	v5 =	vld [tilespmem:s24+$0x20]  }
0xba: {  	v6 =	vld [tilespmem:s24+$0x10]  }
0xbb: {  	v7 =	vld [tilespmem:s24+$0x0]  }
0xbc: {  	v8 =	vld [tilespmem:s24+$0xFFFFFFF0]  }
0xbd: {  	v9 =	vld [tilespmem:s24+$0xFFFFFFE0]  }
0xbe: {  	v2 =	vld [tilespmem:s24+$0xFFFFFFD0]  }
0xbf: {  	[tilespmem:v3+s16+$0x0] =	vst.idx.add.f32.msk $0xffff, v1  }
0xc0: {  	[tilespmem:v4+s16+$0x0] =	vst.idx.add.f32.msk $0xffff, v1  }
.Ltmp7:
0xc1: {  	[tilespmem:v5+s16+$0x0] =	vst.idx.add.f32.msk $0xffff, v1;
	(pc) =	sbr.rel @p0 .LBB2_16-.Ltmp7, $4  }
0xc2: {  	[tilespmem:v6+s16+$0x0] =	vst.idx.add.f32.msk $0xffff, v1  }
0xc3: {  	[tilespmem:v7+s16+$0x0] =	vst.idx.add.f32.msk $0xffff, v1  }
0xc4: {  	[tilespmem:v8+s16+$0x0] =	vst.idx.add.f32.msk $0xffff, v1  }
0xc5: {  	[tilespmem:v9+s16+$0x0] =	vst.idx.add.f32.msk $0xffff, v1  }
0xc6: {  	_ =	sdelay $0x3  }
0xc7: {  	[tilespmem:v2+s16+$0x0] =	vst.idx.add.f32.msk $0xffff, v1;
	s24 =	simm.s32 $0x0  }
.LBB2_18:
0xc8: {  	s25 =	sshra.s32 s24, $0x2  }
0xc9: {  	v2 =	vld [tilespmem:s25+$0x780];
	_ =	sdelay $0x2  }
0xca: {  	p0 =	sne.s32 s24, $0x100  }
.Ltmp8:
0xcb: {  	_ = 	snop;
	(pc) =	sbr.rel @p0 .LBB2_18-.Ltmp8, $2  }
0xcc: {  	_ =	sdelay $0x2  }
0xcd: {  	s24 =	sadd.s32 $0x40, s24;
	[tilespmem:v2+s16+$0x0] =	vst.idx.add.f32.msk $0xffff, v1  }
0xce: {  	[tilespmem:s2], [sflag:$0x1] =	stream.linear.gather [hbm4b:s7+s2], $0x7D0, $0x38;
	[tilespmem:$0x4510] =	vst v63  }
0xcf: {  	_ =	swait.ge [sflag:s15], $0x7D0  }
0xd0: {  	[sflag:s15] =	ssyncset.done $0x0  }
0xd1: {  	s24 =	simm.s32 $0x40;
	[sflag:s15] =	ssyncadd.s32 $0xFFFFF830  }
0xd2: {  	v3 =	vld [tilespmem:s24+$0xFFFFFFC0]  }
0xd3: {  	v4 =	vld [tilespmem:s24+$0x30]  }
0xd4: {  	v5 =	vld [tilespmem:s24+$0x20]  }
0xd5: {  	v6 =	vld [tilespmem:s24+$0x10]  }
0xd6: {  	v7 =	vld [tilespmem:s24+$0x0]  }
0xd7: {  	v8 =	vld [tilespmem:s24+$0xFFFFFFF0]  }
0xd8: {  	v9 =	vld [tilespmem:s24+$0xFFFFFFE0]  }
0xd9: {  	v2 =	vld [tilespmem:s24+$0xFFFFFFD0]  }
0xda: {  	[tilespmem:v3+s16+$0x0] =	vst.idx.add.f32.msk $0xffff, v1  }
0xdb: {  	[tilespmem:v4+s16+$0x0] =	vst.idx.add.f32.msk $0xffff, v1  }
0xdc: {  	[tilespmem:v5+s16+$0x0] =	vst.idx.add.f32.msk $0xffff, v1  }
0xdd: {  	[tilespmem:v6+s16+$0x0] =	vst.idx.add.f32.msk $0xffff, v1  }
0xde: {  	[tilespmem:v7+s16+$0x0] =	vst.idx.add.f32.msk $0xffff, v1  }
0xdf: {  	[tilespmem:v8+s16+$0x0] =	vst.idx.add.f32.msk $0xffff, v1  }
0xe0: {  	s25 =	simm.s32 $0x0;
	[tilespmem:v9+s16+$0x0] =	vst.idx.add.f32.msk $0xffff, v1  }
.LBB2_20:
0xe1: {  	s25 =	sadd.s32 $0x8, s25;
	[tilespmem:v2+s16+$0x0] =	vst.idx.add.f32.msk $0xffff, v1;
	s24 =	sadd.s32 $0x80, s24  }
0xe2: {  	v3 =	vld [tilespmem:s24+$0xFFFFFFC0];
	p0 =	slt.u32 s25, $0x70  }
0xe3: {  	v4 =	vld [tilespmem:s24+$0x30]  }
0xe4: {  	v5 =	vld [tilespmem:s24+$0x20]  }
0xe5: {  	v6 =	vld [tilespmem:s24+$0x10]  }
0xe6: {  	v7 =	vld [tilespmem:s24+$0x0]  }
0xe7: {  	v8 =	vld [tilespmem:s24+$0xFFFFFFF0]  }
0xe8: {  	v9 =	vld [tilespmem:s24+$0xFFFFFFE0]  }
0xe9: {  	v2 =	vld [tilespmem:s24+$0xFFFFFFD0]  }
0xea: {  	[tilespmem:v3+s16+$0x0] =	vst.idx.add.f32.msk $0xffff, v1  }
0xeb: {  	[tilespmem:v4+s16+$0x0] =	vst.idx.add.f32.msk $0xffff, v1  }
.Ltmp9:
0xec: {  	[tilespmem:v5+s16+$0x0] =	vst.idx.add.f32.msk $0xffff, v1;
	(pc) =	sbr.rel @p0 .LBB2_20-.Ltmp9, $4  }
0xed: {  	[tilespmem:v6+s16+$0x0] =	vst.idx.add.f32.msk $0xffff, v1  }
0xee: {  	[tilespmem:v7+s16+$0x0] =	vst.idx.add.f32.msk $0xffff, v1  }
0xef: {  	[tilespmem:v8+s16+$0x0] =	vst.idx.add.f32.msk $0xffff, v1  }
0xf0: {  	[tilespmem:v9+s16+$0x0] =	vst.idx.add.f32.msk $0xffff, v1  }
0xf1: {  	_ =	sdelay $0x3  }
0xf2: {  	[tilespmem:v2+s16+$0x0] =	vst.idx.add.f32.msk $0xffff, v1;
	s24 =	simm.s32 $0x0  }
.LBB2_22:
0xf3: {  	s25 =	sshra.s32 s24, $0x2  }
0xf4: {  	v2 =	vld [tilespmem:s25+$0x780];
	_ =	sdelay $0x2  }
0xf5: {  	p0 =	sne.s32 s24, $0x100  }
.Ltmp10:
0xf6: {  	_ = 	snop;
	(pc) =	sbr.rel @p0 .LBB2_22-.Ltmp10, $2  }
0xf7: {  	_ =	sdelay $0x2  }
0xf8: {  	s24 =	sadd.s32 $0x40, s24;
	[tilespmem:v2+s16+$0x0] =	vst.idx.add.f32.msk $0xffff, v1  }
0xf9: {  	[tilespmem:s2], [sflag:$0x1] =	stream.linear.gather [hbm4b:s8+s2], $0x7D0, $0x38;
	[tilespmem:$0x4510] =	vst v63  }
0xfa: {  	_ =	swait.ge [sflag:s15], $0x7D0  }
0xfb: {  	[sflag:s15] =	ssyncset.done $0x0  }
0xfc: {  	s24 =	simm.s32 $0x40;
	[sflag:s15] =	ssyncadd.s32 $0xFFFFF830  }
0xfd: {  	v3 =	vld [tilespmem:s24+$0xFFFFFFC0]  }
0xfe: {  	v4 =	vld [tilespmem:s24+$0x30]  }
0xff: {  	v5 =	vld [tilespmem:s24+$0x20]  }
0x100: {  	v6 =	vld [tilespmem:s24+$0x10]  }
0x101: {  	v7 =	vld [tilespmem:s24+$0x0]  }
0x102: {  	v8 =	vld [tilespmem:s24+$0xFFFFFFF0]  }
0x103: {  	v9 =	vld [tilespmem:s24+$0xFFFFFFE0]  }
0x104: {  	v2 =	vld [tilespmem:s24+$0xFFFFFFD0]  }
0x105: {  	[tilespmem:v3+s16+$0x0] =	vst.idx.add.f32.msk $0xffff, v1  }
0x106: {  	[tilespmem:v4+s16+$0x0] =	vst.idx.add.f32.msk $0xffff, v1  }
0x107: {  	[tilespmem:v5+s16+$0x0] =	vst.idx.add.f32.msk $0xffff, v1  }
0x108: {  	[tilespmem:v6+s16+$0x0] =	vst.idx.add.f32.msk $0xffff, v1  }
0x109: {  	[tilespmem:v7+s16+$0x0] =	vst.idx.add.f32.msk $0xffff, v1  }
0x10a: {  	[tilespmem:v8+s16+$0x0] =	vst.idx.add.f32.msk $0xffff, v1  }
0x10b: {  	s25 =	simm.s32 $0x0;
	[tilespmem:v9+s16+$0x0] =	vst.idx.add.f32.msk $0xffff, v1  }
.LBB2_24:
0x10c: {  	s25 =	sadd.s32 $0x8, s25;
	[tilespmem:v2+s16+$0x0] =	vst.idx.add.f32.msk $0xffff, v1;
	s24 =	sadd.s32 $0x80, s24  }
0x10d: {  	v3 =	vld [tilespmem:s24+$0xFFFFFFC0];
	p0 =	slt.u32 s25, $0x70  }
0x10e: {  	v4 =	vld [tilespmem:s24+$0x30]  }
0x10f: {  	v5 =	vld [tilespmem:s24+$0x20]  }
0x110: {  	v6 =	vld [tilespmem:s24+$0x10]  }
0x111: {  	v7 =	vld [tilespmem:s24+$0x0]  }
0x112: {  	v8 =	vld [tilespmem:s24+$0xFFFFFFF0]  }
0x113: {  	v9 =	vld [tilespmem:s24+$0xFFFFFFE0]  }
0x114: {  	v2 =	vld [tilespmem:s24+$0xFFFFFFD0]  }
0x115: {  	[tilespmem:v3+s16+$0x0] =	vst.idx.add.f32.msk $0xffff, v1  }
0x116: {  	[tilespmem:v4+s16+$0x0] =	vst.idx.add.f32.msk $0xffff, v1  }
.Ltmp11:
0x117: {  	[tilespmem:v5+s16+$0x0] =	vst.idx.add.f32.msk $0xffff, v1;
	(pc) =	sbr.rel @p0 .LBB2_24-.Ltmp11, $4  }
0x118: {  	[tilespmem:v6+s16+$0x0] =	vst.idx.add.f32.msk $0xffff, v1  }
0x119: {  	[tilespmem:v7+s16+$0x0] =	vst.idx.add.f32.msk $0xffff, v1  }
0x11a: {  	[tilespmem:v8+s16+$0x0] =	vst.idx.add.f32.msk $0xffff, v1  }
0x11b: {  	[tilespmem:v9+s16+$0x0] =	vst.idx.add.f32.msk $0xffff, v1  }
0x11c: {  	_ =	sdelay $0x3  }
0x11d: {  	[tilespmem:v2+s16+$0x0] =	vst.idx.add.f32.msk $0xffff, v1;
	s24 =	simm.s32 $0x0  }
.LBB2_26:
0x11e: {  	s25 =	sshra.s32 s24, $0x2  }
0x11f: {  	v2 =	vld [tilespmem:s25+$0x780];
	_ =	sdelay $0x2  }
0x120: {  	p0 =	sne.s32 s24, $0x100  }
.Ltmp12:
0x121: {  	_ = 	snop;
	(pc) =	sbr.rel @p0 .LBB2_26-.Ltmp12, $2  }
0x122: {  	_ =	sdelay $0x2  }
0x123: {  	s24 =	sadd.s32 $0x40, s24;
	[tilespmem:v2+s16+$0x0] =	vst.idx.add.f32.msk $0xffff, v1  }
0x124: {  	[tilespmem:s2], [sflag:$0x1] =	stream.linear.gather [hbm4b:s9+s2], $0x7D0, $0x38;
	[tilespmem:$0x4510] =	vst v63  }
0x125: {  	_ =	swait.ge [sflag:s15], $0x7D0  }
0x126: {  	[sflag:s15] =	ssyncset.done $0x0  }
0x127: {  	s24 =	simm.s32 $0x40;
	[sflag:s15] =	ssyncadd.s32 $0xFFFFF830  }
0x128: {  	v3 =	vld [tilespmem:s24+$0xFFFFFFC0]  }
0x129: {  	v4 =	vld [tilespmem:s24+$0x30]  }
0x12a: {  	v5 =	vld [tilespmem:s24+$0x20]  }
0x12b: {  	v6 =	vld [tilespmem:s24+$0x10]  }
0x12c: {  	v7 =	vld [tilespmem:s24+$0x0]  }
0x12d: {  	v8 =	vld [tilespmem:s24+$0xFFFFFFF0]  }
0x12e: {  	v9 =	vld [tilespmem:s24+$0xFFFFFFE0]  }
0x12f: {  	v2 =	vld [tilespmem:s24+$0xFFFFFFD0]  }
0x130: {  	[tilespmem:v3+s16+$0x0] =	vst.idx.add.f32.msk $0xffff, v1  }
0x131: {  	[tilespmem:v4+s16+$0x0] =	vst.idx.add.f32.msk $0xffff, v1  }
0x132: {  	[tilespmem:v5+s16+$0x0] =	vst.idx.add.f32.msk $0xffff, v1  }
0x133: {  	[tilespmem:v6+s16+$0x0] =	vst.idx.add.f32.msk $0xffff, v1  }
0x134: {  	[tilespmem:v7+s16+$0x0] =	vst.idx.add.f32.msk $0xffff, v1  }
0x135: {  	[tilespmem:v8+s16+$0x0] =	vst.idx.add.f32.msk $0xffff, v1  }
0x136: {  	s25 =	simm.s32 $0x0;
	[tilespmem:v9+s16+$0x0] =	vst.idx.add.f32.msk $0xffff, v1  }
.LBB2_28:
0x137: {  	s25 =	sadd.s32 $0x8, s25;
	[tilespmem:v2+s16+$0x0] =	vst.idx.add.f32.msk $0xffff, v1;
	s24 =	sadd.s32 $0x80, s24  }
0x138: {  	v3 =	vld [tilespmem:s24+$0xFFFFFFC0];
	p0 =	slt.u32 s25, $0x70  }
0x139: {  	v4 =	vld [tilespmem:s24+$0x30]  }
0x13a: {  	v5 =	vld [tilespmem:s24+$0x20]  }
0x13b: {  	v6 =	vld [tilespmem:s24+$0x10]  }
0x13c: {  	v7 =	vld [tilespmem:s24+$0x0]  }
0x13d: {  	v8 =	vld [tilespmem:s24+$0xFFFFFFF0]  }
0x13e: {  	v9 =	vld [tilespmem:s24+$0xFFFFFFE0]  }
0x13f: {  	v2 =	vld [tilespmem:s24+$0xFFFFFFD0]  }
0x140: {  	[tilespmem:v3+s16+$0x0] =	vst.idx.add.f32.msk $0xffff, v1  }
0x141: {  	[tilespmem:v4+s16+$0x0] =	vst.idx.add.f32.msk $0xffff, v1  }
.Ltmp13:
0x142: {  	[tilespmem:v5+s16+$0x0] =	vst.idx.add.f32.msk $0xffff, v1;
	(pc) =	sbr.rel @p0 .LBB2_28-.Ltmp13, $4  }
0x143: {  	[tilespmem:v6+s16+$0x0] =	vst.idx.add.f32.msk $0xffff, v1  }
0x144: {  	[tilespmem:v7+s16+$0x0] =	vst.idx.add.f32.msk $0xffff, v1  }
0x145: {  	[tilespmem:v8+s16+$0x0] =	vst.idx.add.f32.msk $0xffff, v1  }
0x146: {  	[tilespmem:v9+s16+$0x0] =	vst.idx.add.f32.msk $0xffff, v1  }
0x147: {  	_ =	sdelay $0x3  }
0x148: {  	[tilespmem:v2+s16+$0x0] =	vst.idx.add.f32.msk $0xffff, v1;
	s24 =	simm.s32 $0x0  }
.LBB2_30:
0x149: {  	s25 =	sshra.s32 s24, $0x2  }
0x14a: {  	v2 =	vld [tilespmem:s25+$0x780];
	_ =	sdelay $0x2  }
0x14b: {  	p0 =	sne.s32 s24, $0x100  }
.Ltmp14:
0x14c: {  	_ = 	snop;
	(pc) =	sbr.rel @p0 .LBB2_30-.Ltmp14, $2  }
0x14d: {  	_ =	sdelay $0x2  }
0x14e: {  	s24 =	sadd.s32 $0x40, s24;
	[tilespmem:v2+s16+$0x0] =	vst.idx.add.f32.msk $0xffff, v1  }
0x14f: {  	[tilespmem:s2], [sflag:$0x1] =	stream.linear.gather [hbm4b:s10+s2], $0x7D0, $0x38;
	[tilespmem:$0x4510] =	vst v63  }
0x150: {  	_ =	swait.ge [sflag:s15], $0x7D0  }
0x151: {  	[sflag:s15] =	ssyncset.done $0x0  }
0x152: {  	s24 =	simm.s32 $0x40;
	[sflag:s15] =	ssyncadd.s32 $0xFFFFF830  }
0x153: {  	v3 =	vld [tilespmem:s24+$0xFFFFFFC0]  }
0x154: {  	v4 =	vld [tilespmem:s24+$0x30]  }
0x155: {  	v5 =	vld [tilespmem:s24+$0x20]  }
0x156: {  	v6 =	vld [tilespmem:s24+$0x10]  }
0x157: {  	v7 =	vld [tilespmem:s24+$0x0]  }
0x158: {  	v8 =	vld [tilespmem:s24+$0xFFFFFFF0]  }
0x159: {  	v9 =	vld [tilespmem:s24+$0xFFFFFFE0]  }
0x15a: {  	v2 =	vld [tilespmem:s24+$0xFFFFFFD0]  }
0x15b: {  	[tilespmem:v3+s16+$0x0] =	vst.idx.add.f32.msk $0xffff, v1  }
0x15c: {  	[tilespmem:v4+s16+$0x0] =	vst.idx.add.f32.msk $0xffff, v1  }
0x15d: {  	[tilespmem:v5+s16+$0x0] =	vst.idx.add.f32.msk $0xffff, v1  }
0x15e: {  	[tilespmem:v6+s16+$0x0] =	vst.idx.add.f32.msk $0xffff, v1  }
0x15f: {  	[tilespmem:v7+s16+$0x0] =	vst.idx.add.f32.msk $0xffff, v1  }
0x160: {  	[tilespmem:v8+s16+$0x0] =	vst.idx.add.f32.msk $0xffff, v1  }
0x161: {  	s25 =	simm.s32 $0x0;
	[tilespmem:v9+s16+$0x0] =	vst.idx.add.f32.msk $0xffff, v1  }
.LBB2_32:
0x162: {  	s25 =	sadd.s32 $0x8, s25;
	[tilespmem:v2+s16+$0x0] =	vst.idx.add.f32.msk $0xffff, v1;
	s24 =	sadd.s32 $0x80, s24  }
0x163: {  	v3 =	vld [tilespmem:s24+$0xFFFFFFC0];
	p0 =	slt.u32 s25, $0x70  }
0x164: {  	v4 =	vld [tilespmem:s24+$0x30]  }
0x165: {  	v5 =	vld [tilespmem:s24+$0x20]  }
0x166: {  	v6 =	vld [tilespmem:s24+$0x10]  }
0x167: {  	v7 =	vld [tilespmem:s24+$0x0]  }
0x168: {  	v8 =	vld [tilespmem:s24+$0xFFFFFFF0]  }
0x169: {  	v9 =	vld [tilespmem:s24+$0xFFFFFFE0]  }
0x16a: {  	v2 =	vld [tilespmem:s24+$0xFFFFFFD0]  }
0x16b: {  	[tilespmem:v3+s16+$0x0] =	vst.idx.add.f32.msk $0xffff, v1  }
0x16c: {  	[tilespmem:v4+s16+$0x0] =	vst.idx.add.f32.msk $0xffff, v1  }
.Ltmp15:
0x16d: {  	[tilespmem:v5+s16+$0x0] =	vst.idx.add.f32.msk $0xffff, v1;
	(pc) =	sbr.rel @p0 .LBB2_32-.Ltmp15, $4  }
0x16e: {  	[tilespmem:v6+s16+$0x0] =	vst.idx.add.f32.msk $0xffff, v1  }
0x16f: {  	[tilespmem:v7+s16+$0x0] =	vst.idx.add.f32.msk $0xffff, v1  }
0x170: {  	[tilespmem:v8+s16+$0x0] =	vst.idx.add.f32.msk $0xffff, v1  }
0x171: {  	[tilespmem:v9+s16+$0x0] =	vst.idx.add.f32.msk $0xffff, v1  }
0x172: {  	_ =	sdelay $0x3  }
0x173: {  	[tilespmem:v2+s16+$0x0] =	vst.idx.add.f32.msk $0xffff, v1;
	s24 =	simm.s32 $0x0  }
.LBB2_34:
0x174: {  	s25 =	sshra.s32 s24, $0x2  }
0x175: {  	v2 =	vld [tilespmem:s25+$0x780];
	_ =	sdelay $0x2  }
0x176: {  	p0 =	sne.s32 s24, $0x100  }
.Ltmp16:
0x177: {  	_ = 	snop;
	(pc) =	sbr.rel @p0 .LBB2_34-.Ltmp16, $2  }
0x178: {  	_ =	sdelay $0x2  }
0x179: {  	s24 =	sadd.s32 $0x40, s24;
	[tilespmem:v2+s16+$0x0] =	vst.idx.add.f32.msk $0xffff, v1  }
0x17a: {  	[tilespmem:s2], [sflag:$0x1] =	stream.linear.gather [hbm4b:s11+s2], $0x7D0, $0x38;
	[tilespmem:$0x4510] =	vst v63  }
0x17b: {  	_ =	swait.ge [sflag:s15], $0x7D0  }
0x17c: {  	[sflag:s15] =	ssyncset.done $0x0  }
0x17d: {  	s24 =	simm.s32 $0x40;
	[sflag:s15] =	ssyncadd.s32 $0xFFFFF830  }
0x17e: {  	v3 =	vld [tilespmem:s24+$0xFFFFFFC0]  }
0x17f: {  	v4 =	vld [tilespmem:s24+$0x30]  }
0x180: {  	v5 =	vld [tilespmem:s24+$0x20]  }
0x181: {  	v6 =	vld [tilespmem:s24+$0x10]  }
0x182: {  	v7 =	vld [tilespmem:s24+$0x0]  }
0x183: {  	v8 =	vld [tilespmem:s24+$0xFFFFFFF0]  }
0x184: {  	v9 =	vld [tilespmem:s24+$0xFFFFFFE0]  }
0x185: {  	v2 =	vld [tilespmem:s24+$0xFFFFFFD0]  }
0x186: {  	[tilespmem:v3+s16+$0x0] =	vst.idx.add.f32.msk $0xffff, v1  }
0x187: {  	[tilespmem:v4+s16+$0x0] =	vst.idx.add.f32.msk $0xffff, v1  }
0x188: {  	[tilespmem:v5+s16+$0x0] =	vst.idx.add.f32.msk $0xffff, v1  }
0x189: {  	[tilespmem:v6+s16+$0x0] =	vst.idx.add.f32.msk $0xffff, v1  }
0x18a: {  	[tilespmem:v7+s16+$0x0] =	vst.idx.add.f32.msk $0xffff, v1  }
0x18b: {  	[tilespmem:v8+s16+$0x0] =	vst.idx.add.f32.msk $0xffff, v1  }
0x18c: {  	s25 =	simm.s32 $0x0;
	[tilespmem:v9+s16+$0x0] =	vst.idx.add.f32.msk $0xffff, v1  }
.LBB2_36:
0x18d: {  	s25 =	sadd.s32 $0x8, s25;
	[tilespmem:v2+s16+$0x0] =	vst.idx.add.f32.msk $0xffff, v1;
	s24 =	sadd.s32 $0x80, s24  }
0x18e: {  	v3 =	vld [tilespmem:s24+$0xFFFFFFC0];
	p0 =	slt.u32 s25, $0x70  }
0x18f: {  	v4 =	vld [tilespmem:s24+$0x30]  }
0x190: {  	v5 =	vld [tilespmem:s24+$0x20]  }
0x191: {  	v6 =	vld [tilespmem:s24+$0x10]  }
0x192: {  	v7 =	vld [tilespmem:s24+$0x0]  }
0x193: {  	v8 =	vld [tilespmem:s24+$0xFFFFFFF0]  }
0x194: {  	v9 =	vld [tilespmem:s24+$0xFFFFFFE0]  }
0x195: {  	v2 =	vld [tilespmem:s24+$0xFFFFFFD0]  }
0x196: {  	[tilespmem:v3+s16+$0x0] =	vst.idx.add.f32.msk $0xffff, v1  }
0x197: {  	[tilespmem:v4+s16+$0x0] =	vst.idx.add.f32.msk $0xffff, v1  }
.Ltmp17:
0x198: {  	[tilespmem:v5+s16+$0x0] =	vst.idx.add.f32.msk $0xffff, v1;
	(pc) =	sbr.rel @p0 .LBB2_36-.Ltmp17, $4  }
0x199: {  	[tilespmem:v6+s16+$0x0] =	vst.idx.add.f32.msk $0xffff, v1  }
0x19a: {  	[tilespmem:v7+s16+$0x0] =	vst.idx.add.f32.msk $0xffff, v1  }
0x19b: {  	[tilespmem:v8+s16+$0x0] =	vst.idx.add.f32.msk $0xffff, v1  }
0x19c: {  	[tilespmem:v9+s16+$0x0] =	vst.idx.add.f32.msk $0xffff, v1  }
0x19d: {  	_ =	sdelay $0x3  }
0x19e: {  	[tilespmem:v2+s16+$0x0] =	vst.idx.add.f32.msk $0xffff, v1;
	s24 =	simm.s32 $0x0  }
.LBB2_38:
0x19f: {  	s25 =	sshra.s32 s24, $0x2  }
0x1a0: {  	v2 =	vld [tilespmem:s25+$0x780];
	_ =	sdelay $0x2  }
0x1a1: {  	p0 =	sne.s32 s24, $0x100  }
.Ltmp18:
0x1a2: {  	_ = 	snop;
	(pc) =	sbr.rel @p0 .LBB2_38-.Ltmp18, $2  }
0x1a3: {  	_ =	sdelay $0x2  }
0x1a4: {  	s24 =	sadd.s32 $0x40, s24;
	[tilespmem:v2+s16+$0x0] =	vst.idx.add.f32.msk $0xffff, v1  }
0x1a5: {  	[tilespmem:s2], [sflag:$0x1] =	stream.linear.gather [hbm4b:s12+s2], $0x7D0, $0x38;
	[tilespmem:$0x4510] =	vst v63  }
0x1a6: {  	_ =	swait.ge [sflag:s15], $0x7D0  }
0x1a7: {  	[sflag:s15] =	ssyncset.done $0x0  }
0x1a8: {  	s24 =	simm.s32 $0x40;
	[sflag:s15] =	ssyncadd.s32 $0xFFFFF830  }
0x1a9: {  	v3 =	vld [tilespmem:s24+$0xFFFFFFC0]  }
0x1aa: {  	v4 =	vld [tilespmem:s24+$0x30]  }
0x1ab: {  	v5 =	vld [tilespmem:s24+$0x20]  }
0x1ac: {  	v6 =	vld [tilespmem:s24+$0x10]  }
0x1ad: {  	v7 =	vld [tilespmem:s24+$0x0]  }
0x1ae: {  	v8 =	vld [tilespmem:s24+$0xFFFFFFF0]  }
0x1af: {  	v9 =	vld [tilespmem:s24+$0xFFFFFFE0]  }
0x1b0: {  	v2 =	vld [tilespmem:s24+$0xFFFFFFD0]  }
0x1b1: {  	[tilespmem:v3+s16+$0x0] =	vst.idx.add.f32.msk $0xffff, v1  }
0x1b2: {  	[tilespmem:v4+s16+$0x0] =	vst.idx.add.f32.msk $0xffff, v1  }
0x1b3: {  	[tilespmem:v5+s16+$0x0] =	vst.idx.add.f32.msk $0xffff, v1  }
0x1b4: {  	[tilespmem:v6+s16+$0x0] =	vst.idx.add.f32.msk $0xffff, v1  }
0x1b5: {  	[tilespmem:v7+s16+$0x0] =	vst.idx.add.f32.msk $0xffff, v1  }
0x1b6: {  	[tilespmem:v8+s16+$0x0] =	vst.idx.add.f32.msk $0xffff, v1  }
0x1b7: {  	s25 =	simm.s32 $0x0;
	[tilespmem:v9+s16+$0x0] =	vst.idx.add.f32.msk $0xffff, v1  }
.LBB2_40:
0x1b8: {  	s25 =	sadd.s32 $0x8, s25;
	[tilespmem:v2+s16+$0x0] =	vst.idx.add.f32.msk $0xffff, v1;
	s24 =	sadd.s32 $0x80, s24  }
0x1b9: {  	v3 =	vld [tilespmem:s24+$0xFFFFFFC0];
	p0 =	slt.u32 s25, $0x70  }
0x1ba: {  	v4 =	vld [tilespmem:s24+$0x30]  }
0x1bb: {  	v5 =	vld [tilespmem:s24+$0x20]  }
0x1bc: {  	v6 =	vld [tilespmem:s24+$0x10]  }
0x1bd: {  	v7 =	vld [tilespmem:s24+$0x0]  }
0x1be: {  	v8 =	vld [tilespmem:s24+$0xFFFFFFF0]  }
0x1bf: {  	v9 =	vld [tilespmem:s24+$0xFFFFFFE0]  }
0x1c0: {  	v2 =	vld [tilespmem:s24+$0xFFFFFFD0]  }
0x1c1: {  	[tilespmem:v3+s16+$0x0] =	vst.idx.add.f32.msk $0xffff, v1  }
0x1c2: {  	[tilespmem:v4+s16+$0x0] =	vst.idx.add.f32.msk $0xffff, v1  }
.Ltmp19:
0x1c3: {  	[tilespmem:v5+s16+$0x0] =	vst.idx.add.f32.msk $0xffff, v1;
	(pc) =	sbr.rel @p0 .LBB2_40-.Ltmp19, $4  }
0x1c4: {  	[tilespmem:v6+s16+$0x0] =	vst.idx.add.f32.msk $0xffff, v1  }
0x1c5: {  	[tilespmem:v7+s16+$0x0] =	vst.idx.add.f32.msk $0xffff, v1  }
0x1c6: {  	[tilespmem:v8+s16+$0x0] =	vst.idx.add.f32.msk $0xffff, v1  }
0x1c7: {  	[tilespmem:v9+s16+$0x0] =	vst.idx.add.f32.msk $0xffff, v1  }
0x1c8: {  	_ =	sdelay $0x3  }
0x1c9: {  	[tilespmem:v2+s16+$0x0] =	vst.idx.add.f32.msk $0xffff, v1;
	s24 =	simm.s32 $0x0  }
.LBB2_42:
0x1ca: {  	s25 =	sshra.s32 s24, $0x2  }
0x1cb: {  	v2 =	vld [tilespmem:s25+$0x780];
	_ =	sdelay $0x2  }
0x1cc: {  	p0 =	sne.s32 s24, $0x100  }
.Ltmp20:
0x1cd: {  	_ = 	snop;
	(pc) =	sbr.rel @p0 .LBB2_42-.Ltmp20, $2  }
0x1ce: {  	_ =	sdelay $0x2  }
0x1cf: {  	s24 =	sadd.s32 $0x40, s24;
	[tilespmem:v2+s16+$0x0] =	vst.idx.add.f32.msk $0xffff, v1  }
0x1d0: {  	s24 =	simm.s32 $0x0  }
0x1d1: {  	[hbm4b:s17+s24] =	stream.linear.scatter [tilespmem:s16], [sflag:$0x1], $0x2800, $0x38;
	[tilespmem:$0x4510] =	vst v63  }
0x1d2: {  	_ =	swait.ge [sflag:s15], $0x2800  }
0x1d3: {  	[sflag:s15] =	ssyncset.done $0x0  }
0x1d4: {  	[sflag:s15] =	ssyncadd.s32 $0xFFFFD800  }
0x1d5: {  	[bflag:$0x0] =	sbarrier.arrive $0xFFFF  }
0x1d6: {  	[tilespmem:s21], [sflag:$0x1] =	stream.strided.gather [hbm4b:s18+s19], $0x1400, s20, s19, $0x38;
	[tilespmem:$0x4510] =	vst v63  }
0x1d7: {  	_ =	swait.ge [sflag:s15], $0x1400  }
0x1d8: {  	[sflag:s15] =	ssyncset.done $0x0  }
0x1d9: {  	s26 =	simm.s32 $0x0;
	[sflag:s15] =	ssyncadd.s32 $0xFFFFEC00  }
0x1da: {  	v2 =	vld [tilespmem:s26+$0x2FD0];
	_ =	sdelay $0x1  }
0x1db: {  	v3 =	vld [tilespmem:s26+$0x3110];
	_ =	sdelay $0x1  }
0x1dc: {  	v4 =	vld [tilespmem:s26+$0x3250]  }
0x1dd: {  	v2 =	vadd.f32 $1.000000000e+00, v2  }
0x1de: {  	v5 =	vld [tilespmem:s26+$0x3390]  }
0x1df: {  	v2 =	vadd.f32 v3, v2  }
0x1e0: {  	v3 =	vld [tilespmem:s26+$0x34D0]  }
0x1e1: {  	v2 =	vadd.f32 v4, v2  }
0x1e2: {  	v4 =	vld [tilespmem:s26+$0x3610]  }
0x1e3: {  	v2 =	vadd.f32 v5, v2  }
0x1e4: {  	v5 =	vld [tilespmem:s26+$0x3750]  }
0x1e5: {  	v6 =	vld [tilespmem:s26+$0x39D0];
	v2 =	vadd.f32 v3, v2  }
0x1e6: {  	v3 =	vld [tilespmem:s26+$0x3890]  }
0x1e7: {  	s24 =	simm.s32 $0x10;
	v7 =	vld [tilespmem:s26+$0x3B10];
	v2 =	vadd.f32 v4, v2  }
0x1e8: {  	v4 =	vld [tilespmem:s24+$0x2FD0]  }
0x1e9: {  	v8 =	vld [tilespmem:s26+$0x3C50];
	v2 =	vadd.f32 v5, v2  }
0x1ea: {  	v5 =	vld [tilespmem:s24+$0x3110]  }
0x1eb: {  	v9 =	vld [tilespmem:s26+$0x3D90];
	v2 =	vadd.f32 v3, v2  }
0x1ec: {  	v3 =	vld [tilespmem:s24+$0x3250]  }
0x1ed: {  	v10 =	vld [tilespmem:s26+$0x4290];
	v4 =	vadd.f32 $1.000000000e+00, v4;
	v2 =	vadd.f32 v6, v2  }
0x1ee: {  	v6 =	vld [tilespmem:s24+$0x3390]  }
0x1ef: {  	v4 =	vadd.f32 v5, v4;
	v5 =	vld [tilespmem:s24+$0x34D0];
	v2 =	vadd.f32 v7, v2  }
0x1f0: {  	v7 =	vld [tilespmem:s26+$0x3ED0]  }
0x1f1: {  	v3 =	vadd.f32 v3, v4;
	v4 =	vld [tilespmem:s24+$0x3610];
	v2 =	vadd.f32 v8, v2  }
0x1f2: {  	v8 =	vld [tilespmem:s26+$0x4010]  }
0x1f3: {  	v3 =	vadd.f32 v6, v3;
	v6 =	vld [tilespmem:s24+$0x3750];
	v2 =	vadd.f32 v9, v2  }
0x1f4: {  	s25 =	simm.s32 $0x20;
	v9 =	vld [tilespmem:s26+$0x4150]  }
0x1f5: {  	v11 =	vld [tilespmem:s25+$0x3390];
	v3 =	vadd.f32 v5, v3;
	v2 =	vadd.f32 v7, v2  }
0x1f6: {  	v5 =	vld [tilespmem:s24+$0x3890]  }
0x1f7: {  	v3 =	vadd.f32 v4, v3;
	v4 =	vld [tilespmem:s25+$0x2FD0];
	v2 =	vadd.f32 v8, v2  }
0x1f8: {  	v7 =	vld [tilespmem:s24+$0x39D0]  }
0x1f9: {  	v3 =	vadd.f32 v6, v3;
	v6 =	vld [tilespmem:s25+$0x3110];
	v2 =	vadd.f32 v9, v2  }
0x1fa: {  	v8 =	vld [tilespmem:s24+$0x3B10]  }
0x1fb: {  	v3 =	vadd.f32 v5, v3;
	v5 =	vld [tilespmem:s25+$0x3250];
	v2 =	vadd.f32 v10, v2  }
0x1fc: {  	v9 =	vld [tilespmem:s24+$0x3C50];
	v4 =	vadd.f32 $1.000000000e+00, v4  }
0x1fd: {  	v13 =	vld [tilespmem:s24+$0x3ED0];
	v7 =	vadd.f32 v7, v3;
	v3 =	vmul.f32 $5.000000000e-01, v2;
	v12 =	vshrl.u32 v2, $0x1  }
0x1fe: {  	v10 =	vld [tilespmem:s24+$0x3D90];
	v4 =	vadd.f32 v6, v4;
	v6 =	vsub.s32 $0x5F3759DF, v12  }
0x1ff: {  	v7 =	vadd.f32 v8, v7;
	v8 =	vld [tilespmem:s25+$0x34D0];
	v12 =	vmul.f32 v6, v3  }
0x200: {  	v14 =	vld [tilespmem:s25+$0x3610];
	v4 =	vadd.f32 v5, v4  }
0x201: {  	v2 =	vld [tilespmem:s24+$0x4290];
	v5 =	vadd.f32 v9, v7;
	v9 =	vmul.f32 v6, v12  }
0x202: {  	v11 =	vadd.f32 v11, v4;
	v12 =	vld [tilespmem:s24+$0x4010]  }
0x203: {  	v7 =	vld [tilespmem:s25+$0x3750];
	v10 =	vadd.f32 v10, v5;
	v9 =	vsub.f32 $1.500000000e+00, v9  }
0x204: {  	v4 =	vld [tilespmem:s24+$0x4150];
	v8 =	vadd.f32 v8, v11  }
0x205: {  	s28 =	simm.s32 $0x30;
	v5 =	vld [tilespmem:s25+$0x3890];
	v13 =	vadd.f32 v13, v10;
	v9 =	vmul.f32 v6, v9  }
0x206: {  	v11 =	vld [tilespmem:s28+$0x2FD0];
	v10 =	vadd.f32 v14, v8  }
0x207: {  	s29 =	simm.s32 $0x100;
	v6 =	vld [tilespmem:s25+$0x39D0];
	v8 =	vadd.f32 v12, v13;
	v12 =	vmul.f32 v9, v3  }
.LBB2_44:
0x208: {  	p0 =	sne.s32 s29, $0x4C0;
	v7 =	vadd.f32 v7, v10;
	v10 =	vld [tilespmem:s25+$0x3B10];
	s30 =	smov.u32 s25;
	s25 =	smov.u32 s28  }
0x209: {  	v13 =	vld [tilespmem:s25+$0x3110];
	v4 =	vadd.f32 v4, v8;
	v8 =	vmul.f32 v12, v9  }
0x20a: {  	v5 =	vadd.f32 v5, v7;
	v7 =	vld [tilespmem:s30+$0x3C50]  }
0x20b: {  	v12 =	vld [tilespmem:s25+$0x3250];
	v2 =	vadd.f32 v2, v4;
	v4 =	vsub.f32 $1.500000000e+00, v8  }
0x20c: {  	v8 =	vadd.f32 $1.000000000e+00, v11;
	v5 =	vadd.f32 v6, v5;
	v6 =	vld [tilespmem:s30+$0x3D90]  }
0x20d: {  	v11 =	vld [tilespmem:s25+$0x3390];
	v14 =	vmul.f32 $5.000000000e-01, v2;
	v15 =	vshrl.u32 v2, $0x1;
	v16 =	vmul.f32 v4, v9  }
0x20e: {  	v4 =	vadd.f32 v13, v8;
	v5 =	vadd.f32 v10, v5;
	v2 =	vld [tilespmem:s30+$0x4290];
	v8 =	vsub.s32 $0x5F3759DF, v15  }
0x20f: {  	v9 =	vld [tilespmem:s25+$0x34D0];
	v10 =	vmul.f32 v8, v14;
	v13 =	vmul.f32 v16, v3;
	v3 =	vmov v14  }
0x210: {  	v4 =	vadd.f32 v12, v4;
	v5 =	vadd.f32 v7, v5;
	v12 =	vld [tilespmem:s30+$0x3ED0]  }
0x211: {  	v14 =	vld [tilespmem:s25+$0x3610];
	v10 =	vmul.f32 v8, v10;
	v13 =	vmul.f32 v13, v16  }
0x212: {  	v4 =	vadd.f32 v11, v4;
	v6 =	vadd.f32 v6, v5;
	v15 =	vld [tilespmem:s30+$0x4010]  }
.Ltmp21:
0x213: {  	v7 =	vld [tilespmem:s25+$0x3750];
	v10 =	vsub.f32 $1.500000000e+00, v10;
	v11 =	vsub.f32 $1.500000000e+00, v13;
	(pc) =	sbr.rel @p0 .LBB2_44-.Ltmp21, $4  }
0x214: {  	v13 =	vadd.f32 v9, v4;
	v4 =	vld [tilespmem:s30+$0x4150]  }
0x215: {  	v5 =	vld [tilespmem:s25+$0x3890];
	v12 =	vadd.f32 v12, v6;
	v9 =	vmul.f32 v8, v10;
	v16 =	vmul.f32 v11, v16  }
0x216: {  	s28 =	sshra.s32 s29, $0x2;
	v10 =	vadd.f32 v14, v13;
	v6 =	vld [tilespmem:s25+$0x39D0]  }
0x217: {  	s29 =	sadd.s32 $0x40, s29;
	v11 =	vld [tilespmem:s28+$0x2FD0];
	v8 =	vadd.f32 v15, v12;
	v12 =	vmul.f32 v9, v3;
	[tilespmem:s26+$0x43D0] =	vst v16;
	s26 =	smov.u32 s24;
	s24 =	smov.u32 s30  }
0x218: {  	_ = 	snop  }
0x219: {  	v13 =	vld [tilespmem:s28+$0x3110]  }
0x21a: {  	v12 =	vmul.f32 v12, v9  }
0x21b: {  	v15 =	vld [tilespmem:s28+$0x3250]  }
0x21c: {  	v14 =	vld [tilespmem:s25+$0x3B10];
	v12 =	vsub.f32 $1.500000000e+00, v12;
	v11 =	vadd.f32 $1.000000000e+00, v11  }
0x21d: {  	v17 =	vld [tilespmem:s28+$0x3390]  }
0x21e: {  	v16 =	vld [tilespmem:s25+$0x3C50];
	v34 =	vmul.f32 v12, v9;
	v11 =	vadd.f32 v13, v11  }
0x21f: {  	v35 =	vld [tilespmem:s28+$0x34D0]  }
0x220: {  	v18 =	vld [tilespmem:s25+$0x3D90];
	v3 =	vmul.f32 v34, v3;
	v11 =	vadd.f32 v15, v11  }
0x221: {  	v37 =	vld [tilespmem:s28+$0x3610]  }
0x222: {  	v36 =	vld [tilespmem:s25+$0x4290];
	v3 =	vmul.f32 v3, v34;
	v11 =	vadd.f32 v17, v11  }
0x223: {  	v38 =	vld [tilespmem:s28+$0x3750]  }
0x224: {  	v19 =	vld [tilespmem:s25+$0x3ED0];
	v3 =	vsub.f32 $1.500000000e+00, v3;
	v11 =	vadd.f32 v35, v11  }
0x225: {  	v39 =	vld [tilespmem:s28+$0x3890]  }
0x226: {  	v20 =	vld [tilespmem:s25+$0x4010];
	v3 =	vmul.f32 v3, v34;
	v40 =	vadd.f32 v37, v11  }
0x227: {  	v7 =	vadd.f32 v7, v10;
	v42 =	vld [tilespmem:s28+$0x39D0]  }
0x228: {  	v41 =	vld [tilespmem:s25+$0x4150];
	[tilespmem:s26+$0x43D0] =	vst v3;
	v3 =	vadd.f32 v38, v40  }
0x229: {  	v5 =	vadd.f32 v5, v7;
	v43 =	vld [tilespmem:s28+$0x3B10]  }
0x22a: {  	v3 =	vadd.f32 v39, v3  }
0x22b: {  	v5 =	vadd.f32 v6, v5;
	v44 =	vld [tilespmem:s28+$0x3C50]  }
0x22c: {  	v3 =	vadd.f32 v42, v3  }
0x22d: {  	v5 =	vadd.f32 v14, v5;
	v45 =	vld [tilespmem:s28+$0x3D90]  }
0x22e: {  	v3 =	vadd.f32 v43, v3  }
0x22f: {  	v5 =	vadd.f32 v16, v5;
	v46 =	vld [tilespmem:s28+$0x3ED0]  }
0x230: {  	v3 =	vadd.f32 v44, v3  }
0x231: {  	v5 =	vadd.f32 v18, v5;
	v47 =	vld [tilespmem:s28+$0x4010]  }
0x232: {  	v3 =	vadd.f32 v45, v3  }
0x233: {  	v5 =	vadd.f32 v19, v5;
	v48 =	vld [tilespmem:s28+$0x4150]  }
0x234: {  	v3 =	vadd.f32 v46, v3  }
0x235: {  	v4 =	vadd.f32 v4, v8;
	v5 =	vadd.f32 v20, v5;
	v49 =	vld [tilespmem:s28+$0x4290]  }
0x236: {  	v3 =	vadd.f32 v47, v3  }
0x237: {  	v2 =	vadd.f32 v2, v4;
	v50 =	vadd.f32 v41, v5  }
0x238: {  	v3 =	vadd.f32 v48, v3  }
0x239: {  	v51 =	vmul.f32 $5.000000000e-01, v2;
	v2 =	vshrl.u32 v2, $0x1;
	v4 =	vadd.f32 v36, v50  }
0x23a: {  	v2 =	vsub.s32 $0x5F3759DF, v2;
	v3 =	vadd.f32 v49, v3  }
0x23b: {  	v52 =	vmul.f32 v2, v51;
	v53 =	vmul.f32 $5.000000000e-01, v4;
	v4 =	vshrl.u32 v4, $0x1  }
0x23c: {  	v4 =	vsub.s32 $0x5F3759DF, v4;
	v54 =	vmul.f32 $5.000000000e-01, v3;
	v3 =	vshrl.u32 v3, $0x1  }
0x23d: {  	v55 =	vmul.f32 v4, v53;
	v3 =	vsub.s32 $0x5F3759DF, v3  }
0x23e: {  	v6 =	vmul.f32 v2, v52;
	v56 =	vmul.f32 v3, v54  }
0x23f: {  	v9 =	vmul.f32 v4, v55  }
0x240: {  	v6 =	vsub.f32 $1.500000000e+00, v6;
	v10 =	vmul.f32 v3, v56  }
0x241: {  	v9 =	vsub.f32 $1.500000000e+00, v9  }
0x242: {  	v2 =	vmul.f32 v2, v6;
	v57 =	vsub.f32 $1.500000000e+00, v10  }
0x243: {  	v4 =	vmul.f32 v4, v9  }
0x244: {  	v58 =	vmul.f32 v2, v51;
	v3 =	vmul.f32 v3, v57  }
0x245: {  	v59 =	vmul.f32 v4, v53  }
0x246: {  	v9 =	vmul.f32 v58, v2;
	v60 =	vmul.f32 v3, v54  }
0x247: {  	v6 =	vmul.f32 v59, v4  }
0x248: {  	v9 =	vsub.f32 $1.500000000e+00, v9;
	v10 =	vmul.f32 v60, v3  }
0x249: {  	v6 =	vsub.f32 $1.500000000e+00, v6  }
0x24a: {  	v2 =	vmul.f32 v9, v2;
	v61 =	vsub.f32 $1.500000000e+00, v10  }
0x24b: {  	v4 =	vmul.f32 v6, v4  }
0x24c: {  	v5 =	vmul.f32 v2, v51;
	v3 =	vmul.f32 v61, v3  }
0x24d: {  	v6 =	vmul.f32 v4, v53  }
0x24e: {  	v5 =	vmul.f32 v5, v2;
	v62 =	vmul.f32 v3, v54  }
0x24f: {  	v6 =	vmul.f32 v6, v4  }
0x250: {  	v5 =	vsub.f32 $1.500000000e+00, v5;
	v7 =	vmul.f32 v62, v3  }
0x251: {  	v6 =	vsub.f32 $1.500000000e+00, v6  }
0x252: {  	v2 =	vmul.f32 v5, v2;
	v63 =	vsub.f32 $1.500000000e+00, v7  }
0x253: {  	v4 =	vmul.f32 v6, v4  }
0x254: {  	s23 =	sadd.s32 $0x1, s23;
	[tilespmem:s24+$0x43D0] =	vst v2;
	v2 =	vmul.f32 v63, v3  }
0x255: {  	p0 =	sne.s32 s23, s14;
	[tilespmem:s25+$0x43D0] =	vst v4  }
.Ltmp22:
0x256: {  	[tilespmem:s28+$0x43D0] =	vst v2;
	(pc) =	sbr.rel @p0 .LBB2_1-.Ltmp22, $4  }
0x257: {  	[hbm4b:s13+s2] =	stream.linear.scatter [tilespmem:s22], [sflag:$0x1], $0x140, $0x38;
	[tilespmem:$0x4510] =	vst v63  }
0x258: {  	_ =	swait.ge [sflag:s15], $0x140  }
0x259: {  	[sflag:s15] =	ssyncset.done $0x0  }
0x25a: {  	[sflag:s15] =	ssyncadd.s32 $0xFFFFFEC0  }
0x25b: {  	_ =	sfence.sel $0x180000  }
0x25c: {  	[bflag:$0x0] =	sbarrier.arrive $0xFFFF  }
0x25d: {  	p0 =	sne.s32 s1, $0x0;
	_ =	strace $0x90000047  }
0x25e: {  	s0 =	sadd.s32 @!p0 $0x100000, s0;
	[bflag:$0x2] =	sbarrier.arrive $0xFFFF  }
0x25f: {  	[sflag:s0] =	ssyncadd.tile.s32 @!p0 $0x1;
	_ =	shalt  }
.Lfunc_end2:
_tile_overlayer_lowered:
.L_overlay_start_2:
0x260: {  	(tag) =	ssettag $0x2  }
0x261: {  	s0 =	rddreg [dreg:$0x0];
	s2 =	stileid.u32  }
0x262: {  	s1 =	rddreg [dreg:$0x1];
	p0 =	sne.s32 s2, $0x0  }
0x263: {  	s3 =	rddreg [dreg:$0x2];
	[bflag:$0x3] =	sbarrier.arrive $0xFFFF;
	s2 =	simm.s32 @!p0 $0x1C01  }
0x264: {  	[timem:s3], [sflag:s2] =	dma.local @!p0 [hbm:s0], s1  }
0x265: {  	s0 =	simm.s32 @!p0 $0x1  }
0x266: {  	_ =	swait.ge @!p0 [sflag:s0], s1  }
0x267: {  	s1 =	ssub.s32 @!p0 $0x0, s1;
	[sflag:s0] =	ssyncset.done @!p0 $0x0  }
0x268: {  	[sflag:s0] =	ssyncadd.s32 @!p0 s1  }
0x269: {  	[bflag:$0x3] =	sbarrier.arrive $0xFFFF  }
0x26a: {  	_ =	shalt  }

// kernel: kernel.9.cloned.1.call-start
scs
__scs_entry_jumppad:
0x0: {  	(pc) =	sbr.rel $0x88, $3  }
0x1: {  	(tag) =	ssettag $0x0;
	lr =	simm.s32 $0x1  }
0x2: {  	[smem:$0x3F99] =	sst lr;
	_ =	strace $0xD0000000  }
0x3: {  	_ = 	snop  }
0x4: {  	_ = 	snop  }
0x5: {  	_ = 	snop  }
0x6: {  	_ = 	snop  }
0x7: {  	_ = 	snop  }
__scs_overlays_trampoline_lowered:
0x8: {  	[smem:$0x3FA8] =	sst s0  }
0x9: {  	[smem:$0x3FA9] =	sst s1  }
0xa: {  	[smem:$0x3FAA] =	sst s2  }
0xb: {  	[smem:$0x3FAB] =	sst s3  }
0xc: {  	[smem:$0x3FAC] =	sst s4  }
0xd: {  	[smem:$0x3FAD] =	sst s5  }
0xe: {  	[smem:$0x3FAE] =	sst s6  }
0xf: {  	[smem:$0x3FAF] =	sst s7  }
0x10: {  	[smem:$0x3FB0] =	sst s8  }
0x11: {  	[smem:$0x3FB1] =	sst s9;
	s0 =	simm.s32 @!p0 $0x0  }
0x12: {  	s1 =	sld [smem:$0x3F97];
	s0 =	simm.s32 @p0 $0x1  }
0x13: {  	[smem:$0x3FB2] =	sst s0;
	s0 =	simm.s32 @!p1 $0x0  }
0x14: {  	s2 =	sld [smem:$0x3F96];
	s0 =	simm.s32 @p1 $0x1  }
0x15: {  	[smem:$0x3FB3] =	sst s0;
	s0 =	simm.s32 @!p2 $0x0  }
0x16: {  	s3 =	sld [smem:$0x3FDB];
	s0 =	simm.s32 @p2 $0x1  }
0x17: {  	s4 =	simm.s32 $0x1BF5;
	[smem:$0x3FB5] =	sst s0  }
0x18: {  	s0 =	sld [smem:$0x3F98];
	_ =	swait.ge [sflag:s4], $0x0  }
0x19: {  	s7 =	sld [smem:$0x3F99]  }
0x1a: {  	s8 =	sadd.s32 $0xFFFFE003, lr  }
0x1b: {  	s9 =	sadd.s32 $0xFFFFFEF7, lr;
	s5 =	simm.s32 $0xFFFFFFFF;
	p2 =	slt.u32 s8, $0xFFFFF086  }
0x1c: {  	p1 =	slt.u32 s9, $0xF7A;
	s5 =	simm.s32 @!p2 $0x0  }
0x1d: {  	s5 =	simm.s32 @p1 $0x1;
	p0 =	seq.s32 s7, s2  }
0x1e: {  	s7 =	smul.u32 @!p0 $0xF7A, s2;
	p2 =	seq.s32 @!p0 s5, $0x0  }
0x1f: {  	s9 =	smul.u32 $0xF7A, s1;
	s8 =	simm.s32 @!p0 $0x1BF5;
	p2 =	por !p2, p0  }
0x20: {  	[sflag:s8] =	ssyncset.s32 @!p0 $0xFFFFF086;
	s6 =	sadd.s32 @!p0 s3, s7;
	s7 =	simm.s32 @!p0 $0x108  }
0x21: {  	s3 =	sadd.s32 s3, s9;
	s6 =	sadd.s32 @!p0 $0x88, s6;
	s7 =	simm.s32 @p2 $0x1082  }
0x22: {  	[simem:s7], [sflag:s8] =	dma.local @!p0 [hbm:s6], $0xF7A  }
0x23: {  	s9 =	sor.u32 $0xD0000000, s2;
	s6 =	simm.s32 $0x108;
	_ =	swait.ge @!p0 [sflag:s8], $0x0  }
0x24: {  	s3 =	sadd.s32 $0x88, s3;
	s6 =	simm.s32 @!p1 $0x1082;
	[sflag:s4] =	ssyncset.s32 $0xFFFFF086  }
0x25: {  	[simem:s6], [sflag:s4] =	dma.local [hbm:s3], $0xF7A  }
0x26: {  	[smem:$0x3F99] =	sst s1;
	(tag) =	ssettag s2;
	_ =	strace s9  }
0x27: {  	s1 =	sld [smem:$0x3FA9]  }
0x28: {  	s2 =	sld [smem:$0x3FAA]  }
0x29: {  	s4 =	sld [smem:$0x3FAC]  }
0x2a: {  	p0 =	seq.s32 s5, $0x0;
	s5 =	sld [smem:$0x3FAD]  }
0x2b: {  	s6 =	sld [smem:$0x3FAE]  }
0x2c: {  	s7 =	sld [smem:$0x3FAF]  }
0x2d: {  	s3 =	simm.s32 $0x108;
	s8 =	sld [smem:$0x3FB0]  }
0x2e: {  	s3 =	simm.s32 @!p0 $0x1082;
	s9 =	sld [smem:$0x3FB1]  }
0x2f: {  	lr =	sadd.s32 s0, s3;
	s0 =	sld [smem:$0x3FA8]  }
0x30: {  	s3 =	sld [smem:$0x3FAB]  }
0x31: {  	[smem:$0x3FB4] =	sst s10  }
0x32: {  	s10 =	sld [smem:$0x3FB2];
	_ =	sdelay $0x3  }
0x33: {  	p0 =	seq.s32 s10, $0x1;
	s10 =	sld [smem:$0x3FB4];
	_ =	sdelay $0x3  }
0x34: {  	[smem:$0x3FB4] =	sst s10  }
0x35: {  	s10 =	sld [smem:$0x3FB3];
	_ =	sdelay $0x3  }
0x36: {  	p1 =	seq.s32 s10, $0x1;
	s10 =	sld [smem:$0x3FB4];
	_ =	sdelay $0x3  }
0x37: {  	[smem:$0x3FB4] =	sst s10  }
0x38: {  	s10 =	sld [smem:$0x3FB5]  }
0x39: {  	_ = 	snop;
	(pc) =	sbr.ind lr, $3  }
0x3a: {  	_ = 	snop  }
0x3b: {  	_ = 	snop  }
0x3c: {  	p2 =	seq.s32 s10, $0x1;
	s10 =	sld [smem:$0x3FB4]  }
0x3d: {  	_ =	shalt  }
0x3e: {  	_ =	shalt  }
0x3f: {  	_ =	shalt  }
0x40: {  	_ =	shalt  }
0x41: {  	_ =	shalt  }
0x42: {  	_ =	shalt  }
0x43: {  	_ =	shalt  }
0x44: {  	_ =	shalt  }
0x45: {  	_ =	shalt  }
0x46: {  	_ =	shalt  }
0x47: {  	_ =	shalt  }
0x48: {  	_ =	shalt  }
0x49: {  	_ =	shalt  }
0x4a: {  	_ =	shalt  }
0x4b: {  	_ =	shalt  }
0x4c: {  	_ =	shalt  }
0x4d: {  	_ =	shalt  }
0x4e: {  	_ =	shalt  }
0x4f: {  	_ =	shalt  }
0x50: {  	_ =	shalt  }
0x51: {  	_ =	shalt  }
0x52: {  	_ =	shalt  }
0x53: {  	_ =	shalt  }
0x54: {  	_ =	shalt  }
0x55: {  	_ =	shalt  }
0x56: {  	_ =	shalt  }
0x57: {  	_ =	shalt  }
0x58: {  	_ =	shalt  }
0x59: {  	_ =	shalt  }
0x5a: {  	_ =	shalt  }
0x5b: {  	_ =	shalt  }
0x5c: {  	_ =	shalt  }
0x5d: {  	_ =	shalt  }
0x5e: {  	_ =	shalt  }
0x5f: {  	_ =	shalt  }
0x60: {  	_ =	shalt  }
0x61: {  	_ =	shalt  }
0x62: {  	_ =	shalt  }
0x63: {  	_ =	shalt  }
0x64: {  	_ =	shalt  }
0x65: {  	_ =	shalt  }
0x66: {  	_ =	shalt  }
0x67: {  	_ =	shalt  }
0x68: {  	_ =	shalt  }
0x69: {  	_ =	shalt  }
0x6a: {  	_ =	shalt  }
0x6b: {  	_ =	shalt  }
0x6c: {  	_ =	shalt  }
0x6d: {  	_ =	shalt  }
0x6e: {  	_ =	shalt  }
0x6f: {  	_ =	shalt  }
0x70: {  	_ =	shalt  }
0x71: {  	_ =	shalt  }
0x72: {  	_ =	shalt  }
0x73: {  	_ =	shalt  }
0x74: {  	_ =	shalt  }
0x75: {  	_ =	shalt  }
0x76: {  	_ =	shalt  }
0x77: {  	_ =	shalt  }
0x78: {  	_ =	shalt  }
0x79: {  	_ =	shalt  }
0x7a: {  	_ =	shalt  }
0x7b: {  	_ =	shalt  }
0x7c: {  	_ =	shalt  }
0x7d: {  	_ =	shalt  }
0x7e: {  	_ =	shalt  }
0x7f: {  	_ =	shalt  }
0x80: {  	_ =	shalt  }
0x81: {  	_ =	shalt  }
0x82: {  	_ =	shalt  }
0x83: {  	_ =	shalt  }
0x84: {  	_ =	shalt  }
0x85: {  	_ =	shalt  }
0x86: {  	_ =	shalt  }
0x87: {  	_ =	shalt  }
.Lfunc_end0:
.L_simem_size_0:
called_computation.1_lowered:
.L_overlay_start_0:
0x88: {  	s2 =	sld [smem:$0x3FD9]  }
0x89: {  	s3 =	sld [smem:$0x3FFE];
	_ =	sdelay $0x1  }
0x8a: {  	s1 =	srdreg.scid  }
0x8b: {  	s0 =	sand.u32 $0x1, s1  }
0x8c: {  	s17 =	sshll.u32 s0, $0xA;
	s2 =	sadd.s32 s3, s2  }
0x8d: {  	s3 =	sadd.s32 s2, s17  }
0x8e: {  	[smem:$0x3FC0] =	sst s3  }
0x8f: {  	_ = 	snop  }
0x90: {  	(tm) =	ssettm $0x1  }
0x91: {  	s18 =	sld [smem:$0x3FFB];
	_ =	sdelay $0x3  }
0x92: {  	_ =	strace s18  }
0x93: {  	s3 =	sld [smem:$0x3FFC];
	_ =	sdelay $0x3  }
0x94: {  	_ =	strace s3  }
0x95: {  	s3 =	sld [smem:$0x3FFD];
	_ =	sdelay $0x3  }
0x96: {  	_ =	strace s3  }
0x97: {  	_ =	strace $0x8FFFFFFF  }
0x98: {  	s19 =	sld [smem:$0x3FDB];
	_ =	sdelay $0x1  }
0x99: {  	s4 =	simm.s32 $_scs_section_size  }
0x9a: {  	s5 =	simm.s32 $_size__tile_overlayer_lowered;
	s6 =	simm.s32 $_tile_overlayer_lowered  }
0x9b: {  	s22 =	simm.s32 $0x1BFF;
	s21 =	sshll.u32 s6, $0x1;
	s3 =	sadd.s32 s4, s19  }
0x9c: {  	s7 =	simm.s32 $0x0;
	s20 =	sshll.u32 s5, $0x1;
	s5 =	sadd.s32 s21, s3  }
0x9d: {  	[timem:s7], [sflag:s22] =	dma.local [hbm:s5], s20  }
0x9e: {  	_ =	swait.ge [sflag:s22], s20  }
0x9f: {  	s4 =	ssub.s32 $0x0, s20;
	[sflag:s22] =	ssyncset.done $0x0  }
0xa0: {  	[sflag:s22] =	ssyncadd.s32 s4;
	_ =	sdelay $0x1  }
0xa1: {  	s23 =	simm.s32 $0x1B8B  }
0xa2: {  	_ =	swait.ge [sflag:s23], $0x1  }
0xa3: {  	[sflag:s23] =	ssyncset.done $0x0  }
0xa4: {  	s25 =	simm.s32 $0x1B8E;
	s24 =	sld [smem:$0x3FFE];
	[sflag:s23] =	ssyncadd.s32 $0xFFFFFFFF  }
0xa5: {  	s26 =	simm.s32 $execute0_lowered;
	[smem:$0x3FD2] =	sst s25  }
0xa6: {  	s5 =	sshll.u32 s26, $0x1;
	_ =	strace $0x80000049;
	[dreg:$0x1] =	wrdreg $0xFFFFFFFF  }
0xa7: {  	s28 =	simm.s32 $_size_execute0_lowered;
	s3 =	sadd.s32 s3, s5;
	[dreg:$0x0] =	wrdreg $0x0  }
0xa8: {  	s5 =	sshll.u32 s28, $0x1;
	[dreg:$0x2] =	wrdreg s3  }
0xa9: {  	[dreg:$0x3] =	wrdreg s5  }
0xaa: {  	[dreg:$0x4] =	wrdreg $0xC0  }
0xab: {  	_ =	task [dreg:s7], $0x5FFFF  }
0xac: {  	[dreg:$0x1] =	wrdreg $0xFFFFFFFF  }
0xad: {  	[dreg:$0x0] =	wrdreg $0x60  }
0xae: {  	s2 =	sadd.s32 $0x800, s2;
	[dreg:$0x2] =	wrdreg s24  }
0xaf: {  	[dreg:$0x3] =	wrdreg s2  }
0xb0: {  	[dreg:$0x4] =	wrdreg $0x9  }
0xb1: {  	_ =	task.clear_ibuf [dreg:s7], $0x5FFFF;
	_ =	strace $0x90000049  }
0xb2: {  	s29 =	simm.s32 $0x9;
	_ =	strace $0x8000004B  }
0xb3: {  	_ =	swait.ge [sflag:s29], $0x1  }
0xb4: {  	[sflag:s29] =	ssyncadd.s32 $0xFFFFFFFF  }
0xb5: {  	_ =	strace $0x9000004B  }
0xb6: {  	_ =	sfence  }
0xb7: {  	s30 =	sld [smem:$0x0];
	_ =	sdelay $0x2  }
0xb8: {  	s31 =	sshll.u32 s1, $0xD;
	s1 =	sshrl.u32 s1, $0x2  }
0xb9: {  	s3 =	sand.u32 $0x4000, s31;
	s1 =	sadd.s32 s1, s30  }
0xba: {  	s0 =	sor.u32 s3, s0;
	s1 =	sshll.u32 s1, $0x11  }
0xbb: {  	s0 =	sor.u32 s1, s0  }
0xbc: {  	s0 =	sadd.s32 $0x8F2B, s0  }
0xbd: {  	[sflag:s0] =	ssyncadd.remote.s32 $0x1  }
0xbe: {  	_ =	sfence.sel $0xFFFF  }
0xbf: {  	[dreg:$0x0] =	wrdreg $0xFFFFFFFF;
	(pc) =	sbr.abs _section_cstart, $3  }
0xc0: {  	[dreg:$0x1] =	wrdreg $0xFFFFFFFF  }
0xc1: {  	_ =	task.clear_ibuf [dreg:s7], $0x2FFFF;
	_ =	strace $0x9FFFFFFF  }
0xc2: {  	(tm) =	ssettm $0x7FFFFFFF  }
0xc3: {  	_ =	shalt  }
tec
execute0_lowered:
.L_overlay_start_1:
0x0: {  	(tag) =	ssettag $0x1  }
0x1: {  	s0 =	srdreg.scid;
	s4 =	rddreg [dreg:$0x0]  }
0x2: {  	s18 =	stileid.u32;
	s2 =	rddreg [dreg:$0x1];
	s3 =	simm.s32 $0x0  }
0x3: {  	s28 =	simm.s32 $0x7D0;
	s29 =	simm.s32 $0x177A0;
	s30 =	simm.s32 $0x19FA0  }
0x4: {  	s0 =	sand.u32 $0x1, s0;
	s6 =	smul.u32 $0x280, s18;
	[smem:$0x7FF] =	sst s3  }
0x5: {  	s8 =	sadd.s32 $0x15C00, s4;
	s9 =	sadd.s32 $0x15600, s4;
	s26 =	smul.u32 $0x140, s18  }
0x6: {  	s1 =	sshll.u32 s0, $0x4;
	s7 =	smul.u32 $0x5000, s0;
	_ =	strace $0x8000004A  }
0x7: {  	[dreg:$0x3] =	wrdreg s8;
	s20 =	ssub.s32 $0x2, s0;
	s17 =	smul.u32 $0x50000, s0  }
0x8: {  	[dreg:$0x4] =	wrdreg s9;
	s0 =	smul.u32 $0x1400, s0;
	s1 =	sor.u32 s18, s1  }
0x9: {  	s21 =	sshrl.u32 s20, $0x1;
	s5 =	smul.u32 $0x2710, s1;
	s7 =	sadd.s32 s6, s7  }
0xa: {  	s22 =	ssub.s32 s20, s21;
	s1 =	smul.u32 $0x5000, s1;
	s25 =	sor.u32 s6, s17  }
0xb: {  	s0 =	sadd.s32 s26, s0;
	s26 =	simm.s32 $0x14FA0;
	s7 =	sshrl.u32 s7, $0x3  }
0xc: {  	s17 =	sshrl.u32 s25, $0x3;
	s20 =	smax.u32 s22, $0x1;
	s21 =	sor.u32 $0x30, s0  }
0xd: {  	s22 =	simm.s32 $0xFA0;
	s0 =	simm.s32 $0x1C7A0;
	s5 =	sshrl.u32 s5, $0x3  }
0xe: {  	s16 =	sshrl.u32 s1, $0x3;
	s1 =	sadd.s32 $0x500, s17;
	s5 =	sadd.s32 s5, s4  }
0xf: {  	s4 =	sadd.s32 s7, s4;
	s31 =	sadd.s32 $0x500, s16;
	s25 =	sadd.s32 s1, s2  }
0x10: {  	s23 =	sadd.s32 $0x1C00, s5;
	s24 =	sadd.s32 $0xB840, s5;
	s8 =	sadd.s32 $0x1CFA, s5  }
0x11: {  	s9 =	sadd.s32 $0xB93A, s5;
	s10 =	sadd.s32 $0x1DF4, s5;
	s11 =	sadd.s32 $0xBA34, s5  }
0x12: {  	s12 =	sadd.s32 $0x1EEE, s5;
	s13 =	sadd.s32 $0xBB2E, s5;
	s14 =	sadd.s32 $0x1FE8, s5  }
0x13: {  	s15 =	sadd.s32 $0xBC28, s5;
	s18 =	sadd.s32 $0x18400, s4;
	s19 =	sadd.s32 $0x18900, s4  }
0x14: {  	s4 =	simm.s32 $0x1EFA0;
	s5 =	simm.s32 $0x0;
	[dreg:$0x5] =	wrdreg s23  }
0x15: {  	v0 =	vimm.f32 $0.0e+00;
	v1 =	vlaneseq.u32;
	[dreg:$0x6] =	wrdreg s24;
	s23 =	simm.s32 $0x1;
	s24 =	sadd.s32 s31, s2  }
.LBB2_1:
0x16: {  	s1 =	rddreg [dreg:$0x3]  }
0x17: {  	[tilespmem:s22], [sflag:$0x1] =	stream.linear.gather [hbm4b:s1+s3], $0x14000, $0x38;
	[tilespmem:$0x1F220] =	vst v63  }
0x18: {  	_ =	swait.ge [sflag:s23], $0x14000  }
0x19: {  	[sflag:s23] =	ssyncset.done $0x0  }
0x1a: {  	s31 =	rddreg [dreg:$0x4];
	[sflag:s23] =	ssyncadd.s32 $0xFFFEC000  }
0x1b: {  	[tilespmem:s26], [sflag:$0x1] =	stream.linear.gather [hbm4b:s31+s3], $0x2800, $0x38;
	[tilespmem:$0x1F220] =	vst v63  }
0x1c: {  	_ =	swait.ge [sflag:s23], $0x2800  }
0x1d: {  	[sflag:s23] =	ssyncset.done $0x0  }
0x1e: {  	s6 =	simm.s32 $0x177E0;
	[sflag:s23] =	ssyncadd.s32 $0xFFFFD800  }
0x1f: {  	s1 =	simm.s32 $0x19FE0;
	[tilespmem:s6+$0xFFFFFFC0] =	vst v0  }
0x20: {  	[tilespmem:s1+$0xFFFFFFC0] =	vst v0  }
0x21: {  	[tilespmem:s6+$0xFFFFFFD0] =	vst v0  }
0x22: {  	[tilespmem:s1+$0xFFFFFFD0] =	vst v0  }
0x23: {  	[tilespmem:s6+$0xFFFFFFE0] =	vst v0  }
0x24: {  	[tilespmem:s1+$0xFFFFFFE0] =	vst v0  }
0x25: {  	[tilespmem:s6+$0xFFFFFFF0] =	vst v0  }
0x26: {  	[tilespmem:s1+$0xFFFFFFF0] =	vst v0  }
0x27: {  	[tilespmem:s6+$0x0] =	vst v0  }
0x28: {  	[tilespmem:s1+$0x0] =	vst v0  }
0x29: {  	[tilespmem:s6+$0x10] =	vst v0  }
0x2a: {  	[tilespmem:s1+$0x10] =	vst v0  }
0x2b: {  	[tilespmem:s6+$0x20] =	vst v0  }
0x2c: {  	[tilespmem:s1+$0x20] =	vst v0  }
0x2d: {  	[tilespmem:s6+$0x30] =	vst v0  }
0x2e: {  	s7 =	simm.s32 $0x17860;
	s6 =	simm.s32 $0x0;
	[tilespmem:s1+$0x30] =	vst v0  }
.LBB2_2:
0x2f: {  	[tilespmem:s7+$0xFFFFFFC0] =	vst v0;
	s1 =	sadd.s32 $0x80, s1  }
0x30: {  	[tilespmem:s1+$0xFFFFFFC0] =	vst v0  }
0x31: {  	[tilespmem:s7+$0xFFFFFFD0] =	vst v0  }
0x32: {  	[tilespmem:s1+$0xFFFFFFD0] =	vst v0  }
0x33: {  	[tilespmem:s7+$0xFFFFFFE0] =	vst v0  }
0x34: {  	[tilespmem:s1+$0xFFFFFFE0] =	vst v0  }
0x35: {  	[tilespmem:s7+$0xFFFFFFF0] =	vst v0  }
0x36: {  	[tilespmem:s1+$0xFFFFFFF0] =	vst v0  }
0x37: {  	[tilespmem:s7+$0x0] =	vst v0  }
0x38: {  	s6 =	sadd.s32 $0x8, s6;
	[tilespmem:s1+$0x0] =	vst v0  }
0x39: {  	p0 =	slt.u32 s6, $0x278;
	[tilespmem:s7+$0x10] =	vst v0  }
.Ltmp0:
0x3a: {  	[tilespmem:s1+$0x10] =	vst v0;
	(pc) =	sbr.rel @p0 .LBB2_2-.Ltmp0, $4  }
0x3b: {  	[tilespmem:s7+$0x20] =	vst v0  }
0x3c: {  	[tilespmem:s1+$0x20] =	vst v0  }
0x3d: {  	[tilespmem:s7+$0x30] =	vst v0  }
0x3e: {  	s7 =	sadd.s32 $0x80, s7;
	[tilespmem:s1+$0x30] =	vst v0  }
0x3f: {  	s1 =	rddreg [dreg:$0x5]  }
0x40: {  	[tilespmem:s3], [sflag:$0x1] =	stream.linear.gather [hbm4b:s1+s3], $0x7D0, $0x38;
	[tilespmem:$0x1F220] =	vst v63  }
0x41: {  	_ =	swait.ge [sflag:s23], $0x7D0  }
0x42: {  	[sflag:s23] =	ssyncset.done $0x0  }
0x43: {  	s7 =	rddreg [dreg:$0x6];
	[sflag:s23] =	ssyncadd.s32 $0xFFFFF830  }
0x44: {  	[tilespmem:s28], [sflag:$0x1] =	stream.linear.gather [hbm4b:s7+s3], $0x7D0, $0x38;
	[tilespmem:$0x1F220] =	vst v63  }
0x45: {  	_ =	swait.ge [sflag:s23], $0x7D0  }
0x46: {  	[sflag:s23] =	ssyncset.done $0x0  }
0x47: {  	s31 =	simm.s32 $0x810;
	[sflag:s23] =	ssyncadd.s32 $0xFFFFF830  }
0x48: {  	v3 =	vld [tilespmem:s31+$0xFFFFFFE0]  }
0x49: {  	s1 =	simm.s32 $0x40;
	v2 =	vld [tilespmem:s31+$0xFFFFFFD0]  }
0x4a: {  	v8 =	vld [tilespmem:s1+$0xFFFFFFD0]  }
0x4b: {  	v6 =	vld [tilespmem:s31+$0x10]  }
0x4c: {  	v5 =	vld [tilespmem:s31+$0x20]  }
0x4d: {  	v9 =	vld [tilespmem:s1+$0xFFFFFFC0]  }
0x4e: {  	v4 =	vld [tilespmem:s31+$0xFFFFFFC0]  }
0x4f: {  	v11 =	vld [tilespmem:s1+$0xFFFFFFE0]  }
0x50: {  	v16 =	vld [tilespmem:s31+$0x30]  }
0x51: {  	v7 =	vld [tilespmem:s31+$0x0]  }
0x52: {  	v19 =	vld [tilespmem:s1+$0x20]  }
0x53: {  	v15 =	vld [tilespmem:s1+$0x0]  }
0x54: {  	v20 =	vld [tilespmem:s1+$0x10]  }
0x55: {  	v17 =	vld [tilespmem:s1+$0x30]  }
0x56: {  	v18 =	vld [tilespmem:s1+$0xFFFFFFF0]  }
0x57: {  	v13 =	vld.idx.msk [tilespmem:v9+s26+$0x0], $0xffff  }
0x58: {  	v22 =	vld.idx.msk [tilespmem:v16+s26+$0x0], $0xffff  }
0x59: {  	v29 =	vld.idx.msk [tilespmem:v5+s26+$0x0], $0xffff  }
0x5a: {  	v10 =	vshll.u32 v9, $0x3;
	v30 =	vld.idx.msk [tilespmem:v19+s26+$0x0], $0xffff  }
0x5b: {  	v14 =	vor.u32 $0x1, v10;
	v32 =	vld.idx.msk [tilespmem:v6+s26+$0x0], $0xffff  }
0x5c: {  	v33 =	vld.idx.msk [tilespmem:v20+s26+$0x0], $0xffff  }
0x5d: {  	v31 =	vld.idx.msk [tilespmem:v15+s26+$0x0], $0xffff  }
0x5e: {  	v26 =	vld.idx.msk [tilespmem:v18+s26+$0x0], $0xffff  }
0x5f: {  	v15 =	vshll.u32 v15, $0x3;
	v28 =	vld.idx.msk [tilespmem:v4+s26+$0x0], $0xffff  }
0x60: {  	v9 =	vld.idx.msk [tilespmem:v14+s22+$0x0], $0xffff;
	v14 =	vshll.u32 v17, $0x3  }
0x61: {  	v12 =	vld.idx.msk [tilespmem:v10+s22+$0x0], $0xffff;
	v21 =	vor.u32 $0x1, v14  }
0x62: {  	v23 =	vshll.u32 v19, $0x3;
	v10 =	vld [tilespmem:s31+$0xFFFFFFF0]  }
0x63: {  	v24 =	vor.u32 $0x1, v23;
	v17 =	vld.idx.msk [tilespmem:v17+s26+$0x0], $0xffff  }
0x64: {  	v19 =	vshll.u32 v20, $0x3;
	v36 =	vld.idx.msk [tilespmem:v15+s22+$0x0], $0xffff  }
0x65: {  	v25 =	vld.idx.msk [tilespmem:v14+s22+$0x0], $0xffff  }
0x66: {  	v21 =	vld.idx.msk [tilespmem:v21+s22+$0x0], $0xffff  }
0x67: {  	v14 =	vld.idx.msk [tilespmem:v23+s22+$0x0], $0xffff  }
0x68: {  	v20 =	vor.u32 $0x1, v19;
	v17 =	vmul.f32 v22, v17;
	v22 =	vld.idx.msk [tilespmem:v24+s22+$0x0], $0xffff  }
0x69: {  	v24 =	vld.idx.msk [tilespmem:v19+s22+$0x0], $0xffff  }
0x6a: {  	v19 =	vld.idx.msk [tilespmem:v2+s26+$0x0], $0xffff;
	v23 =	vmul.f32 v17, v25  }
0x6b: {  	v17 =	vmul.f32 v17, v21;
	v21 =	vld.idx.msk [tilespmem:v7+s26+$0x0], $0xffff  }
0x6c: {  	v34 =	vshll.u32 v18, $0x3;
	[tilespmem:v16+s29+$0x0] =	vst.idx.add.f32.msk $0xffff, v23  }
0x6d: {  	v25 =	vshll.u32 v8, $0x3;
	v23 =	vld.idx.msk [tilespmem:v20+s22+$0x0], $0xffff;
	v20 =	vor.u32 $0x1, v15  }
0x6e: {  	v35 =	vor.u32 $0x1, v25;
	[tilespmem:v16+s30+$0x0] =	vst.idx.add.f32.msk $0xffff, v17;
	v16 =	vshll.u32 v11, $0x3  }
0x6f: {  	v27 =	vld.idx.msk [tilespmem:v10+s26+$0x0], $0xffff;
	v37 =	vor.u32 $0x1, v16  }
0x70: {  	v17 =	vld.idx.msk [tilespmem:v3+s26+$0x0], $0xffff  }
0x71: {  	v18 =	vmul.f32 v29, v30;
	v30 =	vmul.f32 v21, v31;
	v31 =	vld.idx.msk [tilespmem:v34+s22+$0x0], $0xffff  }
0x72: {  	v29 =	vld.idx.msk [tilespmem:v20+s22+$0x0], $0xffff  }
0x73: {  	v32 =	vmul.f32 v32, v33;
	v21 =	vld.idx.msk [tilespmem:v35+s22+$0x0], $0xffff  }
0x74: {  	s6 =	simm.s32 $0x0;
	v15 =	vmul.f32 v18, v22;
	v20 =	vor.u32 $0x1, v34;
	v33 =	vmul.f32 v30, v36;
	v22 =	vld.idx.msk [tilespmem:v37+s22+$0x0], $0xffff  }
.LBB2_4:
0x75: {  	s6 =	sadd.s32 $0x8, s6;
	v25 =	vld.idx.msk [tilespmem:v25+s22+$0x0], $0xffff;
	v23 =	vmul.f32 v32, v23;
	s1 =	sadd.s32 $0x80, s1;
	s31 =	sadd.s32 $0x80, s31  }
0x76: {  	v26 =	vmul.f32 v27, v26;
	v24 =	vmul.f32 v32, v24;
	p0 =	slt.u32 s6, $0x70;
	v11 =	vld.idx.msk [tilespmem:v11+s26+$0x0], $0xffff  }
0x77: {  	v27 =	vmul.f32 v30, v29;
	v8 =	vld.idx.msk [tilespmem:v8+s26+$0x0], $0xffff  }
0x78: {  	v13 =	vmul.f32 v28, v13;
	[tilespmem:v7+s29+$0x0] =	vst.idx.add.f32.msk $0xffff, v33  }
0x79: {  	v14 =	vmul.f32 v18, v14;
	v28 =	vmul.f32 v26, v31;
	v20 =	vld.idx.msk [tilespmem:v20+s22+$0x0], $0xffff  }
0x7a: {  	v12 =	vmul.f32 v13, v12;
	v9 =	vmul.f32 v13, v9;
	v13 =	vld.idx.msk [tilespmem:v16+s22+$0x0], $0xffff  }
0x7b: {  	[tilespmem:v6+s29+$0x0] =	vst.idx.add.f32.msk $0xffff, v24  }
0x7c: {  	v11 =	vmul.f32 v17, v11;
	[tilespmem:v10+s29+$0x0] =	vst.idx.add.f32.msk $0xffff, v28  }
0x7d: {  	v8 =	vmul.f32 v19, v8;
	[tilespmem:v4+s29+$0x0] =	vst.idx.add.f32.msk $0xffff, v12  }
0x7e: {  	[tilespmem:v5+s29+$0x0] =	vst.idx.add.f32.msk $0xffff, v14  }
0x7f: {  	v12 =	vmul.f32 v8, v21;
	v14 =	vmul.f32 v26, v20;
	[tilespmem:v7+s30+$0x0] =	vst.idx.add.f32.msk $0xffff, v27  }
0x80: {  	v7 =	vmul.f32 v11, v13;
	v11 =	vmul.f32 v11, v22;
	[tilespmem:v6+s30+$0x0] =	vst.idx.add.f32.msk $0xffff, v23  }
0x81: {  	v6 =	vmul.f32 v8, v25;
	[tilespmem:v10+s30+$0x0] =	vst.idx.add.f32.msk $0xffff, v14  }
0x82: {  	[tilespmem:v5+s30+$0x0] =	vst.idx.add.f32.msk $0xffff, v15  }
0x83: {  	[tilespmem:v3+s29+$0x0] =	vst.idx.add.f32.msk $0xffff, v7  }
0x84: {  	[tilespmem:v3+s30+$0x0] =	vst.idx.add.f32.msk $0xffff, v11  }
0x85: {  	[tilespmem:v2+s29+$0x0] =	vst.idx.add.f32.msk $0xffff, v6  }
0x86: {  	[tilespmem:v2+s30+$0x0] =	vst.idx.add.f32.msk $0xffff, v12  }
0x87: {  	[tilespmem:v4+s30+$0x0] =	vst.idx.add.f32.msk $0xffff, v9  }
0x88: {  	v3 =	vld [tilespmem:s31+$0xFFFFFFE0]  }
0x89: {  	v2 =	vld [tilespmem:s31+$0xFFFFFFD0]  }
0x8a: {  	v8 =	vld [tilespmem:s1+$0xFFFFFFD0]  }
0x8b: {  	v6 =	vld [tilespmem:s31+$0x10]  }
0x8c: {  	v5 =	vld [tilespmem:s31+$0x20]  }
0x8d: {  	v9 =	vld [tilespmem:s1+$0xFFFFFFC0]  }
0x8e: {  	v4 =	vld [tilespmem:s31+$0xFFFFFFC0]  }
0x8f: {  	v11 =	vld [tilespmem:s1+$0xFFFFFFE0]  }
0x90: {  	v7 =	vld [tilespmem:s31+$0x0]  }
0x91: {  	v15 =	vld [tilespmem:s1+$0x0]  }
0x92: {  	v10 =	vshll.u32 v9, $0x3;
	v17 =	vld [tilespmem:s31+$0x30]  }
0x93: {  	v14 =	vor.u32 $0x1, v10;
	v16 =	vld [tilespmem:s1+$0x30]  }
0x94: {  	v19 =	vld [tilespmem:s1+$0xFFFFFFF0]  }
0x95: {  	v13 =	vld.idx.msk [tilespmem:v9+s26+$0x0], $0xffff  }
0x96: {  	v18 =	vld [tilespmem:s1+$0x20]  }
0x97: {  	v12 =	vld.idx.msk [tilespmem:v10+s22+$0x0], $0xffff  }
0x98: {  	v9 =	vld.idx.msk [tilespmem:v14+s22+$0x0], $0xffff;
	v14 =	vshll.u32 v16, $0x3  }
0x99: {  	v21 =	vld [tilespmem:s1+$0x10];
	v20 =	vor.u32 $0x1, v14  }
0x9a: {  	v22 =	vld.idx.msk [tilespmem:v17+s26+$0x0], $0xffff  }
0x9b: {  	v23 =	vshll.u32 v18, $0x3;
	v16 =	vld.idx.msk [tilespmem:v16+s26+$0x0], $0xffff  }
0x9c: {  	v10 =	vld [tilespmem:s31+$0xFFFFFFF0];
	v24 =	vor.u32 $0x1, v23  }
0x9d: {  	v25 =	vld.idx.msk [tilespmem:v14+s22+$0x0], $0xffff  }
0x9e: {  	v26 =	vshll.u32 v21, $0x3;
	v27 =	vld.idx.msk [tilespmem:v20+s22+$0x0], $0xffff  }
0x9f: {  	v28 =	vor.u32 $0x1, v26;
	v29 =	vld.idx.msk [tilespmem:v5+s26+$0x0], $0xffff  }
0xa0: {  	v30 =	vshll.u32 v15, $0x3;
	v18 =	vld.idx.msk [tilespmem:v18+s26+$0x0], $0xffff  }
0xa1: {  	v31 =	vor.u32 $0x1, v30;
	v22 =	vmul.f32 v22, v16;
	v14 =	vld.idx.msk [tilespmem:v23+s22+$0x0], $0xffff  }
0xa2: {  	v32 =	vshll.u32 v19, $0x3;
	v23 =	vld.idx.msk [tilespmem:v24+s22+$0x0], $0xffff  }
0xa3: {  	v20 =	vor.u32 $0x1, v32;
	v24 =	vmul.f32 v22, v25;
	v33 =	vld.idx.msk [tilespmem:v6+s26+$0x0], $0xffff  }
0xa4: {  	v16 =	vshll.u32 v11, $0x3;
	v22 =	vmul.f32 v22, v27;
	v21 =	vld.idx.msk [tilespmem:v21+s26+$0x0], $0xffff  }
0xa5: {  	v34 =	vor.u32 $0x1, v16;
	v35 =	vld.idx.msk [tilespmem:v7+s26+$0x0], $0xffff  }
0xa6: {  	v25 =	vshll.u32 v8, $0x3;
	v18 =	vmul.f32 v29, v18;
	[tilespmem:v17+s29+$0x0] =	vst.idx.add.f32.msk $0xffff, v24  }
0xa7: {  	v36 =	vor.u32 $0x1, v25;
	[tilespmem:v17+s30+$0x0] =	vst.idx.add.f32.msk $0xffff, v22  }
0xa8: {  	v22 =	vld.idx.msk [tilespmem:v15+s26+$0x0], $0xffff;
	v15 =	vmul.f32 v18, v23  }
0xa9: {  	v24 =	vld.idx.msk [tilespmem:v26+s22+$0x0], $0xffff  }
0xaa: {  	v23 =	vld.idx.msk [tilespmem:v28+s22+$0x0], $0xffff  }
0xab: {  	v26 =	vld.idx.msk [tilespmem:v19+s26+$0x0], $0xffff  }
0xac: {  	v17 =	vld.idx.msk [tilespmem:v3+s26+$0x0], $0xffff  }
0xad: {  	v27 =	vld.idx.msk [tilespmem:v10+s26+$0x0], $0xffff  }
0xae: {  	v37 =	vld.idx.msk [tilespmem:v30+s22+$0x0], $0xffff  }
0xaf: {  	v28 =	vld.idx.msk [tilespmem:v4+s26+$0x0], $0xffff  }
.Ltmp1:
0xb0: {  	v19 =	vld.idx.msk [tilespmem:v2+s26+$0x0], $0xffff;
	(pc) =	sbr.rel @p0 .LBB2_4-.Ltmp1, $4  }
0xb1: {  	v30 =	vmul.f32 v35, v22;
	v29 =	vld.idx.msk [tilespmem:v31+s22+$0x0], $0xffff  }
0xb2: {  	v31 =	vld.idx.msk [tilespmem:v32+s22+$0x0], $0xffff;
	v32 =	vmul.f32 v33, v21  }
0xb3: {  	v21 =	vld.idx.msk [tilespmem:v36+s22+$0x0], $0xffff  }
0xb4: {  	s7 =	simm.s32 $0x0;
	v33 =	vmul.f32 v30, v37;
	v22 =	vld.idx.msk [tilespmem:v34+s22+$0x0], $0xffff  }
0xb5: {  	_ =	sdelay $0x3  }
0xb6: {  	v25 =	vld.idx.msk [tilespmem:v25+s22+$0x0], $0xffff  }
0xb7: {  	v11 =	vld.idx.msk [tilespmem:v11+s26+$0x0], $0xffff  }
0xb8: {  	v8 =	vld.idx.msk [tilespmem:v8+s26+$0x0], $0xffff  }
0xb9: {  	v20 =	vld.idx.msk [tilespmem:v20+s22+$0x0], $0xffff  }
0xba: {  	v24 =	vmul.f32 v32, v24;
	v16 =	vld.idx.msk [tilespmem:v16+s22+$0x0], $0xffff  }
0xbb: {  	v14 =	vmul.f32 v18, v14;
	[tilespmem:v7+s29+$0x0] =	vst.idx.add.f32.msk $0xffff, v33  }
0xbc: {  	v57 =	vmul.f32 v30, v29;
	[tilespmem:v6+s29+$0x0] =	vst.idx.add.f32.msk $0xffff, v24  }
0xbd: {  	v26 =	vmul.f32 v27, v26;
	v58 =	vmul.f32 v32, v23;
	[tilespmem:v5+s29+$0x0] =	vst.idx.add.f32.msk $0xffff, v14  }
0xbe: {  	v13 =	vmul.f32 v28, v13;
	[tilespmem:v7+s30+$0x0] =	vst.idx.add.f32.msk $0xffff, v57  }
0xbf: {  	v27 =	vmul.f32 v26, v31;
	[tilespmem:v6+s30+$0x0] =	vst.idx.add.f32.msk $0xffff, v58  }
0xc0: {  	v12 =	vmul.f32 v13, v12;
	[tilespmem:v5+s30+$0x0] =	vst.idx.add.f32.msk $0xffff, v15;
	v11 =	vmul.f32 v17, v11  }
0xc1: {  	[tilespmem:v10+s29+$0x0] =	vst.idx.add.f32.msk $0xffff, v27;
	v59 =	vmul.f32 v26, v20;
	v60 =	vmul.f32 v19, v8  }
0xc2: {  	[tilespmem:v4+s29+$0x0] =	vst.idx.add.f32.msk $0xffff, v12;
	v61 =	vmul.f32 v11, v16  }
0xc3: {  	[tilespmem:v10+s30+$0x0] =	vst.idx.add.f32.msk $0xffff, v59;
	v63 =	vmul.f32 v60, v25  }
0xc4: {  	v62 =	vmul.f32 v11, v22;
	[tilespmem:v3+s29+$0x0] =	vst.idx.add.f32.msk $0xffff, v61  }
0xc5: {  	v6 =	vmul.f32 v60, v21;
	[tilespmem:v2+s29+$0x0] =	vst.idx.add.f32.msk $0xffff, v63  }
0xc6: {  	[tilespmem:v3+s30+$0x0] =	vst.idx.add.f32.msk $0xffff, v62;
	v3 =	vmul.f32 v13, v9  }
0xc7: {  	[tilespmem:v2+s30+$0x0] =	vst.idx.add.f32.msk $0xffff, v6  }
0xc8: {  	[tilespmem:v4+s30+$0x0] =	vst.idx.add.f32.msk $0xffff, v3  }
.LBB2_6:
0xc9: {  	s1 =	sshra.s32 s7, $0x2  }
0xca: {  	v2 =	vld [tilespmem:s1+$0x780]  }
0xcb: {  	v3 =	vld [tilespmem:s1+$0xF50];
	_ =	sdelay $0x4  }
0xcc: {  	v4 =	vshll.u32 v2, $0x3  }
0xcd: {  	v5 =	vor.u32 $0x1, v4  }
0xce: {  	v2 =	vld.idx.msk [tilespmem:v2+s26+$0x0], $0xffff  }
0xcf: {  	v6 =	vld.idx.msk [tilespmem:v3+s26+$0x0], $0xffff;
	_ =	sdelay $0x1  }
0xd0: {  	v4 =	vld.idx.msk [tilespmem:v4+s22+$0x0], $0xffff  }
0xd1: {  	v5 =	vld.idx.msk [tilespmem:v5+s22+$0x0], $0xffff;
	_ =	sdelay $0x1  }
0xd2: {  	p0 =	sne.s32 s7, $0x100;
	v2 =	vmul.f32 v6, v2  }
.Ltmp2:
0xd3: {  	_ = 	snop;
	(pc) =	sbr.rel @p0 .LBB2_6-.Ltmp2, $4  }
0xd4: {  	v4 =	vmul.f32 v2, v4  }
0xd5: {  	v2 =	vmul.f32 v2, v5  }
0xd6: {  	[tilespmem:v3+s29+$0x0] =	vst.idx.add.f32.msk $0xffff, v4  }
0xd7: {  	s7 =	sadd.s32 $0x40, s7;
	[tilespmem:v3+s30+$0x0] =	vst.idx.add.f32.msk $0xffff, v2  }
0xd8: {  	[tilespmem:s3], [sflag:$0x1] =	stream.linear.gather [hbm4b:s8+s3], $0x7D0, $0x38;
	[tilespmem:$0x1F220] =	vst v63  }
0xd9: {  	_ =	swait.ge [sflag:s23], $0x7D0  }
0xda: {  	[sflag:s23] =	ssyncset.done $0x0  }
0xdb: {  	[sflag:s23] =	ssyncadd.s32 $0xFFFFF830  }
0xdc: {  	[tilespmem:s28], [sflag:$0x1] =	stream.linear.gather [hbm4b:s9+s3], $0x7D0, $0x38;
	[tilespmem:$0x1F220] =	vst v63  }
0xdd: {  	_ =	swait.ge [sflag:s23], $0x7D0  }
0xde: {  	[sflag:s23] =	ssyncset.done $0x0  }
0xdf: {  	s31 =	simm.s32 $0x810;
	[sflag:s23] =	ssyncadd.s32 $0xFFFFF830  }
0xe0: {  	v3 =	vld [tilespmem:s31+$0xFFFFFFE0]  }
0xe1: {  	s1 =	simm.s32 $0x40;
	v2 =	vld [tilespmem:s31+$0xFFFFFFD0]  }
0xe2: {  	v8 =	vld [tilespmem:s1+$0xFFFFFFD0]  }
0xe3: {  	v6 =	vld [tilespmem:s31+$0x10]  }
0xe4: {  	v5 =	vld [tilespmem:s31+$0x20]  }
0xe5: {  	v9 =	vld [tilespmem:s1+$0xFFFFFFC0]  }
0xe6: {  	v4 =	vld [tilespmem:s31+$0xFFFFFFC0]  }
0xe7: {  	v11 =	vld [tilespmem:s1+$0xFFFFFFE0]  }
0xe8: {  	v16 =	vld [tilespmem:s31+$0x30]  }
0xe9: {  	v7 =	vld [tilespmem:s31+$0x0]  }
0xea: {  	v19 =	vld [tilespmem:s1+$0x20]  }
0xeb: {  	v15 =	vld [tilespmem:s1+$0x0]  }
0xec: {  	v20 =	vld [tilespmem:s1+$0x10]  }
0xed: {  	v17 =	vld [tilespmem:s1+$0x30]  }
0xee: {  	v18 =	vld [tilespmem:s1+$0xFFFFFFF0]  }
0xef: {  	v13 =	vld.idx.msk [tilespmem:v9+s26+$0x0], $0xffff  }
0xf0: {  	v22 =	vld.idx.msk [tilespmem:v16+s26+$0x0], $0xffff  }
0xf1: {  	v29 =	vld.idx.msk [tilespmem:v5+s26+$0x0], $0xffff  }
0xf2: {  	v10 =	vshll.u32 v9, $0x3;
	v30 =	vld.idx.msk [tilespmem:v19+s26+$0x0], $0xffff  }
0xf3: {  	v14 =	vor.u32 $0x1, v10;
	v32 =	vld.idx.msk [tilespmem:v6+s26+$0x0], $0xffff  }
0xf4: {  	v33 =	vld.idx.msk [tilespmem:v20+s26+$0x0], $0xffff  }
0xf5: {  	v31 =	vld.idx.msk [tilespmem:v15+s26+$0x0], $0xffff  }
0xf6: {  	v26 =	vld.idx.msk [tilespmem:v18+s26+$0x0], $0xffff  }
0xf7: {  	v15 =	vshll.u32 v15, $0x3;
	v28 =	vld.idx.msk [tilespmem:v4+s26+$0x0], $0xffff  }
0xf8: {  	v9 =	vld.idx.msk [tilespmem:v14+s22+$0x0], $0xffff;
	v14 =	vshll.u32 v17, $0x3  }
0xf9: {  	v12 =	vld.idx.msk [tilespmem:v10+s22+$0x0], $0xffff;
	v21 =	vor.u32 $0x1, v14  }
0xfa: {  	v23 =	vshll.u32 v19, $0x3;
	v10 =	vld [tilespmem:s31+$0xFFFFFFF0]  }
0xfb: {  	v24 =	vor.u32 $0x1, v23;
	v17 =	vld.idx.msk [tilespmem:v17+s26+$0x0], $0xffff  }
0xfc: {  	v19 =	vshll.u32 v20, $0x3;
	v36 =	vld.idx.msk [tilespmem:v15+s22+$0x0], $0xffff  }
0xfd: {  	v25 =	vld.idx.msk [tilespmem:v14+s22+$0x0], $0xffff  }
0xfe: {  	v21 =	vld.idx.msk [tilespmem:v21+s22+$0x0], $0xffff  }
0xff: {  	v14 =	vld.idx.msk [tilespmem:v23+s22+$0x0], $0xffff  }
0x100: {  	v20 =	vor.u32 $0x1, v19;
	v17 =	vmul.f32 v22, v17;
	v22 =	vld.idx.msk [tilespmem:v24+s22+$0x0], $0xffff  }
0x101: {  	v24 =	vld.idx.msk [tilespmem:v19+s22+$0x0], $0xffff  }
0x102: {  	v19 =	vld.idx.msk [tilespmem:v2+s26+$0x0], $0xffff;
	v23 =	vmul.f32 v17, v25  }
0x103: {  	v17 =	vmul.f32 v17, v21;
	v21 =	vld.idx.msk [tilespmem:v7+s26+$0x0], $0xffff  }
0x104: {  	v34 =	vshll.u32 v18, $0x3;
	[tilespmem:v16+s29+$0x0] =	vst.idx.add.f32.msk $0xffff, v23  }
0x105: {  	v25 =	vshll.u32 v8, $0x3;
	v23 =	vld.idx.msk [tilespmem:v20+s22+$0x0], $0xffff;
	v20 =	vor.u32 $0x1, v15  }
0x106: {  	v35 =	vor.u32 $0x1, v25;
	[tilespmem:v16+s30+$0x0] =	vst.idx.add.f32.msk $0xffff, v17;
	v16 =	vshll.u32 v11, $0x3  }
0x107: {  	v27 =	vld.idx.msk [tilespmem:v10+s26+$0x0], $0xffff;
	v37 =	vor.u32 $0x1, v16  }
0x108: {  	v17 =	vld.idx.msk [tilespmem:v3+s26+$0x0], $0xffff  }
0x109: {  	v18 =	vmul.f32 v29, v30;
	v30 =	vmul.f32 v21, v31;
	v31 =	vld.idx.msk [tilespmem:v34+s22+$0x0], $0xffff  }
0x10a: {  	v29 =	vld.idx.msk [tilespmem:v20+s22+$0x0], $0xffff  }
0x10b: {  	v32 =	vmul.f32 v32, v33;
	v21 =	vld.idx.msk [tilespmem:v35+s22+$0x0], $0xffff  }
0x10c: {  	s6 =	simm.s32 $0x0;
	v15 =	vmul.f32 v18, v22;
	v20 =	vor.u32 $0x1, v34;
	v33 =	vmul.f32 v30, v36;
	v22 =	vld.idx.msk [tilespmem:v37+s22+$0x0], $0xffff  }
.LBB2_8:
0x10d: {  	s6 =	sadd.s32 $0x8, s6;
	v25 =	vld.idx.msk [tilespmem:v25+s22+$0x0], $0xffff;
	v23 =	vmul.f32 v32, v23;
	s1 =	sadd.s32 $0x80, s1;
	s31 =	sadd.s32 $0x80, s31  }
0x10e: {  	v26 =	vmul.f32 v27, v26;
	v24 =	vmul.f32 v32, v24;
	p0 =	slt.u32 s6, $0x70;
	v11 =	vld.idx.msk [tilespmem:v11+s26+$0x0], $0xffff  }
0x10f: {  	v27 =	vmul.f32 v30, v29;
	v8 =	vld.idx.msk [tilespmem:v8+s26+$0x0], $0xffff  }
0x110: {  	v13 =	vmul.f32 v28, v13;
	[tilespmem:v7+s29+$0x0] =	vst.idx.add.f32.msk $0xffff, v33  }
0x111: {  	v14 =	vmul.f32 v18, v14;
	v28 =	vmul.f32 v26, v31;
	v20 =	vld.idx.msk [tilespmem:v20+s22+$0x0], $0xffff  }
0x112: {  	v12 =	vmul.f32 v13, v12;
	v9 =	vmul.f32 v13, v9;
	v13 =	vld.idx.msk [tilespmem:v16+s22+$0x0], $0xffff  }
0x113: {  	[tilespmem:v6+s29+$0x0] =	vst.idx.add.f32.msk $0xffff, v24  }
0x114: {  	v11 =	vmul.f32 v17, v11;
	[tilespmem:v10+s29+$0x0] =	vst.idx.add.f32.msk $0xffff, v28  }
0x115: {  	v8 =	vmul.f32 v19, v8;
	[tilespmem:v4+s29+$0x0] =	vst.idx.add.f32.msk $0xffff, v12  }
0x116: {  	[tilespmem:v5+s29+$0x0] =	vst.idx.add.f32.msk $0xffff, v14  }
0x117: {  	v12 =	vmul.f32 v8, v21;
	v14 =	vmul.f32 v26, v20;
	[tilespmem:v7+s30+$0x0] =	vst.idx.add.f32.msk $0xffff, v27  }
0x118: {  	v7 =	vmul.f32 v11, v13;
	v11 =	vmul.f32 v11, v22;
	[tilespmem:v6+s30+$0x0] =	vst.idx.add.f32.msk $0xffff, v23  }
0x119: {  	v6 =	vmul.f32 v8, v25;
	[tilespmem:v10+s30+$0x0] =	vst.idx.add.f32.msk $0xffff, v14  }
0x11a: {  	[tilespmem:v5+s30+$0x0] =	vst.idx.add.f32.msk $0xffff, v15  }
0x11b: {  	[tilespmem:v3+s29+$0x0] =	vst.idx.add.f32.msk $0xffff, v7  }
0x11c: {  	[tilespmem:v3+s30+$0x0] =	vst.idx.add.f32.msk $0xffff, v11  }
0x11d: {  	[tilespmem:v2+s29+$0x0] =	vst.idx.add.f32.msk $0xffff, v6  }
0x11e: {  	[tilespmem:v2+s30+$0x0] =	vst.idx.add.f32.msk $0xffff, v12  }
0x11f: {  	[tilespmem:v4+s30+$0x0] =	vst.idx.add.f32.msk $0xffff, v9  }
0x120: {  	v3 =	vld [tilespmem:s31+$0xFFFFFFE0]  }
0x121: {  	v2 =	vld [tilespmem:s31+$0xFFFFFFD0]  }
0x122: {  	v8 =	vld [tilespmem:s1+$0xFFFFFFD0]  }
0x123: {  	v6 =	vld [tilespmem:s31+$0x10]  }
0x124: {  	v5 =	vld [tilespmem:s31+$0x20]  }
0x125: {  	v9 =	vld [tilespmem:s1+$0xFFFFFFC0]  }
0x126: {  	v4 =	vld [tilespmem:s31+$0xFFFFFFC0]  }
0x127: {  	v11 =	vld [tilespmem:s1+$0xFFFFFFE0]  }
0x128: {  	v7 =	vld [tilespmem:s31+$0x0]  }
0x129: {  	v15 =	vld [tilespmem:s1+$0x0]  }
0x12a: {  	v10 =	vshll.u32 v9, $0x3;
	v17 =	vld [tilespmem:s31+$0x30]  }
0x12b: {  	v14 =	vor.u32 $0x1, v10;
	v16 =	vld [tilespmem:s1+$0x30]  }
0x12c: {  	v19 =	vld [tilespmem:s1+$0xFFFFFFF0]  }
0x12d: {  	v13 =	vld.idx.msk [tilespmem:v9+s26+$0x0], $0xffff  }
0x12e: {  	v18 =	vld [tilespmem:s1+$0x20]  }
0x12f: {  	v12 =	vld.idx.msk [tilespmem:v10+s22+$0x0], $0xffff  }
0x130: {  	v9 =	vld.idx.msk [tilespmem:v14+s22+$0x0], $0xffff;
	v14 =	vshll.u32 v16, $0x3  }
0x131: {  	v21 =	vld [tilespmem:s1+$0x10];
	v20 =	vor.u32 $0x1, v14  }
0x132: {  	v22 =	vld.idx.msk [tilespmem:v17+s26+$0x0], $0xffff  }
0x133: {  	v23 =	vshll.u32 v18, $0x3;
	v16 =	vld.idx.msk [tilespmem:v16+s26+$0x0], $0xffff  }
0x134: {  	v10 =	vld [tilespmem:s31+$0xFFFFFFF0];
	v24 =	vor.u32 $0x1, v23  }
0x135: {  	v25 =	vld.idx.msk [tilespmem:v14+s22+$0x0], $0xffff  }
0x136: {  	v26 =	vshll.u32 v21, $0x3;
	v27 =	vld.idx.msk [tilespmem:v20+s22+$0x0], $0xffff  }
0x137: {  	v28 =	vor.u32 $0x1, v26;
	v29 =	vld.idx.msk [tilespmem:v5+s26+$0x0], $0xffff  }
0x138: {  	v30 =	vshll.u32 v15, $0x3;
	v18 =	vld.idx.msk [tilespmem:v18+s26+$0x0], $0xffff  }
0x139: {  	v31 =	vor.u32 $0x1, v30;
	v22 =	vmul.f32 v22, v16;
	v14 =	vld.idx.msk [tilespmem:v23+s22+$0x0], $0xffff  }
0x13a: {  	v32 =	vshll.u32 v19, $0x3;
	v23 =	vld.idx.msk [tilespmem:v24+s22+$0x0], $0xffff  }
0x13b: {  	v20 =	vor.u32 $0x1, v32;
	v24 =	vmul.f32 v22, v25;
	v33 =	vld.idx.msk [tilespmem:v6+s26+$0x0], $0xffff  }
0x13c: {  	v16 =	vshll.u32 v11, $0x3;
	v22 =	vmul.f32 v22, v27;
	v21 =	vld.idx.msk [tilespmem:v21+s26+$0x0], $0xffff  }
0x13d: {  	v34 =	vor.u32 $0x1, v16;
	v35 =	vld.idx.msk [tilespmem:v7+s26+$0x0], $0xffff  }
0x13e: {  	v25 =	vshll.u32 v8, $0x3;
	v18 =	vmul.f32 v29, v18;
	[tilespmem:v17+s29+$0x0] =	vst.idx.add.f32.msk $0xffff, v24  }
0x13f: {  	v36 =	vor.u32 $0x1, v25;
	[tilespmem:v17+s30+$0x0] =	vst.idx.add.f32.msk $0xffff, v22  }
0x140: {  	v22 =	vld.idx.msk [tilespmem:v15+s26+$0x0], $0xffff;
	v15 =	vmul.f32 v18, v23  }
0x141: {  	v24 =	vld.idx.msk [tilespmem:v26+s22+$0x0], $0xffff  }
0x142: {  	v23 =	vld.idx.msk [tilespmem:v28+s22+$0x0], $0xffff  }
0x143: {  	v26 =	vld.idx.msk [tilespmem:v19+s26+$0x0], $0xffff  }
0x144: {  	v17 =	vld.idx.msk [tilespmem:v3+s26+$0x0], $0xffff  }
0x145: {  	v27 =	vld.idx.msk [tilespmem:v10+s26+$0x0], $0xffff  }
0x146: {  	v37 =	vld.idx.msk [tilespmem:v30+s22+$0x0], $0xffff  }
0x147: {  	v28 =	vld.idx.msk [tilespmem:v4+s26+$0x0], $0xffff  }
.Ltmp3:
0x148: {  	v19 =	vld.idx.msk [tilespmem:v2+s26+$0x0], $0xffff;
	(pc) =	sbr.rel @p0 .LBB2_8-.Ltmp3, $4  }
0x149: {  	v30 =	vmul.f32 v35, v22;
	v29 =	vld.idx.msk [tilespmem:v31+s22+$0x0], $0xffff  }
0x14a: {  	v31 =	vld.idx.msk [tilespmem:v32+s22+$0x0], $0xffff;
	v32 =	vmul.f32 v33, v21  }
0x14b: {  	v21 =	vld.idx.msk [tilespmem:v36+s22+$0x0], $0xffff  }
0x14c: {  	s7 =	simm.s32 $0x0;
	v33 =	vmul.f32 v30, v37;
	v22 =	vld.idx.msk [tilespmem:v34+s22+$0x0], $0xffff  }
0x14d: {  	_ =	sdelay $0x3  }
0x14e: {  	v25 =	vld.idx.msk [tilespmem:v25+s22+$0x0], $0xffff  }
0x14f: {  	v11 =	vld.idx.msk [tilespmem:v11+s26+$0x0], $0xffff  }
0x150: {  	v8 =	vld.idx.msk [tilespmem:v8+s26+$0x0], $0xffff  }
0x151: {  	v20 =	vld.idx.msk [tilespmem:v20+s22+$0x0], $0xffff  }
0x152: {  	v24 =	vmul.f32 v32, v24;
	v16 =	vld.idx.msk [tilespmem:v16+s22+$0x0], $0xffff  }
0x153: {  	v14 =	vmul.f32 v18, v14;
	[tilespmem:v7+s29+$0x0] =	vst.idx.add.f32.msk $0xffff, v33  }
0x154: {  	v57 =	vmul.f32 v30, v29;
	[tilespmem:v6+s29+$0x0] =	vst.idx.add.f32.msk $0xffff, v24  }
0x155: {  	v26 =	vmul.f32 v27, v26;
	v58 =	vmul.f32 v32, v23;
	[tilespmem:v5+s29+$0x0] =	vst.idx.add.f32.msk $0xffff, v14  }
0x156: {  	v13 =	vmul.f32 v28, v13;
	[tilespmem:v7+s30+$0x0] =	vst.idx.add.f32.msk $0xffff, v57  }
0x157: {  	v27 =	vmul.f32 v26, v31;
	[tilespmem:v6+s30+$0x0] =	vst.idx.add.f32.msk $0xffff, v58  }
0x158: {  	v12 =	vmul.f32 v13, v12;
	[tilespmem:v5+s30+$0x0] =	vst.idx.add.f32.msk $0xffff, v15;
	v11 =	vmul.f32 v17, v11  }
0x159: {  	[tilespmem:v10+s29+$0x0] =	vst.idx.add.f32.msk $0xffff, v27;
	v59 =	vmul.f32 v26, v20;
	v60 =	vmul.f32 v19, v8  }
0x15a: {  	[tilespmem:v4+s29+$0x0] =	vst.idx.add.f32.msk $0xffff, v12;
	v61 =	vmul.f32 v11, v16  }
0x15b: {  	[tilespmem:v10+s30+$0x0] =	vst.idx.add.f32.msk $0xffff, v59;
	v63 =	vmul.f32 v60, v25  }
0x15c: {  	v62 =	vmul.f32 v11, v22;
	[tilespmem:v3+s29+$0x0] =	vst.idx.add.f32.msk $0xffff, v61  }
0x15d: {  	v6 =	vmul.f32 v60, v21;
	[tilespmem:v2+s29+$0x0] =	vst.idx.add.f32.msk $0xffff, v63  }
0x15e: {  	[tilespmem:v3+s30+$0x0] =	vst.idx.add.f32.msk $0xffff, v62;
	v3 =	vmul.f32 v13, v9  }
0x15f: {  	[tilespmem:v2+s30+$0x0] =	vst.idx.add.f32.msk $0xffff, v6  }
0x160: {  	[tilespmem:v4+s30+$0x0] =	vst.idx.add.f32.msk $0xffff, v3  }
.LBB2_10:
0x161: {  	s1 =	sshra.s32 s7, $0x2  }
0x162: {  	v2 =	vld [tilespmem:s1+$0x780]  }
0x163: {  	v3 =	vld [tilespmem:s1+$0xF50];
	_ =	sdelay $0x4  }
0x164: {  	v4 =	vshll.u32 v2, $0x3  }
0x165: {  	v5 =	vor.u32 $0x1, v4  }
0x166: {  	v2 =	vld.idx.msk [tilespmem:v2+s26+$0x0], $0xffff  }
0x167: {  	v6 =	vld.idx.msk [tilespmem:v3+s26+$0x0], $0xffff;
	_ =	sdelay $0x1  }
0x168: {  	v4 =	vld.idx.msk [tilespmem:v4+s22+$0x0], $0xffff  }
0x169: {  	v5 =	vld.idx.msk [tilespmem:v5+s22+$0x0], $0xffff;
	_ =	sdelay $0x1  }
0x16a: {  	p0 =	sne.s32 s7, $0x100;
	v2 =	vmul.f32 v6, v2  }
.Ltmp4:
0x16b: {  	_ = 	snop;
	(pc) =	sbr.rel @p0 .LBB2_10-.Ltmp4, $4  }
0x16c: {  	v4 =	vmul.f32 v2, v4  }
0x16d: {  	v2 =	vmul.f32 v2, v5  }
0x16e: {  	[tilespmem:v3+s29+$0x0] =	vst.idx.add.f32.msk $0xffff, v4  }
0x16f: {  	s7 =	sadd.s32 $0x40, s7;
	[tilespmem:v3+s30+$0x0] =	vst.idx.add.f32.msk $0xffff, v2  }
0x170: {  	[tilespmem:s3], [sflag:$0x1] =	stream.linear.gather [hbm4b:s10+s3], $0x7D0, $0x38;
	[tilespmem:$0x1F220] =	vst v63  }
0x171: {  	_ =	swait.ge [sflag:s23], $0x7D0  }
0x172: {  	[sflag:s23] =	ssyncset.done $0x0  }
0x173: {  	[sflag:s23] =	ssyncadd.s32 $0xFFFFF830  }
0x174: {  	[tilespmem:s28], [sflag:$0x1] =	stream.linear.gather [hbm4b:s11+s3], $0x7D0, $0x38;
	[tilespmem:$0x1F220] =	vst v63  }
0x175: {  	_ =	swait.ge [sflag:s23], $0x7D0  }
0x176: {  	[sflag:s23] =	ssyncset.done $0x0  }
0x177: {  	s31 =	simm.s32 $0x810;
	[sflag:s23] =	ssyncadd.s32 $0xFFFFF830  }
0x178: {  	v3 =	vld [tilespmem:s31+$0xFFFFFFE0]  }
0x179: {  	s1 =	simm.s32 $0x40;
	v2 =	vld [tilespmem:s31+$0xFFFFFFD0]  }
0x17a: {  	v8 =	vld [tilespmem:s1+$0xFFFFFFD0]  }
0x17b: {  	v6 =	vld [tilespmem:s31+$0x10]  }
0x17c: {  	v5 =	vld [tilespmem:s31+$0x20]  }
0x17d: {  	v9 =	vld [tilespmem:s1+$0xFFFFFFC0]  }
0x17e: {  	v4 =	vld [tilespmem:s31+$0xFFFFFFC0]  }
0x17f: {  	v11 =	vld [tilespmem:s1+$0xFFFFFFE0]  }
0x180: {  	v16 =	vld [tilespmem:s31+$0x30]  }
0x181: {  	v7 =	vld [tilespmem:s31+$0x0]  }
0x182: {  	v19 =	vld [tilespmem:s1+$0x20]  }
0x183: {  	v15 =	vld [tilespmem:s1+$0x0]  }
0x184: {  	v20 =	vld [tilespmem:s1+$0x10]  }
0x185: {  	v17 =	vld [tilespmem:s1+$0x30]  }
0x186: {  	v18 =	vld [tilespmem:s1+$0xFFFFFFF0]  }
0x187: {  	v13 =	vld.idx.msk [tilespmem:v9+s26+$0x0], $0xffff  }
0x188: {  	v22 =	vld.idx.msk [tilespmem:v16+s26+$0x0], $0xffff  }
0x189: {  	v29 =	vld.idx.msk [tilespmem:v5+s26+$0x0], $0xffff  }
0x18a: {  	v10 =	vshll.u32 v9, $0x3;
	v30 =	vld.idx.msk [tilespmem:v19+s26+$0x0], $0xffff  }
0x18b: {  	v14 =	vor.u32 $0x1, v10;
	v32 =	vld.idx.msk [tilespmem:v6+s26+$0x0], $0xffff  }
0x18c: {  	v33 =	vld.idx.msk [tilespmem:v20+s26+$0x0], $0xffff  }
0x18d: {  	v31 =	vld.idx.msk [tilespmem:v15+s26+$0x0], $0xffff  }
0x18e: {  	v26 =	vld.idx.msk [tilespmem:v18+s26+$0x0], $0xffff  }
0x18f: {  	v15 =	vshll.u32 v15, $0x3;
	v28 =	vld.idx.msk [tilespmem:v4+s26+$0x0], $0xffff  }
0x190: {  	v9 =	vld.idx.msk [tilespmem:v14+s22+$0x0], $0xffff;
	v14 =	vshll.u32 v17, $0x3  }
0x191: {  	v12 =	vld.idx.msk [tilespmem:v10+s22+$0x0], $0xffff;
	v21 =	vor.u32 $0x1, v14  }
0x192: {  	v23 =	vshll.u32 v19, $0x3;
	v10 =	vld [tilespmem:s31+$0xFFFFFFF0]  }
0x193: {  	v24 =	vor.u32 $0x1, v23;
	v17 =	vld.idx.msk [tilespmem:v17+s26+$0x0], $0xffff  }
0x194: {  	v19 =	vshll.u32 v20, $0x3;
	v36 =	vld.idx.msk [tilespmem:v15+s22+$0x0], $0xffff  }
0x195: {  	v25 =	vld.idx.msk [tilespmem:v14+s22+$0x0], $0xffff  }
0x196: {  	v21 =	vld.idx.msk [tilespmem:v21+s22+$0x0], $0xffff  }
0x197: {  	v14 =	vld.idx.msk [tilespmem:v23+s22+$0x0], $0xffff  }
0x198: {  	v20 =	vor.u32 $0x1, v19;
	v17 =	vmul.f32 v22, v17;
	v22 =	vld.idx.msk [tilespmem:v24+s22+$0x0], $0xffff  }
0x199: {  	v24 =	vld.idx.msk [tilespmem:v19+s22+$0x0], $0xffff  }
0x19a: {  	v19 =	vld.idx.msk [tilespmem:v2+s26+$0x0], $0xffff;
	v23 =	vmul.f32 v17, v25  }
0x19b: {  	v17 =	vmul.f32 v17, v21;
	v21 =	vld.idx.msk [tilespmem:v7+s26+$0x0], $0xffff  }
0x19c: {  	v34 =	vshll.u32 v18, $0x3;
	[tilespmem:v16+s29+$0x0] =	vst.idx.add.f32.msk $0xffff, v23  }
0x19d: {  	v25 =	vshll.u32 v8, $0x3;
	v23 =	vld.idx.msk [tilespmem:v20+s22+$0x0], $0xffff;
	v20 =	vor.u32 $0x1, v15  }
0x19e: {  	v35 =	vor.u32 $0x1, v25;
	[tilespmem:v16+s30+$0x0] =	vst.idx.add.f32.msk $0xffff, v17;
	v16 =	vshll.u32 v11, $0x3  }
0x19f: {  	v27 =	vld.idx.msk [tilespmem:v10+s26+$0x0], $0xffff;
	v37 =	vor.u32 $0x1, v16  }
0x1a0: {  	v17 =	vld.idx.msk [tilespmem:v3+s26+$0x0], $0xffff  }
0x1a1: {  	v18 =	vmul.f32 v29, v30;
	v30 =	vmul.f32 v21, v31;
	v31 =	vld.idx.msk [tilespmem:v34+s22+$0x0], $0xffff  }
0x1a2: {  	v29 =	vld.idx.msk [tilespmem:v20+s22+$0x0], $0xffff  }
0x1a3: {  	v32 =	vmul.f32 v32, v33;
	v21 =	vld.idx.msk [tilespmem:v35+s22+$0x0], $0xffff  }
0x1a4: {  	s6 =	simm.s32 $0x0;
	v15 =	vmul.f32 v18, v22;
	v20 =	vor.u32 $0x1, v34;
	v33 =	vmul.f32 v30, v36;
	v22 =	vld.idx.msk [tilespmem:v37+s22+$0x0], $0xffff  }
.LBB2_12:
0x1a5: {  	s6 =	sadd.s32 $0x8, s6;
	v25 =	vld.idx.msk [tilespmem:v25+s22+$0x0], $0xffff;
	v23 =	vmul.f32 v32, v23;
	s1 =	sadd.s32 $0x80, s1;
	s31 =	sadd.s32 $0x80, s31  }
0x1a6: {  	v26 =	vmul.f32 v27, v26;
	v24 =	vmul.f32 v32, v24;
	p0 =	slt.u32 s6, $0x70;
	v11 =	vld.idx.msk [tilespmem:v11+s26+$0x0], $0xffff  }
0x1a7: {  	v27 =	vmul.f32 v30, v29;
	v8 =	vld.idx.msk [tilespmem:v8+s26+$0x0], $0xffff  }
0x1a8: {  	v13 =	vmul.f32 v28, v13;
	[tilespmem:v7+s29+$0x0] =	vst.idx.add.f32.msk $0xffff, v33  }
0x1a9: {  	v14 =	vmul.f32 v18, v14;
	v28 =	vmul.f32 v26, v31;
	v20 =	vld.idx.msk [tilespmem:v20+s22+$0x0], $0xffff  }
0x1aa: {  	v12 =	vmul.f32 v13, v12;
	v9 =	vmul.f32 v13, v9;
	v13 =	vld.idx.msk [tilespmem:v16+s22+$0x0], $0xffff  }
0x1ab: {  	[tilespmem:v6+s29+$0x0] =	vst.idx.add.f32.msk $0xffff, v24  }
0x1ac: {  	v11 =	vmul.f32 v17, v11;
	[tilespmem:v10+s29+$0x0] =	vst.idx.add.f32.msk $0xffff, v28  }
0x1ad: {  	v8 =	vmul.f32 v19, v8;
	[tilespmem:v4+s29+$0x0] =	vst.idx.add.f32.msk $0xffff, v12  }
0x1ae: {  	[tilespmem:v5+s29+$0x0] =	vst.idx.add.f32.msk $0xffff, v14  }
0x1af: {  	v12 =	vmul.f32 v8, v21;
	v14 =	vmul.f32 v26, v20;
	[tilespmem:v7+s30+$0x0] =	vst.idx.add.f32.msk $0xffff, v27  }
0x1b0: {  	v7 =	vmul.f32 v11, v13;
	v11 =	vmul.f32 v11, v22;
	[tilespmem:v6+s30+$0x0] =	vst.idx.add.f32.msk $0xffff, v23  }
0x1b1: {  	v6 =	vmul.f32 v8, v25;
	[tilespmem:v10+s30+$0x0] =	vst.idx.add.f32.msk $0xffff, v14  }
0x1b2: {  	[tilespmem:v5+s30+$0x0] =	vst.idx.add.f32.msk $0xffff, v15  }
0x1b3: {  	[tilespmem:v3+s29+$0x0] =	vst.idx.add.f32.msk $0xffff, v7  }
0x1b4: {  	[tilespmem:v3+s30+$0x0] =	vst.idx.add.f32.msk $0xffff, v11  }
0x1b5: {  	[tilespmem:v2+s29+$0x0] =	vst.idx.add.f32.msk $0xffff, v6  }
0x1b6: {  	[tilespmem:v2+s30+$0x0] =	vst.idx.add.f32.msk $0xffff, v12  }
0x1b7: {  	[tilespmem:v4+s30+$0x0] =	vst.idx.add.f32.msk $0xffff, v9  }
0x1b8: {  	v3 =	vld [tilespmem:s31+$0xFFFFFFE0]  }
0x1b9: {  	v2 =	vld [tilespmem:s31+$0xFFFFFFD0]  }
0x1ba: {  	v8 =	vld [tilespmem:s1+$0xFFFFFFD0]  }
0x1bb: {  	v6 =	vld [tilespmem:s31+$0x10]  }
0x1bc: {  	v5 =	vld [tilespmem:s31+$0x20]  }
0x1bd: {  	v9 =	vld [tilespmem:s1+$0xFFFFFFC0]  }
0x1be: {  	v4 =	vld [tilespmem:s31+$0xFFFFFFC0]  }
0x1bf: {  	v11 =	vld [tilespmem:s1+$0xFFFFFFE0]  }
0x1c0: {  	v7 =	vld [tilespmem:s31+$0x0]  }
0x1c1: {  	v15 =	vld [tilespmem:s1+$0x0]  }
0x1c2: {  	v10 =	vshll.u32 v9, $0x3;
	v17 =	vld [tilespmem:s31+$0x30]  }
0x1c3: {  	v14 =	vor.u32 $0x1, v10;
	v16 =	vld [tilespmem:s1+$0x30]  }
0x1c4: {  	v19 =	vld [tilespmem:s1+$0xFFFFFFF0]  }
0x1c5: {  	v13 =	vld.idx.msk [tilespmem:v9+s26+$0x0], $0xffff  }
0x1c6: {  	v18 =	vld [tilespmem:s1+$0x20]  }
0x1c7: {  	v12 =	vld.idx.msk [tilespmem:v10+s22+$0x0], $0xffff  }
0x1c8: {  	v9 =	vld.idx.msk [tilespmem:v14+s22+$0x0], $0xffff;
	v14 =	vshll.u32 v16, $0x3  }
0x1c9: {  	v21 =	vld [tilespmem:s1+$0x10];
	v20 =	vor.u32 $0x1, v14  }
0x1ca: {  	v22 =	vld.idx.msk [tilespmem:v17+s26+$0x0], $0xffff  }
0x1cb: {  	v23 =	vshll.u32 v18, $0x3;
	v16 =	vld.idx.msk [tilespmem:v16+s26+$0x0], $0xffff  }
0x1cc: {  	v10 =	vld [tilespmem:s31+$0xFFFFFFF0];
	v24 =	vor.u32 $0x1, v23  }
0x1cd: {  	v25 =	vld.idx.msk [tilespmem:v14+s22+$0x0], $0xffff  }
0x1ce: {  	v26 =	vshll.u32 v21, $0x3;
	v27 =	vld.idx.msk [tilespmem:v20+s22+$0x0], $0xffff  }
0x1cf: {  	v28 =	vor.u32 $0x1, v26;
	v29 =	vld.idx.msk [tilespmem:v5+s26+$0x0], $0xffff  }
0x1d0: {  	v30 =	vshll.u32 v15, $0x3;
	v18 =	vld.idx.msk [tilespmem:v18+s26+$0x0], $0xffff  }
0x1d1: {  	v31 =	vor.u32 $0x1, v30;
	v22 =	vmul.f32 v22, v16;
	v14 =	vld.idx.msk [tilespmem:v23+s22+$0x0], $0xffff  }
0x1d2: {  	v32 =	vshll.u32 v19, $0x3;
	v23 =	vld.idx.msk [tilespmem:v24+s22+$0x0], $0xffff  }
0x1d3: {  	v20 =	vor.u32 $0x1, v32;
	v24 =	vmul.f32 v22, v25;
	v33 =	vld.idx.msk [tilespmem:v6+s26+$0x0], $0xffff  }
0x1d4: {  	v16 =	vshll.u32 v11, $0x3;
	v22 =	vmul.f32 v22, v27;
	v21 =	vld.idx.msk [tilespmem:v21+s26+$0x0], $0xffff  }
0x1d5: {  	v34 =	vor.u32 $0x1, v16;
	v35 =	vld.idx.msk [tilespmem:v7+s26+$0x0], $0xffff  }
0x1d6: {  	v25 =	vshll.u32 v8, $0x3;
	v18 =	vmul.f32 v29, v18;
	[tilespmem:v17+s29+$0x0] =	vst.idx.add.f32.msk $0xffff, v24  }
0x1d7: {  	v36 =	vor.u32 $0x1, v25;
	[tilespmem:v17+s30+$0x0] =	vst.idx.add.f32.msk $0xffff, v22  }
0x1d8: {  	v22 =	vld.idx.msk [tilespmem:v15+s26+$0x0], $0xffff;
	v15 =	vmul.f32 v18, v23  }
0x1d9: {  	v24 =	vld.idx.msk [tilespmem:v26+s22+$0x0], $0xffff  }
0x1da: {  	v23 =	vld.idx.msk [tilespmem:v28+s22+$0x0], $0xffff  }
0x1db: {  	v26 =	vld.idx.msk [tilespmem:v19+s26+$0x0], $0xffff  }
0x1dc: {  	v17 =	vld.idx.msk [tilespmem:v3+s26+$0x0], $0xffff  }
0x1dd: {  	v27 =	vld.idx.msk [tilespmem:v10+s26+$0x0], $0xffff  }
0x1de: {  	v37 =	vld.idx.msk [tilespmem:v30+s22+$0x0], $0xffff  }
0x1df: {  	v28 =	vld.idx.msk [tilespmem:v4+s26+$0x0], $0xffff  }
.Ltmp5:
0x1e0: {  	v19 =	vld.idx.msk [tilespmem:v2+s26+$0x0], $0xffff;
	(pc) =	sbr.rel @p0 .LBB2_12-.Ltmp5, $4  }
0x1e1: {  	v30 =	vmul.f32 v35, v22;
	v29 =	vld.idx.msk [tilespmem:v31+s22+$0x0], $0xffff  }
0x1e2: {  	v31 =	vld.idx.msk [tilespmem:v32+s22+$0x0], $0xffff;
	v32 =	vmul.f32 v33, v21  }
0x1e3: {  	v21 =	vld.idx.msk [tilespmem:v36+s22+$0x0], $0xffff  }
0x1e4: {  	s7 =	simm.s32 $0x0;
	v33 =	vmul.f32 v30, v37;
	v22 =	vld.idx.msk [tilespmem:v34+s22+$0x0], $0xffff  }
0x1e5: {  	_ =	sdelay $0x3  }
0x1e6: {  	v25 =	vld.idx.msk [tilespmem:v25+s22+$0x0], $0xffff  }
0x1e7: {  	v11 =	vld.idx.msk [tilespmem:v11+s26+$0x0], $0xffff  }
0x1e8: {  	v8 =	vld.idx.msk [tilespmem:v8+s26+$0x0], $0xffff  }
0x1e9: {  	v20 =	vld.idx.msk [tilespmem:v20+s22+$0x0], $0xffff  }
0x1ea: {  	v24 =	vmul.f32 v32, v24;
	v16 =	vld.idx.msk [tilespmem:v16+s22+$0x0], $0xffff  }
0x1eb: {  	v14 =	vmul.f32 v18, v14;
	[tilespmem:v7+s29+$0x0] =	vst.idx.add.f32.msk $0xffff, v33  }
0x1ec: {  	v57 =	vmul.f32 v30, v29;
	[tilespmem:v6+s29+$0x0] =	vst.idx.add.f32.msk $0xffff, v24  }
0x1ed: {  	v26 =	vmul.f32 v27, v26;
	v58 =	vmul.f32 v32, v23;
	[tilespmem:v5+s29+$0x0] =	vst.idx.add.f32.msk $0xffff, v14  }
0x1ee: {  	v13 =	vmul.f32 v28, v13;
	[tilespmem:v7+s30+$0x0] =	vst.idx.add.f32.msk $0xffff, v57  }
0x1ef: {  	v27 =	vmul.f32 v26, v31;
	[tilespmem:v6+s30+$0x0] =	vst.idx.add.f32.msk $0xffff, v58  }
0x1f0: {  	v12 =	vmul.f32 v13, v12;
	[tilespmem:v5+s30+$0x0] =	vst.idx.add.f32.msk $0xffff, v15;
	v11 =	vmul.f32 v17, v11  }
0x1f1: {  	[tilespmem:v10+s29+$0x0] =	vst.idx.add.f32.msk $0xffff, v27;
	v59 =	vmul.f32 v26, v20;
	v60 =	vmul.f32 v19, v8  }
0x1f2: {  	[tilespmem:v4+s29+$0x0] =	vst.idx.add.f32.msk $0xffff, v12;
	v61 =	vmul.f32 v11, v16  }
0x1f3: {  	[tilespmem:v10+s30+$0x0] =	vst.idx.add.f32.msk $0xffff, v59;
	v63 =	vmul.f32 v60, v25  }
0x1f4: {  	v62 =	vmul.f32 v11, v22;
	[tilespmem:v3+s29+$0x0] =	vst.idx.add.f32.msk $0xffff, v61  }
0x1f5: {  	v6 =	vmul.f32 v60, v21;
	[tilespmem:v2+s29+$0x0] =	vst.idx.add.f32.msk $0xffff, v63  }
0x1f6: {  	[tilespmem:v3+s30+$0x0] =	vst.idx.add.f32.msk $0xffff, v62;
	v3 =	vmul.f32 v13, v9  }
0x1f7: {  	[tilespmem:v2+s30+$0x0] =	vst.idx.add.f32.msk $0xffff, v6  }
0x1f8: {  	[tilespmem:v4+s30+$0x0] =	vst.idx.add.f32.msk $0xffff, v3  }
.LBB2_14:
0x1f9: {  	s1 =	sshra.s32 s7, $0x2  }
0x1fa: {  	v2 =	vld [tilespmem:s1+$0x780]  }
0x1fb: {  	v3 =	vld [tilespmem:s1+$0xF50];
	_ =	sdelay $0x4  }
0x1fc: {  	v4 =	vshll.u32 v2, $0x3  }
0x1fd: {  	v5 =	vor.u32 $0x1, v4  }
0x1fe: {  	v2 =	vld.idx.msk [tilespmem:v2+s26+$0x0], $0xffff  }
0x1ff: {  	v6 =	vld.idx.msk [tilespmem:v3+s26+$0x0], $0xffff;
	_ =	sdelay $0x1  }
0x200: {  	v4 =	vld.idx.msk [tilespmem:v4+s22+$0x0], $0xffff  }
0x201: {  	v5 =	vld.idx.msk [tilespmem:v5+s22+$0x0], $0xffff;
	_ =	sdelay $0x1  }
0x202: {  	p0 =	sne.s32 s7, $0x100;
	v2 =	vmul.f32 v6, v2  }
.Ltmp6:
0x203: {  	_ = 	snop;
	(pc) =	sbr.rel @p0 .LBB2_14-.Ltmp6, $4  }
0x204: {  	v4 =	vmul.f32 v2, v4  }
0x205: {  	v2 =	vmul.f32 v2, v5  }
0x206: {  	[tilespmem:v3+s29+$0x0] =	vst.idx.add.f32.msk $0xffff, v4  }
0x207: {  	s7 =	sadd.s32 $0x40, s7;
	[tilespmem:v3+s30+$0x0] =	vst.idx.add.f32.msk $0xffff, v2  }
0x208: {  	[tilespmem:s3], [sflag:$0x1] =	stream.linear.gather [hbm4b:s12+s3], $0x7D0, $0x38;
	[tilespmem:$0x1F220] =	vst v63  }
0x209: {  	_ =	swait.ge [sflag:s23], $0x7D0  }
0x20a: {  	[sflag:s23] =	ssyncset.done $0x0  }
0x20b: {  	[sflag:s23] =	ssyncadd.s32 $0xFFFFF830  }
0x20c: {  	[tilespmem:s28], [sflag:$0x1] =	stream.linear.gather [hbm4b:s13+s3], $0x7D0, $0x38;
	[tilespmem:$0x1F220] =	vst v63  }
0x20d: {  	_ =	swait.ge [sflag:s23], $0x7D0  }
0x20e: {  	[sflag:s23] =	ssyncset.done $0x0  }
0x20f: {  	s31 =	simm.s32 $0x810;
	[sflag:s23] =	ssyncadd.s32 $0xFFFFF830  }
0x210: {  	v3 =	vld [tilespmem:s31+$0xFFFFFFE0]  }
0x211: {  	s1 =	simm.s32 $0x40;
	v2 =	vld [tilespmem:s31+$0xFFFFFFD0]  }
0x212: {  	v8 =	vld [tilespmem:s1+$0xFFFFFFD0]  }
0x213: {  	v6 =	vld [tilespmem:s31+$0x10]  }
0x214: {  	v5 =	vld [tilespmem:s31+$0x20]  }
0x215: {  	v9 =	vld [tilespmem:s1+$0xFFFFFFC0]  }
0x216: {  	v4 =	vld [tilespmem:s31+$0xFFFFFFC0]  }
0x217: {  	v11 =	vld [tilespmem:s1+$0xFFFFFFE0]  }
0x218: {  	v16 =	vld [tilespmem:s31+$0x30]  }
0x219: {  	v7 =	vld [tilespmem:s31+$0x0]  }
0x21a: {  	v19 =	vld [tilespmem:s1+$0x20]  }
0x21b: {  	v15 =	vld [tilespmem:s1+$0x0]  }
0x21c: {  	v20 =	vld [tilespmem:s1+$0x10]  }
0x21d: {  	v17 =	vld [tilespmem:s1+$0x30]  }
0x21e: {  	v18 =	vld [tilespmem:s1+$0xFFFFFFF0]  }
0x21f: {  	v13 =	vld.idx.msk [tilespmem:v9+s26+$0x0], $0xffff  }
0x220: {  	v22 =	vld.idx.msk [tilespmem:v16+s26+$0x0], $0xffff  }
0x221: {  	v29 =	vld.idx.msk [tilespmem:v5+s26+$0x0], $0xffff  }
0x222: {  	v10 =	vshll.u32 v9, $0x3;
	v30 =	vld.idx.msk [tilespmem:v19+s26+$0x0], $0xffff  }
0x223: {  	v14 =	vor.u32 $0x1, v10;
	v32 =	vld.idx.msk [tilespmem:v6+s26+$0x0], $0xffff  }
0x224: {  	v33 =	vld.idx.msk [tilespmem:v20+s26+$0x0], $0xffff  }
0x225: {  	v31 =	vld.idx.msk [tilespmem:v15+s26+$0x0], $0xffff  }
0x226: {  	v26 =	vld.idx.msk [tilespmem:v18+s26+$0x0], $0xffff  }
0x227: {  	v15 =	vshll.u32 v15, $0x3;
	v28 =	vld.idx.msk [tilespmem:v4+s26+$0x0], $0xffff  }
0x228: {  	v9 =	vld.idx.msk [tilespmem:v14+s22+$0x0], $0xffff;
	v14 =	vshll.u32 v17, $0x3  }
0x229: {  	v12 =	vld.idx.msk [tilespmem:v10+s22+$0x0], $0xffff;
	v21 =	vor.u32 $0x1, v14  }
0x22a: {  	v23 =	vshll.u32 v19, $0x3;
	v10 =	vld [tilespmem:s31+$0xFFFFFFF0]  }
0x22b: {  	v24 =	vor.u32 $0x1, v23;
	v17 =	vld.idx.msk [tilespmem:v17+s26+$0x0], $0xffff  }
0x22c: {  	v19 =	vshll.u32 v20, $0x3;
	v36 =	vld.idx.msk [tilespmem:v15+s22+$0x0], $0xffff  }
0x22d: {  	v25 =	vld.idx.msk [tilespmem:v14+s22+$0x0], $0xffff  }
0x22e: {  	v21 =	vld.idx.msk [tilespmem:v21+s22+$0x0], $0xffff  }
0x22f: {  	v14 =	vld.idx.msk [tilespmem:v23+s22+$0x0], $0xffff  }
0x230: {  	v20 =	vor.u32 $0x1, v19;
	v17 =	vmul.f32 v22, v17;
	v22 =	vld.idx.msk [tilespmem:v24+s22+$0x0], $0xffff  }
0x231: {  	v24 =	vld.idx.msk [tilespmem:v19+s22+$0x0], $0xffff  }
0x232: {  	v19 =	vld.idx.msk [tilespmem:v2+s26+$0x0], $0xffff;
	v23 =	vmul.f32 v17, v25  }
0x233: {  	v17 =	vmul.f32 v17, v21;
	v21 =	vld.idx.msk [tilespmem:v7+s26+$0x0], $0xffff  }
0x234: {  	v34 =	vshll.u32 v18, $0x3;
	[tilespmem:v16+s29+$0x0] =	vst.idx.add.f32.msk $0xffff, v23  }
0x235: {  	v25 =	vshll.u32 v8, $0x3;
	v23 =	vld.idx.msk [tilespmem:v20+s22+$0x0], $0xffff;
	v20 =	vor.u32 $0x1, v15  }
0x236: {  	v35 =	vor.u32 $0x1, v25;
	[tilespmem:v16+s30+$0x0] =	vst.idx.add.f32.msk $0xffff, v17;
	v16 =	vshll.u32 v11, $0x3  }
0x237: {  	v27 =	vld.idx.msk [tilespmem:v10+s26+$0x0], $0xffff;
	v37 =	vor.u32 $0x1, v16  }
0x238: {  	v17 =	vld.idx.msk [tilespmem:v3+s26+$0x0], $0xffff  }
0x239: {  	v18 =	vmul.f32 v29, v30;
	v30 =	vmul.f32 v21, v31;
	v31 =	vld.idx.msk [tilespmem:v34+s22+$0x0], $0xffff  }
0x23a: {  	v29 =	vld.idx.msk [tilespmem:v20+s22+$0x0], $0xffff  }
0x23b: {  	v32 =	vmul.f32 v32, v33;
	v21 =	vld.idx.msk [tilespmem:v35+s22+$0x0], $0xffff  }
0x23c: {  	s6 =	simm.s32 $0x0;
	v15 =	vmul.f32 v18, v22;
	v20 =	vor.u32 $0x1, v34;
	v33 =	vmul.f32 v30, v36;
	v22 =	vld.idx.msk [tilespmem:v37+s22+$0x0], $0xffff  }
.LBB2_16:
0x23d: {  	s6 =	sadd.s32 $0x8, s6;
	v25 =	vld.idx.msk [tilespmem:v25+s22+$0x0], $0xffff;
	v23 =	vmul.f32 v32, v23;
	s1 =	sadd.s32 $0x80, s1;
	s31 =	sadd.s32 $0x80, s31  }
0x23e: {  	v26 =	vmul.f32 v27, v26;
	v24 =	vmul.f32 v32, v24;
	p0 =	slt.u32 s6, $0x70;
	v11 =	vld.idx.msk [tilespmem:v11+s26+$0x0], $0xffff  }
0x23f: {  	v27 =	vmul.f32 v30, v29;
	v8 =	vld.idx.msk [tilespmem:v8+s26+$0x0], $0xffff  }
0x240: {  	v13 =	vmul.f32 v28, v13;
	[tilespmem:v7+s29+$0x0] =	vst.idx.add.f32.msk $0xffff, v33  }
0x241: {  	v14 =	vmul.f32 v18, v14;
	v28 =	vmul.f32 v26, v31;
	v20 =	vld.idx.msk [tilespmem:v20+s22+$0x0], $0xffff  }
0x242: {  	v12 =	vmul.f32 v13, v12;
	v9 =	vmul.f32 v13, v9;
	v13 =	vld.idx.msk [tilespmem:v16+s22+$0x0], $0xffff  }
0x243: {  	[tilespmem:v6+s29+$0x0] =	vst.idx.add.f32.msk $0xffff, v24  }
0x244: {  	v11 =	vmul.f32 v17, v11;
	[tilespmem:v10+s29+$0x0] =	vst.idx.add.f32.msk $0xffff, v28  }
0x245: {  	v8 =	vmul.f32 v19, v8;
	[tilespmem:v4+s29+$0x0] =	vst.idx.add.f32.msk $0xffff, v12  }
0x246: {  	[tilespmem:v5+s29+$0x0] =	vst.idx.add.f32.msk $0xffff, v14  }
0x247: {  	v12 =	vmul.f32 v8, v21;
	v14 =	vmul.f32 v26, v20;
	[tilespmem:v7+s30+$0x0] =	vst.idx.add.f32.msk $0xffff, v27  }
0x248: {  	v7 =	vmul.f32 v11, v13;
	v11 =	vmul.f32 v11, v22;
	[tilespmem:v6+s30+$0x0] =	vst.idx.add.f32.msk $0xffff, v23  }
0x249: {  	v6 =	vmul.f32 v8, v25;
	[tilespmem:v10+s30+$0x0] =	vst.idx.add.f32.msk $0xffff, v14  }
0x24a: {  	[tilespmem:v5+s30+$0x0] =	vst.idx.add.f32.msk $0xffff, v15  }
0x24b: {  	[tilespmem:v3+s29+$0x0] =	vst.idx.add.f32.msk $0xffff, v7  }
0x24c: {  	[tilespmem:v3+s30+$0x0] =	vst.idx.add.f32.msk $0xffff, v11  }
0x24d: {  	[tilespmem:v2+s29+$0x0] =	vst.idx.add.f32.msk $0xffff, v6  }
0x24e: {  	[tilespmem:v2+s30+$0x0] =	vst.idx.add.f32.msk $0xffff, v12  }
0x24f: {  	[tilespmem:v4+s30+$0x0] =	vst.idx.add.f32.msk $0xffff, v9  }
0x250: {  	v3 =	vld [tilespmem:s31+$0xFFFFFFE0]  }
0x251: {  	v2 =	vld [tilespmem:s31+$0xFFFFFFD0]  }
0x252: {  	v8 =	vld [tilespmem:s1+$0xFFFFFFD0]  }
0x253: {  	v6 =	vld [tilespmem:s31+$0x10]  }
0x254: {  	v5 =	vld [tilespmem:s31+$0x20]  }
0x255: {  	v9 =	vld [tilespmem:s1+$0xFFFFFFC0]  }
0x256: {  	v4 =	vld [tilespmem:s31+$0xFFFFFFC0]  }
0x257: {  	v11 =	vld [tilespmem:s1+$0xFFFFFFE0]  }
0x258: {  	v7 =	vld [tilespmem:s31+$0x0]  }
0x259: {  	v15 =	vld [tilespmem:s1+$0x0]  }
0x25a: {  	v10 =	vshll.u32 v9, $0x3;
	v17 =	vld [tilespmem:s31+$0x30]  }
0x25b: {  	v14 =	vor.u32 $0x1, v10;
	v16 =	vld [tilespmem:s1+$0x30]  }
0x25c: {  	v19 =	vld [tilespmem:s1+$0xFFFFFFF0]  }
0x25d: {  	v13 =	vld.idx.msk [tilespmem:v9+s26+$0x0], $0xffff  }
0x25e: {  	v18 =	vld [tilespmem:s1+$0x20]  }
0x25f: {  	v12 =	vld.idx.msk [tilespmem:v10+s22+$0x0], $0xffff  }
0x260: {  	v9 =	vld.idx.msk [tilespmem:v14+s22+$0x0], $0xffff;
	v14 =	vshll.u32 v16, $0x3  }
0x261: {  	v21 =	vld [tilespmem:s1+$0x10];
	v20 =	vor.u32 $0x1, v14  }
0x262: {  	v22 =	vld.idx.msk [tilespmem:v17+s26+$0x0], $0xffff  }
0x263: {  	v23 =	vshll.u32 v18, $0x3;
	v16 =	vld.idx.msk [tilespmem:v16+s26+$0x0], $0xffff  }
0x264: {  	v10 =	vld [tilespmem:s31+$0xFFFFFFF0];
	v24 =	vor.u32 $0x1, v23  }
0x265: {  	v25 =	vld.idx.msk [tilespmem:v14+s22+$0x0], $0xffff  }
0x266: {  	v26 =	vshll.u32 v21, $0x3;
	v27 =	vld.idx.msk [tilespmem:v20+s22+$0x0], $0xffff  }
0x267: {  	v28 =	vor.u32 $0x1, v26;
	v29 =	vld.idx.msk [tilespmem:v5+s26+$0x0], $0xffff  }
0x268: {  	v30 =	vshll.u32 v15, $0x3;
	v18 =	vld.idx.msk [tilespmem:v18+s26+$0x0], $0xffff  }
0x269: {  	v31 =	vor.u32 $0x1, v30;
	v22 =	vmul.f32 v22, v16;
	v14 =	vld.idx.msk [tilespmem:v23+s22+$0x0], $0xffff  }
0x26a: {  	v32 =	vshll.u32 v19, $0x3;
	v23 =	vld.idx.msk [tilespmem:v24+s22+$0x0], $0xffff  }
0x26b: {  	v20 =	vor.u32 $0x1, v32;
	v24 =	vmul.f32 v22, v25;
	v33 =	vld.idx.msk [tilespmem:v6+s26+$0x0], $0xffff  }
0x26c: {  	v16 =	vshll.u32 v11, $0x3;
	v22 =	vmul.f32 v22, v27;
	v21 =	vld.idx.msk [tilespmem:v21+s26+$0x0], $0xffff  }
0x26d: {  	v34 =	vor.u32 $0x1, v16;
	v35 =	vld.idx.msk [tilespmem:v7+s26+$0x0], $0xffff  }
0x26e: {  	v25 =	vshll.u32 v8, $0x3;
	v18 =	vmul.f32 v29, v18;
	[tilespmem:v17+s29+$0x0] =	vst.idx.add.f32.msk $0xffff, v24  }
0x26f: {  	v36 =	vor.u32 $0x1, v25;
	[tilespmem:v17+s30+$0x0] =	vst.idx.add.f32.msk $0xffff, v22  }
0x270: {  	v22 =	vld.idx.msk [tilespmem:v15+s26+$0x0], $0xffff;
	v15 =	vmul.f32 v18, v23  }
0x271: {  	v24 =	vld.idx.msk [tilespmem:v26+s22+$0x0], $0xffff  }
0x272: {  	v23 =	vld.idx.msk [tilespmem:v28+s22+$0x0], $0xffff  }
0x273: {  	v26 =	vld.idx.msk [tilespmem:v19+s26+$0x0], $0xffff  }
0x274: {  	v17 =	vld.idx.msk [tilespmem:v3+s26+$0x0], $0xffff  }
0x275: {  	v27 =	vld.idx.msk [tilespmem:v10+s26+$0x0], $0xffff  }
0x276: {  	v37 =	vld.idx.msk [tilespmem:v30+s22+$0x0], $0xffff  }
0x277: {  	v28 =	vld.idx.msk [tilespmem:v4+s26+$0x0], $0xffff  }
.Ltmp7:
0x278: {  	v19 =	vld.idx.msk [tilespmem:v2+s26+$0x0], $0xffff;
	(pc) =	sbr.rel @p0 .LBB2_16-.Ltmp7, $4  }
0x279: {  	v30 =	vmul.f32 v35, v22;
	v29 =	vld.idx.msk [tilespmem:v31+s22+$0x0], $0xffff  }
0x27a: {  	v31 =	vld.idx.msk [tilespmem:v32+s22+$0x0], $0xffff;
	v32 =	vmul.f32 v33, v21  }
0x27b: {  	v21 =	vld.idx.msk [tilespmem:v36+s22+$0x0], $0xffff  }
0x27c: {  	s7 =	simm.s32 $0x0;
	v33 =	vmul.f32 v30, v37;
	v22 =	vld.idx.msk [tilespmem:v34+s22+$0x0], $0xffff  }
0x27d: {  	_ =	sdelay $0x3  }
0x27e: {  	v25 =	vld.idx.msk [tilespmem:v25+s22+$0x0], $0xffff  }
0x27f: {  	v11 =	vld.idx.msk [tilespmem:v11+s26+$0x0], $0xffff  }
0x280: {  	v8 =	vld.idx.msk [tilespmem:v8+s26+$0x0], $0xffff  }
0x281: {  	v20 =	vld.idx.msk [tilespmem:v20+s22+$0x0], $0xffff  }
0x282: {  	v24 =	vmul.f32 v32, v24;
	v16 =	vld.idx.msk [tilespmem:v16+s22+$0x0], $0xffff  }
0x283: {  	v14 =	vmul.f32 v18, v14;
	[tilespmem:v7+s29+$0x0] =	vst.idx.add.f32.msk $0xffff, v33  }
0x284: {  	v57 =	vmul.f32 v30, v29;
	[tilespmem:v6+s29+$0x0] =	vst.idx.add.f32.msk $0xffff, v24  }
0x285: {  	v26 =	vmul.f32 v27, v26;
	v58 =	vmul.f32 v32, v23;
	[tilespmem:v5+s29+$0x0] =	vst.idx.add.f32.msk $0xffff, v14  }
0x286: {  	v13 =	vmul.f32 v28, v13;
	[tilespmem:v7+s30+$0x0] =	vst.idx.add.f32.msk $0xffff, v57  }
0x287: {  	v27 =	vmul.f32 v26, v31;
	[tilespmem:v6+s30+$0x0] =	vst.idx.add.f32.msk $0xffff, v58  }
0x288: {  	v12 =	vmul.f32 v13, v12;
	[tilespmem:v5+s30+$0x0] =	vst.idx.add.f32.msk $0xffff, v15;
	v11 =	vmul.f32 v17, v11  }
0x289: {  	[tilespmem:v10+s29+$0x0] =	vst.idx.add.f32.msk $0xffff, v27;
	v59 =	vmul.f32 v26, v20;
	v60 =	vmul.f32 v19, v8  }
0x28a: {  	[tilespmem:v4+s29+$0x0] =	vst.idx.add.f32.msk $0xffff, v12;
	v61 =	vmul.f32 v11, v16  }
0x28b: {  	[tilespmem:v10+s30+$0x0] =	vst.idx.add.f32.msk $0xffff, v59;
	v63 =	vmul.f32 v60, v25  }
0x28c: {  	v62 =	vmul.f32 v11, v22;
	[tilespmem:v3+s29+$0x0] =	vst.idx.add.f32.msk $0xffff, v61  }
0x28d: {  	v6 =	vmul.f32 v60, v21;
	[tilespmem:v2+s29+$0x0] =	vst.idx.add.f32.msk $0xffff, v63  }
0x28e: {  	[tilespmem:v3+s30+$0x0] =	vst.idx.add.f32.msk $0xffff, v62;
	v3 =	vmul.f32 v13, v9  }
0x28f: {  	[tilespmem:v2+s30+$0x0] =	vst.idx.add.f32.msk $0xffff, v6  }
0x290: {  	[tilespmem:v4+s30+$0x0] =	vst.idx.add.f32.msk $0xffff, v3  }
.LBB2_18:
0x291: {  	s1 =	sshra.s32 s7, $0x2  }
0x292: {  	v2 =	vld [tilespmem:s1+$0x780]  }
0x293: {  	v3 =	vld [tilespmem:s1+$0xF50];
	_ =	sdelay $0x4  }
0x294: {  	v4 =	vshll.u32 v2, $0x3  }
0x295: {  	v5 =	vor.u32 $0x1, v4  }
0x296: {  	v2 =	vld.idx.msk [tilespmem:v2+s26+$0x0], $0xffff  }
0x297: {  	v6 =	vld.idx.msk [tilespmem:v3+s26+$0x0], $0xffff;
	_ =	sdelay $0x1  }
0x298: {  	v4 =	vld.idx.msk [tilespmem:v4+s22+$0x0], $0xffff  }
0x299: {  	v5 =	vld.idx.msk [tilespmem:v5+s22+$0x0], $0xffff;
	_ =	sdelay $0x1  }
0x29a: {  	p0 =	sne.s32 s7, $0x100;
	v2 =	vmul.f32 v6, v2  }
.Ltmp8:
0x29b: {  	_ = 	snop;
	(pc) =	sbr.rel @p0 .LBB2_18-.Ltmp8, $4  }
0x29c: {  	v4 =	vmul.f32 v2, v4  }
0x29d: {  	v2 =	vmul.f32 v2, v5  }
0x29e: {  	[tilespmem:v3+s29+$0x0] =	vst.idx.add.f32.msk $0xffff, v4  }
0x29f: {  	s7 =	sadd.s32 $0x40, s7;
	[tilespmem:v3+s30+$0x0] =	vst.idx.add.f32.msk $0xffff, v2  }
0x2a0: {  	[tilespmem:s3], [sflag:$0x1] =	stream.linear.gather [hbm4b:s14+s3], $0x7D0, $0x38;
	[tilespmem:$0x1F220] =	vst v63  }
0x2a1: {  	_ =	swait.ge [sflag:s23], $0x7D0  }
0x2a2: {  	[sflag:s23] =	ssyncset.done $0x0  }
0x2a3: {  	[sflag:s23] =	ssyncadd.s32 $0xFFFFF830  }
0x2a4: {  	[tilespmem:s28], [sflag:$0x1] =	stream.linear.gather [hbm4b:s15+s3], $0x7D0, $0x38;
	[tilespmem:$0x1F220] =	vst v63  }
0x2a5: {  	_ =	swait.ge [sflag:s23], $0x7D0  }
0x2a6: {  	[sflag:s23] =	ssyncset.done $0x0  }
0x2a7: {  	s31 =	simm.s32 $0x810;
	[sflag:s23] =	ssyncadd.s32 $0xFFFFF830  }
0x2a8: {  	v3 =	vld [tilespmem:s31+$0xFFFFFFE0]  }
0x2a9: {  	s1 =	simm.s32 $0x40;
	v2 =	vld [tilespmem:s31+$0xFFFFFFD0]  }
0x2aa: {  	v8 =	vld [tilespmem:s1+$0xFFFFFFD0]  }
0x2ab: {  	v6 =	vld [tilespmem:s31+$0x10]  }
0x2ac: {  	v5 =	vld [tilespmem:s31+$0x20]  }
0x2ad: {  	v9 =	vld [tilespmem:s1+$0xFFFFFFC0]  }
0x2ae: {  	v4 =	vld [tilespmem:s31+$0xFFFFFFC0]  }
0x2af: {  	v11 =	vld [tilespmem:s1+$0xFFFFFFE0]  }
0x2b0: {  	v16 =	vld [tilespmem:s31+$0x30]  }
0x2b1: {  	v7 =	vld [tilespmem:s31+$0x0]  }
0x2b2: {  	v19 =	vld [tilespmem:s1+$0x20]  }
0x2b3: {  	v15 =	vld [tilespmem:s1+$0x0]  }
0x2b4: {  	v20 =	vld [tilespmem:s1+$0x10]  }
0x2b5: {  	v17 =	vld [tilespmem:s1+$0x30]  }
0x2b6: {  	v18 =	vld [tilespmem:s1+$0xFFFFFFF0]  }
0x2b7: {  	v13 =	vld.idx.msk [tilespmem:v9+s26+$0x0], $0xffff  }
0x2b8: {  	v22 =	vld.idx.msk [tilespmem:v16+s26+$0x0], $0xffff  }
0x2b9: {  	v29 =	vld.idx.msk [tilespmem:v5+s26+$0x0], $0xffff  }
0x2ba: {  	v10 =	vshll.u32 v9, $0x3;
	v30 =	vld.idx.msk [tilespmem:v19+s26+$0x0], $0xffff  }
0x2bb: {  	v14 =	vor.u32 $0x1, v10;
	v32 =	vld.idx.msk [tilespmem:v6+s26+$0x0], $0xffff  }
0x2bc: {  	v33 =	vld.idx.msk [tilespmem:v20+s26+$0x0], $0xffff  }
0x2bd: {  	v31 =	vld.idx.msk [tilespmem:v15+s26+$0x0], $0xffff  }
0x2be: {  	v26 =	vld.idx.msk [tilespmem:v18+s26+$0x0], $0xffff  }
0x2bf: {  	v15 =	vshll.u32 v15, $0x3;
	v28 =	vld.idx.msk [tilespmem:v4+s26+$0x0], $0xffff  }
0x2c0: {  	v9 =	vld.idx.msk [tilespmem:v14+s22+$0x0], $0xffff;
	v14 =	vshll.u32 v17, $0x3  }
0x2c1: {  	v12 =	vld.idx.msk [tilespmem:v10+s22+$0x0], $0xffff;
	v21 =	vor.u32 $0x1, v14  }
0x2c2: {  	v23 =	vshll.u32 v19, $0x3;
	v10 =	vld [tilespmem:s31+$0xFFFFFFF0]  }
0x2c3: {  	v24 =	vor.u32 $0x1, v23;
	v17 =	vld.idx.msk [tilespmem:v17+s26+$0x0], $0xffff  }
0x2c4: {  	v19 =	vshll.u32 v20, $0x3;
	v36 =	vld.idx.msk [tilespmem:v15+s22+$0x0], $0xffff  }
0x2c5: {  	v25 =	vld.idx.msk [tilespmem:v14+s22+$0x0], $0xffff  }
0x2c6: {  	v21 =	vld.idx.msk [tilespmem:v21+s22+$0x0], $0xffff  }
0x2c7: {  	v14 =	vld.idx.msk [tilespmem:v23+s22+$0x0], $0xffff  }
0x2c8: {  	v20 =	vor.u32 $0x1, v19;
	v17 =	vmul.f32 v22, v17;
	v22 =	vld.idx.msk [tilespmem:v24+s22+$0x0], $0xffff  }
0x2c9: {  	v24 =	vld.idx.msk [tilespmem:v19+s22+$0x0], $0xffff  }
0x2ca: {  	v19 =	vld.idx.msk [tilespmem:v2+s26+$0x0], $0xffff;
	v23 =	vmul.f32 v17, v25  }
0x2cb: {  	v17 =	vmul.f32 v17, v21;
	v21 =	vld.idx.msk [tilespmem:v7+s26+$0x0], $0xffff  }
0x2cc: {  	v34 =	vshll.u32 v18, $0x3;
	[tilespmem:v16+s29+$0x0] =	vst.idx.add.f32.msk $0xffff, v23  }
0x2cd: {  	v25 =	vshll.u32 v8, $0x3;
	v23 =	vld.idx.msk [tilespmem:v20+s22+$0x0], $0xffff;
	v20 =	vor.u32 $0x1, v15  }
0x2ce: {  	v35 =	vor.u32 $0x1, v25;
	[tilespmem:v16+s30+$0x0] =	vst.idx.add.f32.msk $0xffff, v17;
	v16 =	vshll.u32 v11, $0x3  }
0x2cf: {  	v27 =	vld.idx.msk [tilespmem:v10+s26+$0x0], $0xffff;
	v37 =	vor.u32 $0x1, v16  }
0x2d0: {  	v17 =	vld.idx.msk [tilespmem:v3+s26+$0x0], $0xffff  }
0x2d1: {  	v18 =	vmul.f32 v29, v30;
	v30 =	vmul.f32 v21, v31;
	v31 =	vld.idx.msk [tilespmem:v34+s22+$0x0], $0xffff  }
0x2d2: {  	v29 =	vld.idx.msk [tilespmem:v20+s22+$0x0], $0xffff  }
0x2d3: {  	v32 =	vmul.f32 v32, v33;
	v21 =	vld.idx.msk [tilespmem:v35+s22+$0x0], $0xffff  }
0x2d4: {  	s6 =	simm.s32 $0x0;
	v15 =	vmul.f32 v18, v22;
	v20 =	vor.u32 $0x1, v34;
	v33 =	vmul.f32 v30, v36;
	v22 =	vld.idx.msk [tilespmem:v37+s22+$0x0], $0xffff  }
.LBB2_20:
0x2d5: {  	s6 =	sadd.s32 $0x8, s6;
	v25 =	vld.idx.msk [tilespmem:v25+s22+$0x0], $0xffff;
	v23 =	vmul.f32 v32, v23;
	s1 =	sadd.s32 $0x80, s1;
	s31 =	sadd.s32 $0x80, s31  }
0x2d6: {  	v26 =	vmul.f32 v27, v26;
	v24 =	vmul.f32 v32, v24;
	p0 =	slt.u32 s6, $0x70;
	v11 =	vld.idx.msk [tilespmem:v11+s26+$0x0], $0xffff  }
0x2d7: {  	v27 =	vmul.f32 v30, v29;
	v8 =	vld.idx.msk [tilespmem:v8+s26+$0x0], $0xffff  }
0x2d8: {  	v13 =	vmul.f32 v28, v13;
	[tilespmem:v7+s29+$0x0] =	vst.idx.add.f32.msk $0xffff, v33  }
0x2d9: {  	v14 =	vmul.f32 v18, v14;
	v28 =	vmul.f32 v26, v31;
	v20 =	vld.idx.msk [tilespmem:v20+s22+$0x0], $0xffff  }
0x2da: {  	v12 =	vmul.f32 v13, v12;
	v9 =	vmul.f32 v13, v9;
	v13 =	vld.idx.msk [tilespmem:v16+s22+$0x0], $0xffff  }
0x2db: {  	[tilespmem:v6+s29+$0x0] =	vst.idx.add.f32.msk $0xffff, v24  }
0x2dc: {  	v11 =	vmul.f32 v17, v11;
	[tilespmem:v10+s29+$0x0] =	vst.idx.add.f32.msk $0xffff, v28  }
0x2dd: {  	v8 =	vmul.f32 v19, v8;
	[tilespmem:v4+s29+$0x0] =	vst.idx.add.f32.msk $0xffff, v12  }
0x2de: {  	[tilespmem:v5+s29+$0x0] =	vst.idx.add.f32.msk $0xffff, v14  }
0x2df: {  	v12 =	vmul.f32 v8, v21;
	v14 =	vmul.f32 v26, v20;
	[tilespmem:v7+s30+$0x0] =	vst.idx.add.f32.msk $0xffff, v27  }
0x2e0: {  	v7 =	vmul.f32 v11, v13;
	v11 =	vmul.f32 v11, v22;
	[tilespmem:v6+s30+$0x0] =	vst.idx.add.f32.msk $0xffff, v23  }
0x2e1: {  	v6 =	vmul.f32 v8, v25;
	[tilespmem:v10+s30+$0x0] =	vst.idx.add.f32.msk $0xffff, v14  }
0x2e2: {  	[tilespmem:v5+s30+$0x0] =	vst.idx.add.f32.msk $0xffff, v15  }
0x2e3: {  	[tilespmem:v3+s29+$0x0] =	vst.idx.add.f32.msk $0xffff, v7  }
0x2e4: {  	[tilespmem:v3+s30+$0x0] =	vst.idx.add.f32.msk $0xffff, v11  }
0x2e5: {  	[tilespmem:v2+s29+$0x0] =	vst.idx.add.f32.msk $0xffff, v6  }
0x2e6: {  	[tilespmem:v2+s30+$0x0] =	vst.idx.add.f32.msk $0xffff, v12  }
0x2e7: {  	[tilespmem:v4+s30+$0x0] =	vst.idx.add.f32.msk $0xffff, v9  }
0x2e8: {  	v3 =	vld [tilespmem:s31+$0xFFFFFFE0]  }
0x2e9: {  	v2 =	vld [tilespmem:s31+$0xFFFFFFD0]  }
0x2ea: {  	v8 =	vld [tilespmem:s1+$0xFFFFFFD0]  }
0x2eb: {  	v6 =	vld [tilespmem:s31+$0x10]  }
0x2ec: {  	v5 =	vld [tilespmem:s31+$0x20]  }
0x2ed: {  	v9 =	vld [tilespmem:s1+$0xFFFFFFC0]  }
0x2ee: {  	v4 =	vld [tilespmem:s31+$0xFFFFFFC0]  }
0x2ef: {  	v11 =	vld [tilespmem:s1+$0xFFFFFFE0]  }
0x2f0: {  	v7 =	vld [tilespmem:s31+$0x0]  }
0x2f1: {  	v15 =	vld [tilespmem:s1+$0x0]  }
0x2f2: {  	v10 =	vshll.u32 v9, $0x3;
	v17 =	vld [tilespmem:s31+$0x30]  }
0x2f3: {  	v14 =	vor.u32 $0x1, v10;
	v16 =	vld [tilespmem:s1+$0x30]  }
0x2f4: {  	v19 =	vld [tilespmem:s1+$0xFFFFFFF0]  }
0x2f5: {  	v13 =	vld.idx.msk [tilespmem:v9+s26+$0x0], $0xffff  }
0x2f6: {  	v18 =	vld [tilespmem:s1+$0x20]  }
0x2f7: {  	v12 =	vld.idx.msk [tilespmem:v10+s22+$0x0], $0xffff  }
0x2f8: {  	v9 =	vld.idx.msk [tilespmem:v14+s22+$0x0], $0xffff;
	v14 =	vshll.u32 v16, $0x3  }
0x2f9: {  	v21 =	vld [tilespmem:s1+$0x10];
	v20 =	vor.u32 $0x1, v14  }
0x2fa: {  	v22 =	vld.idx.msk [tilespmem:v17+s26+$0x0], $0xffff  }
0x2fb: {  	v23 =	vshll.u32 v18, $0x3;
	v16 =	vld.idx.msk [tilespmem:v16+s26+$0x0], $0xffff  }
0x2fc: {  	v10 =	vld [tilespmem:s31+$0xFFFFFFF0];
	v24 =	vor.u32 $0x1, v23  }
0x2fd: {  	v25 =	vld.idx.msk [tilespmem:v14+s22+$0x0], $0xffff  }
0x2fe: {  	v26 =	vshll.u32 v21, $0x3;
	v27 =	vld.idx.msk [tilespmem:v20+s22+$0x0], $0xffff  }
0x2ff: {  	v28 =	vor.u32 $0x1, v26;
	v29 =	vld.idx.msk [tilespmem:v5+s26+$0x0], $0xffff  }
0x300: {  	v30 =	vshll.u32 v15, $0x3;
	v18 =	vld.idx.msk [tilespmem:v18+s26+$0x0], $0xffff  }
0x301: {  	v31 =	vor.u32 $0x1, v30;
	v22 =	vmul.f32 v22, v16;
	v14 =	vld.idx.msk [tilespmem:v23+s22+$0x0], $0xffff  }
0x302: {  	v32 =	vshll.u32 v19, $0x3;
	v23 =	vld.idx.msk [tilespmem:v24+s22+$0x0], $0xffff  }
0x303: {  	v20 =	vor.u32 $0x1, v32;
	v24 =	vmul.f32 v22, v25;
	v33 =	vld.idx.msk [tilespmem:v6+s26+$0x0], $0xffff  }
0x304: {  	v16 =	vshll.u32 v11, $0x3;
	v22 =	vmul.f32 v22, v27;
	v21 =	vld.idx.msk [tilespmem:v21+s26+$0x0], $0xffff  }
0x305: {  	v34 =	vor.u32 $0x1, v16;
	v35 =	vld.idx.msk [tilespmem:v7+s26+$0x0], $0xffff  }
0x306: {  	v25 =	vshll.u32 v8, $0x3;
	v18 =	vmul.f32 v29, v18;
	[tilespmem:v17+s29+$0x0] =	vst.idx.add.f32.msk $0xffff, v24  }
0x307: {  	v36 =	vor.u32 $0x1, v25;
	[tilespmem:v17+s30+$0x0] =	vst.idx.add.f32.msk $0xffff, v22  }
0x308: {  	v22 =	vld.idx.msk [tilespmem:v15+s26+$0x0], $0xffff;
	v15 =	vmul.f32 v18, v23  }
0x309: {  	v24 =	vld.idx.msk [tilespmem:v26+s22+$0x0], $0xffff  }
0x30a: {  	v23 =	vld.idx.msk [tilespmem:v28+s22+$0x0], $0xffff  }
0x30b: {  	v26 =	vld.idx.msk [tilespmem:v19+s26+$0x0], $0xffff  }
0x30c: {  	v17 =	vld.idx.msk [tilespmem:v3+s26+$0x0], $0xffff  }
0x30d: {  	v27 =	vld.idx.msk [tilespmem:v10+s26+$0x0], $0xffff  }
0x30e: {  	v37 =	vld.idx.msk [tilespmem:v30+s22+$0x0], $0xffff  }
0x30f: {  	v28 =	vld.idx.msk [tilespmem:v4+s26+$0x0], $0xffff  }
.Ltmp9:
0x310: {  	v19 =	vld.idx.msk [tilespmem:v2+s26+$0x0], $0xffff;
	(pc) =	sbr.rel @p0 .LBB2_20-.Ltmp9, $4  }
0x311: {  	v30 =	vmul.f32 v35, v22;
	v29 =	vld.idx.msk [tilespmem:v31+s22+$0x0], $0xffff  }
0x312: {  	v31 =	vld.idx.msk [tilespmem:v32+s22+$0x0], $0xffff;
	v32 =	vmul.f32 v33, v21  }
0x313: {  	v21 =	vld.idx.msk [tilespmem:v36+s22+$0x0], $0xffff  }
0x314: {  	s7 =	simm.s32 $0x0;
	v33 =	vmul.f32 v30, v37;
	v22 =	vld.idx.msk [tilespmem:v34+s22+$0x0], $0xffff  }
0x315: {  	_ =	sdelay $0x3  }
0x316: {  	v25 =	vld.idx.msk [tilespmem:v25+s22+$0x0], $0xffff  }
0x317: {  	v11 =	vld.idx.msk [tilespmem:v11+s26+$0x0], $0xffff  }
0x318: {  	v8 =	vld.idx.msk [tilespmem:v8+s26+$0x0], $0xffff  }
0x319: {  	v20 =	vld.idx.msk [tilespmem:v20+s22+$0x0], $0xffff  }
0x31a: {  	v24 =	vmul.f32 v32, v24;
	v16 =	vld.idx.msk [tilespmem:v16+s22+$0x0], $0xffff  }
0x31b: {  	v14 =	vmul.f32 v18, v14;
	[tilespmem:v7+s29+$0x0] =	vst.idx.add.f32.msk $0xffff, v33  }
0x31c: {  	v57 =	vmul.f32 v30, v29;
	[tilespmem:v6+s29+$0x0] =	vst.idx.add.f32.msk $0xffff, v24  }
0x31d: {  	v26 =	vmul.f32 v27, v26;
	v58 =	vmul.f32 v32, v23;
	[tilespmem:v5+s29+$0x0] =	vst.idx.add.f32.msk $0xffff, v14  }
0x31e: {  	v13 =	vmul.f32 v28, v13;
	[tilespmem:v7+s30+$0x0] =	vst.idx.add.f32.msk $0xffff, v57  }
0x31f: {  	v27 =	vmul.f32 v26, v31;
	[tilespmem:v6+s30+$0x0] =	vst.idx.add.f32.msk $0xffff, v58  }
0x320: {  	v12 =	vmul.f32 v13, v12;
	[tilespmem:v5+s30+$0x0] =	vst.idx.add.f32.msk $0xffff, v15;
	v11 =	vmul.f32 v17, v11  }
0x321: {  	[tilespmem:v10+s29+$0x0] =	vst.idx.add.f32.msk $0xffff, v27;
	v59 =	vmul.f32 v26, v20;
	v60 =	vmul.f32 v19, v8  }
0x322: {  	[tilespmem:v4+s29+$0x0] =	vst.idx.add.f32.msk $0xffff, v12;
	v61 =	vmul.f32 v11, v16  }
0x323: {  	[tilespmem:v10+s30+$0x0] =	vst.idx.add.f32.msk $0xffff, v59;
	v63 =	vmul.f32 v60, v25  }
0x324: {  	v62 =	vmul.f32 v11, v22;
	[tilespmem:v3+s29+$0x0] =	vst.idx.add.f32.msk $0xffff, v61  }
0x325: {  	v6 =	vmul.f32 v60, v21;
	[tilespmem:v2+s29+$0x0] =	vst.idx.add.f32.msk $0xffff, v63  }
0x326: {  	[tilespmem:v3+s30+$0x0] =	vst.idx.add.f32.msk $0xffff, v62;
	v3 =	vmul.f32 v13, v9  }
0x327: {  	[tilespmem:v2+s30+$0x0] =	vst.idx.add.f32.msk $0xffff, v6  }
0x328: {  	[tilespmem:v4+s30+$0x0] =	vst.idx.add.f32.msk $0xffff, v3  }
.LBB2_22:
0x329: {  	s1 =	sshra.s32 s7, $0x2  }
0x32a: {  	v2 =	vld [tilespmem:s1+$0x780]  }
0x32b: {  	v3 =	vld [tilespmem:s1+$0xF50];
	_ =	sdelay $0x4  }
0x32c: {  	v4 =	vshll.u32 v2, $0x3  }
0x32d: {  	v5 =	vor.u32 $0x1, v4  }
0x32e: {  	v2 =	vld.idx.msk [tilespmem:v2+s26+$0x0], $0xffff  }
0x32f: {  	v6 =	vld.idx.msk [tilespmem:v3+s26+$0x0], $0xffff;
	_ =	sdelay $0x1  }
0x330: {  	v4 =	vld.idx.msk [tilespmem:v4+s22+$0x0], $0xffff  }
0x331: {  	v5 =	vld.idx.msk [tilespmem:v5+s22+$0x0], $0xffff;
	_ =	sdelay $0x1  }
0x332: {  	p0 =	sne.s32 s7, $0x100;
	v2 =	vmul.f32 v6, v2  }
.Ltmp10:
0x333: {  	_ = 	snop;
	(pc) =	sbr.rel @p0 .LBB2_22-.Ltmp10, $4  }
0x334: {  	v4 =	vmul.f32 v2, v4  }
0x335: {  	v2 =	vmul.f32 v2, v5  }
0x336: {  	[tilespmem:v3+s29+$0x0] =	vst.idx.add.f32.msk $0xffff, v4  }
0x337: {  	s7 =	sadd.s32 $0x40, s7;
	[tilespmem:v3+s30+$0x0] =	vst.idx.add.f32.msk $0xffff, v2  }
0x338: {  	s1 =	sadd.s32 $0xFFFFFFD0, s21  }
0x339: {  	v3 =	vor.u32 $0xFFFFFFC8, v1;
	v2 =	vor.u32 s1, v1  }
0x33a: {  	v4 =	vand.u32 v3, v2;
	_ =	sdelay $0x1  }
0x33b: {  	v2 =	vshll.u32 v2, $0x3  }
0x33c: {  	v5 =	vor.u32 $0x1, v2;
	_ =	sdelay $0x1  }
0x33d: {  	v6 =	vld.idx.msk [tilespmem:v4+s26+$0x0], $0xffff;
	_ =	sdelay $0x1  }
0x33e: {  	v7 =	vld.idx.msk [tilespmem:v2+s22+$0x0], $0xffff  }
0x33f: {  	v5 =	vld.idx.msk [tilespmem:v5+s22+$0x0], $0xffff  }
0x340: {  	s7 =	sadd.s32 $0xFFFFFFE0, s21  }
0x341: {  	v8 =	vor.u32 s7, v1;
	v2 =	vor.u32 $0xFFFFFFF8, v1;
	v6 =	vmul.f32 v6, v6  }
0x342: {  	v9 =	vand.u32 v2, v8  }
0x343: {  	v7 =	vmul.f32 v6, v7  }
0x344: {  	v5 =	vmul.f32 v6, v5;
	v6 =	vshll.u32 v8, $0x3  }
0x345: {  	[tilespmem:v4+s29+$0x0] =	vst.idx.add.f32.msk $0xffff, v7;
	v7 =	vor.u32 $0x1, v6  }
0x346: {  	[tilespmem:v4+s30+$0x0] =	vst.idx.add.f32.msk $0xffff, v5  }
0x347: {  	v4 =	vld.idx.msk [tilespmem:v9+s26+$0x0], $0xffff;
	_ =	sdelay $0x1  }
0x348: {  	v5 =	vld.idx.msk [tilespmem:v6+s22+$0x0], $0xffff  }
0x349: {  	v6 =	vld.idx.msk [tilespmem:v7+s22+$0x0], $0xffff  }
0x34a: {  	s31 =	sadd.s32 $0xFFFFFFF0, s21  }
0x34b: {  	v7 =	vor.u32 s31, v1;
	v4 =	vmul.f32 v4, v4  }
0x34c: {  	v8 =	vand.u32 v2, v7  }
0x34d: {  	v5 =	vmul.f32 v4, v5  }
0x34e: {  	v4 =	vmul.f32 v4, v6;
	v6 =	vshll.u32 v7, $0x3  }
0x34f: {  	[tilespmem:v9+s29+$0x0] =	vst.idx.add.f32.msk $0xffff, v5;
	v5 =	vor.u32 $0x1, v6  }
0x350: {  	[tilespmem:v9+s30+$0x0] =	vst.idx.add.f32.msk $0xffff, v4  }
0x351: {  	v4 =	vld.idx.msk [tilespmem:v8+s26+$0x0], $0xffff;
	_ =	sdelay $0x1  }
0x352: {  	v6 =	vld.idx.msk [tilespmem:v6+s22+$0x0], $0xffff  }
0x353: {  	v5 =	vld.idx.msk [tilespmem:v5+s22+$0x0], $0xffff;
	_ =	sdelay $0x1  }
0x354: {  	v9 =	vor.u32 s21, v1;
	v7 =	vmul.f32 v4, v4  }
0x355: {  	v4 =	vand.u32 v2, v9  }
0x356: {  	v6 =	vmul.f32 v7, v6  }
0x357: {  	v9 =	vshll.u32 v9, $0x3;
	v5 =	vmul.f32 v7, v5  }
0x358: {  	[tilespmem:v8+s29+$0x0] =	vst.idx.add.f32.msk $0xffff, v6;
	v6 =	vor.u32 $0x1, v9  }
0x359: {  	[tilespmem:v8+s30+$0x0] =	vst.idx.add.f32.msk $0xffff, v5  }
0x35a: {  	v5 =	vld.idx.msk [tilespmem:v4+s26+$0x0], $0xffff;
	_ =	sdelay $0x1  }
0x35b: {  	v7 =	vld.idx.msk [tilespmem:v9+s22+$0x0], $0xffff  }
0x35c: {  	s1 =	sadd.s32 $0x40, s21;
	v8 =	vld.idx.msk [tilespmem:v6+s22+$0x0], $0xffff  }
0x35d: {  	s6 =	sadd.s32 $0xFFFFFFD0, s1  }
0x35e: {  	v9 =	vmul.f32 v5, v5;
	v5 =	vor.u32 s6, v1  }
0x35f: {  	v6 =	vshll.u32 v5, $0x3;
	v5 =	vand.u32 v3, v5  }
0x360: {  	v10 =	vmul.f32 v9, v7  }
0x361: {  	v8 =	vmul.f32 v9, v8  }
0x362: {  	s6 =	simm.s32 $0x4;
	v7 =	vor.u32 $0x1, v6;
	[tilespmem:v4+s29+$0x0] =	vst.idx.add.f32.msk $0xffff, v10  }
.LBB2_24:
0x363: {  	s6 =	sadd.s32 $0x4, s6;
	[tilespmem:v4+s30+$0x0] =	vst.idx.add.f32.msk $0xffff, v8  }
0x364: {  	p0 =	slt.u32 s6, $0x10;
	v4 =	vld.idx.msk [tilespmem:v5+s26+$0x0], $0xffff;
	_ =	sdelay $0x1  }
0x365: {  	v6 =	vld.idx.msk [tilespmem:v6+s22+$0x0], $0xffff  }
0x366: {  	v7 =	vld.idx.msk [tilespmem:v7+s22+$0x0], $0xffff;
	_ =	sdelay $0x1  }
0x367: {  	s7 =	sadd.s32 $0xFFFFFFE0, s1  }
0x368: {  	v8 =	vor.u32 s7, v1;
	v4 =	vmul.f32 v4, v4  }
0x369: {  	v9 =	vand.u32 v2, v8  }
0x36a: {  	v6 =	vmul.f32 v4, v6  }
0x36b: {  	v4 =	vmul.f32 v4, v7;
	v7 =	vshll.u32 v8, $0x3  }
0x36c: {  	[tilespmem:v5+s29+$0x0] =	vst.idx.add.f32.msk $0xffff, v6;
	v6 =	vor.u32 $0x1, v7  }
0x36d: {  	[tilespmem:v5+s30+$0x0] =	vst.idx.add.f32.msk $0xffff, v4  }
0x36e: {  	v4 =	vld.idx.msk [tilespmem:v9+s26+$0x0], $0xffff;
	_ =	sdelay $0x1  }
0x36f: {  	v5 =	vld.idx.msk [tilespmem:v7+s22+$0x0], $0xffff  }
0x370: {  	v6 =	vld.idx.msk [tilespmem:v6+s22+$0x0], $0xffff;
	_ =	sdelay $0x1  }
0x371: {  	s7 =	sadd.s32 $0xFFFFFFF0, s1  }
0x372: {  	v7 =	vor.u32 s7, v1;
	v4 =	vmul.f32 v4, v4  }
0x373: {  	v8 =	vand.u32 v2, v7  }
0x374: {  	v5 =	vmul.f32 v4, v5  }
0x375: {  	v4 =	vmul.f32 v4, v6;
	v6 =	vshll.u32 v7, $0x3  }
0x376: {  	[tilespmem:v9+s29+$0x0] =	vst.idx.add.f32.msk $0xffff, v5;
	v5 =	vor.u32 $0x1, v6  }
0x377: {  	[tilespmem:v9+s30+$0x0] =	vst.idx.add.f32.msk $0xffff, v4  }
0x378: {  	v4 =	vld.idx.msk [tilespmem:v8+s26+$0x0], $0xffff;
	_ =	sdelay $0x1  }
0x379: {  	v6 =	vld.idx.msk [tilespmem:v6+s22+$0x0], $0xffff  }
0x37a: {  	v5 =	vld.idx.msk [tilespmem:v5+s22+$0x0], $0xffff;
	_ =	sdelay $0x2  }
0x37b: {  	v9 =	vor.u32 s1, v1;
	v7 =	vmul.f32 v4, v4  }
0x37c: {  	v4 =	vand.u32 v2, v9  }
0x37d: {  	v9 =	vshll.u32 v9, $0x3;
	v6 =	vmul.f32 v7, v6  }
0x37e: {  	v5 =	vmul.f32 v7, v5;
	v7 =	vor.u32 $0x1, v9  }
0x37f: {  	[tilespmem:v8+s29+$0x0] =	vst.idx.add.f32.msk $0xffff, v6  }
0x380: {  	[tilespmem:v8+s30+$0x0] =	vst.idx.add.f32.msk $0xffff, v5  }
0x381: {  	v5 =	vld.idx.msk [tilespmem:v4+s26+$0x0], $0xffff  }
0x382: {  	v8 =	vld.idx.msk [tilespmem:v9+s22+$0x0], $0xffff  }
0x383: {  	v9 =	vld.idx.msk [tilespmem:v7+s22+$0x0], $0xffff;
	_ =	sdelay $0x1  }
0x384: {  	s1 =	sadd.s32 $0x40, s1  }
0x385: {  	s7 =	sadd.s32 $0xFFFFFFD0, s1  }
.Ltmp11:
0x386: {  	v7 =	vor.u32 s7, v1;
	v10 =	vmul.f32 v5, v5;
	(pc) =	sbr.rel @p0 .LBB2_24-.Ltmp11, $4  }
0x387: {  	v6 =	vshll.u32 v7, $0x3;
	v5 =	vand.u32 v3, v7  }
0x388: {  	v7 =	vor.u32 $0x1, v6;
	v11 =	vmul.f32 v10, v8  }
0x389: {  	v8 =	vmul.f32 v10, v9  }
0x38a: {  	[tilespmem:v4+s29+$0x0] =	vst.idx.add.f32.msk $0xffff, v11  }
0x38b: {  	_ =	sdelay $0x3  }
0x38c: {  	[tilespmem:v4+s30+$0x0] =	vst.idx.add.f32.msk $0xffff, v8  }
0x38d: {  	v3 =	vld.idx.msk [tilespmem:v5+s26+$0x0], $0xffff;
	_ =	sdelay $0x1  }
0x38e: {  	v4 =	vld.idx.msk [tilespmem:v6+s22+$0x0], $0xffff  }
0x38f: {  	v6 =	vld.idx.msk [tilespmem:v7+s22+$0x0], $0xffff  }
0x390: {  	s6 =	sadd.s32 $0xFFFFFFE0, s1  }
0x391: {  	v7 =	vor.u32 s6, v1;
	v3 =	vmul.f32 v3, v3  }
0x392: {  	v8 =	vand.u32 v2, v7  }
0x393: {  	v4 =	vmul.f32 v3, v4  }
0x394: {  	v3 =	vmul.f32 v3, v6;
	v6 =	vshll.u32 v7, $0x3  }
0x395: {  	[tilespmem:v5+s29+$0x0] =	vst.idx.add.f32.msk $0xffff, v4;
	v4 =	vor.u32 $0x1, v6  }
0x396: {  	[tilespmem:v5+s30+$0x0] =	vst.idx.add.f32.msk $0xffff, v3  }
0x397: {  	v3 =	vld.idx.msk [tilespmem:v8+s26+$0x0], $0xffff;
	_ =	sdelay $0x1  }
0x398: {  	v5 =	vld.idx.msk [tilespmem:v6+s22+$0x0], $0xffff  }
0x399: {  	v4 =	vld.idx.msk [tilespmem:v4+s22+$0x0], $0xffff  }
0x39a: {  	s7 =	sadd.s32 $0xFFFFFFF0, s1  }
0x39b: {  	v6 =	vor.u32 s7, v1;
	v3 =	vmul.f32 v3, v3  }
0x39c: {  	v7 =	vand.u32 v2, v6  }
0x39d: {  	v5 =	vmul.f32 v3, v5  }
0x39e: {  	v3 =	vmul.f32 v3, v4;
	v4 =	vshll.u32 v6, $0x3  }
0x39f: {  	[tilespmem:v8+s29+$0x0] =	vst.idx.add.f32.msk $0xffff, v5;
	v5 =	vor.u32 $0x1, v4  }
0x3a0: {  	[tilespmem:v8+s30+$0x0] =	vst.idx.add.f32.msk $0xffff, v3  }
0x3a1: {  	v3 =	vld.idx.msk [tilespmem:v7+s26+$0x0], $0xffff;
	_ =	sdelay $0x1  }
0x3a2: {  	v4 =	vld.idx.msk [tilespmem:v4+s22+$0x0], $0xffff  }
0x3a3: {  	v5 =	vld.idx.msk [tilespmem:v5+s22+$0x0], $0xffff;
	_ =	sdelay $0x1  }
0x3a4: {  	v6 =	vor.u32 s1, v1;
	v3 =	vmul.f32 v3, v3  }
0x3a5: {  	v2 =	vand.u32 v2, v6  }
0x3a6: {  	v4 =	vmul.f32 v3, v4  }
0x3a7: {  	v6 =	vshll.u32 v6, $0x3;
	v3 =	vmul.f32 v3, v5  }
0x3a8: {  	v5 =	vor.u32 $0x1, v6;
	[tilespmem:v7+s29+$0x0] =	vst.idx.add.f32.msk $0xffff, v4  }
0x3a9: {  	[tilespmem:v7+s30+$0x0] =	vst.idx.add.f32.msk $0xffff, v3  }
0x3aa: {  	v3 =	vld.idx.msk [tilespmem:v2+s26+$0x0], $0xffff;
	_ =	sdelay $0x1  }
0x3ab: {  	v4 =	vld.idx.msk [tilespmem:v6+s22+$0x0], $0xffff  }
0x3ac: {  	v5 =	vld.idx.msk [tilespmem:v5+s22+$0x0], $0xffff;
	_ =	sdelay $0x1  }
0x3ad: {  	v3 =	vmul.f32 v3, v3;
	_ =	sdelay $0x1  }
0x3ae: {  	v4 =	vmul.f32 v3, v4  }
0x3af: {  	v3 =	vmul.f32 v3, v5  }
0x3b0: {  	[tilespmem:v2+s29+$0x0] =	vst.idx.add.f32.msk $0xffff, v4  }
0x3b1: {  	s6 =	sadd.s32 s16, s2;
	s7 =	simm.s32 $0x0;
	[tilespmem:v2+s30+$0x0] =	vst.idx.add.f32.msk $0xffff, v3  }
0x3b2: {  	[hbm4b:s6+s7] =	stream.linear.scatter [tilespmem:s29], [sflag:$0x1], $0x2800, $0x38;
	[tilespmem:$0x1F220] =	vst v63  }
0x3b3: {  	_ =	swait.ge [sflag:s23], $0x2800  }
0x3b4: {  	[sflag:s23] =	ssyncset.done $0x0  }
0x3b5: {  	[sflag:s23] =	ssyncadd.s32 $0xFFFFD800  }
0x3b6: {  	[hbm4b:s24+s7] =	stream.linear.scatter [tilespmem:s30], [sflag:$0x1], $0x2800, $0x38;
	[tilespmem:$0x1F220] =	vst v63  }
0x3b7: {  	_ =	swait.ge [sflag:s23], $0x2800  }
0x3b8: {  	[sflag:s23] =	ssyncset.done $0x0  }
0x3b9: {  	s1 =	sadd.s32 s17, s2;
	[sflag:s23] =	ssyncadd.s32 $0xFFFFD800  }
0x3ba: {  	s6 =	simm.s32 $0x280;
	s7 =	simm.s32 $0x5000;
	[bflag:$0x0] =	sbarrier.arrive $0xFFFF  }
0x3bb: {  	[tilespmem:s0], [sflag:$0x1] =	stream.strided.gather [hbm4b:s1+s6], $0x2800, s7, s6, $0x38;
	[tilespmem:$0x1F220] =	vst v63  }
0x3bc: {  	_ =	swait.ge [sflag:s23], $0x2800  }
0x3bd: {  	[sflag:s23] =	ssyncset.done $0x0  }
0x3be: {  	s6 =	simm.s32 $0x0;
	[sflag:s23] =	ssyncadd.s32 $0xFFFFD800  }
0x3bf: {  	v2 =	vld [tilespmem:s6+$0x1C7A0];
	_ =	sdelay $0x1  }
0x3c0: {  	v3 =	vld [tilespmem:s6+$0x1CA20];
	_ =	sdelay $0x1  }
0x3c1: {  	v4 =	vld [tilespmem:s6+$0x1CCA0]  }
0x3c2: {  	v2 =	vadd.f32 $0.0e+00, v2  }
0x3c3: {  	v5 =	vld [tilespmem:s6+$0x1CF20]  }
0x3c4: {  	v2 =	vadd.f32 v3, v2  }
0x3c5: {  	v3 =	vld [tilespmem:s6+$0x1D1A0]  }
0x3c6: {  	v2 =	vadd.f32 v4, v2  }
0x3c7: {  	v4 =	vld [tilespmem:s6+$0x1D420]  }
0x3c8: {  	v2 =	vadd.f32 v5, v2  }
0x3c9: {  	v5 =	vld [tilespmem:s6+$0x1D6A0]  }
0x3ca: {  	v2 =	vadd.f32 v3, v2  }
0x3cb: {  	s1 =	simm.s32 $0x10;
	v3 =	vld [tilespmem:s6+$0x1D920]  }
0x3cc: {  	v6 =	vld [tilespmem:s1+$0x1C7A0];
	v2 =	vadd.f32 v4, v2  }
0x3cd: {  	v4 =	vld [tilespmem:s6+$0x1DBA0]  }
0x3ce: {  	v7 =	vld [tilespmem:s1+$0x1CA20];
	v2 =	vadd.f32 v5, v2  }
0x3cf: {  	v5 =	vld [tilespmem:s6+$0x1DE20]  }
0x3d0: {  	v8 =	vld [tilespmem:s1+$0x1CCA0];
	v2 =	vadd.f32 v3, v2  }
0x3d1: {  	v3 =	vld [tilespmem:s6+$0x1E0A0]  }
0x3d2: {  	v9 =	vld [tilespmem:s1+$0x1CF20];
	v6 =	vadd.f32 $0.0e+00, v6;
	v2 =	vadd.f32 v4, v2  }
0x3d3: {  	v4 =	vld [tilespmem:s6+$0x1E320]  }
0x3d4: {  	v10 =	vld [tilespmem:s1+$0x1D1A0];
	v6 =	vadd.f32 v7, v6;
	v2 =	vadd.f32 v5, v2  }
0x3d5: {  	v7 =	vld [tilespmem:s6+$0x1E5A0]  }
0x3d6: {  	v11 =	vld [tilespmem:s1+$0x1D420];
	v5 =	vadd.f32 v8, v6;
	v2 =	vadd.f32 v3, v2  }
0x3d7: {  	v8 =	vld [tilespmem:s6+$0x1E820]  }
0x3d8: {  	v3 =	vadd.f32 v9, v5;
	v5 =	vld [tilespmem:s1+$0x1D6A0];
	v4 =	vadd.f32 v4, v2  }
0x3d9: {  	v2 =	vld [tilespmem:s6+$0x1EAA0]  }
0x3da: {  	v6 =	vld [tilespmem:s1+$0x1D920];
	v9 =	vadd.f32 v10, v3;
	v10 =	vadd.f32 v7, v4  }
0x3db: {  	v3 =	vld [tilespmem:s6+$0x1ED20]  }
0x3dc: {  	s31 =	simm.s32 $0x20;
	s7 =	simm.s32 $0xC0;
	v7 =	vadd.f32 v11, v9;
	v4 =	vld [tilespmem:s1+$0x1DBA0];
	v8 =	vadd.f32 v8, v10  }
.LBB2_26:
0x3dd: {  	p0 =	sne.s32 s7, $0x9C0;
	v9 =	vld [tilespmem:s31+$0x1C7A0]  }
0x3de: {  	v5 =	vadd.f32 v5, v7;
	v7 =	vld [tilespmem:s1+$0x1DE20];
	v2 =	vadd.f32 v2, v8  }
0x3df: {  	v8 =	vld [tilespmem:s31+$0x1CA20]  }
0x3e0: {  	v5 =	vadd.f32 v6, v5;
	v6 =	vld [tilespmem:s1+$0x1E0A0];
	v2 =	vadd.f32 v3, v2  }
0x3e1: {  	v3 =	vld [tilespmem:s31+$0x1CCA0]  }
0x3e2: {  	v9 =	vadd.f32 $0.0e+00, v9;
	v4 =	vadd.f32 v4, v5;
	v5 =	vld [tilespmem:s1+$0x1E320];
	[tilespmem:s6+$0x1EFA0] =	vst v2;
	s6 =	smov.u32 s1;
	s1 =	smov.u32 s31  }
0x3e3: {  	v2 =	vld [tilespmem:s1+$0x1CF20]  }
0x3e4: {  	v8 =	vadd.f32 v8, v9;
	v4 =	vadd.f32 v7, v4;
	v7 =	vld [tilespmem:s6+$0x1E5A0]  }
0x3e5: {  	v9 =	vld [tilespmem:s1+$0x1D1A0]  }
0x3e6: {  	v3 =	vadd.f32 v3, v8;
	v4 =	vadd.f32 v6, v4;
	v8 =	vld [tilespmem:s6+$0x1E820]  }
0x3e7: {  	v10 =	vld [tilespmem:s1+$0x1D420]  }
.Ltmp12:
0x3e8: {  	v3 =	vadd.f32 v2, v3;
	v4 =	vadd.f32 v5, v4;
	v2 =	vld [tilespmem:s6+$0x1EAA0];
	(pc) =	sbr.rel @p0 .LBB2_26-.Ltmp12, $4  }
0x3e9: {  	v5 =	vld [tilespmem:s1+$0x1D6A0]  }
0x3ea: {  	v9 =	vadd.f32 v9, v3;
	v11 =	vadd.f32 v7, v4;
	v3 =	vld [tilespmem:s6+$0x1ED20]  }
0x3eb: {  	v6 =	vld [tilespmem:s1+$0x1D920]  }
0x3ec: {  	s31 =	sshra.s32 s7, $0x2;
	s7 =	sadd.s32 $0x40, s7;
	v7 =	vadd.f32 v10, v9;
	v4 =	vld [tilespmem:s1+$0x1DBA0];
	v8 =	vadd.f32 v8, v11  }
0x3ed: {  	v9 =	vld [tilespmem:s31+$0x1C7A0]  }
0x3ee: {  	v10 =	vld [tilespmem:s1+$0x1DE20];
	v2 =	vadd.f32 v2, v8  }
0x3ef: {  	v8 =	vld [tilespmem:s31+$0x1CA20]  }
0x3f0: {  	v11 =	vld [tilespmem:s1+$0x1E0A0];
	v5 =	vadd.f32 v5, v7;
	v2 =	vadd.f32 v3, v2  }
0x3f1: {  	v3 =	vld [tilespmem:s31+$0x1CCA0]  }
0x3f2: {  	v7 =	vld [tilespmem:s1+$0x1E320];
	v5 =	vadd.f32 v6, v5;
	v6 =	vadd.f32 $0.0e+00, v9;
	[tilespmem:s6+$0x1EFA0] =	vst v2  }
0x3f3: {  	v2 =	vld [tilespmem:s31+$0x1CF20]  }
0x3f4: {  	v4 =	vadd.f32 v4, v5;
	v5 =	vadd.f32 v8, v6  }
0x3f5: {  	v6 =	vld [tilespmem:s31+$0x1D1A0]  }
0x3f6: {  	v4 =	vadd.f32 v10, v4;
	v8 =	vld [tilespmem:s1+$0x1E5A0];
	v3 =	vadd.f32 v3, v5  }
0x3f7: {  	v5 =	vld [tilespmem:s31+$0x1D420]  }
0x3f8: {  	v9 =	vld [tilespmem:s1+$0x1E820];
	v4 =	vadd.f32 v11, v4;
	v2 =	vadd.f32 v2, v3  }
0x3f9: {  	v3 =	vld [tilespmem:s31+$0x1D6A0]  }
0x3fa: {  	v4 =	vadd.f32 v7, v4;
	v7 =	vld [tilespmem:s1+$0x1EAA0];
	v2 =	vadd.f32 v6, v2  }
0x3fb: {  	v6 =	vld [tilespmem:s31+$0x1D920]  }
0x3fc: {  	v4 =	vadd.f32 v8, v4;
	v8 =	vld [tilespmem:s1+$0x1ED20];
	v2 =	vadd.f32 v5, v2  }
0x3fd: {  	v5 =	vld [tilespmem:s31+$0x1DBA0]  }
0x3fe: {  	v4 =	vadd.f32 v9, v4;
	v2 =	vadd.f32 v3, v2  }
0x3ff: {  	v3 =	vld [tilespmem:s31+$0x1DE20]  }
0x400: {  	v4 =	vadd.f32 v7, v4;
	v2 =	vadd.f32 v6, v2  }
0x401: {  	v6 =	vld [tilespmem:s31+$0x1E0A0]  }
0x402: {  	v4 =	vadd.f32 v8, v4;
	v2 =	vadd.f32 v5, v2  }
0x403: {  	v5 =	vld [tilespmem:s31+$0x1E320]  }
0x404: {  	[tilespmem:s1+$0x1EFA0] =	vst v4;
	v2 =	vadd.f32 v3, v2  }
0x405: {  	v3 =	vld [tilespmem:s31+$0x1E5A0]  }
0x406: {  	v2 =	vadd.f32 v6, v2  }
0x407: {  	v4 =	vld [tilespmem:s31+$0x1E820]  }
0x408: {  	v2 =	vadd.f32 v5, v2  }
0x409: {  	v5 =	vld [tilespmem:s31+$0x1EAA0]  }
0x40a: {  	v2 =	vadd.f32 v3, v2  }
0x40b: {  	v3 =	vld [tilespmem:s31+$0x1ED20]  }
0x40c: {  	v2 =	vadd.f32 v4, v2;
	_ =	sdelay $0x1  }
0x40d: {  	v2 =	vadd.f32 v5, v2;
	_ =	sdelay $0x1  }
0x40e: {  	v2 =	vadd.f32 v3, v2;
	_ =	sdelay $0x1  }
0x40f: {  	s7 =	simm.s32 $0x0;
	[tilespmem:s31+$0x1EFA0] =	vst v2  }
0x410: {  	[hbm4b:s18+s7] =	stream.linear.scatter [tilespmem:s4], [sflag:$0x1], $0x280, $0x38;
	[tilespmem:$0x1F220] =	vst v63  }
0x411: {  	_ =	swait.ge [sflag:s23], $0x280  }
0x412: {  	[sflag:s23] =	ssyncset.done $0x0  }
0x413: {  	s6 =	simm.s32 $0x280;
	s7 =	simm.s32 $0x5000;
	[sflag:s23] =	ssyncadd.s32 $0xFFFFFD80  }
0x414: {  	[tilespmem:s0], [sflag:$0x1] =	stream.strided.gather [hbm4b:s25+s6], $0x2800, s7, s6, $0x38;
	[tilespmem:$0x1F220] =	vst v63  }
0x415: {  	_ =	swait.ge [sflag:s23], $0x2800  }
0x416: {  	[sflag:s23] =	ssyncset.done $0x0  }
0x417: {  	s6 =	simm.s32 $0x0;
	[sflag:s23] =	ssyncadd.s32 $0xFFFFD800  }
0x418: {  	v2 =	vld [tilespmem:s6+$0x1C7A0];
	_ =	sdelay $0x1  }
0x419: {  	v3 =	vld [tilespmem:s6+$0x1CA20];
	_ =	sdelay $0x1  }
0x41a: {  	v4 =	vld [tilespmem:s6+$0x1CCA0]  }
0x41b: {  	v2 =	vadd.f32 $0.0e+00, v2  }
0x41c: {  	v5 =	vld [tilespmem:s6+$0x1CF20]  }
0x41d: {  	v2 =	vadd.f32 v3, v2  }
0x41e: {  	v3 =	vld [tilespmem:s6+$0x1D1A0]  }
0x41f: {  	v2 =	vadd.f32 v4, v2  }
0x420: {  	v4 =	vld [tilespmem:s6+$0x1D420]  }
0x421: {  	v2 =	vadd.f32 v5, v2  }
0x422: {  	v5 =	vld [tilespmem:s6+$0x1D6A0]  }
0x423: {  	v2 =	vadd.f32 v3, v2  }
0x424: {  	s1 =	simm.s32 $0x10;
	v3 =	vld [tilespmem:s6+$0x1D920]  }
0x425: {  	v6 =	vld [tilespmem:s1+$0x1C7A0];
	v2 =	vadd.f32 v4, v2  }
0x426: {  	v4 =	vld [tilespmem:s6+$0x1DBA0]  }
0x427: {  	v7 =	vld [tilespmem:s1+$0x1CA20];
	v2 =	vadd.f32 v5, v2  }
0x428: {  	v5 =	vld [tilespmem:s6+$0x1DE20]  }
0x429: {  	v8 =	vld [tilespmem:s1+$0x1CCA0];
	v2 =	vadd.f32 v3, v2  }
0x42a: {  	v3 =	vld [tilespmem:s6+$0x1E0A0]  }
0x42b: {  	v9 =	vld [tilespmem:s1+$0x1CF20];
	v6 =	vadd.f32 $0.0e+00, v6;
	v2 =	vadd.f32 v4, v2  }
0x42c: {  	v4 =	vld [tilespmem:s6+$0x1E320]  }
0x42d: {  	v10 =	vld [tilespmem:s1+$0x1D1A0];
	v6 =	vadd.f32 v7, v6;
	v2 =	vadd.f32 v5, v2  }
0x42e: {  	v7 =	vld [tilespmem:s6+$0x1E5A0]  }
0x42f: {  	v11 =	vld [tilespmem:s1+$0x1D420];
	v5 =	vadd.f32 v8, v6;
	v2 =	vadd.f32 v3, v2  }
0x430: {  	v8 =	vld [tilespmem:s6+$0x1E820]  }
0x431: {  	v3 =	vadd.f32 v9, v5;
	v5 =	vld [tilespmem:s1+$0x1D6A0];
	v4 =	vadd.f32 v4, v2  }
0x432: {  	v2 =	vld [tilespmem:s6+$0x1EAA0]  }
0x433: {  	v6 =	vld [tilespmem:s1+$0x1D920];
	v9 =	vadd.f32 v10, v3;
	v10 =	vadd.f32 v7, v4  }
0x434: {  	v3 =	vld [tilespmem:s6+$0x1ED20]  }
0x435: {  	s31 =	simm.s32 $0x20;
	s7 =	simm.s32 $0xC0;
	v7 =	vadd.f32 v11, v9;
	v4 =	vld [tilespmem:s1+$0x1DBA0];
	v8 =	vadd.f32 v8, v10  }
.LBB2_28:
0x436: {  	p0 =	sne.s32 s7, $0x9C0;
	v9 =	vld [tilespmem:s31+$0x1C7A0]  }
0x437: {  	v5 =	vadd.f32 v5, v7;
	v7 =	vld [tilespmem:s1+$0x1DE20];
	v2 =	vadd.f32 v2, v8  }
0x438: {  	v8 =	vld [tilespmem:s31+$0x1CA20]  }
0x439: {  	v5 =	vadd.f32 v6, v5;
	v6 =	vld [tilespmem:s1+$0x1E0A0];
	v2 =	vadd.f32 v3, v2  }
0x43a: {  	v3 =	vld [tilespmem:s31+$0x1CCA0]  }
0x43b: {  	v9 =	vadd.f32 $0.0e+00, v9;
	v4 =	vadd.f32 v4, v5;
	v5 =	vld [tilespmem:s1+$0x1E320];
	[tilespmem:s6+$0x1EFA0] =	vst v2;
	s6 =	smov.u32 s1;
	s1 =	smov.u32 s31  }
0x43c: {  	v2 =	vld [tilespmem:s1+$0x1CF20]  }
0x43d: {  	v8 =	vadd.f32 v8, v9;
	v4 =	vadd.f32 v7, v4;
	v7 =	vld [tilespmem:s6+$0x1E5A0]  }
0x43e: {  	v9 =	vld [tilespmem:s1+$0x1D1A0]  }
0x43f: {  	v3 =	vadd.f32 v3, v8;
	v4 =	vadd.f32 v6, v4;
	v8 =	vld [tilespmem:s6+$0x1E820]  }
0x440: {  	v10 =	vld [tilespmem:s1+$0x1D420]  }
.Ltmp13:
0x441: {  	v3 =	vadd.f32 v2, v3;
	v4 =	vadd.f32 v5, v4;
	v2 =	vld [tilespmem:s6+$0x1EAA0];
	(pc) =	sbr.rel @p0 .LBB2_28-.Ltmp13, $4  }
0x442: {  	v5 =	vld [tilespmem:s1+$0x1D6A0]  }
0x443: {  	v9 =	vadd.f32 v9, v3;
	v11 =	vadd.f32 v7, v4;
	v3 =	vld [tilespmem:s6+$0x1ED20]  }
0x444: {  	v6 =	vld [tilespmem:s1+$0x1D920]  }
0x445: {  	s31 =	sshra.s32 s7, $0x2;
	s7 =	sadd.s32 $0x40, s7;
	v7 =	vadd.f32 v10, v9;
	v4 =	vld [tilespmem:s1+$0x1DBA0];
	v8 =	vadd.f32 v8, v11  }
0x446: {  	v9 =	vld [tilespmem:s31+$0x1C7A0]  }
0x447: {  	v10 =	vld [tilespmem:s1+$0x1DE20];
	v2 =	vadd.f32 v2, v8  }
0x448: {  	v49 =	vld [tilespmem:s31+$0x1CA20]  }
0x449: {  	v11 =	vld [tilespmem:s1+$0x1E0A0];
	v5 =	vadd.f32 v5, v7;
	v2 =	vadd.f32 v3, v2  }
0x44a: {  	v3 =	vld [tilespmem:s31+$0x1CCA0]  }
0x44b: {  	v50 =	vld [tilespmem:s1+$0x1E320];
	v5 =	vadd.f32 v6, v5;
	v51 =	vadd.f32 $0.0e+00, v9;
	[tilespmem:s6+$0x1EFA0] =	vst v2  }
0x44c: {  	v2 =	vld [tilespmem:s31+$0x1CF20]  }
0x44d: {  	v4 =	vadd.f32 v4, v5;
	v52 =	vadd.f32 v49, v51  }
0x44e: {  	v53 =	vld [tilespmem:s31+$0x1D1A0]  }
0x44f: {  	v54 =	vld [tilespmem:s1+$0x1E5A0];
	v4 =	vadd.f32 v10, v4;
	v3 =	vadd.f32 v3, v52  }
0x450: {  	v55 =	vld [tilespmem:s31+$0x1D420]  }
0x451: {  	v56 =	vld [tilespmem:s1+$0x1E820];
	v4 =	vadd.f32 v11, v4;
	v2 =	vadd.f32 v2, v3  }
0x452: {  	v3 =	vld [tilespmem:s31+$0x1D6A0]  }
0x453: {  	v57 =	vld [tilespmem:s1+$0x1EAA0];
	v4 =	vadd.f32 v50, v4;
	v2 =	vadd.f32 v53, v2  }
0x454: {  	v58 =	vld [tilespmem:s31+$0x1D920]  }
0x455: {  	v59 =	vld [tilespmem:s1+$0x1ED20];
	v4 =	vadd.f32 v54, v4;
	v2 =	vadd.f32 v55, v2  }
0x456: {  	v60 =	vld [tilespmem:s31+$0x1DBA0]  }
0x457: {  	v4 =	vadd.f32 v56, v4;
	v2 =	vadd.f32 v3, v2  }
0x458: {  	v3 =	vld [tilespmem:s31+$0x1DE20]  }
0x459: {  	v4 =	vadd.f32 v57, v4;
	v2 =	vadd.f32 v58, v2  }
0x45a: {  	v61 =	vld [tilespmem:s31+$0x1E0A0]  }
0x45b: {  	v4 =	vadd.f32 v59, v4;
	v2 =	vadd.f32 v60, v2  }
0x45c: {  	v62 =	vld [tilespmem:s31+$0x1E320]  }
0x45d: {  	[tilespmem:s1+$0x1EFA0] =	vst v4;
	v2 =	vadd.f32 v3, v2  }
0x45e: {  	v3 =	vld [tilespmem:s31+$0x1E5A0]  }
0x45f: {  	v2 =	vadd.f32 v61, v2  }
0x460: {  	v4 =	vld [tilespmem:s31+$0x1E820]  }
0x461: {  	v2 =	vadd.f32 v62, v2  }
0x462: {  	v63 =	vld [tilespmem:s31+$0x1EAA0]  }
0x463: {  	v2 =	vadd.f32 v3, v2  }
0x464: {  	v3 =	vld [tilespmem:s31+$0x1ED20]  }
0x465: {  	v2 =	vadd.f32 v4, v2;
	_ =	sdelay $0x1  }
0x466: {  	v2 =	vadd.f32 v63, v2;
	_ =	sdelay $0x1  }
0x467: {  	s5 =	sadd.s32 $0x1, s5;
	v2 =	vadd.f32 v3, v2  }
0x468: {  	p0 =	sne.s32 s5, s20  }
.Ltmp14:
0x469: {  	[tilespmem:s31+$0x1EFA0] =	vst v2;
	(pc) =	sbr.rel @p0 .LBB2_1-.Ltmp14, $4  }
0x46a: {  	[hbm4b:s19+s3] =	stream.linear.scatter [tilespmem:s4], [sflag:$0x1], $0x280, $0x38;
	[tilespmem:$0x1F220] =	vst v63  }
0x46b: {  	_ =	swait.ge [sflag:s23], $0x280  }
0x46c: {  	[sflag:s23] =	ssyncset.done $0x0  }
0x46d: {  	[sflag:s23] =	ssyncadd.s32 $0xFFFFFD80  }
0x46e: {  	_ =	sfence.sel $0x180000  }
0x46f: {  	[bflag:$0x0] =	sbarrier.arrive $0xFFFF  }
0x470: {  	_ =	strace $0x9000004A  }
0x471: {  	s0 =	stileid.u32;
	[bflag:$0x2] =	sbarrier.arrive $0xFFFF  }
0x472: {  	p0 =	sne.s32 s0, $0x0;
	s0 =	rddreg [dreg:$0x2]  }
0x473: {  	s0 =	sadd.s32 @!p0 $0x100000, s0  }
0x474: {  	[sflag:s0] =	ssyncadd.tile.s32 @!p0 $0x1;
	_ =	shalt  }
.Lfunc_end2:
_tile_overlayer_lowered:
.L_overlay_start_2:
0x475: {  	(tag) =	ssettag $0x2  }
0x476: {  	s0 =	rddreg [dreg:$0x0];
	s2 =	stileid.u32  }
0x477: {  	s1 =	rddreg [dreg:$0x1];
	p0 =	sne.s32 s2, $0x0  }
0x478: {  	s3 =	rddreg [dreg:$0x2];
	[bflag:$0x3] =	sbarrier.arrive $0xFFFF;
	s2 =	simm.s32 @!p0 $0x1C01  }
0x479: {  	[timem:s3], [sflag:s2] =	dma.local @!p0 [hbm:s0], s1  }
0x47a: {  	s0 =	simm.s32 @!p0 $0x1  }
0x47b: {  	_ =	swait.ge @!p0 [sflag:s0], s1  }
0x47c: {  	s1 =	ssub.s32 @!p0 $0x0, s1;
	[sflag:s0] =	ssyncset.done @!p0 $0x0  }
0x47d: {  	[sflag:s0] =	ssyncadd.s32 @!p0 s1  }
0x47e: {  	[bflag:$0x3] =	sbarrier.arrive $0xFFFF  }
0x47f: {  	_ =	shalt  }

</sc_bundles>
